<compile_context>
chip_gen: v7x
topology: tpu7x:2x2x1
jax: 0.10.2.dev20260603
libtpu: 0.0.44.dev20260713+nightly
codegen_flags: <defaults>
</compile_context>

<pallas_src>
import functools

import jax
import jax.numpy as jnp
from jax import lax
from jax.experimental import pallas as pl
from jax.experimental.pallas import tpu as pltpu
from jax.experimental.pallas import tpu_sc as plsc

_ROW_BLK = 10000
_CHUNK = 128
_LANES = 16
_NWORKERS = 32


def _proj_body(wr_ref, wi_ref, pr_w_ref, pi_w_ref, br_ref, bi_ref,
               tr_ref, ti_ref, mx_ref):
    wr = wr_ref[...].astype(jnp.bfloat16)
    wi = wi_ref[...].astype(jnp.bfloat16)
    ws = jnp.concatenate([pr_w_ref[...], pi_w_ref[...]],
                         axis=0).astype(jnp.bfloat16)
    dn = (((1,), (1,)), ((), ()))
    pr = lax.dot_general(ws, wr, dn, preferred_element_type=jnp.float32)
    pi = lax.dot_general(ws, wi, dn, preferred_element_type=jnp.float32)
    tr = pr[0:1, :] - pi[1:2, :] + br_ref[0, 0]
    ti = pr[1:2, :] + pi[0:1, :] + bi_ref[0, 0]
    tr_ref[...] = tr.reshape(tr_ref.shape)
    ti_ref[...] = ti.reshape(ti_ref.shape)
    bm = jnp.maximum(jnp.max(jnp.abs(tr)), jnp.max(jnp.abs(ti)))
    bm = bm.reshape(1, 1)

    @pl.when(pl.program_id(0) == 0)
    def _():
        mx_ref[...] = bm

    @pl.when(pl.program_id(0) > 0)
    def _():
        mx_ref[...] = jnp.maximum(mx_ref[...], bm)


def _pack_body(tr_ref, ti_ref, sc_ref, out_ref):
    s = sc_ref[0, 0]
    yr = tr_ref[...] * s
    yi = ti_ref[...] * s
    yr = yr + jnp.where(yr >= 0, 0.5, -0.5)
    yi = yi + jnp.where(yi >= 0, 0.5, -0.5)
    ri = yr.astype(jnp.int32)
    ii = yi.astype(jnp.int32)
    out_ref[...] = jnp.bitwise_or(
        lax.shift_left(ii, 16), jnp.bitwise_and(ri, jnp.int32(0xFFFF)))


def _project_pack(Wh_real, Wh_imag, W_real, W_imag, b_real, b_imag):
    m, d = Wh_real.shape
    grid = m // _ROW_BLK
    tr, ti, mx = pl.pallas_call(
        _proj_body,
        grid=(grid,),
        in_specs=[
            pl.BlockSpec((_ROW_BLK, d), lambda i: (i, 0)),
            pl.BlockSpec((_ROW_BLK, d), lambda i: (i, 0)),
            pl.BlockSpec((1, d), lambda i: (0, 0)),
            pl.BlockSpec((1, d), lambda i: (0, 0)),
            pl.BlockSpec((1, 1), lambda i: (0, 0)),
            pl.BlockSpec((1, 1), lambda i: (0, 0)),
        ],
        out_specs=[
            pl.BlockSpec((1, 1, _ROW_BLK), lambda i: (i, 0, 0)),
            pl.BlockSpec((1, 1, _ROW_BLK), lambda i: (i, 0, 0)),
            pl.BlockSpec((1, 1), lambda i: (0, 0)),
        ],
        out_shape=[
            jax.ShapeDtypeStruct((grid, 1, _ROW_BLK), jnp.float32),
            jax.ShapeDtypeStruct((grid, 1, _ROW_BLK), jnp.float32),
            jax.ShapeDtypeStruct((1, 1), jnp.float32),
        ],
    )(Wh_real, Wh_imag, W_real, W_imag,
      b_real.reshape(1, 1), b_imag.reshape(1, 1))
    scale = 32767.0 / jnp.maximum(mx, jnp.float32(1e-30))
    packed = pl.pallas_call(
        _pack_body,
        out_shape=jax.ShapeDtypeStruct((grid, 1, _ROW_BLK), jnp.int32),
    )(tr, ti, scale)
    eps = (0.001 * scale[0, 0] * scale[0, 0]) * jnp.ones((16,), jnp.float32)
    return packed.reshape(m), eps


def _unpack_ri(word):
    r = lax.shift_right_arithmetic(lax.shift_left(word, 16), 16)
    i = lax.shift_right_arithmetic(word, 16)
    return r.astype(jnp.float32), i.astype(jnp.float32)


@functools.lru_cache(maxsize=None)
def _make_att_kernel(m, k, n):
    n_full = n // _CHUNK
    tail = n - n_full * _CHUNK
    tail_main = (tail // 128) * 128
    tail_rem = tail % 128
    wid_tail = n_full % _NWORKERS
    col_tail = n_full * _CHUNK
    groups = _CHUNK // _LANES
    npairs = ((n_full + _NWORKERS - 1) // _NWORKERS + 1) // 2
    mesh = plsc.VectorSubcoreMesh(core_axis_name="c", subcore_axis_name="s")
    out_types = [jax.ShapeDtypeStruct((k, n), jnp.float32)]
    if tail_rem:
        out_types.append(jax.ShapeDtypeStruct((k, tail_rem), jnp.float32))

    @functools.partial(
        pl.kernel,
        out_type=out_types,
        mesh=mesh,
        scratch_types=[
            pltpu.VMEM((m,), jnp.int32),
            pltpu.VMEM((k + 1, _CHUNK), jnp.int32),
            pltpu.VMEM((k + 1, _CHUNK), jnp.int32),
            pltpu.VMEM((k, _CHUNK), jnp.float32),
            pltpu.VMEM((16,), jnp.float32),
            pltpu.VMEM((k + 1, max(tail_rem, _LANES)), jnp.int32),
            pltpu.VMEM((k, max(tail_rem, _LANES)), jnp.float32),
            pltpu.SemaphoreType.DMA,
            pltpu.SemaphoreType.DMA,
            pltpu.SemaphoreType.DMA,
            pltpu.SemaphoreType.DMA,
        ],
        compiler_params=pltpu.CompilerParams(needs_layout_passes=False),
    )
    def att(tbl_hbm, eps_hbm, nneg_hbm, nnegt_hbm, out_hbm, outt_hbm,
            tbl_v, idx0_v, idx1_v, out_v, eps_v, idxt_v, outt_v,
            sem_tbl, sem_in0, sem_in1, sem_out):
        wid = lax.axis_index("s") * 2 + lax.axis_index("c")
        pltpu.async_copy(tbl_hbm, tbl_v, sem_tbl)
        my_full = (n_full - wid + _NWORKERS - 1) // _NWORKERS

        def col_of(t):
            return pl.multiple_of((wid + t * _NWORKERS) * _CHUNK, 128)

        def start_idx(t, buf, sem):
            pltpu.async_copy(nneg_hbm.at[:, pl.ds(col_of(t), _CHUNK)],
                             buf, sem)

        def wait_idx(buf, sem):
            pltpu.make_async_copy(nneg_hbm.at[:, pl.ds(0, _CHUNK)],
                                  buf, sem).wait()

        def start_out(t):
            pltpu.async_copy(out_v, out_hbm.at[:, pl.ds(col_of(t), _CHUNK)],
                             sem_out)

        def wait_out():
            pltpu.make_async_copy(out_v, out_hbm.at[:, pl.ds(0, _CHUNK)],
                                  sem_out).wait()

        @pl.when(my_full > 0)
        def _():
            start_idx(0, idx0_v, sem_in0)
        pltpu.sync_copy(eps_hbm, eps_v)
        pltpu.make_async_copy(tbl_hbm, tbl_v, sem_tbl).wait()
        eps = eps_v[...]

        def make_group_body(src_ref, dst_ref):
            def group_body(g, carry2):
                sl = pl.ds(g * _LANES, _LANES)
                cw = plsc.load_gather(tbl_v, [src_ref[0, sl]])
                cr, ci = _unpack_ri(cw)
                acc = eps
                atts = []
                for kk in range(k):
                    w = plsc.load_gather(tbl_v, [src_ref[kk + 1, sl]])
                    r, im = _unpack_ri(w)
                    a = jnp.maximum(cr * r + ci * im, 0.0)
                    acc = acc + a
                    atts.append(a)
                inv = 1.0 / acc
                for kk in range(k):
                    dst_ref[kk, sl] = atts[kk] * inv
                return carry2
            return group_body

        def run_groups(ngroups, src_ref, dst_ref):
            lax.fori_loop(0, ngroups, make_group_body(src_ref, dst_ref), 0)

        def run_chunk(t, buf, sem, first):
            wait_idx(buf, sem)
            if not first:
                wait_out()
            run_groups(groups, buf, out_v)
            start_out(t)

        def pair_body(tp, carry):
            t0 = 2 * tp
            t1 = t0 + 1

            @pl.when(t0 < my_full)
            def _():
                @pl.when(t1 < my_full)
                def _():
                    start_idx(t1, idx1_v, sem_in1)

                @pl.when(t0 == 0)
                def _():
                    run_chunk(t0, idx0_v, sem_in0, True)

                @pl.when(t0 > 0)
                def _():
                    run_chunk(t0, idx0_v, sem_in0, False)

            @pl.when(t1 < my_full)
            def _():
                @pl.when(t1 + 1 < my_full)
                def _():
                    start_idx(t1 + 1, idx0_v, sem_in0)
                run_chunk(t1, idx1_v, sem_in1, False)
            return carry

        lax.fori_loop(0, npairs, pair_body, 0)

        @pl.when(my_full > 0)
        def _():
            wait_out()

        if tail:
            @pl.when(wid == wid_tail)
            def _():
                if tail_main:
                    pltpu.sync_copy(
                        nneg_hbm.at[:, pl.ds(col_tail, tail_main)],
                        idx0_v.at[:, pl.ds(0, tail_main)])
                    run_groups(tail_main // _LANES, idx0_v, out_v)
                    pltpu.sync_copy(
                        out_v.at[:, pl.ds(0, tail_main)],
                        out_hbm.at[:, pl.ds(col_tail, tail_main)])
                if tail_rem:
                    pltpu.sync_copy(nnegt_hbm,
                                    idxt_v.at[:, pl.ds(0, tail_rem)])
                    run_groups(tail_rem // _LANES, idxt_v, outt_v)
                    pltpu.sync_copy(outt_v.at[:, pl.ds(0, tail_rem)],
                                    outt_hbm)

    return att


def kernel(Wh_real, Wh_imag, W_real, W_imag, b_real, b_imag, N_neg, k_neighbors):
    m, _ = Wh_real.shape
    kp1, n = N_neg.shape
    tbl, eps = _project_pack(Wh_real, Wh_imag, W_real, W_imag, b_real, b_imag)
    att = _make_att_kernel(m, kp1 - 1, n)
    tail_rem = n % 128
    nneg_t = lax.slice(N_neg, (0, n - tail_rem), (kp1, n))
    out, out_t = att(tbl, eps, N_neg, nneg_t)
    return lax.dynamic_update_slice(out, out_t, (0, n - tail_rem))

# --- scband reference (transcript-rebuilt; emitter-appended) ---
"""Pipeline reference for scband-graph-attention-layer-57397942944040 (READ-ONLY COPY).

The authoritative reference and input builder live on the scoring server;
editing this copy changes nothing except your own understanding.
"""

import jax, jax.numpy as jnp
import numpy as np

M = 100000   # number of nodes (rows of Wh_neg)
D = 128      # in_channels
K = 32       # k_neighbors
N = 100000   # columns of N_neg (center-node count)


def setup_inputs(seed: int = 0) -> dict:
    key = jax.random.key(seed)
    ks = jax.random.split(key, 7)
    # complex input Wh_neg represented as (real, imag) float32 pair
    Wh_real = jax.random.normal(ks[0], (M, D), dtype=jnp.float32)
    Wh_imag = jax.random.normal(ks[1], (M, D), dtype=jnp.float32)
    N_neg = jax.random.randint(ks[2], (K + 1, N), 0, M, dtype=jnp.int32)
    # complex Linear(in_channels, 1, bias=True) parameters, split real/imag
    scale = 1.0 / np.sqrt(D)
    W_real = jax.random.normal(ks[3], (1, D), dtype=jnp.float32) * scale
    W_imag = jax.random.normal(ks[4], (1, D), dtype=jnp.float32) * scale
    b_real = jax.random.normal(ks[5], (1,), dtype=jnp.float32) * scale
    b_imag = jax.random.normal(ks[6], (1,), dtype=jnp.float32) * scale
    return {
        "Wh_real": Wh_real,
        "Wh_imag": Wh_imag,
        "W_real": W_real,
        "W_imag": W_imag,
        "b_real": b_real,
        "b_imag": b_imag,
        "N_neg": N_neg,
        "k_neighbors": K,
    }


def reference(Wh_real, Wh_imag, W_real, W_imag, b_real, b_imag, N_neg, k_neighbors):
    # complex linear: tmp = (Wh_r + i*Wh_i) @ (W_r + i*W_i)^T + (b_r + i*b_i)
    tmp_r = Wh_real @ W_real.T - Wh_imag @ W_imag.T + b_real  # [M, 1]
    tmp_i = Wh_real @ W_imag.T + Wh_imag @ W_real.T + b_imag  # [M, 1]
    idx0 = N_neg[0, :]
    Wh1_r = jnp.take(tmp_r, idx0, axis=0)  # [N, 1]
    Wh1_i = jnp.take(tmp_i, idx0, axis=0)  # [N, 1]
    nb = N_neg[1:, :].reshape(-1)
    k_static = N_neg.shape[0] - 1
    Wh2_r = jnp.take(tmp_r, nb, axis=0).reshape(k_static, -1, 1)  # [K, N, 1]
    Wh2_i = jnp.take(tmp_i, nb, axis=0).reshape(k_static, -1, 1)  # [K, N, 1]
    # einsum('nc,knc->knc', real) + einsum('nc,knc->knc', imag), then ReLU
    att = jnp.maximum(Wh1_r[None, :, :] * Wh2_r + Wh1_i[None, :, :] * Wh2_i, 0.0)
    att = jnp.squeeze(att, axis=-1)  # [K, N]
    denom = att.sum(axis=0) + 0.001  # [N]
    # einsum('kn,n->kn', att, 1/denom)
    out = att * (1.0 / denom)[None, :]
    return out + jnp.zeros((), dtype=out.dtype) * jnp.asarray(k_neighbors, dtype=out.dtype)

if __name__ == "__main__":
    import jax
    _d = setup_inputs()
    print(jax.jit(kernel)(*tuple(_d.values())))

</pallas_src>

<mosaic_0001>
#map = affine_map<(d0, d1) -> (0)>
#map1 = affine_map<(d0, d1) -> (0, 0)>
module attributes {stable_mosaic.version = 14 : i64} {
  func.func @att(%arg0: i32, %arg1: i32, %arg2: memref<100000xi32, #tpu.memory_space<hbm>>, %arg3: memref<16xf32, #tpu.memory_space<hbm>>, %arg4: memref<33x100000xi32, #tpu.memory_space<hbm>>, %arg5: memref<33x32xi32, #tpu.memory_space<hbm>>, %arg6: memref<32x100000xf32, #tpu.memory_space<hbm>>, %arg7: memref<32x32xf32, #tpu.memory_space<hbm>>, %arg8: memref<100000xi32, #tpu.memory_space<vmem>>, %arg9: memref<33x128xi32, #tpu.memory_space<vmem>>, %arg10: memref<33x128xi32, #tpu.memory_space<vmem>>, %arg11: memref<32x128xf32, #tpu.memory_space<vmem>>, %arg12: memref<16xf32, #tpu.memory_space<vmem>>, %arg13: memref<33x32xi32, #tpu.memory_space<vmem>>, %arg14: memref<32x32xf32, #tpu.memory_space<vmem>>, %arg15: memref<!tpu.dma_semaphore, #tpu.memory_space<semaphore_mem>>, %arg16: memref<!tpu.dma_semaphore, #tpu.memory_space<semaphore_mem>>, %arg17: memref<!tpu.dma_semaphore, #tpu.memory_space<semaphore_mem>>, %arg18: memref<!tpu.dma_semaphore, #tpu.memory_space<semaphore_mem>>) attributes {dimension_semantics = [#tpu.dimension_semantics<core_parallel>, #tpu.dimension_semantics<subcore_parallel>], iteration_bounds = array<i64: 2, 16>, scalar_prefetch = 0 : i64, scratch_operands = 11 : i64, tpu.core_type = #tpu.core_type<sc_vector_subcore>, window_params = [{transform_indices = #map}, {transform_indices = #map}, {transform_indices = #map1}, {transform_indices = #map1}, {transform_indices = #map1}, {transform_indices = #map1}]} {
    %mul3A = arith.constant 2 : i32
    %mul3A_0 = arith.muli %arg1, %mul3A : i32
    %add3A = arith.addi %mul3A_0, %arg0 : i32
    tpu.enqueue_dma source(%arg2 : memref<100000xi32, #tpu.memory_space<hbm>>) target(%arg8 : memref<100000xi32, #tpu.memory_space<vmem>>) target_semaphore(%arg15 : memref<!tpu.dma_semaphore, #tpu.memory_space<semaphore_mem>>)
    %sub3A = arith.constant 781 : i32
    %sub3A_1 = arith.subi %sub3A, %add3A : i32
    %add3A_2 = arith.constant 32 : i32
    %add3A_3 = arith.addi %sub3A_1, %add3A_2 : i32
    %sub3A_4 = arith.constant 1 : i32
    %sub3A_5 = arith.subi %add3A_3, %sub3A_4 : i32
    %jit3A = arith.constant 32 : i32
    %div3A = arith.divsi %sub3A_5, %jit3A : i32
    %sign3A = arith.constant 0 : i32
    %sign3A_6 = arith.cmpi sgt, %sub3A_5, %sign3A : i32
    %sign3A_7 = arith.extui %sign3A_6 : i1 to i32
    %sign3A_8 = arith.constant 0 : i32
    %sign3A_9 = arith.cmpi slt, %sub3A_5, %sign3A_8 : i32
    %sign3A_10 = arith.extui %sign3A_9 : i1 to i32
    %sign3A_11 = arith.subi %sign3A_7, %sign3A_10 : i32
    %sign3A_12 = arith.constant 0 : i32
    %sign3A_13 = arith.cmpi sgt, %jit3A, %sign3A_12 : i32
    %sign3A_14 = arith.extui %sign3A_13 : i1 to i32
    %sign3A_15 = arith.constant 0 : i32
    %sign3A_16 = arith.cmpi slt, %jit3A, %sign3A_15 : i32
    %sign3A_17 = arith.extui %sign3A_16 : i1 to i32
    %sign3A_18 = arith.subi %sign3A_14, %sign3A_17 : i32
    %ne3A = arith.cmpi ne, %sign3A_11, %sign3A_18 : i32
    %rem3A = arith.remsi %sub3A_5, %jit3A : i32
    %ne3A_19 = arith.constant 0 : i32
    %ne3A_20 = arith.cmpi ne, %rem3A, %ne3A_19 : i32
    %and3A = arith.andi %ne3A, %ne3A_20 : i1
    %sub3A_21 = arith.constant 1 : i32
    %sub3A_22 = arith.subi %div3A, %sub3A_21 : i32
    %select_n3A = arith.select %and3A, %sub3A_22, %div3A : i32
    %gt3A = arith.constant 0 : i32
    %gt3A_23 = arith.cmpi sgt, %select_n3A, %gt3A : i32
    %convert_element_type3A = arith.extui %gt3A_23 : i1 to i32
    %cond3A = arith.constant 0 : i32
    %cond3A_24 = arith.cmpi ne, %convert_element_type3A, %cond3A : i32
    scf.if %cond3A_24 {
      %add3A_40 = arith.constant 0 : i32
      %add3A_41 = arith.addi %add3A, %add3A_40 : i32
      %mul3A_42 = arith.constant 128 : i32
      %mul3A_43 = arith.muli %add3A_41, %mul3A_42 : i32
      %multiple_of3A = tpu.assume_multiple %mul3A_43, 128 : i32
      %dma_start3A = arith.constant 0 : i32
      %dma_start3A_44 = tpu.memref_slice %arg4[%dma_start3A, %multiple_of3A] : memref<33x100000xi32, #tpu.memory_space<hbm>> -> memref<33x128xi32, #tpu.memory_space<hbm>>
      %dma_start3A_45 = arith.constant 0 : i32
      %dma_start3A_46 = tpu.memref_slice %arg4[%dma_start3A_45, %multiple_of3A] : memref<33x100000xi32, #tpu.memory_space<hbm>> -> memref<33x128xi32, #tpu.memory_space<hbm>>
      tpu.enqueue_dma source(%dma_start3A_46 : memref<33x128xi32, #tpu.memory_space<hbm>>) target(%arg9 : memref<33x128xi32, #tpu.memory_space<vmem>>) target_semaphore(%arg16 : memref<!tpu.dma_semaphore, #tpu.memory_space<semaphore_mem>>)
    } else {
    }
    "tpu.region"() ({
      %run_scoped3A = tpu.sem_alloc : memref<!tpu.dma_semaphore, #tpu.memory_space<semaphore_mem>>
      tpu.enqueue_dma source(%arg3 : memref<16xf32, #tpu.memory_space<hbm>>) target(%arg12 : memref<16xf32, #tpu.memory_space<vmem>>) target_semaphore(%run_scoped3A : memref<!tpu.dma_semaphore, #tpu.memory_space<semaphore_mem>>)
      tpu.wait_dma2 semaphore(%run_scoped3A : memref<!tpu.dma_semaphore, #tpu.memory_space<semaphore_mem>>) src(%arg3 : memref<16xf32, #tpu.memory_space<hbm>>) dst(%arg12 : memref<16xf32, #tpu.memory_space<vmem>>)
      tpu.yield
    }) : () -> ()
    tpu.wait_dma2 semaphore(%arg15 : memref<!tpu.dma_semaphore, #tpu.memory_space<semaphore_mem>>) src(%arg2 : memref<100000xi32, #tpu.memory_space<hbm>>) dst(%arg8 : memref<100000xi32, #tpu.memory_space<vmem>>)
    %get3A = arith.constant 0 : index
    %get3A_25 = tpu.vector_load %arg12[%get3A] {strides = array<i32>} : memref<16xf32, #tpu.memory_space<vmem>>, vector<16xf32>,
    %scan3A = arith.constant 0 : i32
    %scan3A_26 = arith.constant 0 : i32
    %scan3A_27 = arith.constant 13 : i32
    %scan3A_28 = arith.addi %scan3A_26, %scan3A_27 : i32
    %scan3A_29 = arith.constant 1 : i32
    scf.for %scan3A_40 = %scan3A_26 to %scan3A_28 step %scan3A_29  : i32 {
      %mul3A_41 = arith.constant 2 : i32
      %mul3A_42 = arith.muli %mul3A_41, %scan3A_40 : i32
      %add3A_43 = arith.constant 1 : i32
      %add3A_44 = arith.addi %mul3A_42, %add3A_43 : i32
      %lt3A = arith.cmpi slt, %mul3A_42, %select_n3A : i32
      %convert_element_type3A_45 = arith.extui %lt3A : i1 to i32
      %cond3A_46 = arith.constant 0 : i32
      %cond3A_47 = arith.cmpi ne, %convert_element_type3A_45, %cond3A_46 : i32
      scf.if %cond3A_47 {
        %lt3A_52 = arith.cmpi slt, %add3A_44, %select_n3A : i32
        %convert_element_type3A_53 = arith.extui %lt3A_52 : i1 to i32
        %cond3A_54 = arith.constant 0 : i32
        %cond3A_55 = arith.cmpi ne, %convert_element_type3A_53, %cond3A_54 : i32
        scf.if %cond3A_55 {
          %mul3A_66 = arith.constant 32 : i32
          %mul3A_67 = arith.muli %add3A_44, %mul3A_66 : i32
          %add3A_68 = arith.addi %add3A, %mul3A_67 : i32
          %mul3A_69 = arith.constant 128 : i32
          %mul3A_70 = arith.muli %add3A_68, %mul3A_69 : i32
          %multiple_of3A = tpu.assume_multiple %mul3A_70, 128 : i32
          %dma_start3A = arith.constant 0 : i32
          %dma_start3A_71 = tpu.memref_slice %arg4[%dma_start3A, %multiple_of3A] : memref<33x100000xi32, #tpu.memory_space<hbm>> -> memref<33x128xi32, #tpu.memory_space<hbm>>
          %dma_start3A_72 = arith.constant 0 : i32
          %dma_start3A_73 = tpu.memref_slice %arg4[%dma_start3A_72, %multiple_of3A] : memref<33x100000xi32, #tpu.memory_space<hbm>> -> memref<33x128xi32, #tpu.memory_space<hbm>>
          tpu.enqueue_dma source(%dma_start3A_73 : memref<33x128xi32, #tpu.memory_space<hbm>>) target(%arg10 : memref<33x128xi32, #tpu.memory_space<vmem>>) target_semaphore(%arg17 : memref<!tpu.dma_semaphore, #tpu.memory_space<semaphore_mem>>)
        } else {
        }
        %eq3A_56 = arith.constant 0 : i32
        %eq3A_57 = arith.cmpi eq, %mul3A_42, %eq3A_56 : i32
        %convert_element_type3A_58 = arith.extui %eq3A_57 : i1 to i32
        %cond3A_59 = arith.constant 0 : i32
        %cond3A_60 = arith.cmpi ne, %convert_element_type3A_58, %cond3A_59 : i32
        scf.if %cond3A_60 {
          %dma_wait3A = arith.constant 0 : i32
          %dma_wait3A_66 = arith.constant 0 : i32
          %dma_wait3A_67 = tpu.memref_slice %arg4[%dma_wait3A, %dma_wait3A_66] : memref<33x100000xi32, #tpu.memory_space<hbm>> -> memref<33x128xi32, #tpu.memory_space<hbm>>
          %dma_wait3A_68 = arith.constant 0 : i32
          %dma_wait3A_69 = arith.constant 0 : i32
          %dma_wait3A_70 = tpu.memref_slice %arg4[%dma_wait3A_68, %dma_wait3A_69] : memref<33x100000xi32, #tpu.memory_space<hbm>> -> memref<33x128xi32, #tpu.memory_space<hbm>>
          tpu.wait_dma2 semaphore(%arg16 : memref<!tpu.dma_semaphore, #tpu.memory_space<semaphore_mem>>) src(%dma_wait3A_70 : memref<33x128xi32, #tpu.memory_space<hbm>>) dst(%arg9 : memref<33x128xi32, #tpu.memory_space<vmem>>)
          %scan3A_71 = arith.constant 0 : i32
          %scan3A_72 = arith.constant 0 : i32
          %scan3A_73 = arith.constant 8 : i32
          %scan3A_74 = arith.addi %scan3A_72, %scan3A_73 : i32
          %scan3A_75 = arith.constant 1 : i32
          scf.for %scan3A_85 = %scan3A_72 to %scan3A_74 step %scan3A_75  : i32 {
            %mul3A_86 = arith.constant 16 : i32
            %mul3A_87 = arith.muli %scan3A_85, %mul3A_86 : i32
            %get3A_88 = arith.constant 0 : i32
            %get3A_89 = arith.index_cast %get3A_88 : i32 to index
            %get3A_90 = arith.index_cast %mul3A_87 : i32 to index
            %get3A_91 = tpu.vector_load %arg9[%get3A_89, %get3A_90] {strides = array<i32>} : memref<33x128xi32, #tpu.memory_space<vmem>>, vector<16xi32>,
            %gather3A = tpu.vector_load_idx %arg8[%get3A_91] : memref<100000xi32, #tpu.memory_space<vmem>>[vector<16xi32>], vector<16xi32>,
            %shift_left3A = arith.constant 16 : i32
            %shift_left3A_92 = vector.broadcast %shift_left3A : i32 to vector<16xi32>
            %shift_left3A_93 = arith.shli %gather3A, %shift_left3A_92 : vector<16xi32>
            %shift_right_arithmetic3A = arith.constant 16 : i32
            %shift_right_arithmetic3A_94 = vector.broadcast %shift_right_arithmetic3A : i32 to vector<16xi32>
            %shift_right_arithmetic3A_95 = arith.shrsi %shift_left3A_93, %shift_right_arithmetic3A_94 : vector<16xi32>
            %shift_right_arithmetic3A_96 = arith.constant 16 : i32
            %shift_right_arithmetic3A_97 = vector.broadcast %shift_right_arithmetic3A_96 : i32 to vector<16xi32>
            %shift_right_arithmetic3A_98 = arith.shrsi %gather3A, %shift_right_arithmetic3A_97 : vector<16xi32>
            %convert_element_type3A_99 = arith.sitofp %shift_right_arithmetic3A_95 : vector<16xi32> to vector<16xf32>
            %convert_element_type3A_100 = arith.sitofp %shift_right_arithmetic3A_98 : vector<16xi32> to vector<16xf32>
            %get3A_101 = arith.constant 1 : i32
            %get3A_102 = arith.index_cast %get3A_101 : i32 to index
            %get3A_103 = arith.index_cast %mul3A_87 : i32 to index
            %get3A_104 = tpu.vector_load %arg9[%get3A_102, %get3A_103] {strides = array<i32>} : memref<33x128xi32, #tpu.memory_space<vmem>>, vector<16xi32>,
            %gather3A_105 = tpu.vector_load_idx %arg8[%get3A_104] : memref<100000xi32, #tpu.memory_space<vmem>>[vector<16xi32>], vector<16xi32>,
            %shift_left3A_106 = arith.constant 16 : i32
            %shift_left3A_107 = vector.broadcast %shift_left3A_106 : i32 to vector<16xi32>
            %shift_left3A_108 = arith.shli %gather3A_105, %shift_left3A_107 : vector<16xi32>
            %shift_right_arithmetic3A_109 = arith.constant 16 : i32
            %shift_right_arithmetic3A_110 = vector.broadcast %shift_right_arithmetic3A_109 : i32 to vector<16xi32>
            %shift_right_arithmetic3A_111 = arith.shrsi %shift_left3A_108, %shift_right_arithmetic3A_110 : vector<16xi32>
            %shift_right_arithmetic3A_112 = arith.constant 16 : i32
            %shift_right_arithmetic3A_113 = vector.broadcast %shift_right_arithmetic3A_112 : i32 to vector<16xi32>
            %shift_right_arithmetic3A_114 = arith.shrsi %gather3A_105, %shift_right_arithmetic3A_113 : vector<16xi32>
            %convert_element_type3A_115 = arith.sitofp %shift_right_arithmetic3A_111 : vector<16xi32> to vector<16xf32>
            %convert_element_type3A_116 = arith.sitofp %shift_right_arithmetic3A_114 : vector<16xi32> to vector<16xf32>
            %mul3A_117 = arith.mulf %convert_element_type3A_99, %convert_element_type3A_115 : vector<16xf32>
            %mul3A_118 = arith.mulf %convert_element_type3A_100, %convert_element_type3A_116 : vector<16xf32>
            %add3A_119 = arith.addf %mul3A_117, %mul3A_118 : vector<16xf32>
            %max3A = arith.constant 0.000000e+00 : f32
            %max3A_120 = vector.broadcast %max3A : f32 to vector<16xf32>
            %max3A_121 = arith.maximumf %add3A_119, %max3A_120 : vector<16xf32>
            %add3A_122 = arith.addf %get3A_25, %max3A_121 : vector<16xf32>
            %get3A_123 = arith.constant 2 : i32
            %get3A_124 = arith.index_cast %get3A_123 : i32 to index
            %get3A_125 = arith.index_cast %mul3A_87 : i32 to index
            %get3A_126 = tpu.vector_load %arg9[%get3A_124, %get3A_125] {strides = array<i32>} : memref<33x128xi32, #tpu.memory_space<vmem>>, vector<16xi32>,
            %gather3A_127 = tpu.vector_load_idx %arg8[%get3A_126] : memref<100000xi32, #tpu.memory_space<vmem>>[vector<16xi32>], vector<16xi32>,
            %shift_left3A_128 = arith.constant 16 : i32
            %shift_left3A_129 = vector.broadcast %shift_left3A_128 : i32 to vector<16xi32>
            %shift_left3A_130 = arith.shli %gather3A_127, %shift_left3A_129 : vector<16xi32>
            %shift_right_arithmetic3A_131 = arith.constant 16 : i32
            %shift_right_arithmetic3A_132 = vector.broadcast %shift_right_arithmetic3A_131 : i32 to vector<16xi32>
            %shift_right_arithmetic3A_133 = arith.shrsi %shift_left3A_130, %shift_right_arithmetic3A_132 : vector<16xi32>
            %shift_right_arithmetic3A_134 = arith.constant 16 : i32
            %shift_right_arithmetic3A_135 = vector.broadcast %shift_right_arithmetic3A_134 : i32 to vector<16xi32>
            %shift_right_arithmetic3A_136 = arith.shrsi %gather3A_127, %shift_right_arithmetic3A_135 : vector<16xi32>
            %convert_element_type3A_137 = arith.sitofp %shift_right_arithmetic3A_133 : vector<16xi32> to vector<16xf32>
            %convert_element_type3A_138 = arith.sitofp %shift_right_arithmetic3A_136 : vector<16xi32> to vector<16xf32>
            %mul3A_139 = arith.mulf %convert_element_type3A_99, %convert_element_type3A_137 : vector<16xf32>
            %mul3A_140 = arith.mulf %convert_element_type3A_100, %convert_element_type3A_138 : vector<16xf32>
            %add3A_141 = arith.addf %mul3A_139, %mul3A_140 : vector<16xf32>
            %max3A_142 = arith.constant 0.000000e+00 : f32
            %max3A_143 = vector.broadcast %max3A_142 : f32 to vector<16xf32>
            %max3A_144 = arith.maximumf %add3A_141, %max3A_143 : vector<16xf32>
            %add3A_145 = arith.addf %add3A_122, %max3A_144 : vector<16xf32>
            %get3A_146 = arith.constant 3 : i32
            %get3A_147 = arith.index_cast %get3A_146 : i32 to index
            %get3A_148 = arith.index_cast %mul3A_87 : i32 to index
            %get3A_149 = tpu.vector_load %arg9[%get3A_147, %get3A_148] {strides = array<i32>} : memref<33x128xi32, #tpu.memory_space<vmem>>, vector<16xi32>,
            %gather3A_150 = tpu.vector_load_idx %arg8[%get3A_149] : memref<100000xi32, #tpu.memory_space<vmem>>[vector<16xi32>], vector<16xi32>,
            %shift_left3A_151 = arith.constant 16 : i32
            %shift_left3A_152 = vector.broadcast %shift_left3A_151 : i32 to vector<16xi32>
            %shift_left3A_153 = arith.shli %gather3A_150, %shift_left3A_152 : vector<16xi32>
            %shift_right_arithmetic3A_154 = arith.constant 16 : i32
            %shift_right_arithmetic3A_155 = vector.broadcast %shift_right_arithmetic3A_154 : i32 to vector<16xi32>
            %shift_right_arithmetic3A_156 = arith.shrsi %shift_left3A_153, %shift_right_arithmetic3A_155 : vector<16xi32>
            %shift_right_arithmetic3A_157 = arith.constant 16 : i32
            %shift_right_arithmetic3A_158 = vector.broadcast %shift_right_arithmetic3A_157 : i32 to vector<16xi32>
            %shift_right_arithmetic3A_159 = arith.shrsi %gather3A_150, %shift_right_arithmetic3A_158 : vector<16xi32>
            %convert_element_type3A_160 = arith.sitofp %shift_right_arithmetic3A_156 : vector<16xi32> to vector<16xf32>
            %convert_element_type3A_161 = arith.sitofp %shift_right_arithmetic3A_159 : vector<16xi32> to vector<16xf32>
            %mul3A_162 = arith.mulf %convert_element_type3A_99, %convert_element_type3A_160 : vector<16xf32>
            %mul3A_163 = arith.mulf %convert_element_type3A_100, %convert_element_type3A_161 : vector<16xf32>
            %add3A_164 = arith.addf %mul3A_162, %mul3A_163 : vector<16xf32>
            %max3A_165 = arith.constant 0.000000e+00 : f32
            %max3A_166 = vector.broadcast %max3A_165 : f32 to vector<16xf32>
            %max3A_167 = arith.maximumf %add3A_164, %max3A_166 : vector<16xf32>
            %add3A_168 = arith.addf %add3A_145, %max3A_167 : vector<16xf32>
            %get3A_169 = arith.constant 4 : i32
            %get3A_170 = arith.index_cast %get3A_169 : i32 to index
            %get3A_171 = arith.index_cast %mul3A_87 : i32 to index
            %get3A_172 = tpu.vector_load %arg9[%get3A_170, %get3A_171] {strides = array<i32>} : memref<33x128xi32, #tpu.memory_space<vmem>>, vector<16xi32>,
            %gather3A_173 = tpu.vector_load_idx %arg8[%get3A_172] : memref<100000xi32, #tpu.memory_space<vmem>>[vector<16xi32>], vector<16xi32>,
            %shift_left3A_174 = arith.constant 16 : i32
            %shift_left3A_175 = vector.broadcast %shift_left3A_174 : i32 to vector<16xi32>
            %shift_left3A_176 = arith.shli %gather3A_173, %shift_left3A_175 : vector<16xi32>
            %shift_right_arithmetic3A_177 = arith.constant 16 : i32
            %shift_right_arithmetic3A_178 = vector.broadcast %shift_right_arithmetic3A_177 : i32 to vector<16xi32>
            %shift_right_arithmetic3A_179 = arith.shrsi %shift_left3A_176, %shift_right_arithmetic3A_178 : vector<16xi32>
            %shift_right_arithmetic3A_180 = arith.constant 16 : i32
            %shift_right_arithmetic3A_181 = vector.broadcast %shift_right_arithmetic3A_180 : i32 to vector<16xi32>
            %shift_right_arithmetic3A_182 = arith.shrsi %gather3A_173, %shift_right_arithmetic3A_181 : vector<16xi32>
            %convert_element_type3A_183 = arith.sitofp %shift_right_arithmetic3A_179 : vector<16xi32> to vector<16xf32>
            %convert_element_type3A_184 = arith.sitofp %shift_right_arithmetic3A_182 : vector<16xi32> to vector<16xf32>
            %mul3A_185 = arith.mulf %convert_element_type3A_99, %convert_element_type3A_183 : vector<16xf32>
            %mul3A_186 = arith.mulf %convert_element_type3A_100, %convert_element_type3A_184 : vector<16xf32>
            %add3A_187 = arith.addf %mul3A_185, %mul3A_186 : vector<16xf32>
            %max3A_188 = arith.constant 0.000000e+00 : f32
            %max3A_189 = vector.broadcast %max3A_188 : f32 to vector<16xf32>
            %max3A_190 = arith.maximumf %add3A_187, %max3A_189 : vector<16xf32>
            %add3A_191 = arith.addf %add3A_168, %max3A_190 : vector<16xf32>
            %get3A_192 = arith.constant 5 : i32
            %get3A_193 = arith.index_cast %get3A_192 : i32 to index
            %get3A_194 = arith.index_cast %mul3A_87 : i32 to index
            %get3A_195 = tpu.vector_load %arg9[%get3A_193, %get3A_194] {strides = array<i32>} : memref<33x128xi32, #tpu.memory_space<vmem>>, vector<16xi32>,
            %gather3A_196 = tpu.vector_load_idx %arg8[%get3A_195] : memref<100000xi32, #tpu.memory_space<vmem>>[vector<16xi32>], vector<16xi32>,
            %shift_left3A_197 = arith.constant 16 : i32
            %shift_left3A_198 = vector.broadcast %shift_left3A_197 : i32 to vector<16xi32>
            %shift_left3A_199 = arith.shli %gather3A_196, %shift_left3A_198 : vector<16xi32>
            %shift_right_arithmetic3A_200 = arith.constant 16 : i32
            %shift_right_arithmetic3A_201 = vector.broadcast %shift_right_arithmetic3A_200 : i32 to vector<16xi32>
            %shift_right_arithmetic3A_202 = arith.shrsi %shift_left3A_199, %shift_right_arithmetic3A_201 : vector<16xi32>
            %shift_right_arithmetic3A_203 = arith.constant 16 : i32
            %shift_right_arithmetic3A_204 = vector.broadcast %shift_right_arithmetic3A_203 : i32 to vector<16xi32>
            %shift_right_arithmetic3A_205 = arith.shrsi %gather3A_196, %shift_right_arithmetic3A_204 : vector<16xi32>
            %convert_element_type3A_206 = arith.sitofp %shift_right_arithmetic3A_202 : vector<16xi32> to vector<16xf32>
            %convert_element_type3A_207 = arith.sitofp %shift_right_arithmetic3A_205 : vector<16xi32> to vector<16xf32>
            %mul3A_208 = arith.mulf %convert_element_type3A_99, %convert_element_type3A_206 : vector<16xf32>
            %mul3A_209 = arith.mulf %convert_element_type3A_100, %convert_element_type3A_207 : vector<16xf32>
            %add3A_210 = arith.addf %mul3A_208, %mul3A_209 : vector<16xf32>
            %max3A_211 = arith.constant 0.000000e+00 : f32
            %max3A_212 = vector.broadcast %max3A_211 : f32 to vector<16xf32>
            %max3A_213 = arith.maximumf %add3A_210, %max3A_212 : vector<16xf32>
            %add3A_214 = arith.addf %add3A_191, %max3A_213 : vector<16xf32>
            %get3A_215 = arith.constant 6 : i32
            %get3A_216 = arith.index_cast %get3A_215 : i32 to index
            %get3A_217 = arith.index_cast %mul3A_87 : i32 to index
            %get3A_218 = tpu.vector_load %arg9[%get3A_216, %get3A_217] {strides = array<i32>} : memref<33x128xi32, #tpu.memory_space<vmem>>, vector<16xi32>,
            %gather3A_219 = tpu.vector_load_idx %arg8[%get3A_218] : memref<100000xi32, #tpu.memory_space<vmem>>[vector<16xi32>], vector<16xi32>,
            %shift_left3A_220 = arith.constant 16 : i32
            %shift_left3A_221 = vector.broadcast %shift_left3A_220 : i32 to vector<16xi32>
            %shift_left3A_222 = arith.shli %gather3A_219, %shift_left3A_221 : vector<16xi32>
            %shift_right_arithmetic3A_223 = arith.constant 16 : i32
            %shift_right_arithmetic3A_224 = vector.broadcast %shift_right_arithmetic3A_223 : i32 to vector<16xi32>
            %shift_right_arithmetic3A_225 = arith.shrsi %shift_left3A_222, %shift_right_arithmetic3A_224 : vector<16xi32>
            %shift_right_arithmetic3A_226 = arith.constant 16 : i32
            %shift_right_arithmetic3A_227 = vector.broadcast %shift_right_arithmetic3A_226 : i32 to vector<16xi32>
            %shift_right_arithmetic3A_228 = arith.shrsi %gather3A_219, %shift_right_arithmetic3A_227 : vector<16xi32>
            %convert_element_type3A_229 = arith.sitofp %shift_right_arithmetic3A_225 : vector<16xi32> to vector<16xf32>
            %convert_element_type3A_230 = arith.sitofp %shift_right_arithmetic3A_228 : vector<16xi32> to vector<16xf32>
            %mul3A_231 = arith.mulf %convert_element_type3A_99, %convert_element_type3A_229 : vector<16xf32>
            %mul3A_232 = arith.mulf %convert_element_type3A_100, %convert_element_type3A_230 : vector<16xf32>
            %add3A_233 = arith.addf %mul3A_231, %mul3A_232 : vector<16xf32>
            %max3A_234 = arith.constant 0.000000e+00 : f32
            %max3A_235 = vector.broadcast %max3A_234 : f32 to vector<16xf32>
            %max3A_236 = arith.maximumf %add3A_233, %max3A_235 : vector<16xf32>
            %add3A_237 = arith.addf %add3A_214, %max3A_236 : vector<16xf32>
            %get3A_238 = arith.constant 7 : i32
            %get3A_239 = arith.index_cast %get3A_238 : i32 to index
            %get3A_240 = arith.index_cast %mul3A_87 : i32 to index
            %get3A_241 = tpu.vector_load %arg9[%get3A_239, %get3A_240] {strides = array<i32>} : memref<33x128xi32, #tpu.memory_space<vmem>>, vector<16xi32>,
            %gather3A_242 = tpu.vector_load_idx %arg8[%get3A_241] : memref<100000xi32, #tpu.memory_space<vmem>>[vector<16xi32>], vector<16xi32>,
            %shift_left3A_243 = arith.constant 16 : i32
            %shift_left3A_244 = vector.broadcast %shift_left3A_243 : i32 to vector<16xi32>
            %shift_left3A_245 = arith.shli %gather3A_242, %shift_left3A_244 : vector<16xi32>
            %shift_right_arithmetic3A_246 = arith.constant 16 : i32
            %shift_right_arithmetic3A_247 = vector.broadcast %shift_right_arithmetic3A_246 : i32 to vector<16xi32>
            %shift_right_arithmetic3A_248 = arith.shrsi %shift_left3A_245, %shift_right_arithmetic3A_247 : vector<16xi32>
            %shift_right_arithmetic3A_249 = arith.constant 16 : i32
            %shift_right_arithmetic3A_250 = vector.broadcast %shift_right_arithmetic3A_249 : i32 to vector<16xi32>
            %shift_right_arithmetic3A_251 = arith.shrsi %gather3A_242, %shift_right_arithmetic3A_250 : vector<16xi32>
            %convert_element_type3A_252 = arith.sitofp %shift_right_arithmetic3A_248 : vector<16xi32> to vector<16xf32>
            %convert_element_type3A_253 = arith.sitofp %shift_right_arithmetic3A_251 : vector<16xi32> to vector<16xf32>
            %mul3A_254 = arith.mulf %convert_element_type3A_99, %convert_element_type3A_252 : vector<16xf32>
            %mul3A_255 = arith.mulf %convert_element_type3A_100, %convert_element_type3A_253 : vector<16xf32>
            %add3A_256 = arith.addf %mul3A_254, %mul3A_255 : vector<16xf32>
            %max3A_257 = arith.constant 0.000000e+00 : f32
            %max3A_258 = vector.broadcast %max3A_257 : f32 to vector<16xf32>
            %max3A_259 = arith.maximumf %add3A_256, %max3A_258 : vector<16xf32>
            %add3A_260 = arith.addf %add3A_237, %max3A_259 : vector<16xf32>
            %get3A_261 = arith.constant 8 : i32
            %get3A_262 = arith.index_cast %get3A_261 : i32 to index
            %get3A_263 = arith.index_cast %mul3A_87 : i32 to index
            %get3A_264 = tpu.vector_load %arg9[%get3A_262, %get3A_263] {strides = array<i32>} : memref<33x128xi32, #tpu.memory_space<vmem>>, vector<16xi32>,
            %gather3A_265 = tpu.vector_load_idx %arg8[%get3A_264] : memref<100000xi32, #tpu.memory_space<vmem>>[vector<16xi32>], vector<16xi32>,
            %shift_left3A_266 = arith.constant 16 : i32
            %shift_left3A_267 = vector.broadcast %shift_left3A_266 : i32 to vector<16xi32>
            %shift_left3A_268 = arith.shli %gather3A_265, %shift_left3A_267 : vector<16xi32>
            %shift_right_arithmetic3A_269 = arith.constant 16 : i32
            %shift_right_arithmetic3A_270 = vector.broadcast %shift_right_arithmetic3A_269 : i32 to vector<16xi32>
            %shift_right_arithmetic3A_271 = arith.shrsi %shift_left3A_268, %shift_right_arithmetic3A_270 : vector<16xi32>
            %shift_right_arithmetic3A_272 = arith.constant 16 : i32
            %shift_right_arithmetic3A_273 = vector.broadcast %shift_right_arithmetic3A_272 : i32 to vector<16xi32>
            %shift_right_arithmetic3A_274 = arith.shrsi %gather3A_265, %shift_right_arithmetic3A_273 : vector<16xi32>
            %convert_element_type3A_275 = arith.sitofp %shift_right_arithmetic3A_271 : vector<16xi32> to vector<16xf32>
            %convert_element_type3A_276 = arith.sitofp %shift_right_arithmetic3A_274 : vector<16xi32> to vector<16xf32>
            %mul3A_277 = arith.mulf %convert_element_type3A_99, %convert_element_type3A_275 : vector<16xf32>
            %mul3A_278 = arith.mulf %convert_element_type3A_100, %convert_element_type3A_276 : vector<16xf32>
            %add3A_279 = arith.addf %mul3A_277, %mul3A_278 : vector<16xf32>
            %max3A_280 = arith.constant 0.000000e+00 : f32
            %max3A_281 = vector.broadcast %max3A_280 : f32 to vector<16xf32>
            %max3A_282 = arith.maximumf %add3A_279, %max3A_281 : vector<16xf32>
            %add3A_283 = arith.addf %add3A_260, %max3A_282 : vector<16xf32>
            %get3A_284 = arith.constant 9 : i32
            %get3A_285 = arith.index_cast %get3A_284 : i32 to index
            %get3A_286 = arith.index_cast %mul3A_87 : i32 to index
            %get3A_287 = tpu.vector_load %arg9[%get3A_285, %get3A_286] {strides = array<i32>} : memref<33x128xi32, #tpu.memory_space<vmem>>, vector<16xi32>,
            %gather3A_288 = tpu.vector_load_idx %arg8[%get3A_287] : memref<100000xi32, #tpu.memory_space<vmem>>[vector<16xi32>], vector<16xi32>,
            %shift_left3A_289 = arith.constant 16 : i32
            %shift_left3A_290 = vector.broadcast %shift_left3A_289 : i32 to vector<16xi32>
            %shift_left3A_291 = arith.shli %gather3A_288, %shift_left3A_290 : vector<16xi32>
            %shift_right_arithmetic3A_292 = arith.constant 16 : i32
            %shift_right_arithmetic3A_293 = vector.broadcast %shift_right_arithmetic3A_292 : i32 to vector<16xi32>
            %shift_right_arithmetic3A_294 = arith.shrsi %shift_left3A_291, %shift_right_arithmetic3A_293 : vector<16xi32>
            %shift_right_arithmetic3A_295 = arith.constant 16 : i32
            %shift_right_arithmetic3A_296 = vector.broadcast %shift_right_arithmetic3A_295 : i32 to vector<16xi32>
            %shift_right_arithmetic3A_297 = arith.shrsi %gather3A_288, %shift_right_arithmetic3A_296 : vector<16xi32>
            %convert_element_type3A_298 = arith.sitofp %shift_right_arithmetic3A_294 : vector<16xi32> to vector<16xf32>
            %convert_element_type3A_299 = arith.sitofp %shift_right_arithmetic3A_297 : vector<16xi32> to vector<16xf32>
            %mul3A_300 = arith.mulf %convert_element_type3A_99, %convert_element_type3A_298 : vector<16xf32>
            %mul3A_301 = arith.mulf %convert_element_type3A_100, %convert_element_type3A_299 : vector<16xf32>
            %add3A_302 = arith.addf %mul3A_300, %mul3A_301 : vector<16xf32>
            %max3A_303 = arith.constant 0.000000e+00 : f32
            %max3A_304 = vector.broadcast %max3A_303 : f32 to vector<16xf32>
            %max3A_305 = arith.maximumf %add3A_302, %max3A_304 : vector<16xf32>
            %add3A_306 = arith.addf %add3A_283, %max3A_305 : vector<16xf32>
            %get3A_307 = arith.constant 10 : i32
            %get3A_308 = arith.index_cast %get3A_307 : i32 to index
            %get3A_309 = arith.index_cast %mul3A_87 : i32 to index
            %get3A_310 = tpu.vector_load %arg9[%get3A_308, %get3A_309] {strides = array<i32>} : memref<33x128xi32, #tpu.memory_space<vmem>>, vector<16xi32>,
            %gather3A_311 = tpu.vector_load_idx %arg8[%get3A_310] : memref<100000xi32, #tpu.memory_space<vmem>>[vector<16xi32>], vector<16xi32>,
            %shift_left3A_312 = arith.constant 16 : i32
            %shift_left3A_313 = vector.broadcast %shift_left3A_312 : i32 to vector<16xi32>
            %shift_left3A_314 = arith.shli %gather3A_311, %shift_left3A_313 : vector<16xi32>
            %shift_right_arithmetic3A_315 = arith.constant 16 : i32
            %shift_right_arithmetic3A_316 = vector.broadcast %shift_right_arithmetic3A_315 : i32 to vector<16xi32>
            %shift_right_arithmetic3A_317 = arith.shrsi %shift_left3A_314, %shift_right_arithmetic3A_316 : vector<16xi32>
            %shift_right_arithmetic3A_318 = arith.constant 16 : i32
            %shift_right_arithmetic3A_319 = vector.broadcast %shift_right_arithmetic3A_318 : i32 to vector<16xi32>
            %shift_right_arithmetic3A_320 = arith.shrsi %gather3A_311, %shift_right_arithmetic3A_319 : vector<16xi32>
            %convert_element_type3A_321 = arith.sitofp %shift_right_arithmetic3A_317 : vector<16xi32> to vector<16xf32>
            %convert_element_type3A_322 = arith.sitofp %shift_right_arithmetic3A_320 : vector<16xi32> to vector<16xf32>
            %mul3A_323 = arith.mulf %convert_element_type3A_99, %convert_element_type3A_321 : vector<16xf32>
            %mul3A_324 = arith.mulf %convert_element_type3A_100, %convert_element_type3A_322 : vector<16xf32>
            %add3A_325 = arith.addf %mul3A_323, %mul3A_324 : vector<16xf32>
            %max3A_326 = arith.constant 0.000000e+00 : f32
            %max3A_327 = vector.broadcast %max3A_326 : f32 to vector<16xf32>
            %max3A_328 = arith.maximumf %add3A_325, %max3A_327 : vector<16xf32>
            %add3A_329 = arith.addf %add3A_306, %max3A_328 : vector<16xf32>
            %get3A_330 = arith.constant 11 : i32
            %get3A_331 = arith.index_cast %get3A_330 : i32 to index
            %get3A_332 = arith.index_cast %mul3A_87 : i32 to index
            %get3A_333 = tpu.vector_load %arg9[%get3A_331, %get3A_332] {strides = array<i32>} : memref<33x128xi32, #tpu.memory_space<vmem>>, vector<16xi32>,
            %gather3A_334 = tpu.vector_load_idx %arg8[%get3A_333] : memref<100000xi32, #tpu.memory_space<vmem>>[vector<16xi32>], vector<16xi32>,
            %shift_left3A_335 = arith.constant 16 : i32
            %shift_left3A_336 = vector.broadcast %shift_left3A_335 : i32 to vector<16xi32>
            %shift_left3A_337 = arith.shli %gather3A_334, %shift_left3A_336 : vector<16xi32>
            %shift_right_arithmetic3A_338 = arith.constant 16 : i32
            %shift_right_arithmetic3A_339 = vector.broadcast %shift_right_arithmetic3A_338 : i32 to vector<16xi32>
            %shift_right_arithmetic3A_340 = arith.shrsi %shift_left3A_337, %shift_right_arithmetic3A_339 : vector<16xi32>
            %shift_right_arithmetic3A_341 = arith.constant 16 : i32
            %shift_right_arithmetic3A_342 = vector.broadcast %shift_right_arithmetic3A_341 : i32 to vector<16xi32>
            %shift_right_arithmetic3A_343 = arith.shrsi %gather3A_334, %shift_right_arithmetic3A_342 : vector<16xi32>
            %convert_element_type3A_344 = arith.sitofp %shift_right_arithmetic3A_340 : vector<16xi32> to vector<16xf32>
            %convert_element_type3A_345 = arith.sitofp %shift_right_arithmetic3A_343 : vector<16xi32> to vector<16xf32>
            %mul3A_346 = arith.mulf %convert_element_type3A_99, %convert_element_type3A_344 : vector<16xf32>
            %mul3A_347 = arith.mulf %convert_element_type3A_100, %convert_element_type3A_345 : vector<16xf32>
            %add3A_348 = arith.addf %mul3A_346, %mul3A_347 : vector<16xf32>
            %max3A_349 = arith.constant 0.000000e+00 : f32
            %max3A_350 = vector.broadcast %max3A_349 : f32 to vector<16xf32>
            %max3A_351 = arith.maximumf %add3A_348, %max3A_350 : vector<16xf32>
            %add3A_352 = arith.addf %add3A_329, %max3A_351 : vector<16xf32>
            %get3A_353 = arith.constant 12 : i32
            %get3A_354 = arith.index_cast %get3A_353 : i32 to index
            %get3A_355 = arith.index_cast %mul3A_87 : i32 to index
            %get3A_356 = tpu.vector_load %arg9[%get3A_354, %get3A_355] {strides = array<i32>} : memref<33x128xi32, #tpu.memory_space<vmem>>, vector<16xi32>,
            %gather3A_357 = tpu.vector_load_idx %arg8[%get3A_356] : memref<100000xi32, #tpu.memory_space<vmem>>[vector<16xi32>], vector<16xi32>,
            %shift_left3A_358 = arith.constant 16 : i32
            %shift_left3A_359 = vector.broadcast %shift_left3A_358 : i32 to vector<16xi32>
            %shift_left3A_360 = arith.shli %gather3A_357, %shift_left3A_359 : vector<16xi32>
            %shift_right_arithmetic3A_361 = arith.constant 16 : i32
            %shift_right_arithmetic3A_362 = vector.broadcast %shift_right_arithmetic3A_361 : i32 to vector<16xi32>
            %shift_right_arithmetic3A_363 = arith.shrsi %shift_left3A_360, %shift_right_arithmetic3A_362 : vector<16xi32>
            %shift_right_arithmetic3A_364 = arith.constant 16 : i32
            %shift_right_arithmetic3A_365 = vector.broadcast %shift_right_arithmetic3A_364 : i32 to vector<16xi32>
            %shift_right_arithmetic3A_366 = arith.shrsi %gather3A_357, %shift_right_arithmetic3A_365 : vector<16xi32>
            %convert_element_type3A_367 = arith.sitofp %shift_right_arithmetic3A_363 : vector<16xi32> to vector<16xf32>
            %convert_element_type3A_368 = arith.sitofp %shift_right_arithmetic3A_366 : vector<16xi32> to vector<16xf32>
            %mul3A_369 = arith.mulf %convert_element_type3A_99, %convert_element_type3A_367 : vector<16xf32>
            %mul3A_370 = arith.mulf %convert_element_type3A_100, %convert_element_type3A_368 : vector<16xf32>
            %add3A_371 = arith.addf %mul3A_369, %mul3A_370 : vector<16xf32>
            %max3A_372 = arith.constant 0.000000e+00 : f32
            %max3A_373 = vector.broadcast %max3A_372 : f32 to vector<16xf32>
            %max3A_374 = arith.maximumf %add3A_371, %max3A_373 : vector<16xf32>
            %add3A_375 = arith.addf %add3A_352, %max3A_374 : vector<16xf32>
            %get3A_376 = arith.constant 13 : i32
            %get3A_377 = arith.index_cast %get3A_376 : i32 to index
            %get3A_378 = arith.index_cast %mul3A_87 : i32 to index
            %get3A_379 = tpu.vector_load %arg9[%get3A_377, %get3A_378] {strides = array<i32>} : memref<33x128xi32, #tpu.memory_space<vmem>>, vector<16xi32>,
            %gather3A_380 = tpu.vector_load_idx %arg8[%get3A_379] : memref<100000xi32, #tpu.memory_space<vmem>>[vector<16xi32>], vector<16xi32>,
            %shift_left3A_381 = arith.constant 16 : i32
            %shift_left3A_382 = vector.broadcast %shift_left3A_381 : i32 to vector<16xi32>
            %shift_left3A_383 = arith.shli %gather3A_380, %shift_left3A_382 : vector<16xi32>
            %shift_right_arithmetic3A_384 = arith.constant 16 : i32
            %shift_right_arithmetic3A_385 = vector.broadcast %shift_right_arithmetic3A_384 : i32 to vector<16xi32>
            %shift_right_arithmetic3A_386 = arith.shrsi %shift_left3A_383, %shift_right_arithmetic3A_385 : vector<16xi32>
            %shift_right_arithmetic3A_387 = arith.constant 16 : i32
            %shift_right_arithmetic3A_388 = vector.broadcast %shift_right_arithmetic3A_387 : i32 to vector<16xi32>
            %shift_right_arithmetic3A_389 = arith.shrsi %gather3A_380, %shift_right_arithmetic3A_388 : vector<16xi32>
            %convert_element_type3A_390 = arith.sitofp %shift_right_arithmetic3A_386 : vector<16xi32> to vector<16xf32>
            %convert_element_type3A_391 = arith.sitofp %shift_right_arithmetic3A_389 : vector<16xi32> to vector<16xf32>
            %mul3A_392 = arith.mulf %convert_element_type3A_99, %convert_element_type3A_390 : vector<16xf32>
            %mul3A_393 = arith.mulf %convert_element_type3A_100, %convert_element_type3A_391 : vector<16xf32>
            %add3A_394 = arith.addf %mul3A_392, %mul3A_393 : vector<16xf32>
            %max3A_395 = arith.constant 0.000000e+00 : f32
            %max3A_396 = vector.broadcast %max3A_395 : f32 to vector<16xf32>
            %max3A_397 = arith.maximumf %add3A_394, %max3A_396 : vector<16xf32>
            %add3A_398 = arith.addf %add3A_375, %max3A_397 : vector<16xf32>
            %get3A_399 = arith.constant 14 : i32
            %get3A_400 = arith.index_cast %get3A_399 : i32 to index
            %get3A_401 = arith.index_cast %mul3A_87 : i32 to index
            %get3A_402 = tpu.vector_load %arg9[%get3A_400, %get3A_401] {strides = array<i32>} : memref<33x128xi32, #tpu.memory_space<vmem>>, vector<16xi32>,
            %gather3A_403 = tpu.vector_load_idx %arg8[%get3A_402] : memref<100000xi32, #tpu.memory_space<vmem>>[vector<16xi32>], vector<16xi32>,
            %shift_left3A_404 = arith.constant 16 : i32
            %shift_left3A_405 = vector.broadcast %shift_left3A_404 : i32 to vector<16xi32>
            %shift_left3A_406 = arith.shli %gather3A_403, %shift_left3A_405 : vector<16xi32>
            %shift_right_arithmetic3A_407 = arith.constant 16 : i32
            %shift_right_arithmetic3A_408 = vector.broadcast %shift_right_arithmetic3A_407 : i32 to vector<16xi32>
            %shift_right_arithmetic3A_409 = arith.shrsi %shift_left3A_406, %shift_right_arithmetic3A_408 : vector<16xi32>
            %shift_right_arithmetic3A_410 = arith.constant 16 : i32
            %shift_right_arithmetic3A_411 = vector.broadcast %shift_right_arithmetic3A_410 : i32 to vector<16xi32>
            %shift_right_arithmetic3A_412 = arith.shrsi %gather3A_403, %shift_right_arithmetic3A_411 : vector<16xi32>
            %convert_element_type3A_413 = arith.sitofp %shift_right_arithmetic3A_409 : vector<16xi32> to vector<16xf32>
            %convert_element_type3A_414 = arith.sitofp %shift_right_arithmetic3A_412 : vector<16xi32> to vector<16xf32>
            %mul3A_415 = arith.mulf %convert_element_type3A_99, %convert_element_type3A_413 : vector<16xf32>
            %mul3A_416 = arith.mulf %convert_element_type3A_100, %convert_element_type3A_414 : vector<16xf32>
            %add3A_417 = arith.addf %mul3A_415, %mul3A_416 : vector<16xf32>
            %max3A_418 = arith.constant 0.000000e+00 : f32
            %max3A_419 = vector.broadcast %max3A_418 : f32 to vector<16xf32>
            %max3A_420 = arith.maximumf %add3A_417, %max3A_419 : vector<16xf32>
            %add3A_421 = arith.addf %add3A_398, %max3A_420 : vector<16xf32>
            %get3A_422 = arith.constant 15 : i32
            %get3A_423 = arith.index_cast %get3A_422 : i32 to index
            %get3A_424 = arith.index_cast %mul3A_87 : i32 to index
            %get3A_425 = tpu.vector_load %arg9[%get3A_423, %get3A_424] {strides = array<i32>} : memref<33x128xi32, #tpu.memory_space<vmem>>, vector<16xi32>,
            %gather3A_426 = tpu.vector_load_idx %arg8[%get3A_425] : memref<100000xi32, #tpu.memory_space<vmem>>[vector<16xi32>], vector<16xi32>,
            %shift_left3A_427 = arith.constant 16 : i32
            %shift_left3A_428 = vector.broadcast %shift_left3A_427 : i32 to vector<16xi32>
            %shift_left3A_429 = arith.shli %gather3A_426, %shift_left3A_428 : vector<16xi32>
            %shift_right_arithmetic3A_430 = arith.constant 16 : i32
            %shift_right_arithmetic3A_431 = vector.broadcast %shift_right_arithmetic3A_430 : i32 to vector<16xi32>
            %shift_right_arithmetic3A_432 = arith.shrsi %shift_left3A_429, %shift_right_arithmetic3A_431 : vector<16xi32>
            %shift_right_arithmetic3A_433 = arith.constant 16 : i32
            %shift_right_arithmetic3A_434 = vector.broadcast %shift_right_arithmetic3A_433 : i32 to vector<16xi32>
            %shift_right_arithmetic3A_435 = arith.shrsi %gather3A_426, %shift_right_arithmetic3A_434 : vector<16xi32>
            %convert_element_type3A_436 = arith.sitofp %shift_right_arithmetic3A_432 : vector<16xi32> to vector<16xf32>
            %convert_element_type3A_437 = arith.sitofp %shift_right_arithmetic3A_435 : vector<16xi32> to vector<16xf32>
            %mul3A_438 = arith.mulf %convert_element_type3A_99, %convert_element_type3A_436 : vector<16xf32>
            %mul3A_439 = arith.mulf %convert_element_type3A_100, %convert_element_type3A_437 : vector<16xf32>
            %add3A_440 = arith.addf %mul3A_438, %mul3A_439 : vector<16xf32>
            %max3A_441 = arith.constant 0.000000e+00 : f32
            %max3A_442 = vector.broadcast %max3A_441 : f32 to vector<16xf32>
            %max3A_443 = arith.maximumf %add3A_440, %max3A_442 : vector<16xf32>
            %add3A_444 = arith.addf %add3A_421, %max3A_443 : vector<16xf32>
            %get3A_445 = arith.constant 16 : i32
            %get3A_446 = arith.index_cast %get3A_445 : i32 to index
            %get3A_447 = arith.index_cast %mul3A_87 : i32 to index
            %get3A_448 = tpu.vector_load %arg9[%get3A_446, %get3A_447] {strides = array<i32>} : memref<33x128xi32, #tpu.memory_space<vmem>>, vector<16xi32>,
            %gather3A_449 = tpu.vector_load_idx %arg8[%get3A_448] : memref<100000xi32, #tpu.memory_space<vmem>>[vector<16xi32>], vector<16xi32>,
            %shift_left3A_450 = arith.constant 16 : i32
            %shift_left3A_451 = vector.broadcast %shift_left3A_450 : i32 to vector<16xi32>
            %shift_left3A_452 = arith.shli %gather3A_449, %shift_left3A_451 : vector<16xi32>
            %shift_right_arithmetic3A_453 = arith.constant 16 : i32
            %shift_right_arithmetic3A_454 = vector.broadcast %shift_right_arithmetic3A_453 : i32 to vector<16xi32>
            %shift_right_arithmetic3A_455 = arith.shrsi %shift_left3A_452, %shift_right_arithmetic3A_454 : vector<16xi32>
            %shift_right_arithmetic3A_456 = arith.constant 16 : i32
            %shift_right_arithmetic3A_457 = vector.broadcast %shift_right_arithmetic3A_456 : i32 to vector<16xi32>
            %shift_right_arithmetic3A_458 = arith.shrsi %gather3A_449, %shift_right_arithmetic3A_457 : vector<16xi32>
            %convert_element_type3A_459 = arith.sitofp %shift_right_arithmetic3A_455 : vector<16xi32> to vector<16xf32>
            %convert_element_type3A_460 = arith.sitofp %shift_right_arithmetic3A_458 : vector<16xi32> to vector<16xf32>
            %mul3A_461 = arith.mulf %convert_element_type3A_99, %convert_element_type3A_459 : vector<16xf32>
            %mul3A_462 = arith.mulf %convert_element_type3A_100, %convert_element_type3A_460 : vector<16xf32>
            %add3A_463 = arith.addf %mul3A_461, %mul3A_462 : vector<16xf32>
            %max3A_464 = arith.constant 0.000000e+00 : f32
            %max3A_465 = vector.broadcast %max3A_464 : f32 to vector<16xf32>
            %max3A_466 = arith.maximumf %add3A_463, %max3A_465 : vector<16xf32>
            %add3A_467 = arith.addf %add3A_444, %max3A_466 : vector<16xf32>
            %get3A_468 = arith.constant 17 : i32
            %get3A_469 = arith.index_cast %get3A_468 : i32 to index
            %get3A_470 = arith.index_cast %mul3A_87 : i32 to index
            %get3A_471 = tpu.vector_load %arg9[%get3A_469, %get3A_470] {strides = array<i32>} : memref<33x128xi32, #tpu.memory_space<vmem>>, vector<16xi32>,
            %gather3A_472 = tpu.vector_load_idx %arg8[%get3A_471] : memref<100000xi32, #tpu.memory_space<vmem>>[vector<16xi32>], vector<16xi32>,
            %shift_left3A_473 = arith.constant 16 : i32
            %shift_left3A_474 = vector.broadcast %shift_left3A_473 : i32 to vector<16xi32>
            %shift_left3A_475 = arith.shli %gather3A_472, %shift_left3A_474 : vector<16xi32>
            %shift_right_arithmetic3A_476 = arith.constant 16 : i32
            %shift_right_arithmetic3A_477 = vector.broadcast %shift_right_arithmetic3A_476 : i32 to vector<16xi32>
            %shift_right_arithmetic3A_478 = arith.shrsi %shift_left3A_475, %shift_right_arithmetic3A_477 : vector<16xi32>
            %shift_right_arithmetic3A_479 = arith.constant 16 : i32
            %shift_right_arithmetic3A_480 = vector.broadcast %shift_right_arithmetic3A_479 : i32 to vector<16xi32>
            %shift_right_arithmetic3A_481 = arith.shrsi %gather3A_472, %shift_right_arithmetic3A_480 : vector<16xi32>
            %convert_element_type3A_482 = arith.sitofp %shift_right_arithmetic3A_478 : vector<16xi32> to vector<16xf32>
            %convert_element_type3A_483 = arith.sitofp %shift_right_arithmetic3A_481 : vector<16xi32> to vector<16xf32>
            %mul3A_484 = arith.mulf %convert_element_type3A_99, %convert_element_type3A_482 : vector<16xf32>
            %mul3A_485 = arith.mulf %convert_element_type3A_100, %convert_element_type3A_483 : vector<16xf32>
            %add3A_486 = arith.addf %mul3A_484, %mul3A_485 : vector<16xf32>
            %max3A_487 = arith.constant 0.000000e+00 : f32
            %max3A_488 = vector.broadcast %max3A_487 : f32 to vector<16xf32>
            %max3A_489 = arith.maximumf %add3A_486, %max3A_488 : vector<16xf32>
            %add3A_490 = arith.addf %add3A_467, %max3A_489 : vector<16xf32>
            %get3A_491 = arith.constant 18 : i32
            %get3A_492 = arith.index_cast %get3A_491 : i32 to index
            %get3A_493 = arith.index_cast %mul3A_87 : i32 to index
            %get3A_494 = tpu.vector_load %arg9[%get3A_492, %get3A_493] {strides = array<i32>} : memref<33x128xi32, #tpu.memory_space<vmem>>, vector<16xi32>,
            %gather3A_495 = tpu.vector_load_idx %arg8[%get3A_494] : memref<100000xi32, #tpu.memory_space<vmem>>[vector<16xi32>], vector<16xi32>,
            %shift_left3A_496 = arith.constant 16 : i32
            %shift_left3A_497 = vector.broadcast %shift_left3A_496 : i32 to vector<16xi32>
            %shift_left3A_498 = arith.shli %gather3A_495, %shift_left3A_497 : vector<16xi32>
            %shift_right_arithmetic3A_499 = arith.constant 16 : i32
            %shift_right_arithmetic3A_500 = vector.broadcast %shift_right_arithmetic3A_499 : i32 to vector<16xi32>
            %shift_right_arithmetic3A_501 = arith.shrsi %shift_left3A_498, %shift_right_arithmetic3A_500 : vector<16xi32>
            %shift_right_arithmetic3A_502 = arith.constant 16 : i32
            %shift_right_arithmetic3A_503 = vector.broadcast %shift_right_arithmetic3A_502 : i32 to vector<16xi32>
            %shift_right_arithmetic3A_504 = arith.shrsi %gather3A_495, %shift_right_arithmetic3A_503 : vector<16xi32>
            %convert_element_type3A_505 = arith.sitofp %shift_right_arithmetic3A_501 : vector<16xi32> to vector<16xf32>
            %convert_element_type3A_506 = arith.sitofp %shift_right_arithmetic3A_504 : vector<16xi32> to vector<16xf32>
            %mul3A_507 = arith.mulf %convert_element_type3A_99, %convert_element_type3A_505 : vector<16xf32>
            %mul3A_508 = arith.mulf %convert_element_type3A_100, %convert_element_type3A_506 : vector<16xf32>
            %add3A_509 = arith.addf %mul3A_507, %mul3A_508 : vector<16xf32>
            %max3A_510 = arith.constant 0.000000e+00 : f32
            %max3A_511 = vector.broadcast %max3A_510 : f32 to vector<16xf32>
            %max3A_512 = arith.maximumf %add3A_509, %max3A_511 : vector<16xf32>
            %add3A_513 = arith.addf %add3A_490, %max3A_512 : vector<16xf32>
            %get3A_514 = arith.constant 19 : i32
            %get3A_515 = arith.index_cast %get3A_514 : i32 to index
            %get3A_516 = arith.index_cast %mul3A_87 : i32 to index
            %get3A_517 = tpu.vector_load %arg9[%get3A_515, %get3A_516] {strides = array<i32>} : memref<33x128xi32, #tpu.memory_space<vmem>>, vector<16xi32>,
            %gather3A_518 = tpu.vector_load_idx %arg8[%get3A_517] : memref<100000xi32, #tpu.memory_space<vmem>>[vector<16xi32>], vector<16xi32>,
            %shift_left3A_519 = arith.constant 16 : i32
            %shift_left3A_520 = vector.broadcast %shift_left3A_519 : i32 to vector<16xi32>
            %shift_left3A_521 = arith.shli %gather3A_518, %shift_left3A_520 : vector<16xi32>
            %shift_right_arithmetic3A_522 = arith.constant 16 : i32
            %shift_right_arithmetic3A_523 = vector.broadcast %shift_right_arithmetic3A_522 : i32 to vector<16xi32>
            %shift_right_arithmetic3A_524 = arith.shrsi %shift_left3A_521, %shift_right_arithmetic3A_523 : vector<16xi32>
            %shift_right_arithmetic3A_525 = arith.constant 16 : i32
            %shift_right_arithmetic3A_526 = vector.broadcast %shift_right_arithmetic3A_525 : i32 to vector<16xi32>
            %shift_right_arithmetic3A_527 = arith.shrsi %gather3A_518, %shift_right_arithmetic3A_526 : vector<16xi32>
            %convert_element_type3A_528 = arith.sitofp %shift_right_arithmetic3A_524 : vector<16xi32> to vector<16xf32>
            %convert_element_type3A_529 = arith.sitofp %shift_right_arithmetic3A_527 : vector<16xi32> to vector<16xf32>
            %mul3A_530 = arith.mulf %convert_element_type3A_99, %convert_element_type3A_528 : vector<16xf32>
            %mul3A_531 = arith.mulf %convert_element_type3A_100, %convert_element_type3A_529 : vector<16xf32>
            %add3A_532 = arith.addf %mul3A_530, %mul3A_531 : vector<16xf32>
            %max3A_533 = arith.constant 0.000000e+00 : f32
            %max3A_534 = vector.broadcast %max3A_533 : f32 to vector<16xf32>
            %max3A_535 = arith.maximumf %add3A_532, %max3A_534 : vector<16xf32>
            %add3A_536 = arith.addf %add3A_513, %max3A_535 : vector<16xf32>
            %get3A_537 = arith.constant 20 : i32
            %get3A_538 = arith.index_cast %get3A_537 : i32 to index
            %get3A_539 = arith.index_cast %mul3A_87 : i32 to index
            %get3A_540 = tpu.vector_load %arg9[%get3A_538, %get3A_539] {strides = array<i32>} : memref<33x128xi32, #tpu.memory_space<vmem>>, vector<16xi32>,
            %gather3A_541 = tpu.vector_load_idx %arg8[%get3A_540] : memref<100000xi32, #tpu.memory_space<vmem>>[vector<16xi32>], vector<16xi32>,
            %shift_left3A_542 = arith.constant 16 : i32
            %shift_left3A_543 = vector.broadcast %shift_left3A_542 : i32 to vector<16xi32>
            %shift_left3A_544 = arith.shli %gather3A_541, %shift_left3A_543 : vector<16xi32>
            %shift_right_arithmetic3A_545 = arith.constant 16 : i32
            %shift_right_arithmetic3A_546 = vector.broadcast %shift_right_arithmetic3A_545 : i32 to vector<16xi32>
            %shift_right_arithmetic3A_547 = arith.shrsi %shift_left3A_544, %shift_right_arithmetic3A_546 : vector<16xi32>
            %shift_right_arithmetic3A_548 = arith.constant 16 : i32
            %shift_right_arithmetic3A_549 = vector.broadcast %shift_right_arithmetic3A_548 : i32 to vector<16xi32>
            %shift_right_arithmetic3A_550 = arith.shrsi %gather3A_541, %shift_right_arithmetic3A_549 : vector<16xi32>
            %convert_element_type3A_551 = arith.sitofp %shift_right_arithmetic3A_547 : vector<16xi32> to vector<16xf32>
            %convert_element_type3A_552 = arith.sitofp %shift_right_arithmetic3A_550 : vector<16xi32> to vector<16xf32>
            %mul3A_553 = arith.mulf %convert_element_type3A_99, %convert_element_type3A_551 : vector<16xf32>
            %mul3A_554 = arith.mulf %convert_element_type3A_100, %convert_element_type3A_552 : vector<16xf32>
            %add3A_555 = arith.addf %mul3A_553, %mul3A_554 : vector<16xf32>
            %max3A_556 = arith.constant 0.000000e+00 : f32
            %max3A_557 = vector.broadcast %max3A_556 : f32 to vector<16xf32>
            %max3A_558 = arith.maximumf %add3A_555, %max3A_557 : vector<16xf32>
            %add3A_559 = arith.addf %add3A_536, %max3A_558 : vector<16xf32>
            %get3A_560 = arith.constant 21 : i32
            %get3A_561 = arith.index_cast %get3A_560 : i32 to index
            %get3A_562 = arith.index_cast %mul3A_87 : i32 to index
            %get3A_563 = tpu.vector_load %arg9[%get3A_561, %get3A_562] {strides = array<i32>} : memref<33x128xi32, #tpu.memory_space<vmem>>, vector<16xi32>,
            %gather3A_564 = tpu.vector_load_idx %arg8[%get3A_563] : memref<100000xi32, #tpu.memory_space<vmem>>[vector<16xi32>], vector<16xi32>,
            %shift_left3A_565 = arith.constant 16 : i32
            %shift_left3A_566 = vector.broadcast %shift_left3A_565 : i32 to vector<16xi32>
            %shift_left3A_567 = arith.shli %gather3A_564, %shift_left3A_566 : vector<16xi32>
            %shift_right_arithmetic3A_568 = arith.constant 16 : i32
            %shift_right_arithmetic3A_569 = vector.broadcast %shift_right_arithmetic3A_568 : i32 to vector<16xi32>
            %shift_right_arithmetic3A_570 = arith.shrsi %shift_left3A_567, %shift_right_arithmetic3A_569 : vector<16xi32>
            %shift_right_arithmetic3A_571 = arith.constant 16 : i32
            %shift_right_arithmetic3A_572 = vector.broadcast %shift_right_arithmetic3A_571 : i32 to vector<16xi32>
            %shift_right_arithmetic3A_573 = arith.shrsi %gather3A_564, %shift_right_arithmetic3A_572 : vector<16xi32>
            %convert_element_type3A_574 = arith.sitofp %shift_right_arithmetic3A_570 : vector<16xi32> to vector<16xf32>
            %convert_element_type3A_575 = arith.sitofp %shift_right_arithmetic3A_573 : vector<16xi32> to vector<16xf32>
            %mul3A_576 = arith.mulf %convert_element_type3A_99, %convert_element_type3A_574 : vector<16xf32>
            %mul3A_577 = arith.mulf %convert_element_type3A_100, %convert_element_type3A_575 : vector<16xf32>
            %add3A_578 = arith.addf %mul3A_576, %mul3A_577 : vector<16xf32>
            %max3A_579 = arith.constant 0.000000e+00 : f32
            %max3A_580 = vector.broadcast %max3A_579 : f32 to vector<16xf32>
            %max3A_581 = arith.maximumf %add3A_578, %max3A_580 : vector<16xf32>
            %add3A_582 = arith.addf %add3A_559, %max3A_581 : vector<16xf32>
            %get3A_583 = arith.constant 22 : i32
            %get3A_584 = arith.index_cast %get3A_583 : i32 to index
            %get3A_585 = arith.index_cast %mul3A_87 : i32 to index
            %get3A_586 = tpu.vector_load %arg9[%get3A_584, %get3A_585] {strides = array<i32>} : memref<33x128xi32, #tpu.memory_space<vmem>>, vector<16xi32>,
            %gather3A_587 = tpu.vector_load_idx %arg8[%get3A_586] : memref<100000xi32, #tpu.memory_space<vmem>>[vector<16xi32>], vector<16xi32>,
            %shift_left3A_588 = arith.constant 16 : i32
            %shift_left3A_589 = vector.broadcast %shift_left3A_588 : i32 to vector<16xi32>
            %shift_left3A_590 = arith.shli %gather3A_587, %shift_left3A_589 : vector<16xi32>
            %shift_right_arithmetic3A_591 = arith.constant 16 : i32
            %shift_right_arithmetic3A_592 = vector.broadcast %shift_right_arithmetic3A_591 : i32 to vector<16xi32>
            %shift_right_arithmetic3A_593 = arith.shrsi %shift_left3A_590, %shift_right_arithmetic3A_592 : vector<16xi32>
            %shift_right_arithmetic3A_594 = arith.constant 16 : i32
            %shift_right_arithmetic3A_595 = vector.broadcast %shift_right_arithmetic3A_594 : i32 to vector<16xi32>
            %shift_right_arithmetic3A_596 = arith.shrsi %gather3A_587, %shift_right_arithmetic3A_595 : vector<16xi32>
            %convert_element_type3A_597 = arith.sitofp %shift_right_arithmetic3A_593 : vector<16xi32> to vector<16xf32>
            %convert_element_type3A_598 = arith.sitofp %shift_right_arithmetic3A_596 : vector<16xi32> to vector<16xf32>
            %mul3A_599 = arith.mulf %convert_element_type3A_99, %convert_element_type3A_597 : vector<16xf32>
            %mul3A_600 = arith.mulf %convert_element_type3A_100, %convert_element_type3A_598 : vector<16xf32>
            %add3A_601 = arith.addf %mul3A_599, %mul3A_600 : vector<16xf32>
            %max3A_602 = arith.constant 0.000000e+00 : f32
            %max3A_603 = vector.broadcast %max3A_602 : f32 to vector<16xf32>
            %max3A_604 = arith.maximumf %add3A_601, %max3A_603 : vector<16xf32>
            %add3A_605 = arith.addf %add3A_582, %max3A_604 : vector<16xf32>
            %get3A_606 = arith.constant 23 : i32
            %get3A_607 = arith.index_cast %get3A_606 : i32 to index
            %get3A_608 = arith.index_cast %mul3A_87 : i32 to index
            %get3A_609 = tpu.vector_load %arg9[%get3A_607, %get3A_608] {strides = array<i32>} : memref<33x128xi32, #tpu.memory_space<vmem>>, vector<16xi32>,
            %gather3A_610 = tpu.vector_load_idx %arg8[%get3A_609] : memref<100000xi32, #tpu.memory_space<vmem>>[vector<16xi32>], vector<16xi32>,
            %shift_left3A_611 = arith.constant 16 : i32
            %shift_left3A_612 = vector.broadcast %shift_left3A_611 : i32 to vector<16xi32>
            %shift_left3A_613 = arith.shli %gather3A_610, %shift_left3A_612 : vector<16xi32>
            %shift_right_arithmetic3A_614 = arith.constant 16 : i32
            %shift_right_arithmetic3A_615 = vector.broadcast %shift_right_arithmetic3A_614 : i32 to vector<16xi32>
            %shift_right_arithmetic3A_616 = arith.shrsi %shift_left3A_613, %shift_right_arithmetic3A_615 : vector<16xi32>
            %shift_right_arithmetic3A_617 = arith.constant 16 : i32
            %shift_right_arithmetic3A_618 = vector.broadcast %shift_right_arithmetic3A_617 : i32 to vector<16xi32>
            %shift_right_arithmetic3A_619 = arith.shrsi %gather3A_610, %shift_right_arithmetic3A_618 : vector<16xi32>
            %convert_element_type3A_620 = arith.sitofp %shift_right_arithmetic3A_616 : vector<16xi32> to vector<16xf32>
            %convert_element_type3A_621 = arith.sitofp %shift_right_arithmetic3A_619 : vector<16xi32> to vector<16xf32>
            %mul3A_622 = arith.mulf %convert_element_type3A_99, %convert_element_type3A_620 : vector<16xf32>
            %mul3A_623 = arith.mulf %convert_element_type3A_100, %convert_element_type3A_621 : vector<16xf32>
            %add3A_624 = arith.addf %mul3A_622, %mul3A_623 : vector<16xf32>
            %max3A_625 = arith.constant 0.000000e+00 : f32
            %max3A_626 = vector.broadcast %max3A_625 : f32 to vector<16xf32>
            %max3A_627 = arith.maximumf %add3A_624, %max3A_626 : vector<16xf32>
            %add3A_628 = arith.addf %add3A_605, %max3A_627 : vector<16xf32>
            %get3A_629 = arith.constant 24 : i32
            %get3A_630 = arith.index_cast %get3A_629 : i32 to index
            %get3A_631 = arith.index_cast %mul3A_87 : i32 to index
            %get3A_632 = tpu.vector_load %arg9[%get3A_630, %get3A_631] {strides = array<i32>} : memref<33x128xi32, #tpu.memory_space<vmem>>, vector<16xi32>,
            %gather3A_633 = tpu.vector_load_idx %arg8[%get3A_632] : memref<100000xi32, #tpu.memory_space<vmem>>[vector<16xi32>], vector<16xi32>,
            %shift_left3A_634 = arith.constant 16 : i32
            %shift_left3A_635 = vector.broadcast %shift_left3A_634 : i32 to vector<16xi32>
            %shift_left3A_636 = arith.shli %gather3A_633, %shift_left3A_635 : vector<16xi32>
            %shift_right_arithmetic3A_637 = arith.constant 16 : i32
            %shift_right_arithmetic3A_638 = vector.broadcast %shift_right_arithmetic3A_637 : i32 to vector<16xi32>
            %shift_right_arithmetic3A_639 = arith.shrsi %shift_left3A_636, %shift_right_arithmetic3A_638 : vector<16xi32>
            %shift_right_arithmetic3A_640 = arith.constant 16 : i32
            %shift_right_arithmetic3A_641 = vector.broadcast %shift_right_arithmetic3A_640 : i32 to vector<16xi32>
            %shift_right_arithmetic3A_642 = arith.shrsi %gather3A_633, %shift_right_arithmetic3A_641 : vector<16xi32>
            %convert_element_type3A_643 = arith.sitofp %shift_right_arithmetic3A_639 : vector<16xi32> to vector<16xf32>
            %convert_element_type3A_644 = arith.sitofp %shift_right_arithmetic3A_642 : vector<16xi32> to vector<16xf32>
            %mul3A_645 = arith.mulf %convert_element_type3A_99, %convert_element_type3A_643 : vector<16xf32>
            %mul3A_646 = arith.mulf %convert_element_type3A_100, %convert_element_type3A_644 : vector<16xf32>
            %add3A_647 = arith.addf %mul3A_645, %mul3A_646 : vector<16xf32>
            %max3A_648 = arith.constant 0.000000e+00 : f32
            %max3A_649 = vector.broadcast %max3A_648 : f32 to vector<16xf32>
            %max3A_650 = arith.maximumf %add3A_647, %max3A_649 : vector<16xf32>
            %add3A_651 = arith.addf %add3A_628, %max3A_650 : vector<16xf32>
            %get3A_652 = arith.constant 25 : i32
            %get3A_653 = arith.index_cast %get3A_652 : i32 to index
            %get3A_654 = arith.index_cast %mul3A_87 : i32 to index
            %get3A_655 = tpu.vector_load %arg9[%get3A_653, %get3A_654] {strides = array<i32>} : memref<33x128xi32, #tpu.memory_space<vmem>>, vector<16xi32>,
            %gather3A_656 = tpu.vector_load_idx %arg8[%get3A_655] : memref<100000xi32, #tpu.memory_space<vmem>>[vector<16xi32>], vector<16xi32>,
            %shift_left3A_657 = arith.constant 16 : i32
            %shift_left3A_658 = vector.broadcast %shift_left3A_657 : i32 to vector<16xi32>
            %shift_left3A_659 = arith.shli %gather3A_656, %shift_left3A_658 : vector<16xi32>
            %shift_right_arithmetic3A_660 = arith.constant 16 : i32
            %shift_right_arithmetic3A_661 = vector.broadcast %shift_right_arithmetic3A_660 : i32 to vector<16xi32>
            %shift_right_arithmetic3A_662 = arith.shrsi %shift_left3A_659, %shift_right_arithmetic3A_661 : vector<16xi32>
            %shift_right_arithmetic3A_663 = arith.constant 16 : i32
            %shift_right_arithmetic3A_664 = vector.broadcast %shift_right_arithmetic3A_663 : i32 to vector<16xi32>
            %shift_right_arithmetic3A_665 = arith.shrsi %gather3A_656, %shift_right_arithmetic3A_664 : vector<16xi32>
            %convert_element_type3A_666 = arith.sitofp %shift_right_arithmetic3A_662 : vector<16xi32> to vector<16xf32>
            %convert_element_type3A_667 = arith.sitofp %shift_right_arithmetic3A_665 : vector<16xi32> to vector<16xf32>
            %mul3A_668 = arith.mulf %convert_element_type3A_99, %convert_element_type3A_666 : vector<16xf32>
            %mul3A_669 = arith.mulf %convert_element_type3A_100, %convert_element_type3A_667 : vector<16xf32>
            %add3A_670 = arith.addf %mul3A_668, %mul3A_669 : vector<16xf32>
            %max3A_671 = arith.constant 0.000000e+00 : f32
            %max3A_672 = vector.broadcast %max3A_671 : f32 to vector<16xf32>
            %max3A_673 = arith.maximumf %add3A_670, %max3A_672 : vector<16xf32>
            %add3A_674 = arith.addf %add3A_651, %max3A_673 : vector<16xf32>
            %get3A_675 = arith.constant 26 : i32
            %get3A_676 = arith.index_cast %get3A_675 : i32 to index
            %get3A_677 = arith.index_cast %mul3A_87 : i32 to index
            %get3A_678 = tpu.vector_load %arg9[%get3A_676, %get3A_677] {strides = array<i32>} : memref<33x128xi32, #tpu.memory_space<vmem>>, vector<16xi32>,
            %gather3A_679 = tpu.vector_load_idx %arg8[%get3A_678] : memref<100000xi32, #tpu.memory_space<vmem>>[vector<16xi32>], vector<16xi32>,
            %shift_left3A_680 = arith.constant 16 : i32
            %shift_left3A_681 = vector.broadcast %shift_left3A_680 : i32 to vector<16xi32>
            %shift_left3A_682 = arith.shli %gather3A_679, %shift_left3A_681 : vector<16xi32>
            %shift_right_arithmetic3A_683 = arith.constant 16 : i32
            %shift_right_arithmetic3A_684 = vector.broadcast %shift_right_arithmetic3A_683 : i32 to vector<16xi32>
            %shift_right_arithmetic3A_685 = arith.shrsi %shift_left3A_682, %shift_right_arithmetic3A_684 : vector<16xi32>
            %shift_right_arithmetic3A_686 = arith.constant 16 : i32
            %shift_right_arithmetic3A_687 = vector.broadcast %shift_right_arithmetic3A_686 : i32 to vector<16xi32>
            %shift_right_arithmetic3A_688 = arith.shrsi %gather3A_679, %shift_right_arithmetic3A_687 : vector<16xi32>
            %convert_element_type3A_689 = arith.sitofp %shift_right_arithmetic3A_685 : vector<16xi32> to vector<16xf32>
            %convert_element_type3A_690 = arith.sitofp %shift_right_arithmetic3A_688 : vector<16xi32> to vector<16xf32>
            %mul3A_691 = arith.mulf %convert_element_type3A_99, %convert_element_type3A_689 : vector<16xf32>
            %mul3A_692 = arith.mulf %convert_element_type3A_100, %convert_element_type3A_690 : vector<16xf32>
            %add3A_693 = arith.addf %mul3A_691, %mul3A_692 : vector<16xf32>
            %max3A_694 = arith.constant 0.000000e+00 : f32
            %max3A_695 = vector.broadcast %max3A_694 : f32 to vector<16xf32>
            %max3A_696 = arith.maximumf %add3A_693, %max3A_695 : vector<16xf32>
            %add3A_697 = arith.addf %add3A_674, %max3A_696 : vector<16xf32>
            %get3A_698 = arith.constant 27 : i32
            %get3A_699 = arith.index_cast %get3A_698 : i32 to index
            %get3A_700 = arith.index_cast %mul3A_87 : i32 to index
            %get3A_701 = tpu.vector_load %arg9[%get3A_699, %get3A_700] {strides = array<i32>} : memref<33x128xi32, #tpu.memory_space<vmem>>, vector<16xi32>,
            %gather3A_702 = tpu.vector_load_idx %arg8[%get3A_701] : memref<100000xi32, #tpu.memory_space<vmem>>[vector<16xi32>], vector<16xi32>,
            %shift_left3A_703 = arith.constant 16 : i32
            %shift_left3A_704 = vector.broadcast %shift_left3A_703 : i32 to vector<16xi32>
            %shift_left3A_705 = arith.shli %gather3A_702, %shift_left3A_704 : vector<16xi32>
            %shift_right_arithmetic3A_706 = arith.constant 16 : i32
            %shift_right_arithmetic3A_707 = vector.broadcast %shift_right_arithmetic3A_706 : i32 to vector<16xi32>
            %shift_right_arithmetic3A_708 = arith.shrsi %shift_left3A_705, %shift_right_arithmetic3A_707 : vector<16xi32>
            %shift_right_arithmetic3A_709 = arith.constant 16 : i32
            %shift_right_arithmetic3A_710 = vector.broadcast %shift_right_arithmetic3A_709 : i32 to vector<16xi32>
            %shift_right_arithmetic3A_711 = arith.shrsi %gather3A_702, %shift_right_arithmetic3A_710 : vector<16xi32>
            %convert_element_type3A_712 = arith.sitofp %shift_right_arithmetic3A_708 : vector<16xi32> to vector<16xf32>
            %convert_element_type3A_713 = arith.sitofp %shift_right_arithmetic3A_711 : vector<16xi32> to vector<16xf32>
            %mul3A_714 = arith.mulf %convert_element_type3A_99, %convert_element_type3A_712 : vector<16xf32>
            %mul3A_715 = arith.mulf %convert_element_type3A_100, %convert_element_type3A_713 : vector<16xf32>
            %add3A_716 = arith.addf %mul3A_714, %mul3A_715 : vector<16xf32>
            %max3A_717 = arith.constant 0.000000e+00 : f32
            %max3A_718 = vector.broadcast %max3A_717 : f32 to vector<16xf32>
            %max3A_719 = arith.maximumf %add3A_716, %max3A_718 : vector<16xf32>
            %add3A_720 = arith.addf %add3A_697, %max3A_719 : vector<16xf32>
            %get3A_721 = arith.constant 28 : i32
            %get3A_722 = arith.index_cast %get3A_721 : i32 to index
            %get3A_723 = arith.index_cast %mul3A_87 : i32 to index
            %get3A_724 = tpu.vector_load %arg9[%get3A_722, %get3A_723] {strides = array<i32>} : memref<33x128xi32, #tpu.memory_space<vmem>>, vector<16xi32>,
            %gather3A_725 = tpu.vector_load_idx %arg8[%get3A_724] : memref<100000xi32, #tpu.memory_space<vmem>>[vector<16xi32>], vector<16xi32>,
            %shift_left3A_726 = arith.constant 16 : i32
            %shift_left3A_727 = vector.broadcast %shift_left3A_726 : i32 to vector<16xi32>
            %shift_left3A_728 = arith.shli %gather3A_725, %shift_left3A_727 : vector<16xi32>
            %shift_right_arithmetic3A_729 = arith.constant 16 : i32
            %shift_right_arithmetic3A_730 = vector.broadcast %shift_right_arithmetic3A_729 : i32 to vector<16xi32>
            %shift_right_arithmetic3A_731 = arith.shrsi %shift_left3A_728, %shift_right_arithmetic3A_730 : vector<16xi32>
            %shift_right_arithmetic3A_732 = arith.constant 16 : i32
            %shift_right_arithmetic3A_733 = vector.broadcast %shift_right_arithmetic3A_732 : i32 to vector<16xi32>
            %shift_right_arithmetic3A_734 = arith.shrsi %gather3A_725, %shift_right_arithmetic3A_733 : vector<16xi32>
            %convert_element_type3A_735 = arith.sitofp %shift_right_arithmetic3A_731 : vector<16xi32> to vector<16xf32>
            %convert_element_type3A_736 = arith.sitofp %shift_right_arithmetic3A_734 : vector<16xi32> to vector<16xf32>
            %mul3A_737 = arith.mulf %convert_element_type3A_99, %convert_element_type3A_735 : vector<16xf32>
            %mul3A_738 = arith.mulf %convert_element_type3A_100, %convert_element_type3A_736 : vector<16xf32>
            %add3A_739 = arith.addf %mul3A_737, %mul3A_738 : vector<16xf32>
            %max3A_740 = arith.constant 0.000000e+00 : f32
            %max3A_741 = vector.broadcast %max3A_740 : f32 to vector<16xf32>
            %max3A_742 = arith.maximumf %add3A_739, %max3A_741 : vector<16xf32>
            %add3A_743 = arith.addf %add3A_720, %max3A_742 : vector<16xf32>
            %get3A_744 = arith.constant 29 : i32
            %get3A_745 = arith.index_cast %get3A_744 : i32 to index
            %get3A_746 = arith.index_cast %mul3A_87 : i32 to index
            %get3A_747 = tpu.vector_load %arg9[%get3A_745, %get3A_746] {strides = array<i32>} : memref<33x128xi32, #tpu.memory_space<vmem>>, vector<16xi32>,
            %gather3A_748 = tpu.vector_load_idx %arg8[%get3A_747] : memref<100000xi32, #tpu.memory_space<vmem>>[vector<16xi32>], vector<16xi32>,
            %shift_left3A_749 = arith.constant 16 : i32
            %shift_left3A_750 = vector.broadcast %shift_left3A_749 : i32 to vector<16xi32>
            %shift_left3A_751 = arith.shli %gather3A_748, %shift_left3A_750 : vector<16xi32>
            %shift_right_arithmetic3A_752 = arith.constant 16 : i32
            %shift_right_arithmetic3A_753 = vector.broadcast %shift_right_arithmetic3A_752 : i32 to vector<16xi32>
            %shift_right_arithmetic3A_754 = arith.shrsi %shift_left3A_751, %shift_right_arithmetic3A_753 : vector<16xi32>
            %shift_right_arithmetic3A_755 = arith.constant 16 : i32
            %shift_right_arithmetic3A_756 = vector.broadcast %shift_right_arithmetic3A_755 : i32 to vector<16xi32>
            %shift_right_arithmetic3A_757 = arith.shrsi %gather3A_748, %shift_right_arithmetic3A_756 : vector<16xi32>
            %convert_element_type3A_758 = arith.sitofp %shift_right_arithmetic3A_754 : vector<16xi32> to vector<16xf32>
            %convert_element_type3A_759 = arith.sitofp %shift_right_arithmetic3A_757 : vector<16xi32> to vector<16xf32>
            %mul3A_760 = arith.mulf %convert_element_type3A_99, %convert_element_type3A_758 : vector<16xf32>
            %mul3A_761 = arith.mulf %convert_element_type3A_100, %convert_element_type3A_759 : vector<16xf32>
            %add3A_762 = arith.addf %mul3A_760, %mul3A_761 : vector<16xf32>
            %max3A_763 = arith.constant 0.000000e+00 : f32
            %max3A_764 = vector.broadcast %max3A_763 : f32 to vector<16xf32>
            %max3A_765 = arith.maximumf %add3A_762, %max3A_764 : vector<16xf32>
            %add3A_766 = arith.addf %add3A_743, %max3A_765 : vector<16xf32>
            %get3A_767 = arith.constant 30 : i32
            %get3A_768 = arith.index_cast %get3A_767 : i32 to index
            %get3A_769 = arith.index_cast %mul3A_87 : i32 to index
            %get3A_770 = tpu.vector_load %arg9[%get3A_768, %get3A_769] {strides = array<i32>} : memref<33x128xi32, #tpu.memory_space<vmem>>, vector<16xi32>,
            %gather3A_771 = tpu.vector_load_idx %arg8[%get3A_770] : memref<100000xi32, #tpu.memory_space<vmem>>[vector<16xi32>], vector<16xi32>,
            %shift_left3A_772 = arith.constant 16 : i32
            %shift_left3A_773 = vector.broadcast %shift_left3A_772 : i32 to vector<16xi32>
            %shift_left3A_774 = arith.shli %gather3A_771, %shift_left3A_773 : vector<16xi32>
            %shift_right_arithmetic3A_775 = arith.constant 16 : i32
            %shift_right_arithmetic3A_776 = vector.broadcast %shift_right_arithmetic3A_775 : i32 to vector<16xi32>
            %shift_right_arithmetic3A_777 = arith.shrsi %shift_left3A_774, %shift_right_arithmetic3A_776 : vector<16xi32>
            %shift_right_arithmetic3A_778 = arith.constant 16 : i32
            %shift_right_arithmetic3A_779 = vector.broadcast %shift_right_arithmetic3A_778 : i32 to vector<16xi32>
            %shift_right_arithmetic3A_780 = arith.shrsi %gather3A_771, %shift_right_arithmetic3A_779 : vector<16xi32>
            %convert_element_type3A_781 = arith.sitofp %shift_right_arithmetic3A_777 : vector<16xi32> to vector<16xf32>
            %convert_element_type3A_782 = arith.sitofp %shift_right_arithmetic3A_780 : vector<16xi32> to vector<16xf32>
            %mul3A_783 = arith.mulf %convert_element_type3A_99, %convert_element_type3A_781 : vector<16xf32>
            %mul3A_784 = arith.mulf %convert_element_type3A_100, %convert_element_type3A_782 : vector<16xf32>
            %add3A_785 = arith.addf %mul3A_783, %mul3A_784 : vector<16xf32>
            %max3A_786 = arith.constant 0.000000e+00 : f32
            %max3A_787 = vector.broadcast %max3A_786 : f32 to vector<16xf32>
            %max3A_788 = arith.maximumf %add3A_785, %max3A_787 : vector<16xf32>
            %add3A_789 = arith.addf %add3A_766, %max3A_788 : vector<16xf32>
            %get3A_790 = arith.constant 31 : i32
            %get3A_791 = arith.index_cast %get3A_790 : i32 to index
            %get3A_792 = arith.index_cast %mul3A_87 : i32 to index
            %get3A_793 = tpu.vector_load %arg9[%get3A_791, %get3A_792] {strides = array<i32>} : memref<33x128xi32, #tpu.memory_space<vmem>>, vector<16xi32>,
            %gather3A_794 = tpu.vector_load_idx %arg8[%get3A_793] : memref<100000xi32, #tpu.memory_space<vmem>>[vector<16xi32>], vector<16xi32>,
            %shift_left3A_795 = arith.constant 16 : i32
            %shift_left3A_796 = vector.broadcast %shift_left3A_795 : i32 to vector<16xi32>
            %shift_left3A_797 = arith.shli %gather3A_794, %shift_left3A_796 : vector<16xi32>
            %shift_right_arithmetic3A_798 = arith.constant 16 : i32
            %shift_right_arithmetic3A_799 = vector.broadcast %shift_right_arithmetic3A_798 : i32 to vector<16xi32>
            %shift_right_arithmetic3A_800 = arith.shrsi %shift_left3A_797, %shift_right_arithmetic3A_799 : vector<16xi32>
            %shift_right_arithmetic3A_801 = arith.constant 16 : i32
            %shift_right_arithmetic3A_802 = vector.broadcast %shift_right_arithmetic3A_801 : i32 to vector<16xi32>
            %shift_right_arithmetic3A_803 = arith.shrsi %gather3A_794, %shift_right_arithmetic3A_802 : vector<16xi32>
            %convert_element_type3A_804 = arith.sitofp %shift_right_arithmetic3A_800 : vector<16xi32> to vector<16xf32>
            %convert_element_type3A_805 = arith.sitofp %shift_right_arithmetic3A_803 : vector<16xi32> to vector<16xf32>
            %mul3A_806 = arith.mulf %convert_element_type3A_99, %convert_element_type3A_804 : vector<16xf32>
            %mul3A_807 = arith.mulf %convert_element_type3A_100, %convert_element_type3A_805 : vector<16xf32>
            %add3A_808 = arith.addf %mul3A_806, %mul3A_807 : vector<16xf32>
            %max3A_809 = arith.constant 0.000000e+00 : f32
            %max3A_810 = vector.broadcast %max3A_809 : f32 to vector<16xf32>
            %max3A_811 = arith.maximumf %add3A_808, %max3A_810 : vector<16xf32>
            %add3A_812 = arith.addf %add3A_789, %max3A_811 : vector<16xf32>
            %get3A_813 = arith.constant 32 : i32
            %get3A_814 = arith.index_cast %get3A_813 : i32 to index
            %get3A_815 = arith.index_cast %mul3A_87 : i32 to index
            %get3A_816 = tpu.vector_load %arg9[%get3A_814, %get3A_815] {strides = array<i32>} : memref<33x128xi32, #tpu.memory_space<vmem>>, vector<16xi32>,
            %gather3A_817 = tpu.vector_load_idx %arg8[%get3A_816] : memref<100000xi32, #tpu.memory_space<vmem>>[vector<16xi32>], vector<16xi32>,
            %shift_left3A_818 = arith.constant 16 : i32
            %shift_left3A_819 = vector.broadcast %shift_left3A_818 : i32 to vector<16xi32>
            %shift_left3A_820 = arith.shli %gather3A_817, %shift_left3A_819 : vector<16xi32>
            %shift_right_arithmetic3A_821 = arith.constant 16 : i32
            %shift_right_arithmetic3A_822 = vector.broadcast %shift_right_arithmetic3A_821 : i32 to vector<16xi32>
            %shift_right_arithmetic3A_823 = arith.shrsi %shift_left3A_820, %shift_right_arithmetic3A_822 : vector<16xi32>
            %shift_right_arithmetic3A_824 = arith.constant 16 : i32
            %shift_right_arithmetic3A_825 = vector.broadcast %shift_right_arithmetic3A_824 : i32 to vector<16xi32>
            %shift_right_arithmetic3A_826 = arith.shrsi %gather3A_817, %shift_right_arithmetic3A_825 : vector<16xi32>
            %convert_element_type3A_827 = arith.sitofp %shift_right_arithmetic3A_823 : vector<16xi32> to vector<16xf32>
            %convert_element_type3A_828 = arith.sitofp %shift_right_arithmetic3A_826 : vector<16xi32> to vector<16xf32>
            %mul3A_829 = arith.mulf %convert_element_type3A_99, %convert_element_type3A_827 : vector<16xf32>
            %mul3A_830 = arith.mulf %convert_element_type3A_100, %convert_element_type3A_828 : vector<16xf32>
            %add3A_831 = arith.addf %mul3A_829, %mul3A_830 : vector<16xf32>
            %max3A_832 = arith.constant 0.000000e+00 : f32
            %max3A_833 = vector.broadcast %max3A_832 : f32 to vector<16xf32>
            %max3A_834 = arith.maximumf %add3A_831, %max3A_833 : vector<16xf32>
            %add3A_835 = arith.addf %add3A_812, %max3A_834 : vector<16xf32>
            %div3A_836 = arith.constant 1.000000e+00 : f32
            %div3A_837 = vector.broadcast %div3A_836 : f32 to vector<16xf32>
            %div3A_838 = arith.divf %div3A_837, %add3A_835 : vector<16xf32>
            %mul3A_839 = arith.mulf %max3A_121, %div3A_838 : vector<16xf32>
            %swap3A = arith.constant 0 : i32
            %swap3A_840 = arith.index_cast %swap3A : i32 to index
            %swap3A_841 = arith.index_cast %mul3A_87 : i32 to index
            %swap3A_842 = tpu.vector_load %arg11[%swap3A_840, %swap3A_841] {strides = array<i32>} : memref<32x128xf32, #tpu.memory_space<vmem>>, vector<16xf32>,
            tpu.vector_store %arg11[%swap3A_840, %swap3A_841], %mul3A_839 {strides = array<i32>} : memref<32x128xf32, #tpu.memory_space<vmem>>, vector<16xf32>,
            %mul3A_843 = arith.mulf %max3A_144, %div3A_838 : vector<16xf32>
            %swap3A_844 = arith.constant 1 : i32
            %swap3A_845 = arith.index_cast %swap3A_844 : i32 to index
            %swap3A_846 = arith.index_cast %mul3A_87 : i32 to index
            %swap3A_847 = tpu.vector_load %arg11[%swap3A_845, %swap3A_846] {strides = array<i32>} : memref<32x128xf32, #tpu.memory_space<vmem>>, vector<16xf32>,
            tpu.vector_store %arg11[%swap3A_845, %swap3A_846], %mul3A_843 {strides = array<i32>} : memref<32x128xf32, #tpu.memory_space<vmem>>, vector<16xf32>,
            %mul3A_848 = arith.mulf %max3A_167, %div3A_838 : vector<16xf32>
            %swap3A_849 = arith.constant 2 : i32
            %swap3A_850 = arith.index_cast %swap3A_849 : i32 to index
            %swap3A_851 = arith.index_cast %mul3A_87 : i32 to index
            %swap3A_852 = tpu.vector_load %arg11[%swap3A_850, %swap3A_851] {strides = array<i32>} : memref<32x128xf32, #tpu.memory_space<vmem>>, vector<16xf32>,
            tpu.vector_store %arg11[%swap3A_850, %swap3A_851], %mul3A_848 {strides = array<i32>} : memref<32x128xf32, #tpu.memory_space<vmem>>, vector<16xf32>,
            %mul3A_853 = arith.mulf %max3A_190, %div3A_838 : vector<16xf32>
            %swap3A_854 = arith.constant 3 : i32
            %swap3A_855 = arith.index_cast %swap3A_854 : i32 to index
            %swap3A_856 = arith.index_cast %mul3A_87 : i32 to index
            %swap3A_857 = tpu.vector_load %arg11[%swap3A_855, %swap3A_856] {strides = array<i32>} : memref<32x128xf32, #tpu.memory_space<vmem>>, vector<16xf32>,
            tpu.vector_store %arg11[%swap3A_855, %swap3A_856], %mul3A_853 {strides = array<i32>} : memref<32x128xf32, #tpu.memory_space<vmem>>, vector<16xf32>,
            %mul3A_858 = arith.mulf %max3A_213, %div3A_838 : vector<16xf32>
            %swap3A_859 = arith.constant 4 : i32
            %swap3A_860 = arith.index_cast %swap3A_859 : i32 to index
            %swap3A_861 = arith.index_cast %mul3A_87 : i32 to index
            %swap3A_862 = tpu.vector_load %arg11[%swap3A_860, %swap3A_861] {strides = array<i32>} : memref<32x128xf32, #tpu.memory_space<vmem>>, vector<16xf32>,
            tpu.vector_store %arg11[%swap3A_860, %swap3A_861], %mul3A_858 {strides = array<i32>} : memref<32x128xf32, #tpu.memory_space<vmem>>, vector<16xf32>,
            %mul3A_863 = arith.mulf %max3A_236, %div3A_838 : vector<16xf32>
            %swap3A_864 = arith.constant 5 : i32
            %swap3A_865 = arith.index_cast %swap3A_864 : i32 to index
            %swap3A_866 = arith.index_cast %mul3A_87 : i32 to index
            %swap3A_867 = tpu.vector_load %arg11[%swap3A_865, %swap3A_866] {strides = array<i32>} : memref<32x128xf32, #tpu.memory_space<vmem>>, vector<16xf32>,
            tpu.vector_store %arg11[%swap3A_865, %swap3A_866], %mul3A_863 {strides = array<i32>} : memref<32x128xf32, #tpu.memory_space<vmem>>, vector<16xf32>,
            %mul3A_868 = arith.mulf %max3A_259, %div3A_838 : vector<16xf32>
            %swap3A_869 = arith.constant 6 : i32
            %swap3A_870 = arith.index_cast %swap3A_869 : i32 to index
            %swap3A_871 = arith.index_cast %mul3A_87 : i32 to index
            %swap3A_872 = tpu.vector_load %arg11[%swap3A_870, %swap3A_871] {strides = array<i32>} : memref<32x128xf32, #tpu.memory_space<vmem>>, vector<16xf32>,
            tpu.vector_store %arg11[%swap3A_870, %swap3A_871], %mul3A_868 {strides = array<i32>} : memref<32x128xf32, #tpu.memory_space<vmem>>, vector<16xf32>,
            %mul3A_873 = arith.mulf %max3A_282, %div3A_838 : vector<16xf32>
            %swap3A_874 = arith.constant 7 : i32
            %swap3A_875 = arith.index_cast %swap3A_874 : i32 to index
            %swap3A_876 = arith.index_cast %mul3A_87 : i32 to index
            %swap3A_877 = tpu.vector_load %arg11[%swap3A_875, %swap3A_876] {strides = array<i32>} : memref<32x128xf32, #tpu.memory_space<vmem>>, vector<16xf32>,
            tpu.vector_store %arg11[%swap3A_875, %swap3A_876], %mul3A_873 {strides = array<i32>} : memref<32x128xf32, #tpu.memory_space<vmem>>, vector<16xf32>,
            %mul3A_878 = arith.mulf %max3A_305, %div3A_838 : vector<16xf32>
            %swap3A_879 = arith.constant 8 : i32
            %swap3A_880 = arith.index_cast %swap3A_879 : i32 to index
            %swap3A_881 = arith.index_cast %mul3A_87 : i32 to index
            %swap3A_882 = tpu.vector_load %arg11[%swap3A_880, %swap3A_881] {strides = array<i32>} : memref<32x128xf32, #tpu.memory_space<vmem>>, vector<16xf32>,
            tpu.vector_store %arg11[%swap3A_880, %swap3A_881], %mul3A_878 {strides = array<i32>} : memref<32x128xf32, #tpu.memory_space<vmem>>, vector<16xf32>,
            %mul3A_883 = arith.mulf %max3A_328, %div3A_838 : vector<16xf32>
            %swap3A_884 = arith.constant 9 : i32
            %swap3A_885 = arith.index_cast %swap3A_884 : i32 to index
            %swap3A_886 = arith.index_cast %mul3A_87 : i32 to index
            %swap3A_887 = tpu.vector_load %arg11[%swap3A_885, %swap3A_886] {strides = array<i32>} : memref<32x128xf32, #tpu.memory_space<vmem>>, vector<16xf32>,
            tpu.vector_store %arg11[%swap3A_885, %swap3A_886], %mul3A_883 {strides = array<i32>} : memref<32x128xf32, #tpu.memory_space<vmem>>, vector<16xf32>,
            %mul3A_888 = arith.mulf %max3A_351, %div3A_838 : vector<16xf32>
            %swap3A_889 = arith.constant 10 : i32
            %swap3A_890 = arith.index_cast %swap3A_889 : i32 to index
            %swap3A_891 = arith.index_cast %mul3A_87 : i32 to index
            %swap3A_892 = tpu.vector_load %arg11[%swap3A_890, %swap3A_891] {strides = array<i32>} : memref<32x128xf32, #tpu.memory_space<vmem>>, vector<16xf32>,
            tpu.vector_store %arg11[%swap3A_890, %swap3A_891], %mul3A_888 {strides = array<i32>} : memref<32x128xf32, #tpu.memory_space<vmem>>, vector<16xf32>,
            %mul3A_893 = arith.mulf %max3A_374, %div3A_838 : vector<16xf32>
            %swap3A_894 = arith.constant 11 : i32
            %swap3A_895 = arith.index_cast %swap3A_894 : i32 to index
            %swap3A_896 = arith.index_cast %mul3A_87 : i32 to index
            %swap3A_897 = tpu.vector_load %arg11[%swap3A_895, %swap3A_896] {strides = array<i32>} : memref<32x128xf32, #tpu.memory_space<vmem>>, vector<16xf32>,
            tpu.vector_store %arg11[%swap3A_895, %swap3A_896], %mul3A_893 {strides = array<i32>} : memref<32x128xf32, #tpu.memory_space<vmem>>, vector<16xf32>,
            %mul3A_898 = arith.mulf %max3A_397, %div3A_838 : vector<16xf32>
            %swap3A_899 = arith.constant 12 : i32
            %swap3A_900 = arith.index_cast %swap3A_899 : i32 to index
            %swap3A_901 = arith.index_cast %mul3A_87 : i32 to index
            %swap3A_902 = tpu.vector_load %arg11[%swap3A_900, %swap3A_901] {strides = array<i32>} : memref<32x128xf32, #tpu.memory_space<vmem>>, vector<16xf32>,
            tpu.vector_store %arg11[%swap3A_900, %swap3A_901], %mul3A_898 {strides = array<i32>} : memref<32x128xf32, #tpu.memory_space<vmem>>, vector<16xf32>,
            %mul3A_903 = arith.mulf %max3A_420, %div3A_838 : vector<16xf32>
            %swap3A_904 = arith.constant 13 : i32
            %swap3A_905 = arith.index_cast %swap3A_904 : i32 to index
            %swap3A_906 = arith.index_cast %mul3A_87 : i32 to index
            %swap3A_907 = tpu.vector_load %arg11[%swap3A_905, %swap3A_906] {strides = array<i32>} : memref<32x128xf32, #tpu.memory_space<vmem>>, vector<16xf32>,
            tpu.vector_store %arg11[%swap3A_905, %swap3A_906], %mul3A_903 {strides = array<i32>} : memref<32x128xf32, #tpu.memory_space<vmem>>, vector<16xf32>,
            %mul3A_908 = arith.mulf %max3A_443, %div3A_838 : vector<16xf32>
            %swap3A_909 = arith.constant 14 : i32
            %swap3A_910 = arith.index_cast %swap3A_909 : i32 to index
            %swap3A_911 = arith.index_cast %mul3A_87 : i32 to index
            %swap3A_912 = tpu.vector_load %arg11[%swap3A_910, %swap3A_911] {strides = array<i32>} : memref<32x128xf32, #tpu.memory_space<vmem>>, vector<16xf32>,
            tpu.vector_store %arg11[%swap3A_910, %swap3A_911], %mul3A_908 {strides = array<i32>} : memref<32x128xf32, #tpu.memory_space<vmem>>, vector<16xf32>,
            %mul3A_913 = arith.mulf %max3A_466, %div3A_838 : vector<16xf32>
            %swap3A_914 = arith.constant 15 : i32
            %swap3A_915 = arith.index_cast %swap3A_914 : i32 to index
            %swap3A_916 = arith.index_cast %mul3A_87 : i32 to index
            %swap3A_917 = tpu.vector_load %arg11[%swap3A_915, %swap3A_916] {strides = array<i32>} : memref<32x128xf32, #tpu.memory_space<vmem>>, vector<16xf32>,
            tpu.vector_store %arg11[%swap3A_915, %swap3A_916], %mul3A_913 {strides = array<i32>} : memref<32x128xf32, #tpu.memory_space<vmem>>, vector<16xf32>,
            %mul3A_918 = arith.mulf %max3A_489, %div3A_838 : vector<16xf32>
            %swap3A_919 = arith.constant 16 : i32
            %swap3A_920 = arith.index_cast %swap3A_919 : i32 to index
            %swap3A_921 = arith.index_cast %mul3A_87 : i32 to index
            %swap3A_922 = tpu.vector_load %arg11[%swap3A_920, %swap3A_921] {strides = array<i32>} : memref<32x128xf32, #tpu.memory_space<vmem>>, vector<16xf32>,
            tpu.vector_store %arg11[%swap3A_920, %swap3A_921], %mul3A_918 {strides = array<i32>} : memref<32x128xf32, #tpu.memory_space<vmem>>, vector<16xf32>,
            %mul3A_923 = arith.mulf %max3A_512, %div3A_838 : vector<16xf32>
            %swap3A_924 = arith.constant 17 : i32
            %swap3A_925 = arith.index_cast %swap3A_924 : i32 to index
            %swap3A_926 = arith.index_cast %mul3A_87 : i32 to index
            %swap3A_927 = tpu.vector_load %arg11[%swap3A_925, %swap3A_926] {strides = array<i32>} : memref<32x128xf32, #tpu.memory_space<vmem>>, vector<16xf32>,
            tpu.vector_store %arg11[%swap3A_925, %swap3A_926], %mul3A_923 {strides = array<i32>} : memref<32x128xf32, #tpu.memory_space<vmem>>, vector<16xf32>,
            %mul3A_928 = arith.mulf %max3A_535, %div3A_838 : vector<16xf32>
            %swap3A_929 = arith.constant 18 : i32
            %swap3A_930 = arith.index_cast %swap3A_929 : i32 to index
            %swap3A_931 = arith.index_cast %mul3A_87 : i32 to index
            %swap3A_932 = tpu.vector_load %arg11[%swap3A_930, %swap3A_931] {strides = array<i32>} : memref<32x128xf32, #tpu.memory_space<vmem>>, vector<16xf32>,
            tpu.vector_store %arg11[%swap3A_930, %swap3A_931], %mul3A_928 {strides = array<i32>} : memref<32x128xf32, #tpu.memory_space<vmem>>, vector<16xf32>,
            %mul3A_933 = arith.mulf %max3A_558, %div3A_838 : vector<16xf32>
            %swap3A_934 = arith.constant 19 : i32
            %swap3A_935 = arith.index_cast %swap3A_934 : i32 to index
            %swap3A_936 = arith.index_cast %mul3A_87 : i32 to index
            %swap3A_937 = tpu.vector_load %arg11[%swap3A_935, %swap3A_936] {strides = array<i32>} : memref<32x128xf32, #tpu.memory_space<vmem>>, vector<16xf32>,
            tpu.vector_store %arg11[%swap3A_935, %swap3A_936], %mul3A_933 {strides = array<i32>} : memref<32x128xf32, #tpu.memory_space<vmem>>, vector<16xf32>,
            %mul3A_938 = arith.mulf %max3A_581, %div3A_838 : vector<16xf32>
            %swap3A_939 = arith.constant 20 : i32
            %swap3A_940 = arith.index_cast %swap3A_939 : i32 to index
            %swap3A_941 = arith.index_cast %mul3A_87 : i32 to index
            %swap3A_942 = tpu.vector_load %arg11[%swap3A_940, %swap3A_941] {strides = array<i32>} : memref<32x128xf32, #tpu.memory_space<vmem>>, vector<16xf32>,
            tpu.vector_store %arg11[%swap3A_940, %swap3A_941], %mul3A_938 {strides = array<i32>} : memref<32x128xf32, #tpu.memory_space<vmem>>, vector<16xf32>,
            %mul3A_943 = arith.mulf %max3A_604, %div3A_838 : vector<16xf32>
            %swap3A_944 = arith.constant 21 : i32
            %swap3A_945 = arith.index_cast %swap3A_944 : i32 to index
            %swap3A_946 = arith.index_cast %mul3A_87 : i32 to index
            %swap3A_947 = tpu.vector_load %arg11[%swap3A_945, %swap3A_946] {strides = array<i32>} : memref<32x128xf32, #tpu.memory_space<vmem>>, vector<16xf32>,
            tpu.vector_store %arg11[%swap3A_945, %swap3A_946], %mul3A_943 {strides = array<i32>} : memref<32x128xf32, #tpu.memory_space<vmem>>, vector<16xf32>,
            %mul3A_948 = arith.mulf %max3A_627, %div3A_838 : vector<16xf32>
            %swap3A_949 = arith.constant 22 : i32
            %swap3A_950 = arith.index_cast %swap3A_949 : i32 to index
            %swap3A_951 = arith.index_cast %mul3A_87 : i32 to index
            %swap3A_952 = tpu.vector_load %arg11[%swap3A_950, %swap3A_951] {strides = array<i32>} : memref<32x128xf32, #tpu.memory_space<vmem>>, vector<16xf32>,
            tpu.vector_store %arg11[%swap3A_950, %swap3A_951], %mul3A_948 {strides = array<i32>} : memref<32x128xf32, #tpu.memory_space<vmem>>, vector<16xf32>,
            %mul3A_953 = arith.mulf %max3A_650, %div3A_838 : vector<16xf32>
            %swap3A_954 = arith.constant 23 : i32
            %swap3A_955 = arith.index_cast %swap3A_954 : i32 to index
            %swap3A_956 = arith.index_cast %mul3A_87 : i32 to index
            %swap3A_957 = tpu.vector_load %arg11[%swap3A_955, %swap3A_956] {strides = array<i32>} : memref<32x128xf32, #tpu.memory_space<vmem>>, vector<16xf32>,
            tpu.vector_store %arg11[%swap3A_955, %swap3A_956], %mul3A_953 {strides = array<i32>} : memref<32x128xf32, #tpu.memory_space<vmem>>, vector<16xf32>,
            %mul3A_958 = arith.mulf %max3A_673, %div3A_838 : vector<16xf32>
            %swap3A_959 = arith.constant 24 : i32
            %swap3A_960 = arith.index_cast %swap3A_959 : i32 to index
            %swap3A_961 = arith.index_cast %mul3A_87 : i32 to index
            %swap3A_962 = tpu.vector_load %arg11[%swap3A_960, %swap3A_961] {strides = array<i32>} : memref<32x128xf32, #tpu.memory_space<vmem>>, vector<16xf32>,
            tpu.vector_store %arg11[%swap3A_960, %swap3A_961], %mul3A_958 {strides = array<i32>} : memref<32x128xf32, #tpu.memory_space<vmem>>, vector<16xf32>,
            %mul3A_963 = arith.mulf %max3A_696, %div3A_838 : vector<16xf32>
            %swap3A_964 = arith.constant 25 : i32
            %swap3A_965 = arith.index_cast %swap3A_964 : i32 to index
            %swap3A_966 = arith.index_cast %mul3A_87 : i32 to index
            %swap3A_967 = tpu.vector_load %arg11[%swap3A_965, %swap3A_966] {strides = array<i32>} : memref<32x128xf32, #tpu.memory_space<vmem>>, vector<16xf32>,
            tpu.vector_store %arg11[%swap3A_965, %swap3A_966], %mul3A_963 {strides = array<i32>} : memref<32x128xf32, #tpu.memory_space<vmem>>, vector<16xf32>,
            %mul3A_968 = arith.mulf %max3A_719, %div3A_838 : vector<16xf32>
            %swap3A_969 = arith.constant 26 : i32
            %swap3A_970 = arith.index_cast %swap3A_969 : i32 to index
            %swap3A_971 = arith.index_cast %mul3A_87 : i32 to index
            %swap3A_972 = tpu.vector_load %arg11[%swap3A_970, %swap3A_971] {strides = array<i32>} : memref<32x128xf32, #tpu.memory_space<vmem>>, vector<16xf32>,
            tpu.vector_store %arg11[%swap3A_970, %swap3A_971], %mul3A_968 {strides = array<i32>} : memref<32x128xf32, #tpu.memory_space<vmem>>, vector<16xf32>,
            %mul3A_973 = arith.mulf %max3A_742, %div3A_838 : vector<16xf32>
            %swap3A_974 = arith.constant 27 : i32
            %swap3A_975 = arith.index_cast %swap3A_974 : i32 to index
            %swap3A_976 = arith.index_cast %mul3A_87 : i32 to index
            %swap3A_977 = tpu.vector_load %arg11[%swap3A_975, %swap3A_976] {strides = array<i32>} : memref<32x128xf32, #tpu.memory_space<vmem>>, vector<16xf32>,
            tpu.vector_store %arg11[%swap3A_975, %swap3A_976], %mul3A_973 {strides = array<i32>} : memref<32x128xf32, #tpu.memory_space<vmem>>, vector<16xf32>,
            %mul3A_978 = arith.mulf %max3A_765, %div3A_838 : vector<16xf32>
            %swap3A_979 = arith.constant 28 : i32
            %swap3A_980 = arith.index_cast %swap3A_979 : i32 to index
            %swap3A_981 = arith.index_cast %mul3A_87 : i32 to index
            %swap3A_982 = tpu.vector_load %arg11[%swap3A_980, %swap3A_981] {strides = array<i32>} : memref<32x128xf32, #tpu.memory_space<vmem>>, vector<16xf32>,
            tpu.vector_store %arg11[%swap3A_980, %swap3A_981], %mul3A_978 {strides = array<i32>} : memref<32x128xf32, #tpu.memory_space<vmem>>, vector<16xf32>,
            %mul3A_983 = arith.mulf %max3A_788, %div3A_838 : vector<16xf32>
            %swap3A_984 = arith.constant 29 : i32
            %swap3A_985 = arith.index_cast %swap3A_984 : i32 to index
            %swap3A_986 = arith.index_cast %mul3A_87 : i32 to index
            %swap3A_987 = tpu.vector_load %arg11[%swap3A_985, %swap3A_986] {strides = array<i32>} : memref<32x128xf32, #tpu.memory_space<vmem>>, vector<16xf32>,
            tpu.vector_store %arg11[%swap3A_985, %swap3A_986], %mul3A_983 {strides = array<i32>} : memref<32x128xf32, #tpu.memory_space<vmem>>, vector<16xf32>,
            %mul3A_988 = arith.mulf %max3A_811, %div3A_838 : vector<16xf32>
            %swap3A_989 = arith.constant 30 : i32
            %swap3A_990 = arith.index_cast %swap3A_989 : i32 to index
            %swap3A_991 = arith.index_cast %mul3A_87 : i32 to index
            %swap3A_992 = tpu.vector_load %arg11[%swap3A_990, %swap3A_991] {strides = array<i32>} : memref<32x128xf32, #tpu.memory_space<vmem>>, vector<16xf32>,
            tpu.vector_store %arg11[%swap3A_990, %swap3A_991], %mul3A_988 {strides = array<i32>} : memref<32x128xf32, #tpu.memory_space<vmem>>, vector<16xf32>,
            %mul3A_993 = arith.mulf %max3A_834, %div3A_838 : vector<16xf32>
            %swap3A_994 = arith.constant 31 : i32
            %swap3A_995 = arith.index_cast %swap3A_994 : i32 to index
            %swap3A_996 = arith.index_cast %mul3A_87 : i32 to index
            %swap3A_997 = tpu.vector_load %arg11[%swap3A_995, %swap3A_996] {strides = array<i32>} : memref<32x128xf32, #tpu.memory_space<vmem>>, vector<16xf32>,
            tpu.vector_store %arg11[%swap3A_995, %swap3A_996], %mul3A_993 {strides = array<i32>} : memref<32x128xf32, #tpu.memory_space<vmem>>, vector<16xf32>,
          }
          %scan3A_76 = arith.constant 8 : i32
          %mul3A_77 = arith.constant 32 : i32
          %mul3A_78 = arith.muli %mul3A_42, %mul3A_77 : i32
          %add3A_79 = arith.addi %add3A, %mul3A_78 : i32
          %mul3A_80 = arith.constant 128 : i32
          %mul3A_81 = arith.muli %add3A_79, %mul3A_80 : i32
          %multiple_of3A = tpu.assume_multiple %mul3A_81, 128 : i32
          %dma_start3A = arith.constant 0 : i32
          %dma_start3A_82 = tpu.memref_slice %arg6[%dma_start3A, %multiple_of3A] : memref<32x100000xf32, #tpu.memory_space<hbm>> -> memref<32x128xf32, #tpu.memory_space<hbm>>
          %dma_start3A_83 = arith.constant 0 : i32
          %dma_start3A_84 = tpu.memref_slice %arg6[%dma_start3A_83, %multiple_of3A] : memref<32x100000xf32, #tpu.memory_space<hbm>> -> memref<32x128xf32, #tpu.memory_space<hbm>>
          tpu.enqueue_dma source(%arg11 : memref<32x128xf32, #tpu.memory_space<vmem>>) target(%dma_start3A_84 : memref<32x128xf32, #tpu.memory_space<hbm>>) target_semaphore(%arg18 : memref<!tpu.dma_semaphore, #tpu.memory_space<semaphore_mem>>)
        } else {
        }
        %gt3A_61 = arith.constant 0 : i32
        %gt3A_62 = arith.cmpi sgt, %mul3A_42, %gt3A_61 : i32
        %convert_element_type3A_63 = arith.extui %gt3A_62 : i1 to i32
        %cond3A_64 = arith.constant 0 : i32
        %cond3A_65 = arith.cmpi ne, %convert_element_type3A_63, %cond3A_64 : i32
        scf.if %cond3A_65 {
          %dma_wait3A = arith.constant 0 : i32
          %dma_wait3A_66 = arith.constant 0 : i32
          %dma_wait3A_67 = tpu.memref_slice %arg4[%dma_wait3A, %dma_wait3A_66] : memref<33x100000xi32, #tpu.memory_space<hbm>> -> memref<33x128xi32, #tpu.memory_space<hbm>>
          %dma_wait3A_68 = arith.constant 0 : i32
          %dma_wait3A_69 = arith.constant 0 : i32
          %dma_wait3A_70 = tpu.memref_slice %arg4[%dma_wait3A_68, %dma_wait3A_69] : memref<33x100000xi32, #tpu.memory_space<hbm>> -> memref<33x128xi32, #tpu.memory_space<hbm>>
          tpu.wait_dma2 semaphore(%arg16 : memref<!tpu.dma_semaphore, #tpu.memory_space<semaphore_mem>>) src(%dma_wait3A_70 : memref<33x128xi32, #tpu.memory_space<hbm>>) dst(%arg9 : memref<33x128xi32, #tpu.memory_space<vmem>>)
          %dma_wait3A_71 = arith.constant 0 : i32
          %dma_wait3A_72 = arith.constant 0 : i32
          %dma_wait3A_73 = tpu.memref_slice %arg6[%dma_wait3A_71, %dma_wait3A_72] : memref<32x100000xf32, #tpu.memory_space<hbm>> -> memref<32x128xf32, #tpu.memory_space<hbm>>
          %dma_wait3A_74 = arith.constant 0 : i32
          %dma_wait3A_75 = arith.constant 0 : i32
          %dma_wait3A_76 = tpu.memref_slice %arg6[%dma_wait3A_74, %dma_wait3A_75] : memref<32x100000xf32, #tpu.memory_space<hbm>> -> memref<32x128xf32, #tpu.memory_space<hbm>>
          tpu.wait_dma2 semaphore(%arg18 : memref<!tpu.dma_semaphore, #tpu.memory_space<semaphore_mem>>) src(%arg11 : memref<32x128xf32, #tpu.memory_space<vmem>>) dst(%dma_wait3A_76 : memref<32x128xf32, #tpu.memory_space<hbm>>)
          %scan3A_77 = arith.constant 0 : i32
          %scan3A_78 = arith.constant 0 : i32
          %scan3A_79 = arith.constant 8 : i32
          %scan3A_80 = arith.addi %scan3A_78, %scan3A_79 : i32
          %scan3A_81 = arith.constant 1 : i32
          scf.for %scan3A_91 = %scan3A_78 to %scan3A_80 step %scan3A_81  : i32 {
            %mul3A_92 = arith.constant 16 : i32
            %mul3A_93 = arith.muli %scan3A_91, %mul3A_92 : i32
            %get3A_94 = arith.constant 0 : i32
            %get3A_95 = arith.index_cast %get3A_94 : i32 to index
            %get3A_96 = arith.index_cast %mul3A_93 : i32 to index
            %get3A_97 = tpu.vector_load %arg9[%get3A_95, %get3A_96] {strides = array<i32>} : memref<33x128xi32, #tpu.memory_space<vmem>>, vector<16xi32>,
            %gather3A = tpu.vector_load_idx %arg8[%get3A_97] : memref<100000xi32, #tpu.memory_space<vmem>>[vector<16xi32>], vector<16xi32>,
            %shift_left3A = arith.constant 16 : i32
            %shift_left3A_98 = vector.broadcast %shift_left3A : i32 to vector<16xi32>
            %shift_left3A_99 = arith.shli %gather3A, %shift_left3A_98 : vector<16xi32>
            %shift_right_arithmetic3A = arith.constant 16 : i32
            %shift_right_arithmetic3A_100 = vector.broadcast %shift_right_arithmetic3A : i32 to vector<16xi32>
            %shift_right_arithmetic3A_101 = arith.shrsi %shift_left3A_99, %shift_right_arithmetic3A_100 : vector<16xi32>
            %shift_right_arithmetic3A_102 = arith.constant 16 : i32
            %shift_right_arithmetic3A_103 = vector.broadcast %shift_right_arithmetic3A_102 : i32 to vector<16xi32>
            %shift_right_arithmetic3A_104 = arith.shrsi %gather3A, %shift_right_arithmetic3A_103 : vector<16xi32>
            %convert_element_type3A_105 = arith.sitofp %shift_right_arithmetic3A_101 : vector<16xi32> to vector<16xf32>
            %convert_element_type3A_106 = arith.sitofp %shift_right_arithmetic3A_104 : vector<16xi32> to vector<16xf32>
            %get3A_107 = arith.constant 1 : i32
            %get3A_108 = arith.index_cast %get3A_107 : i32 to index
            %get3A_109 = arith.index_cast %mul3A_93 : i32 to index
            %get3A_110 = tpu.vector_load %arg9[%get3A_108, %get3A_109] {strides = array<i32>} : memref<33x128xi32, #tpu.memory_space<vmem>>, vector<16xi32>,
            %gather3A_111 = tpu.vector_load_idx %arg8[%get3A_110] : memref<100000xi32, #tpu.memory_space<vmem>>[vector<16xi32>], vector<16xi32>,
            %shift_left3A_112 = arith.constant 16 : i32
            %shift_left3A_113 = vector.broadcast %shift_left3A_112 : i32 to vector<16xi32>
            %shift_left3A_114 = arith.shli %gather3A_111, %shift_left3A_113 : vector<16xi32>
            %shift_right_arithmetic3A_115 = arith.constant 16 : i32
            %shift_right_arithmetic3A_116 = vector.broadcast %shift_right_arithmetic3A_115 : i32 to vector<16xi32>
            %shift_right_arithmetic3A_117 = arith.shrsi %shift_left3A_114, %shift_right_arithmetic3A_116 : vector<16xi32>
            %shift_right_arithmetic3A_118 = arith.constant 16 : i32
            %shift_right_arithmetic3A_119 = vector.broadcast %shift_right_arithmetic3A_118 : i32 to vector<16xi32>
            %shift_right_arithmetic3A_120 = arith.shrsi %gather3A_111, %shift_right_arithmetic3A_119 : vector<16xi32>
            %convert_element_type3A_121 = arith.sitofp %shift_right_arithmetic3A_117 : vector<16xi32> to vector<16xf32>
            %convert_element_type3A_122 = arith.sitofp %shift_right_arithmetic3A_120 : vector<16xi32> to vector<16xf32>
            %mul3A_123 = arith.mulf %convert_element_type3A_105, %convert_element_type3A_121 : vector<16xf32>
            %mul3A_124 = arith.mulf %convert_element_type3A_106, %convert_element_type3A_122 : vector<16xf32>
            %add3A_125 = arith.addf %mul3A_123, %mul3A_124 : vector<16xf32>
            %max3A = arith.constant 0.000000e+00 : f32
            %max3A_126 = vector.broadcast %max3A : f32 to vector<16xf32>
            %max3A_127 = arith.maximumf %add3A_125, %max3A_126 : vector<16xf32>
            %add3A_128 = arith.addf %get3A_25, %max3A_127 : vector<16xf32>
            %get3A_129 = arith.constant 2 : i32
            %get3A_130 = arith.index_cast %get3A_129 : i32 to index
            %get3A_131 = arith.index_cast %mul3A_93 : i32 to index
            %get3A_132 = tpu.vector_load %arg9[%get3A_130, %get3A_131] {strides = array<i32>} : memref<33x128xi32, #tpu.memory_space<vmem>>, vector<16xi32>,
            %gather3A_133 = tpu.vector_load_idx %arg8[%get3A_132] : memref<100000xi32, #tpu.memory_space<vmem>>[vector<16xi32>], vector<16xi32>,
            %shift_left3A_134 = arith.constant 16 : i32
            %shift_left3A_135 = vector.broadcast %shift_left3A_134 : i32 to vector<16xi32>
            %shift_left3A_136 = arith.shli %gather3A_133, %shift_left3A_135 : vector<16xi32>
            %shift_right_arithmetic3A_137 = arith.constant 16 : i32
            %shift_right_arithmetic3A_138 = vector.broadcast %shift_right_arithmetic3A_137 : i32 to vector<16xi32>
            %shift_right_arithmetic3A_139 = arith.shrsi %shift_left3A_136, %shift_right_arithmetic3A_138 : vector<16xi32>
            %shift_right_arithmetic3A_140 = arith.constant 16 : i32
            %shift_right_arithmetic3A_141 = vector.broadcast %shift_right_arithmetic3A_140 : i32 to vector<16xi32>
            %shift_right_arithmetic3A_142 = arith.shrsi %gather3A_133, %shift_right_arithmetic3A_141 : vector<16xi32>
            %convert_element_type3A_143 = arith.sitofp %shift_right_arithmetic3A_139 : vector<16xi32> to vector<16xf32>
            %convert_element_type3A_144 = arith.sitofp %shift_right_arithmetic3A_142 : vector<16xi32> to vector<16xf32>
            %mul3A_145 = arith.mulf %convert_element_type3A_105, %convert_element_type3A_143 : vector<16xf32>
            %mul3A_146 = arith.mulf %convert_element_type3A_106, %convert_element_type3A_144 : vector<16xf32>
            %add3A_147 = arith.addf %mul3A_145, %mul3A_146 : vector<16xf32>
            %max3A_148 = arith.constant 0.000000e+00 : f32
            %max3A_149 = vector.broadcast %max3A_148 : f32 to vector<16xf32>
            %max3A_150 = arith.maximumf %add3A_147, %max3A_149 : vector<16xf32>
            %add3A_151 = arith.addf %add3A_128, %max3A_150 : vector<16xf32>
            %get3A_152 = arith.constant 3 : i32
            %get3A_153 = arith.index_cast %get3A_152 : i32 to index
            %get3A_154 = arith.index_cast %mul3A_93 : i32 to index
            %get3A_155 = tpu.vector_load %arg9[%get3A_153, %get3A_154] {strides = array<i32>} : memref<33x128xi32, #tpu.memory_space<vmem>>, vector<16xi32>,
            %gather3A_156 = tpu.vector_load_idx %arg8[%get3A_155] : memref<100000xi32, #tpu.memory_space<vmem>>[vector<16xi32>], vector<16xi32>,
            %shift_left3A_157 = arith.constant 16 : i32
            %shift_left3A_158 = vector.broadcast %shift_left3A_157 : i32 to vector<16xi32>
            %shift_left3A_159 = arith.shli %gather3A_156, %shift_left3A_158 : vector<16xi32>
            %shift_right_arithmetic3A_160 = arith.constant 16 : i32
            %shift_right_arithmetic3A_161 = vector.broadcast %shift_right_arithmetic3A_160 : i32 to vector<16xi32>
            %shift_right_arithmetic3A_162 = arith.shrsi %shift_left3A_159, %shift_right_arithmetic3A_161 : vector<16xi32>
            %shift_right_arithmetic3A_163 = arith.constant 16 : i32
            %shift_right_arithmetic3A_164 = vector.broadcast %shift_right_arithmetic3A_163 : i32 to vector<16xi32>
            %shift_right_arithmetic3A_165 = arith.shrsi %gather3A_156, %shift_right_arithmetic3A_164 : vector<16xi32>
            %convert_element_type3A_166 = arith.sitofp %shift_right_arithmetic3A_162 : vector<16xi32> to vector<16xf32>
            %convert_element_type3A_167 = arith.sitofp %shift_right_arithmetic3A_165 : vector<16xi32> to vector<16xf32>
            %mul3A_168 = arith.mulf %convert_element_type3A_105, %convert_element_type3A_166 : vector<16xf32>
            %mul3A_169 = arith.mulf %convert_element_type3A_106, %convert_element_type3A_167 : vector<16xf32>
            %add3A_170 = arith.addf %mul3A_168, %mul3A_169 : vector<16xf32>
            %max3A_171 = arith.constant 0.000000e+00 : f32
            %max3A_172 = vector.broadcast %max3A_171 : f32 to vector<16xf32>
            %max3A_173 = arith.maximumf %add3A_170, %max3A_172 : vector<16xf32>
            %add3A_174 = arith.addf %add3A_151, %max3A_173 : vector<16xf32>
            %get3A_175 = arith.constant 4 : i32
            %get3A_176 = arith.index_cast %get3A_175 : i32 to index
            %get3A_177 = arith.index_cast %mul3A_93 : i32 to index
            %get3A_178 = tpu.vector_load %arg9[%get3A_176, %get3A_177] {strides = array<i32>} : memref<33x128xi32, #tpu.memory_space<vmem>>, vector<16xi32>,
            %gather3A_179 = tpu.vector_load_idx %arg8[%get3A_178] : memref<100000xi32, #tpu.memory_space<vmem>>[vector<16xi32>], vector<16xi32>,
            %shift_left3A_180 = arith.constant 16 : i32
            %shift_left3A_181 = vector.broadcast %shift_left3A_180 : i32 to vector<16xi32>
            %shift_left3A_182 = arith.shli %gather3A_179, %shift_left3A_181 : vector<16xi32>
            %shift_right_arithmetic3A_183 = arith.constant 16 : i32
            %shift_right_arithmetic3A_184 = vector.broadcast %shift_right_arithmetic3A_183 : i32 to vector<16xi32>
            %shift_right_arithmetic3A_185 = arith.shrsi %shift_left3A_182, %shift_right_arithmetic3A_184 : vector<16xi32>
            %shift_right_arithmetic3A_186 = arith.constant 16 : i32
            %shift_right_arithmetic3A_187 = vector.broadcast %shift_right_arithmetic3A_186 : i32 to vector<16xi32>
            %shift_right_arithmetic3A_188 = arith.shrsi %gather3A_179, %shift_right_arithmetic3A_187 : vector<16xi32>
            %convert_element_type3A_189 = arith.sitofp %shift_right_arithmetic3A_185 : vector<16xi32> to vector<16xf32>
            %convert_element_type3A_190 = arith.sitofp %shift_right_arithmetic3A_188 : vector<16xi32> to vector<16xf32>
            %mul3A_191 = arith.mulf %convert_element_type3A_105, %convert_element_type3A_189 : vector<16xf32>
            %mul3A_192 = arith.mulf %convert_element_type3A_106, %convert_element_type3A_190 : vector<16xf32>
            %add3A_193 = arith.addf %mul3A_191, %mul3A_192 : vector<16xf32>
            %max3A_194 = arith.constant 0.000000e+00 : f32
            %max3A_195 = vector.broadcast %max3A_194 : f32 to vector<16xf32>
            %max3A_196 = arith.maximumf %add3A_193, %max3A_195 : vector<16xf32>
            %add3A_197 = arith.addf %add3A_174, %max3A_196 : vector<16xf32>
            %get3A_198 = arith.constant 5 : i32
            %get3A_199 = arith.index_cast %get3A_198 : i32 to index
            %get3A_200 = arith.index_cast %mul3A_93 : i32 to index
            %get3A_201 = tpu.vector_load %arg9[%get3A_199, %get3A_200] {strides = array<i32>} : memref<33x128xi32, #tpu.memory_space<vmem>>, vector<16xi32>,
            %gather3A_202 = tpu.vector_load_idx %arg8[%get3A_201] : memref<100000xi32, #tpu.memory_space<vmem>>[vector<16xi32>], vector<16xi32>,
            %shift_left3A_203 = arith.constant 16 : i32
            %shift_left3A_204 = vector.broadcast %shift_left3A_203 : i32 to vector<16xi32>
            %shift_left3A_205 = arith.shli %gather3A_202, %shift_left3A_204 : vector<16xi32>
            %shift_right_arithmetic3A_206 = arith.constant 16 : i32
            %shift_right_arithmetic3A_207 = vector.broadcast %shift_right_arithmetic3A_206 : i32 to vector<16xi32>
            %shift_right_arithmetic3A_208 = arith.shrsi %shift_left3A_205, %shift_right_arithmetic3A_207 : vector<16xi32>
            %shift_right_arithmetic3A_209 = arith.constant 16 : i32
            %shift_right_arithmetic3A_210 = vector.broadcast %shift_right_arithmetic3A_209 : i32 to vector<16xi32>
            %shift_right_arithmetic3A_211 = arith.shrsi %gather3A_202, %shift_right_arithmetic3A_210 : vector<16xi32>
            %convert_element_type3A_212 = arith.sitofp %shift_right_arithmetic3A_208 : vector<16xi32> to vector<16xf32>
            %convert_element_type3A_213 = arith.sitofp %shift_right_arithmetic3A_211 : vector<16xi32> to vector<16xf32>
            %mul3A_214 = arith.mulf %convert_element_type3A_105, %convert_element_type3A_212 : vector<16xf32>
            %mul3A_215 = arith.mulf %convert_element_type3A_106, %convert_element_type3A_213 : vector<16xf32>
            %add3A_216 = arith.addf %mul3A_214, %mul3A_215 : vector<16xf32>
            %max3A_217 = arith.constant 0.000000e+00 : f32
            %max3A_218 = vector.broadcast %max3A_217 : f32 to vector<16xf32>
            %max3A_219 = arith.maximumf %add3A_216, %max3A_218 : vector<16xf32>
            %add3A_220 = arith.addf %add3A_197, %max3A_219 : vector<16xf32>
            %get3A_221 = arith.constant 6 : i32
            %get3A_222 = arith.index_cast %get3A_221 : i32 to index
            %get3A_223 = arith.index_cast %mul3A_93 : i32 to index
            %get3A_224 = tpu.vector_load %arg9[%get3A_222, %get3A_223] {strides = array<i32>} : memref<33x128xi32, #tpu.memory_space<vmem>>, vector<16xi32>,
            %gather3A_225 = tpu.vector_load_idx %arg8[%get3A_224] : memref<100000xi32, #tpu.memory_space<vmem>>[vector<16xi32>], vector<16xi32>,
            %shift_left3A_226 = arith.constant 16 : i32
            %shift_left3A_227 = vector.broadcast %shift_left3A_226 : i32 to vector<16xi32>
            %shift_left3A_228 = arith.shli %gather3A_225, %shift_left3A_227 : vector<16xi32>
            %shift_right_arithmetic3A_229 = arith.constant 16 : i32
            %shift_right_arithmetic3A_230 = vector.broadcast %shift_right_arithmetic3A_229 : i32 to vector<16xi32>
            %shift_right_arithmetic3A_231 = arith.shrsi %shift_left3A_228, %shift_right_arithmetic3A_230 : vector<16xi32>
            %shift_right_arithmetic3A_232 = arith.constant 16 : i32
            %shift_right_arithmetic3A_233 = vector.broadcast %shift_right_arithmetic3A_232 : i32 to vector<16xi32>
            %shift_right_arithmetic3A_234 = arith.shrsi %gather3A_225, %shift_right_arithmetic3A_233 : vector<16xi32>
            %convert_element_type3A_235 = arith.sitofp %shift_right_arithmetic3A_231 : vector<16xi32> to vector<16xf32>
            %convert_element_type3A_236 = arith.sitofp %shift_right_arithmetic3A_234 : vector<16xi32> to vector<16xf32>
            %mul3A_237 = arith.mulf %convert_element_type3A_105, %convert_element_type3A_235 : vector<16xf32>
            %mul3A_238 = arith.mulf %convert_element_type3A_106, %convert_element_type3A_236 : vector<16xf32>
            %add3A_239 = arith.addf %mul3A_237, %mul3A_238 : vector<16xf32>
            %max3A_240 = arith.constant 0.000000e+00 : f32
            %max3A_241 = vector.broadcast %max3A_240 : f32 to vector<16xf32>
            %max3A_242 = arith.maximumf %add3A_239, %max3A_241 : vector<16xf32>
            %add3A_243 = arith.addf %add3A_220, %max3A_242 : vector<16xf32>
            %get3A_244 = arith.constant 7 : i32
            %get3A_245 = arith.index_cast %get3A_244 : i32 to index
            %get3A_246 = arith.index_cast %mul3A_93 : i32 to index
            %get3A_247 = tpu.vector_load %arg9[%get3A_245, %get3A_246] {strides = array<i32>} : memref<33x128xi32, #tpu.memory_space<vmem>>, vector<16xi32>,
            %gather3A_248 = tpu.vector_load_idx %arg8[%get3A_247] : memref<100000xi32, #tpu.memory_space<vmem>>[vector<16xi32>], vector<16xi32>,
            %shift_left3A_249 = arith.constant 16 : i32
            %shift_left3A_250 = vector.broadcast %shift_left3A_249 : i32 to vector<16xi32>
            %shift_left3A_251 = arith.shli %gather3A_248, %shift_left3A_250 : vector<16xi32>
            %shift_right_arithmetic3A_252 = arith.constant 16 : i32
            %shift_right_arithmetic3A_253 = vector.broadcast %shift_right_arithmetic3A_252 : i32 to vector<16xi32>
            %shift_right_arithmetic3A_254 = arith.shrsi %shift_left3A_251, %shift_right_arithmetic3A_253 : vector<16xi32>
            %shift_right_arithmetic3A_255 = arith.constant 16 : i32
            %shift_right_arithmetic3A_256 = vector.broadcast %shift_right_arithmetic3A_255 : i32 to vector<16xi32>
            %shift_right_arithmetic3A_257 = arith.shrsi %gather3A_248, %shift_right_arithmetic3A_256 : vector<16xi32>
            %convert_element_type3A_258 = arith.sitofp %shift_right_arithmetic3A_254 : vector<16xi32> to vector<16xf32>
            %convert_element_type3A_259 = arith.sitofp %shift_right_arithmetic3A_257 : vector<16xi32> to vector<16xf32>
            %mul3A_260 = arith.mulf %convert_element_type3A_105, %convert_element_type3A_258 : vector<16xf32>
            %mul3A_261 = arith.mulf %convert_element_type3A_106, %convert_element_type3A_259 : vector<16xf32>
            %add3A_262 = arith.addf %mul3A_260, %mul3A_261 : vector<16xf32>
            %max3A_263 = arith.constant 0.000000e+00 : f32
            %max3A_264 = vector.broadcast %max3A_263 : f32 to vector<16xf32>
            %max3A_265 = arith.maximumf %add3A_262, %max3A_264 : vector<16xf32>
            %add3A_266 = arith.addf %add3A_243, %max3A_265 : vector<16xf32>
            %get3A_267 = arith.constant 8 : i32
            %get3A_268 = arith.index_cast %get3A_267 : i32 to index
            %get3A_269 = arith.index_cast %mul3A_93 : i32 to index
            %get3A_270 = tpu.vector_load %arg9[%get3A_268, %get3A_269] {strides = array<i32>} : memref<33x128xi32, #tpu.memory_space<vmem>>, vector<16xi32>,
            %gather3A_271 = tpu.vector_load_idx %arg8[%get3A_270] : memref<100000xi32, #tpu.memory_space<vmem>>[vector<16xi32>], vector<16xi32>,
            %shift_left3A_272 = arith.constant 16 : i32
            %shift_left3A_273 = vector.broadcast %shift_left3A_272 : i32 to vector<16xi32>
            %shift_left3A_274 = arith.shli %gather3A_271, %shift_left3A_273 : vector<16xi32>
            %shift_right_arithmetic3A_275 = arith.constant 16 : i32
            %shift_right_arithmetic3A_276 = vector.broadcast %shift_right_arithmetic3A_275 : i32 to vector<16xi32>
            %shift_right_arithmetic3A_277 = arith.shrsi %shift_left3A_274, %shift_right_arithmetic3A_276 : vector<16xi32>
            %shift_right_arithmetic3A_278 = arith.constant 16 : i32
            %shift_right_arithmetic3A_279 = vector.broadcast %shift_right_arithmetic3A_278 : i32 to vector<16xi32>
            %shift_right_arithmetic3A_280 = arith.shrsi %gather3A_271, %shift_right_arithmetic3A_279 : vector<16xi32>
            %convert_element_type3A_281 = arith.sitofp %shift_right_arithmetic3A_277 : vector<16xi32> to vector<16xf32>
            %convert_element_type3A_282 = arith.sitofp %shift_right_arithmetic3A_280 : vector<16xi32> to vector<16xf32>
            %mul3A_283 = arith.mulf %convert_element_type3A_105, %convert_element_type3A_281 : vector<16xf32>
            %mul3A_284 = arith.mulf %convert_element_type3A_106, %convert_element_type3A_282 : vector<16xf32>
            %add3A_285 = arith.addf %mul3A_283, %mul3A_284 : vector<16xf32>
            %max3A_286 = arith.constant 0.000000e+00 : f32
            %max3A_287 = vector.broadcast %max3A_286 : f32 to vector<16xf32>
            %max3A_288 = arith.maximumf %add3A_285, %max3A_287 : vector<16xf32>
            %add3A_289 = arith.addf %add3A_266, %max3A_288 : vector<16xf32>
            %get3A_290 = arith.constant 9 : i32
            %get3A_291 = arith.index_cast %get3A_290 : i32 to index
            %get3A_292 = arith.index_cast %mul3A_93 : i32 to index
            %get3A_293 = tpu.vector_load %arg9[%get3A_291, %get3A_292] {strides = array<i32>} : memref<33x128xi32, #tpu.memory_space<vmem>>, vector<16xi32>,
            %gather3A_294 = tpu.vector_load_idx %arg8[%get3A_293] : memref<100000xi32, #tpu.memory_space<vmem>>[vector<16xi32>], vector<16xi32>,
            %shift_left3A_295 = arith.constant 16 : i32
            %shift_left3A_296 = vector.broadcast %shift_left3A_295 : i32 to vector<16xi32>
            %shift_left3A_297 = arith.shli %gather3A_294, %shift_left3A_296 : vector<16xi32>
            %shift_right_arithmetic3A_298 = arith.constant 16 : i32
            %shift_right_arithmetic3A_299 = vector.broadcast %shift_right_arithmetic3A_298 : i32 to vector<16xi32>
            %shift_right_arithmetic3A_300 = arith.shrsi %shift_left3A_297, %shift_right_arithmetic3A_299 : vector<16xi32>
            %shift_right_arithmetic3A_301 = arith.constant 16 : i32
            %shift_right_arithmetic3A_302 = vector.broadcast %shift_right_arithmetic3A_301 : i32 to vector<16xi32>
            %shift_right_arithmetic3A_303 = arith.shrsi %gather3A_294, %shift_right_arithmetic3A_302 : vector<16xi32>
            %convert_element_type3A_304 = arith.sitofp %shift_right_arithmetic3A_300 : vector<16xi32> to vector<16xf32>
            %convert_element_type3A_305 = arith.sitofp %shift_right_arithmetic3A_303 : vector<16xi32> to vector<16xf32>
            %mul3A_306 = arith.mulf %convert_element_type3A_105, %convert_element_type3A_304 : vector<16xf32>
            %mul3A_307 = arith.mulf %convert_element_type3A_106, %convert_element_type3A_305 : vector<16xf32>
            %add3A_308 = arith.addf %mul3A_306, %mul3A_307 : vector<16xf32>
            %max3A_309 = arith.constant 0.000000e+00 : f32
            %max3A_310 = vector.broadcast %max3A_309 : f32 to vector<16xf32>
            %max3A_311 = arith.maximumf %add3A_308, %max3A_310 : vector<16xf32>
            %add3A_312 = arith.addf %add3A_289, %max3A_311 : vector<16xf32>
            %get3A_313 = arith.constant 10 : i32
            %get3A_314 = arith.index_cast %get3A_313 : i32 to index
            %get3A_315 = arith.index_cast %mul3A_93 : i32 to index
            %get3A_316 = tpu.vector_load %arg9[%get3A_314, %get3A_315] {strides = array<i32>} : memref<33x128xi32, #tpu.memory_space<vmem>>, vector<16xi32>,
            %gather3A_317 = tpu.vector_load_idx %arg8[%get3A_316] : memref<100000xi32, #tpu.memory_space<vmem>>[vector<16xi32>], vector<16xi32>,
            %shift_left3A_318 = arith.constant 16 : i32
            %shift_left3A_319 = vector.broadcast %shift_left3A_318 : i32 to vector<16xi32>
            %shift_left3A_320 = arith.shli %gather3A_317, %shift_left3A_319 : vector<16xi32>
            %shift_right_arithmetic3A_321 = arith.constant 16 : i32
            %shift_right_arithmetic3A_322 = vector.broadcast %shift_right_arithmetic3A_321 : i32 to vector<16xi32>
            %shift_right_arithmetic3A_323 = arith.shrsi %shift_left3A_320, %shift_right_arithmetic3A_322 : vector<16xi32>
            %shift_right_arithmetic3A_324 = arith.constant 16 : i32
            %shift_right_arithmetic3A_325 = vector.broadcast %shift_right_arithmetic3A_324 : i32 to vector<16xi32>
            %shift_right_arithmetic3A_326 = arith.shrsi %gather3A_317, %shift_right_arithmetic3A_325 : vector<16xi32>
            %convert_element_type3A_327 = arith.sitofp %shift_right_arithmetic3A_323 : vector<16xi32> to vector<16xf32>
            %convert_element_type3A_328 = arith.sitofp %shift_right_arithmetic3A_326 : vector<16xi32> to vector<16xf32>
            %mul3A_329 = arith.mulf %convert_element_type3A_105, %convert_element_type3A_327 : vector<16xf32>
            %mul3A_330 = arith.mulf %convert_element_type3A_106, %convert_element_type3A_328 : vector<16xf32>
            %add3A_331 = arith.addf %mul3A_329, %mul3A_330 : vector<16xf32>
            %max3A_332 = arith.constant 0.000000e+00 : f32
            %max3A_333 = vector.broadcast %max3A_332 : f32 to vector<16xf32>
            %max3A_334 = arith.maximumf %add3A_331, %max3A_333 : vector<16xf32>
            %add3A_335 = arith.addf %add3A_312, %max3A_334 : vector<16xf32>
            %get3A_336 = arith.constant 11 : i32
            %get3A_337 = arith.index_cast %get3A_336 : i32 to index
            %get3A_338 = arith.index_cast %mul3A_93 : i32 to index
            %get3A_339 = tpu.vector_load %arg9[%get3A_337, %get3A_338] {strides = array<i32>} : memref<33x128xi32, #tpu.memory_space<vmem>>, vector<16xi32>,
            %gather3A_340 = tpu.vector_load_idx %arg8[%get3A_339] : memref<100000xi32, #tpu.memory_space<vmem>>[vector<16xi32>], vector<16xi32>,
            %shift_left3A_341 = arith.constant 16 : i32
            %shift_left3A_342 = vector.broadcast %shift_left3A_341 : i32 to vector<16xi32>
            %shift_left3A_343 = arith.shli %gather3A_340, %shift_left3A_342 : vector<16xi32>
            %shift_right_arithmetic3A_344 = arith.constant 16 : i32
            %shift_right_arithmetic3A_345 = vector.broadcast %shift_right_arithmetic3A_344 : i32 to vector<16xi32>
            %shift_right_arithmetic3A_346 = arith.shrsi %shift_left3A_343, %shift_right_arithmetic3A_345 : vector<16xi32>
            %shift_right_arithmetic3A_347 = arith.constant 16 : i32
            %shift_right_arithmetic3A_348 = vector.broadcast %shift_right_arithmetic3A_347 : i32 to vector<16xi32>
            %shift_right_arithmetic3A_349 = arith.shrsi %gather3A_340, %shift_right_arithmetic3A_348 : vector<16xi32>
            %convert_element_type3A_350 = arith.sitofp %shift_right_arithmetic3A_346 : vector<16xi32> to vector<16xf32>
            %convert_element_type3A_351 = arith.sitofp %shift_right_arithmetic3A_349 : vector<16xi32> to vector<16xf32>
            %mul3A_352 = arith.mulf %convert_element_type3A_105, %convert_element_type3A_350 : vector<16xf32>
            %mul3A_353 = arith.mulf %convert_element_type3A_106, %convert_element_type3A_351 : vector<16xf32>
            %add3A_354 = arith.addf %mul3A_352, %mul3A_353 : vector<16xf32>
            %max3A_355 = arith.constant 0.000000e+00 : f32
            %max3A_356 = vector.broadcast %max3A_355 : f32 to vector<16xf32>
            %max3A_357 = arith.maximumf %add3A_354, %max3A_356 : vector<16xf32>
            %add3A_358 = arith.addf %add3A_335, %max3A_357 : vector<16xf32>
            %get3A_359 = arith.constant 12 : i32
            %get3A_360 = arith.index_cast %get3A_359 : i32 to index
            %get3A_361 = arith.index_cast %mul3A_93 : i32 to index
            %get3A_362 = tpu.vector_load %arg9[%get3A_360, %get3A_361] {strides = array<i32>} : memref<33x128xi32, #tpu.memory_space<vmem>>, vector<16xi32>,
            %gather3A_363 = tpu.vector_load_idx %arg8[%get3A_362] : memref<100000xi32, #tpu.memory_space<vmem>>[vector<16xi32>], vector<16xi32>,
            %shift_left3A_364 = arith.constant 16 : i32
            %shift_left3A_365 = vector.broadcast %shift_left3A_364 : i32 to vector<16xi32>
            %shift_left3A_366 = arith.shli %gather3A_363, %shift_left3A_365 : vector<16xi32>
            %shift_right_arithmetic3A_367 = arith.constant 16 : i32
            %shift_right_arithmetic3A_368 = vector.broadcast %shift_right_arithmetic3A_367 : i32 to vector<16xi32>
            %shift_right_arithmetic3A_369 = arith.shrsi %shift_left3A_366, %shift_right_arithmetic3A_368 : vector<16xi32>
            %shift_right_arithmetic3A_370 = arith.constant 16 : i32
            %shift_right_arithmetic3A_371 = vector.broadcast %shift_right_arithmetic3A_370 : i32 to vector<16xi32>
            %shift_right_arithmetic3A_372 = arith.shrsi %gather3A_363, %shift_right_arithmetic3A_371 : vector<16xi32>
            %convert_element_type3A_373 = arith.sitofp %shift_right_arithmetic3A_369 : vector<16xi32> to vector<16xf32>
            %convert_element_type3A_374 = arith.sitofp %shift_right_arithmetic3A_372 : vector<16xi32> to vector<16xf32>
            %mul3A_375 = arith.mulf %convert_element_type3A_105, %convert_element_type3A_373 : vector<16xf32>
            %mul3A_376 = arith.mulf %convert_element_type3A_106, %convert_element_type3A_374 : vector<16xf32>
            %add3A_377 = arith.addf %mul3A_375, %mul3A_376 : vector<16xf32>
            %max3A_378 = arith.constant 0.000000e+00 : f32
            %max3A_379 = vector.broadcast %max3A_378 : f32 to vector<16xf32>
            %max3A_380 = arith.maximumf %add3A_377, %max3A_379 : vector<16xf32>
            %add3A_381 = arith.addf %add3A_358, %max3A_380 : vector<16xf32>
            %get3A_382 = arith.constant 13 : i32
            %get3A_383 = arith.index_cast %get3A_382 : i32 to index
            %get3A_384 = arith.index_cast %mul3A_93 : i32 to index
            %get3A_385 = tpu.vector_load %arg9[%get3A_383, %get3A_384] {strides = array<i32>} : memref<33x128xi32, #tpu.memory_space<vmem>>, vector<16xi32>,
            %gather3A_386 = tpu.vector_load_idx %arg8[%get3A_385] : memref<100000xi32, #tpu.memory_space<vmem>>[vector<16xi32>], vector<16xi32>,
            %shift_left3A_387 = arith.constant 16 : i32
            %shift_left3A_388 = vector.broadcast %shift_left3A_387 : i32 to vector<16xi32>
            %shift_left3A_389 = arith.shli %gather3A_386, %shift_left3A_388 : vector<16xi32>
            %shift_right_arithmetic3A_390 = arith.constant 16 : i32
            %shift_right_arithmetic3A_391 = vector.broadcast %shift_right_arithmetic3A_390 : i32 to vector<16xi32>
            %shift_right_arithmetic3A_392 = arith.shrsi %shift_left3A_389, %shift_right_arithmetic3A_391 : vector<16xi32>
            %shift_right_arithmetic3A_393 = arith.constant 16 : i32
            %shift_right_arithmetic3A_394 = vector.broadcast %shift_right_arithmetic3A_393 : i32 to vector<16xi32>
            %shift_right_arithmetic3A_395 = arith.shrsi %gather3A_386, %shift_right_arithmetic3A_394 : vector<16xi32>
            %convert_element_type3A_396 = arith.sitofp %shift_right_arithmetic3A_392 : vector<16xi32> to vector<16xf32>
            %convert_element_type3A_397 = arith.sitofp %shift_right_arithmetic3A_395 : vector<16xi32> to vector<16xf32>
            %mul3A_398 = arith.mulf %convert_element_type3A_105, %convert_element_type3A_396 : vector<16xf32>
            %mul3A_399 = arith.mulf %convert_element_type3A_106, %convert_element_type3A_397 : vector<16xf32>
            %add3A_400 = arith.addf %mul3A_398, %mul3A_399 : vector<16xf32>
            %max3A_401 = arith.constant 0.000000e+00 : f32
            %max3A_402 = vector.broadcast %max3A_401 : f32 to vector<16xf32>
            %max3A_403 = arith.maximumf %add3A_400, %max3A_402 : vector<16xf32>
            %add3A_404 = arith.addf %add3A_381, %max3A_403 : vector<16xf32>
            %get3A_405 = arith.constant 14 : i32
            %get3A_406 = arith.index_cast %get3A_405 : i32 to index
            %get3A_407 = arith.index_cast %mul3A_93 : i32 to index
            %get3A_408 = tpu.vector_load %arg9[%get3A_406, %get3A_407] {strides = array<i32>} : memref<33x128xi32, #tpu.memory_space<vmem>>, vector<16xi32>,
            %gather3A_409 = tpu.vector_load_idx %arg8[%get3A_408] : memref<100000xi32, #tpu.memory_space<vmem>>[vector<16xi32>], vector<16xi32>,
            %shift_left3A_410 = arith.constant 16 : i32
            %shift_left3A_411 = vector.broadcast %shift_left3A_410 : i32 to vector<16xi32>
            %shift_left3A_412 = arith.shli %gather3A_409, %shift_left3A_411 : vector<16xi32>
            %shift_right_arithmetic3A_413 = arith.constant 16 : i32
            %shift_right_arithmetic3A_414 = vector.broadcast %shift_right_arithmetic3A_413 : i32 to vector<16xi32>
            %shift_right_arithmetic3A_415 = arith.shrsi %shift_left3A_412, %shift_right_arithmetic3A_414 : vector<16xi32>
            %shift_right_arithmetic3A_416 = arith.constant 16 : i32
            %shift_right_arithmetic3A_417 = vector.broadcast %shift_right_arithmetic3A_416 : i32 to vector<16xi32>
            %shift_right_arithmetic3A_418 = arith.shrsi %gather3A_409, %shift_right_arithmetic3A_417 : vector<16xi32>
            %convert_element_type3A_419 = arith.sitofp %shift_right_arithmetic3A_415 : vector<16xi32> to vector<16xf32>
            %convert_element_type3A_420 = arith.sitofp %shift_right_arithmetic3A_418 : vector<16xi32> to vector<16xf32>
            %mul3A_421 = arith.mulf %convert_element_type3A_105, %convert_element_type3A_419 : vector<16xf32>
            %mul3A_422 = arith.mulf %convert_element_type3A_106, %convert_element_type3A_420 : vector<16xf32>
            %add3A_423 = arith.addf %mul3A_421, %mul3A_422 : vector<16xf32>
            %max3A_424 = arith.constant 0.000000e+00 : f32
            %max3A_425 = vector.broadcast %max3A_424 : f32 to vector<16xf32>
            %max3A_426 = arith.maximumf %add3A_423, %max3A_425 : vector<16xf32>
            %add3A_427 = arith.addf %add3A_404, %max3A_426 : vector<16xf32>
            %get3A_428 = arith.constant 15 : i32
            %get3A_429 = arith.index_cast %get3A_428 : i32 to index
            %get3A_430 = arith.index_cast %mul3A_93 : i32 to index
            %get3A_431 = tpu.vector_load %arg9[%get3A_429, %get3A_430] {strides = array<i32>} : memref<33x128xi32, #tpu.memory_space<vmem>>, vector<16xi32>,
            %gather3A_432 = tpu.vector_load_idx %arg8[%get3A_431] : memref<100000xi32, #tpu.memory_space<vmem>>[vector<16xi32>], vector<16xi32>,
            %shift_left3A_433 = arith.constant 16 : i32
            %shift_left3A_434 = vector.broadcast %shift_left3A_433 : i32 to vector<16xi32>
            %shift_left3A_435 = arith.shli %gather3A_432, %shift_left3A_434 : vector<16xi32>
            %shift_right_arithmetic3A_436 = arith.constant 16 : i32
            %shift_right_arithmetic3A_437 = vector.broadcast %shift_right_arithmetic3A_436 : i32 to vector<16xi32>
            %shift_right_arithmetic3A_438 = arith.shrsi %shift_left3A_435, %shift_right_arithmetic3A_437 : vector<16xi32>
            %shift_right_arithmetic3A_439 = arith.constant 16 : i32
            %shift_right_arithmetic3A_440 = vector.broadcast %shift_right_arithmetic3A_439 : i32 to vector<16xi32>
            %shift_right_arithmetic3A_441 = arith.shrsi %gather3A_432, %shift_right_arithmetic3A_440 : vector<16xi32>
            %convert_element_type3A_442 = arith.sitofp %shift_right_arithmetic3A_438 : vector<16xi32> to vector<16xf32>
            %convert_element_type3A_443 = arith.sitofp %shift_right_arithmetic3A_441 : vector<16xi32> to vector<16xf32>
            %mul3A_444 = arith.mulf %convert_element_type3A_105, %convert_element_type3A_442 : vector<16xf32>
            %mul3A_445 = arith.mulf %convert_element_type3A_106, %convert_element_type3A_443 : vector<16xf32>
            %add3A_446 = arith.addf %mul3A_444, %mul3A_445 : vector<16xf32>
            %max3A_447 = arith.constant 0.000000e+00 : f32
            %max3A_448 = vector.broadcast %max3A_447 : f32 to vector<16xf32>
            %max3A_449 = arith.maximumf %add3A_446, %max3A_448 : vector<16xf32>
            %add3A_450 = arith.addf %add3A_427, %max3A_449 : vector<16xf32>
            %get3A_451 = arith.constant 16 : i32
            %get3A_452 = arith.index_cast %get3A_451 : i32 to index
            %get3A_453 = arith.index_cast %mul3A_93 : i32 to index
            %get3A_454 = tpu.vector_load %arg9[%get3A_452, %get3A_453] {strides = array<i32>} : memref<33x128xi32, #tpu.memory_space<vmem>>, vector<16xi32>,
            %gather3A_455 = tpu.vector_load_idx %arg8[%get3A_454] : memref<100000xi32, #tpu.memory_space<vmem>>[vector<16xi32>], vector<16xi32>,
            %shift_left3A_456 = arith.constant 16 : i32
            %shift_left3A_457 = vector.broadcast %shift_left3A_456 : i32 to vector<16xi32>
            %shift_left3A_458 = arith.shli %gather3A_455, %shift_left3A_457 : vector<16xi32>
            %shift_right_arithmetic3A_459 = arith.constant 16 : i32
            %shift_right_arithmetic3A_460 = vector.broadcast %shift_right_arithmetic3A_459 : i32 to vector<16xi32>
            %shift_right_arithmetic3A_461 = arith.shrsi %shift_left3A_458, %shift_right_arithmetic3A_460 : vector<16xi32>
            %shift_right_arithmetic3A_462 = arith.constant 16 : i32
            %shift_right_arithmetic3A_463 = vector.broadcast %shift_right_arithmetic3A_462 : i32 to vector<16xi32>
            %shift_right_arithmetic3A_464 = arith.shrsi %gather3A_455, %shift_right_arithmetic3A_463 : vector<16xi32>
            %convert_element_type3A_465 = arith.sitofp %shift_right_arithmetic3A_461 : vector<16xi32> to vector<16xf32>
            %convert_element_type3A_466 = arith.sitofp %shift_right_arithmetic3A_464 : vector<16xi32> to vector<16xf32>
            %mul3A_467 = arith.mulf %convert_element_type3A_105, %convert_element_type3A_465 : vector<16xf32>
            %mul3A_468 = arith.mulf %convert_element_type3A_106, %convert_element_type3A_466 : vector<16xf32>
            %add3A_469 = arith.addf %mul3A_467, %mul3A_468 : vector<16xf32>
            %max3A_470 = arith.constant 0.000000e+00 : f32
            %max3A_471 = vector.broadcast %max3A_470 : f32 to vector<16xf32>
            %max3A_472 = arith.maximumf %add3A_469, %max3A_471 : vector<16xf32>
            %add3A_473 = arith.addf %add3A_450, %max3A_472 : vector<16xf32>
            %get3A_474 = arith.constant 17 : i32
            %get3A_475 = arith.index_cast %get3A_474 : i32 to index
            %get3A_476 = arith.index_cast %mul3A_93 : i32 to index
            %get3A_477 = tpu.vector_load %arg9[%get3A_475, %get3A_476] {strides = array<i32>} : memref<33x128xi32, #tpu.memory_space<vmem>>, vector<16xi32>,
            %gather3A_478 = tpu.vector_load_idx %arg8[%get3A_477] : memref<100000xi32, #tpu.memory_space<vmem>>[vector<16xi32>], vector<16xi32>,
            %shift_left3A_479 = arith.constant 16 : i32
            %shift_left3A_480 = vector.broadcast %shift_left3A_479 : i32 to vector<16xi32>
            %shift_left3A_481 = arith.shli %gather3A_478, %shift_left3A_480 : vector<16xi32>
            %shift_right_arithmetic3A_482 = arith.constant 16 : i32
            %shift_right_arithmetic3A_483 = vector.broadcast %shift_right_arithmetic3A_482 : i32 to vector<16xi32>
            %shift_right_arithmetic3A_484 = arith.shrsi %shift_left3A_481, %shift_right_arithmetic3A_483 : vector<16xi32>
            %shift_right_arithmetic3A_485 = arith.constant 16 : i32
            %shift_right_arithmetic3A_486 = vector.broadcast %shift_right_arithmetic3A_485 : i32 to vector<16xi32>
            %shift_right_arithmetic3A_487 = arith.shrsi %gather3A_478, %shift_right_arithmetic3A_486 : vector<16xi32>
            %convert_element_type3A_488 = arith.sitofp %shift_right_arithmetic3A_484 : vector<16xi32> to vector<16xf32>
            %convert_element_type3A_489 = arith.sitofp %shift_right_arithmetic3A_487 : vector<16xi32> to vector<16xf32>
            %mul3A_490 = arith.mulf %convert_element_type3A_105, %convert_element_type3A_488 : vector<16xf32>
            %mul3A_491 = arith.mulf %convert_element_type3A_106, %convert_element_type3A_489 : vector<16xf32>
            %add3A_492 = arith.addf %mul3A_490, %mul3A_491 : vector<16xf32>
            %max3A_493 = arith.constant 0.000000e+00 : f32
            %max3A_494 = vector.broadcast %max3A_493 : f32 to vector<16xf32>
            %max3A_495 = arith.maximumf %add3A_492, %max3A_494 : vector<16xf32>
            %add3A_496 = arith.addf %add3A_473, %max3A_495 : vector<16xf32>
            %get3A_497 = arith.constant 18 : i32
            %get3A_498 = arith.index_cast %get3A_497 : i32 to index
            %get3A_499 = arith.index_cast %mul3A_93 : i32 to index
            %get3A_500 = tpu.vector_load %arg9[%get3A_498, %get3A_499] {strides = array<i32>} : memref<33x128xi32, #tpu.memory_space<vmem>>, vector<16xi32>,
            %gather3A_501 = tpu.vector_load_idx %arg8[%get3A_500] : memref<100000xi32, #tpu.memory_space<vmem>>[vector<16xi32>], vector<16xi32>,
            %shift_left3A_502 = arith.constant 16 : i32
            %shift_left3A_503 = vector.broadcast %shift_left3A_502 : i32 to vector<16xi32>
            %shift_left3A_504 = arith.shli %gather3A_501, %shift_left3A_503 : vector<16xi32>
            %shift_right_arithmetic3A_505 = arith.constant 16 : i32
            %shift_right_arithmetic3A_506 = vector.broadcast %shift_right_arithmetic3A_505 : i32 to vector<16xi32>
            %shift_right_arithmetic3A_507 = arith.shrsi %shift_left3A_504, %shift_right_arithmetic3A_506 : vector<16xi32>
            %shift_right_arithmetic3A_508 = arith.constant 16 : i32
            %shift_right_arithmetic3A_509 = vector.broadcast %shift_right_arithmetic3A_508 : i32 to vector<16xi32>
            %shift_right_arithmetic3A_510 = arith.shrsi %gather3A_501, %shift_right_arithmetic3A_509 : vector<16xi32>
            %convert_element_type3A_511 = arith.sitofp %shift_right_arithmetic3A_507 : vector<16xi32> to vector<16xf32>
            %convert_element_type3A_512 = arith.sitofp %shift_right_arithmetic3A_510 : vector<16xi32> to vector<16xf32>
            %mul3A_513 = arith.mulf %convert_element_type3A_105, %convert_element_type3A_511 : vector<16xf32>
            %mul3A_514 = arith.mulf %convert_element_type3A_106, %convert_element_type3A_512 : vector<16xf32>
            %add3A_515 = arith.addf %mul3A_513, %mul3A_514 : vector<16xf32>
            %max3A_516 = arith.constant 0.000000e+00 : f32
            %max3A_517 = vector.broadcast %max3A_516 : f32 to vector<16xf32>
            %max3A_518 = arith.maximumf %add3A_515, %max3A_517 : vector<16xf32>
            %add3A_519 = arith.addf %add3A_496, %max3A_518 : vector<16xf32>
            %get3A_520 = arith.constant 19 : i32
            %get3A_521 = arith.index_cast %get3A_520 : i32 to index
            %get3A_522 = arith.index_cast %mul3A_93 : i32 to index
            %get3A_523 = tpu.vector_load %arg9[%get3A_521, %get3A_522] {strides = array<i32>} : memref<33x128xi32, #tpu.memory_space<vmem>>, vector<16xi32>,
            %gather3A_524 = tpu.vector_load_idx %arg8[%get3A_523] : memref<100000xi32, #tpu.memory_space<vmem>>[vector<16xi32>], vector<16xi32>,
            %shift_left3A_525 = arith.constant 16 : i32
            %shift_left3A_526 = vector.broadcast %shift_left3A_525 : i32 to vector<16xi32>
            %shift_left3A_527 = arith.shli %gather3A_524, %shift_left3A_526 : vector<16xi32>
            %shift_right_arithmetic3A_528 = arith.constant 16 : i32
            %shift_right_arithmetic3A_529 = vector.broadcast %shift_right_arithmetic3A_528 : i32 to vector<16xi32>
            %shift_right_arithmetic3A_530 = arith.shrsi %shift_left3A_527, %shift_right_arithmetic3A_529 : vector<16xi32>
            %shift_right_arithmetic3A_531 = arith.constant 16 : i32
            %shift_right_arithmetic3A_532 = vector.broadcast %shift_right_arithmetic3A_531 : i32 to vector<16xi32>
            %shift_right_arithmetic3A_533 = arith.shrsi %gather3A_524, %shift_right_arithmetic3A_532 : vector<16xi32>
            %convert_element_type3A_534 = arith.sitofp %shift_right_arithmetic3A_530 : vector<16xi32> to vector<16xf32>
            %convert_element_type3A_535 = arith.sitofp %shift_right_arithmetic3A_533 : vector<16xi32> to vector<16xf32>
            %mul3A_536 = arith.mulf %convert_element_type3A_105, %convert_element_type3A_534 : vector<16xf32>
            %mul3A_537 = arith.mulf %convert_element_type3A_106, %convert_element_type3A_535 : vector<16xf32>
            %add3A_538 = arith.addf %mul3A_536, %mul3A_537 : vector<16xf32>
            %max3A_539 = arith.constant 0.000000e+00 : f32
            %max3A_540 = vector.broadcast %max3A_539 : f32 to vector<16xf32>
            %max3A_541 = arith.maximumf %add3A_538, %max3A_540 : vector<16xf32>
            %add3A_542 = arith.addf %add3A_519, %max3A_541 : vector<16xf32>
            %get3A_543 = arith.constant 20 : i32
            %get3A_544 = arith.index_cast %get3A_543 : i32 to index
            %get3A_545 = arith.index_cast %mul3A_93 : i32 to index
            %get3A_546 = tpu.vector_load %arg9[%get3A_544, %get3A_545] {strides = array<i32>} : memref<33x128xi32, #tpu.memory_space<vmem>>, vector<16xi32>,
            %gather3A_547 = tpu.vector_load_idx %arg8[%get3A_546] : memref<100000xi32, #tpu.memory_space<vmem>>[vector<16xi32>], vector<16xi32>,
            %shift_left3A_548 = arith.constant 16 : i32
            %shift_left3A_549 = vector.broadcast %shift_left3A_548 : i32 to vector<16xi32>
            %shift_left3A_550 = arith.shli %gather3A_547, %shift_left3A_549 : vector<16xi32>
            %shift_right_arithmetic3A_551 = arith.constant 16 : i32
            %shift_right_arithmetic3A_552 = vector.broadcast %shift_right_arithmetic3A_551 : i32 to vector<16xi32>
            %shift_right_arithmetic3A_553 = arith.shrsi %shift_left3A_550, %shift_right_arithmetic3A_552 : vector<16xi32>
            %shift_right_arithmetic3A_554 = arith.constant 16 : i32
            %shift_right_arithmetic3A_555 = vector.broadcast %shift_right_arithmetic3A_554 : i32 to vector<16xi32>
            %shift_right_arithmetic3A_556 = arith.shrsi %gather3A_547, %shift_right_arithmetic3A_555 : vector<16xi32>
            %convert_element_type3A_557 = arith.sitofp %shift_right_arithmetic3A_553 : vector<16xi32> to vector<16xf32>
            %convert_element_type3A_558 = arith.sitofp %shift_right_arithmetic3A_556 : vector<16xi32> to vector<16xf32>
            %mul3A_559 = arith.mulf %convert_element_type3A_105, %convert_element_type3A_557 : vector<16xf32>
            %mul3A_560 = arith.mulf %convert_element_type3A_106, %convert_element_type3A_558 : vector<16xf32>
            %add3A_561 = arith.addf %mul3A_559, %mul3A_560 : vector<16xf32>
            %max3A_562 = arith.constant 0.000000e+00 : f32
            %max3A_563 = vector.broadcast %max3A_562 : f32 to vector<16xf32>
            %max3A_564 = arith.maximumf %add3A_561, %max3A_563 : vector<16xf32>
            %add3A_565 = arith.addf %add3A_542, %max3A_564 : vector<16xf32>
            %get3A_566 = arith.constant 21 : i32
            %get3A_567 = arith.index_cast %get3A_566 : i32 to index
            %get3A_568 = arith.index_cast %mul3A_93 : i32 to index
            %get3A_569 = tpu.vector_load %arg9[%get3A_567, %get3A_568] {strides = array<i32>} : memref<33x128xi32, #tpu.memory_space<vmem>>, vector<16xi32>,
            %gather3A_570 = tpu.vector_load_idx %arg8[%get3A_569] : memref<100000xi32, #tpu.memory_space<vmem>>[vector<16xi32>], vector<16xi32>,
            %shift_left3A_571 = arith.constant 16 : i32
            %shift_left3A_572 = vector.broadcast %shift_left3A_571 : i32 to vector<16xi32>
            %shift_left3A_573 = arith.shli %gather3A_570, %shift_left3A_572 : vector<16xi32>
            %shift_right_arithmetic3A_574 = arith.constant 16 : i32
            %shift_right_arithmetic3A_575 = vector.broadcast %shift_right_arithmetic3A_574 : i32 to vector<16xi32>
            %shift_right_arithmetic3A_576 = arith.shrsi %shift_left3A_573, %shift_right_arithmetic3A_575 : vector<16xi32>
            %shift_right_arithmetic3A_577 = arith.constant 16 : i32
            %shift_right_arithmetic3A_578 = vector.broadcast %shift_right_arithmetic3A_577 : i32 to vector<16xi32>
            %shift_right_arithmetic3A_579 = arith.shrsi %gather3A_570, %shift_right_arithmetic3A_578 : vector<16xi32>
            %convert_element_type3A_580 = arith.sitofp %shift_right_arithmetic3A_576 : vector<16xi32> to vector<16xf32>
            %convert_element_type3A_581 = arith.sitofp %shift_right_arithmetic3A_579 : vector<16xi32> to vector<16xf32>
            %mul3A_582 = arith.mulf %convert_element_type3A_105, %convert_element_type3A_580 : vector<16xf32>
            %mul3A_583 = arith.mulf %convert_element_type3A_106, %convert_element_type3A_581 : vector<16xf32>
            %add3A_584 = arith.addf %mul3A_582, %mul3A_583 : vector<16xf32>
            %max3A_585 = arith.constant 0.000000e+00 : f32
            %max3A_586 = vector.broadcast %max3A_585 : f32 to vector<16xf32>
            %max3A_587 = arith.maximumf %add3A_584, %max3A_586 : vector<16xf32>
            %add3A_588 = arith.addf %add3A_565, %max3A_587 : vector<16xf32>
            %get3A_589 = arith.constant 22 : i32
            %get3A_590 = arith.index_cast %get3A_589 : i32 to index
            %get3A_591 = arith.index_cast %mul3A_93 : i32 to index
            %get3A_592 = tpu.vector_load %arg9[%get3A_590, %get3A_591] {strides = array<i32>} : memref<33x128xi32, #tpu.memory_space<vmem>>, vector<16xi32>,
            %gather3A_593 = tpu.vector_load_idx %arg8[%get3A_592] : memref<100000xi32, #tpu.memory_space<vmem>>[vector<16xi32>], vector<16xi32>,
            %shift_left3A_594 = arith.constant 16 : i32
            %shift_left3A_595 = vector.broadcast %shift_left3A_594 : i32 to vector<16xi32>
            %shift_left3A_596 = arith.shli %gather3A_593, %shift_left3A_595 : vector<16xi32>
            %shift_right_arithmetic3A_597 = arith.constant 16 : i32
            %shift_right_arithmetic3A_598 = vector.broadcast %shift_right_arithmetic3A_597 : i32 to vector<16xi32>
            %shift_right_arithmetic3A_599 = arith.shrsi %shift_left3A_596, %shift_right_arithmetic3A_598 : vector<16xi32>
            %shift_right_arithmetic3A_600 = arith.constant 16 : i32
            %shift_right_arithmetic3A_601 = vector.broadcast %shift_right_arithmetic3A_600 : i32 to vector<16xi32>
            %shift_right_arithmetic3A_602 = arith.shrsi %gather3A_593, %shift_right_arithmetic3A_601 : vector<16xi32>
            %convert_element_type3A_603 = arith.sitofp %shift_right_arithmetic3A_599 : vector<16xi32> to vector<16xf32>
            %convert_element_type3A_604 = arith.sitofp %shift_right_arithmetic3A_602 : vector<16xi32> to vector<16xf32>
            %mul3A_605 = arith.mulf %convert_element_type3A_105, %convert_element_type3A_603 : vector<16xf32>
            %mul3A_606 = arith.mulf %convert_element_type3A_106, %convert_element_type3A_604 : vector<16xf32>
            %add3A_607 = arith.addf %mul3A_605, %mul3A_606 : vector<16xf32>
            %max3A_608 = arith.constant 0.000000e+00 : f32
            %max3A_609 = vector.broadcast %max3A_608 : f32 to vector<16xf32>
            %max3A_610 = arith.maximumf %add3A_607, %max3A_609 : vector<16xf32>
            %add3A_611 = arith.addf %add3A_588, %max3A_610 : vector<16xf32>
            %get3A_612 = arith.constant 23 : i32
            %get3A_613 = arith.index_cast %get3A_612 : i32 to index
            %get3A_614 = arith.index_cast %mul3A_93 : i32 to index
            %get3A_615 = tpu.vector_load %arg9[%get3A_613, %get3A_614] {strides = array<i32>} : memref<33x128xi32, #tpu.memory_space<vmem>>, vector<16xi32>,
            %gather3A_616 = tpu.vector_load_idx %arg8[%get3A_615] : memref<100000xi32, #tpu.memory_space<vmem>>[vector<16xi32>], vector<16xi32>,
            %shift_left3A_617 = arith.constant 16 : i32
            %shift_left3A_618 = vector.broadcast %shift_left3A_617 : i32 to vector<16xi32>
            %shift_left3A_619 = arith.shli %gather3A_616, %shift_left3A_618 : vector<16xi32>
            %shift_right_arithmetic3A_620 = arith.constant 16 : i32
            %shift_right_arithmetic3A_621 = vector.broadcast %shift_right_arithmetic3A_620 : i32 to vector<16xi32>
            %shift_right_arithmetic3A_622 = arith.shrsi %shift_left3A_619, %shift_right_arithmetic3A_621 : vector<16xi32>
            %shift_right_arithmetic3A_623 = arith.constant 16 : i32
            %shift_right_arithmetic3A_624 = vector.broadcast %shift_right_arithmetic3A_623 : i32 to vector<16xi32>
            %shift_right_arithmetic3A_625 = arith.shrsi %gather3A_616, %shift_right_arithmetic3A_624 : vector<16xi32>
            %convert_element_type3A_626 = arith.sitofp %shift_right_arithmetic3A_622 : vector<16xi32> to vector<16xf32>
            %convert_element_type3A_627 = arith.sitofp %shift_right_arithmetic3A_625 : vector<16xi32> to vector<16xf32>
            %mul3A_628 = arith.mulf %convert_element_type3A_105, %convert_element_type3A_626 : vector<16xf32>
            %mul3A_629 = arith.mulf %convert_element_type3A_106, %convert_element_type3A_627 : vector<16xf32>
            %add3A_630 = arith.addf %mul3A_628, %mul3A_629 : vector<16xf32>
            %max3A_631 = arith.constant 0.000000e+00 : f32
            %max3A_632 = vector.broadcast %max3A_631 : f32 to vector<16xf32>
            %max3A_633 = arith.maximumf %add3A_630, %max3A_632 : vector<16xf32>
            %add3A_634 = arith.addf %add3A_611, %max3A_633 : vector<16xf32>
            %get3A_635 = arith.constant 24 : i32
            %get3A_636 = arith.index_cast %get3A_635 : i32 to index
            %get3A_637 = arith.index_cast %mul3A_93 : i32 to index
            %get3A_638 = tpu.vector_load %arg9[%get3A_636, %get3A_637] {strides = array<i32>} : memref<33x128xi32, #tpu.memory_space<vmem>>, vector<16xi32>,
            %gather3A_639 = tpu.vector_load_idx %arg8[%get3A_638] : memref<100000xi32, #tpu.memory_space<vmem>>[vector<16xi32>], vector<16xi32>,
            %shift_left3A_640 = arith.constant 16 : i32
            %shift_left3A_641 = vector.broadcast %shift_left3A_640 : i32 to vector<16xi32>
            %shift_left3A_642 = arith.shli %gather3A_639, %shift_left3A_641 : vector<16xi32>
            %shift_right_arithmetic3A_643 = arith.constant 16 : i32
            %shift_right_arithmetic3A_644 = vector.broadcast %shift_right_arithmetic3A_643 : i32 to vector<16xi32>
            %shift_right_arithmetic3A_645 = arith.shrsi %shift_left3A_642, %shift_right_arithmetic3A_644 : vector<16xi32>
            %shift_right_arithmetic3A_646 = arith.constant 16 : i32
            %shift_right_arithmetic3A_647 = vector.broadcast %shift_right_arithmetic3A_646 : i32 to vector<16xi32>
            %shift_right_arithmetic3A_648 = arith.shrsi %gather3A_639, %shift_right_arithmetic3A_647 : vector<16xi32>
            %convert_element_type3A_649 = arith.sitofp %shift_right_arithmetic3A_645 : vector<16xi32> to vector<16xf32>
            %convert_element_type3A_650 = arith.sitofp %shift_right_arithmetic3A_648 : vector<16xi32> to vector<16xf32>
            %mul3A_651 = arith.mulf %convert_element_type3A_105, %convert_element_type3A_649 : vector<16xf32>
            %mul3A_652 = arith.mulf %convert_element_type3A_106, %convert_element_type3A_650 : vector<16xf32>
            %add3A_653 = arith.addf %mul3A_651, %mul3A_652 : vector<16xf32>
            %max3A_654 = arith.constant 0.000000e+00 : f32
            %max3A_655 = vector.broadcast %max3A_654 : f32 to vector<16xf32>
            %max3A_656 = arith.maximumf %add3A_653, %max3A_655 : vector<16xf32>
            %add3A_657 = arith.addf %add3A_634, %max3A_656 : vector<16xf32>
            %get3A_658 = arith.constant 25 : i32
            %get3A_659 = arith.index_cast %get3A_658 : i32 to index
            %get3A_660 = arith.index_cast %mul3A_93 : i32 to index
            %get3A_661 = tpu.vector_load %arg9[%get3A_659, %get3A_660] {strides = array<i32>} : memref<33x128xi32, #tpu.memory_space<vmem>>, vector<16xi32>,
            %gather3A_662 = tpu.vector_load_idx %arg8[%get3A_661] : memref<100000xi32, #tpu.memory_space<vmem>>[vector<16xi32>], vector<16xi32>,
            %shift_left3A_663 = arith.constant 16 : i32
            %shift_left3A_664 = vector.broadcast %shift_left3A_663 : i32 to vector<16xi32>
            %shift_left3A_665 = arith.shli %gather3A_662, %shift_left3A_664 : vector<16xi32>
            %shift_right_arithmetic3A_666 = arith.constant 16 : i32
            %shift_right_arithmetic3A_667 = vector.broadcast %shift_right_arithmetic3A_666 : i32 to vector<16xi32>
            %shift_right_arithmetic3A_668 = arith.shrsi %shift_left3A_665, %shift_right_arithmetic3A_667 : vector<16xi32>
            %shift_right_arithmetic3A_669 = arith.constant 16 : i32
            %shift_right_arithmetic3A_670 = vector.broadcast %shift_right_arithmetic3A_669 : i32 to vector<16xi32>
            %shift_right_arithmetic3A_671 = arith.shrsi %gather3A_662, %shift_right_arithmetic3A_670 : vector<16xi32>
            %convert_element_type3A_672 = arith.sitofp %shift_right_arithmetic3A_668 : vector<16xi32> to vector<16xf32>
            %convert_element_type3A_673 = arith.sitofp %shift_right_arithmetic3A_671 : vector<16xi32> to vector<16xf32>
            %mul3A_674 = arith.mulf %convert_element_type3A_105, %convert_element_type3A_672 : vector<16xf32>
            %mul3A_675 = arith.mulf %convert_element_type3A_106, %convert_element_type3A_673 : vector<16xf32>
            %add3A_676 = arith.addf %mul3A_674, %mul3A_675 : vector<16xf32>
            %max3A_677 = arith.constant 0.000000e+00 : f32
            %max3A_678 = vector.broadcast %max3A_677 : f32 to vector<16xf32>
            %max3A_679 = arith.maximumf %add3A_676, %max3A_678 : vector<16xf32>
            %add3A_680 = arith.addf %add3A_657, %max3A_679 : vector<16xf32>
            %get3A_681 = arith.constant 26 : i32
            %get3A_682 = arith.index_cast %get3A_681 : i32 to index
            %get3A_683 = arith.index_cast %mul3A_93 : i32 to index
            %get3A_684 = tpu.vector_load %arg9[%get3A_682, %get3A_683] {strides = array<i32>} : memref<33x128xi32, #tpu.memory_space<vmem>>, vector<16xi32>,
            %gather3A_685 = tpu.vector_load_idx %arg8[%get3A_684] : memref<100000xi32, #tpu.memory_space<vmem>>[vector<16xi32>], vector<16xi32>,
            %shift_left3A_686 = arith.constant 16 : i32
            %shift_left3A_687 = vector.broadcast %shift_left3A_686 : i32 to vector<16xi32>
            %shift_left3A_688 = arith.shli %gather3A_685, %shift_left3A_687 : vector<16xi32>
            %shift_right_arithmetic3A_689 = arith.constant 16 : i32
            %shift_right_arithmetic3A_690 = vector.broadcast %shift_right_arithmetic3A_689 : i32 to vector<16xi32>
            %shift_right_arithmetic3A_691 = arith.shrsi %shift_left3A_688, %shift_right_arithmetic3A_690 : vector<16xi32>
            %shift_right_arithmetic3A_692 = arith.constant 16 : i32
            %shift_right_arithmetic3A_693 = vector.broadcast %shift_right_arithmetic3A_692 : i32 to vector<16xi32>
            %shift_right_arithmetic3A_694 = arith.shrsi %gather3A_685, %shift_right_arithmetic3A_693 : vector<16xi32>
            %convert_element_type3A_695 = arith.sitofp %shift_right_arithmetic3A_691 : vector<16xi32> to vector<16xf32>
            %convert_element_type3A_696 = arith.sitofp %shift_right_arithmetic3A_694 : vector<16xi32> to vector<16xf32>
            %mul3A_697 = arith.mulf %convert_element_type3A_105, %convert_element_type3A_695 : vector<16xf32>
            %mul3A_698 = arith.mulf %convert_element_type3A_106, %convert_element_type3A_696 : vector<16xf32>
            %add3A_699 = arith.addf %mul3A_697, %mul3A_698 : vector<16xf32>
            %max3A_700 = arith.constant 0.000000e+00 : f32
            %max3A_701 = vector.broadcast %max3A_700 : f32 to vector<16xf32>
            %max3A_702 = arith.maximumf %add3A_699, %max3A_701 : vector<16xf32>
            %add3A_703 = arith.addf %add3A_680, %max3A_702 : vector<16xf32>
            %get3A_704 = arith.constant 27 : i32
            %get3A_705 = arith.index_cast %get3A_704 : i32 to index
            %get3A_706 = arith.index_cast %mul3A_93 : i32 to index
            %get3A_707 = tpu.vector_load %arg9[%get3A_705, %get3A_706] {strides = array<i32>} : memref<33x128xi32, #tpu.memory_space<vmem>>, vector<16xi32>,
            %gather3A_708 = tpu.vector_load_idx %arg8[%get3A_707] : memref<100000xi32, #tpu.memory_space<vmem>>[vector<16xi32>], vector<16xi32>,
            %shift_left3A_709 = arith.constant 16 : i32
            %shift_left3A_710 = vector.broadcast %shift_left3A_709 : i32 to vector<16xi32>
            %shift_left3A_711 = arith.shli %gather3A_708, %shift_left3A_710 : vector<16xi32>
            %shift_right_arithmetic3A_712 = arith.constant 16 : i32
            %shift_right_arithmetic3A_713 = vector.broadcast %shift_right_arithmetic3A_712 : i32 to vector<16xi32>
            %shift_right_arithmetic3A_714 = arith.shrsi %shift_left3A_711, %shift_right_arithmetic3A_713 : vector<16xi32>
            %shift_right_arithmetic3A_715 = arith.constant 16 : i32
            %shift_right_arithmetic3A_716 = vector.broadcast %shift_right_arithmetic3A_715 : i32 to vector<16xi32>
            %shift_right_arithmetic3A_717 = arith.shrsi %gather3A_708, %shift_right_arithmetic3A_716 : vector<16xi32>
            %convert_element_type3A_718 = arith.sitofp %shift_right_arithmetic3A_714 : vector<16xi32> to vector<16xf32>
            %convert_element_type3A_719 = arith.sitofp %shift_right_arithmetic3A_717 : vector<16xi32> to vector<16xf32>
            %mul3A_720 = arith.mulf %convert_element_type3A_105, %convert_element_type3A_718 : vector<16xf32>
            %mul3A_721 = arith.mulf %convert_element_type3A_106, %convert_element_type3A_719 : vector<16xf32>
            %add3A_722 = arith.addf %mul3A_720, %mul3A_721 : vector<16xf32>
            %max3A_723 = arith.constant 0.000000e+00 : f32
            %max3A_724 = vector.broadcast %max3A_723 : f32 to vector<16xf32>
            %max3A_725 = arith.maximumf %add3A_722, %max3A_724 : vector<16xf32>
            %add3A_726 = arith.addf %add3A_703, %max3A_725 : vector<16xf32>
            %get3A_727 = arith.constant 28 : i32
            %get3A_728 = arith.index_cast %get3A_727 : i32 to index
            %get3A_729 = arith.index_cast %mul3A_93 : i32 to index
            %get3A_730 = tpu.vector_load %arg9[%get3A_728, %get3A_729] {strides = array<i32>} : memref<33x128xi32, #tpu.memory_space<vmem>>, vector<16xi32>,
            %gather3A_731 = tpu.vector_load_idx %arg8[%get3A_730] : memref<100000xi32, #tpu.memory_space<vmem>>[vector<16xi32>], vector<16xi32>,
            %shift_left3A_732 = arith.constant 16 : i32
            %shift_left3A_733 = vector.broadcast %shift_left3A_732 : i32 to vector<16xi32>
            %shift_left3A_734 = arith.shli %gather3A_731, %shift_left3A_733 : vector<16xi32>
            %shift_right_arithmetic3A_735 = arith.constant 16 : i32
            %shift_right_arithmetic3A_736 = vector.broadcast %shift_right_arithmetic3A_735 : i32 to vector<16xi32>
            %shift_right_arithmetic3A_737 = arith.shrsi %shift_left3A_734, %shift_right_arithmetic3A_736 : vector<16xi32>
            %shift_right_arithmetic3A_738 = arith.constant 16 : i32
            %shift_right_arithmetic3A_739 = vector.broadcast %shift_right_arithmetic3A_738 : i32 to vector<16xi32>
            %shift_right_arithmetic3A_740 = arith.shrsi %gather3A_731, %shift_right_arithmetic3A_739 : vector<16xi32>
            %convert_element_type3A_741 = arith.sitofp %shift_right_arithmetic3A_737 : vector<16xi32> to vector<16xf32>
            %convert_element_type3A_742 = arith.sitofp %shift_right_arithmetic3A_740 : vector<16xi32> to vector<16xf32>
            %mul3A_743 = arith.mulf %convert_element_type3A_105, %convert_element_type3A_741 : vector<16xf32>
            %mul3A_744 = arith.mulf %convert_element_type3A_106, %convert_element_type3A_742 : vector<16xf32>
            %add3A_745 = arith.addf %mul3A_743, %mul3A_744 : vector<16xf32>
            %max3A_746 = arith.constant 0.000000e+00 : f32
            %max3A_747 = vector.broadcast %max3A_746 : f32 to vector<16xf32>
            %max3A_748 = arith.maximumf %add3A_745, %max3A_747 : vector<16xf32>
            %add3A_749 = arith.addf %add3A_726, %max3A_748 : vector<16xf32>
            %get3A_750 = arith.constant 29 : i32
            %get3A_751 = arith.index_cast %get3A_750 : i32 to index
            %get3A_752 = arith.index_cast %mul3A_93 : i32 to index
            %get3A_753 = tpu.vector_load %arg9[%get3A_751, %get3A_752] {strides = array<i32>} : memref<33x128xi32, #tpu.memory_space<vmem>>, vector<16xi32>,
            %gather3A_754 = tpu.vector_load_idx %arg8[%get3A_753] : memref<100000xi32, #tpu.memory_space<vmem>>[vector<16xi32>], vector<16xi32>,
            %shift_left3A_755 = arith.constant 16 : i32
            %shift_left3A_756 = vector.broadcast %shift_left3A_755 : i32 to vector<16xi32>
            %shift_left3A_757 = arith.shli %gather3A_754, %shift_left3A_756 : vector<16xi32>
            %shift_right_arithmetic3A_758 = arith.constant 16 : i32
            %shift_right_arithmetic3A_759 = vector.broadcast %shift_right_arithmetic3A_758 : i32 to vector<16xi32>
            %shift_right_arithmetic3A_760 = arith.shrsi %shift_left3A_757, %shift_right_arithmetic3A_759 : vector<16xi32>
            %shift_right_arithmetic3A_761 = arith.constant 16 : i32
            %shift_right_arithmetic3A_762 = vector.broadcast %shift_right_arithmetic3A_761 : i32 to vector<16xi32>
            %shift_right_arithmetic3A_763 = arith.shrsi %gather3A_754, %shift_right_arithmetic3A_762 : vector<16xi32>
            %convert_element_type3A_764 = arith.sitofp %shift_right_arithmetic3A_760 : vector<16xi32> to vector<16xf32>
            %convert_element_type3A_765 = arith.sitofp %shift_right_arithmetic3A_763 : vector<16xi32> to vector<16xf32>
            %mul3A_766 = arith.mulf %convert_element_type3A_105, %convert_element_type3A_764 : vector<16xf32>
            %mul3A_767 = arith.mulf %convert_element_type3A_106, %convert_element_type3A_765 : vector<16xf32>
            %add3A_768 = arith.addf %mul3A_766, %mul3A_767 : vector<16xf32>
            %max3A_769 = arith.constant 0.000000e+00 : f32
            %max3A_770 = vector.broadcast %max3A_769 : f32 to vector<16xf32>
            %max3A_771 = arith.maximumf %add3A_768, %max3A_770 : vector<16xf32>
            %add3A_772 = arith.addf %add3A_749, %max3A_771 : vector<16xf32>
            %get3A_773 = arith.constant 30 : i32
            %get3A_774 = arith.index_cast %get3A_773 : i32 to index
            %get3A_775 = arith.index_cast %mul3A_93 : i32 to index
            %get3A_776 = tpu.vector_load %arg9[%get3A_774, %get3A_775] {strides = array<i32>} : memref<33x128xi32, #tpu.memory_space<vmem>>, vector<16xi32>,
            %gather3A_777 = tpu.vector_load_idx %arg8[%get3A_776] : memref<100000xi32, #tpu.memory_space<vmem>>[vector<16xi32>], vector<16xi32>,
            %shift_left3A_778 = arith.constant 16 : i32
            %shift_left3A_779 = vector.broadcast %shift_left3A_778 : i32 to vector<16xi32>
            %shift_left3A_780 = arith.shli %gather3A_777, %shift_left3A_779 : vector<16xi32>
            %shift_right_arithmetic3A_781 = arith.constant 16 : i32
            %shift_right_arithmetic3A_782 = vector.broadcast %shift_right_arithmetic3A_781 : i32 to vector<16xi32>
            %shift_right_arithmetic3A_783 = arith.shrsi %shift_left3A_780, %shift_right_arithmetic3A_782 : vector<16xi32>
            %shift_right_arithmetic3A_784 = arith.constant 16 : i32
            %shift_right_arithmetic3A_785 = vector.broadcast %shift_right_arithmetic3A_784 : i32 to vector<16xi32>
            %shift_right_arithmetic3A_786 = arith.shrsi %gather3A_777, %shift_right_arithmetic3A_785 : vector<16xi32>
            %convert_element_type3A_787 = arith.sitofp %shift_right_arithmetic3A_783 : vector<16xi32> to vector<16xf32>
            %convert_element_type3A_788 = arith.sitofp %shift_right_arithmetic3A_786 : vector<16xi32> to vector<16xf32>
            %mul3A_789 = arith.mulf %convert_element_type3A_105, %convert_element_type3A_787 : vector<16xf32>
            %mul3A_790 = arith.mulf %convert_element_type3A_106, %convert_element_type3A_788 : vector<16xf32>
            %add3A_791 = arith.addf %mul3A_789, %mul3A_790 : vector<16xf32>
            %max3A_792 = arith.constant 0.000000e+00 : f32
            %max3A_793 = vector.broadcast %max3A_792 : f32 to vector<16xf32>
            %max3A_794 = arith.maximumf %add3A_791, %max3A_793 : vector<16xf32>
            %add3A_795 = arith.addf %add3A_772, %max3A_794 : vector<16xf32>
            %get3A_796 = arith.constant 31 : i32
            %get3A_797 = arith.index_cast %get3A_796 : i32 to index
            %get3A_798 = arith.index_cast %mul3A_93 : i32 to index
            %get3A_799 = tpu.vector_load %arg9[%get3A_797, %get3A_798] {strides = array<i32>} : memref<33x128xi32, #tpu.memory_space<vmem>>, vector<16xi32>,
            %gather3A_800 = tpu.vector_load_idx %arg8[%get3A_799] : memref<100000xi32, #tpu.memory_space<vmem>>[vector<16xi32>], vector<16xi32>,
            %shift_left3A_801 = arith.constant 16 : i32
            %shift_left3A_802 = vector.broadcast %shift_left3A_801 : i32 to vector<16xi32>
            %shift_left3A_803 = arith.shli %gather3A_800, %shift_left3A_802 : vector<16xi32>
            %shift_right_arithmetic3A_804 = arith.constant 16 : i32
            %shift_right_arithmetic3A_805 = vector.broadcast %shift_right_arithmetic3A_804 : i32 to vector<16xi32>
            %shift_right_arithmetic3A_806 = arith.shrsi %shift_left3A_803, %shift_right_arithmetic3A_805 : vector<16xi32>
            %shift_right_arithmetic3A_807 = arith.constant 16 : i32
            %shift_right_arithmetic3A_808 = vector.broadcast %shift_right_arithmetic3A_807 : i32 to vector<16xi32>
            %shift_right_arithmetic3A_809 = arith.shrsi %gather3A_800, %shift_right_arithmetic3A_808 : vector<16xi32>
            %convert_element_type3A_810 = arith.sitofp %shift_right_arithmetic3A_806 : vector<16xi32> to vector<16xf32>
            %convert_element_type3A_811 = arith.sitofp %shift_right_arithmetic3A_809 : vector<16xi32> to vector<16xf32>
            %mul3A_812 = arith.mulf %convert_element_type3A_105, %convert_element_type3A_810 : vector<16xf32>
            %mul3A_813 = arith.mulf %convert_element_type3A_106, %convert_element_type3A_811 : vector<16xf32>
            %add3A_814 = arith.addf %mul3A_812, %mul3A_813 : vector<16xf32>
            %max3A_815 = arith.constant 0.000000e+00 : f32
            %max3A_816 = vector.broadcast %max3A_815 : f32 to vector<16xf32>
            %max3A_817 = arith.maximumf %add3A_814, %max3A_816 : vector<16xf32>
            %add3A_818 = arith.addf %add3A_795, %max3A_817 : vector<16xf32>
            %get3A_819 = arith.constant 32 : i32
            %get3A_820 = arith.index_cast %get3A_819 : i32 to index
            %get3A_821 = arith.index_cast %mul3A_93 : i32 to index
            %get3A_822 = tpu.vector_load %arg9[%get3A_820, %get3A_821] {strides = array<i32>} : memref<33x128xi32, #tpu.memory_space<vmem>>, vector<16xi32>,
            %gather3A_823 = tpu.vector_load_idx %arg8[%get3A_822] : memref<100000xi32, #tpu.memory_space<vmem>>[vector<16xi32>], vector<16xi32>,
            %shift_left3A_824 = arith.constant 16 : i32
            %shift_left3A_825 = vector.broadcast %shift_left3A_824 : i32 to vector<16xi32>
            %shift_left3A_826 = arith.shli %gather3A_823, %shift_left3A_825 : vector<16xi32>
            %shift_right_arithmetic3A_827 = arith.constant 16 : i32
            %shift_right_arithmetic3A_828 = vector.broadcast %shift_right_arithmetic3A_827 : i32 to vector<16xi32>
            %shift_right_arithmetic3A_829 = arith.shrsi %shift_left3A_826, %shift_right_arithmetic3A_828 : vector<16xi32>
            %shift_right_arithmetic3A_830 = arith.constant 16 : i32
            %shift_right_arithmetic3A_831 = vector.broadcast %shift_right_arithmetic3A_830 : i32 to vector<16xi32>
            %shift_right_arithmetic3A_832 = arith.shrsi %gather3A_823, %shift_right_arithmetic3A_831 : vector<16xi32>
            %convert_element_type3A_833 = arith.sitofp %shift_right_arithmetic3A_829 : vector<16xi32> to vector<16xf32>
            %convert_element_type3A_834 = arith.sitofp %shift_right_arithmetic3A_832 : vector<16xi32> to vector<16xf32>
            %mul3A_835 = arith.mulf %convert_element_type3A_105, %convert_element_type3A_833 : vector<16xf32>
            %mul3A_836 = arith.mulf %convert_element_type3A_106, %convert_element_type3A_834 : vector<16xf32>
            %add3A_837 = arith.addf %mul3A_835, %mul3A_836 : vector<16xf32>
            %max3A_838 = arith.constant 0.000000e+00 : f32
            %max3A_839 = vector.broadcast %max3A_838 : f32 to vector<16xf32>
            %max3A_840 = arith.maximumf %add3A_837, %max3A_839 : vector<16xf32>
            %add3A_841 = arith.addf %add3A_818, %max3A_840 : vector<16xf32>
            %div3A_842 = arith.constant 1.000000e+00 : f32
            %div3A_843 = vector.broadcast %div3A_842 : f32 to vector<16xf32>
            %div3A_844 = arith.divf %div3A_843, %add3A_841 : vector<16xf32>
            %mul3A_845 = arith.mulf %max3A_127, %div3A_844 : vector<16xf32>
            %swap3A = arith.constant 0 : i32
            %swap3A_846 = arith.index_cast %swap3A : i32 to index
            %swap3A_847 = arith.index_cast %mul3A_93 : i32 to index
            %swap3A_848 = tpu.vector_load %arg11[%swap3A_846, %swap3A_847] {strides = array<i32>} : memref<32x128xf32, #tpu.memory_space<vmem>>, vector<16xf32>,
            tpu.vector_store %arg11[%swap3A_846, %swap3A_847], %mul3A_845 {strides = array<i32>} : memref<32x128xf32, #tpu.memory_space<vmem>>, vector<16xf32>,
            %mul3A_849 = arith.mulf %max3A_150, %div3A_844 : vector<16xf32>
            %swap3A_850 = arith.constant 1 : i32
            %swap3A_851 = arith.index_cast %swap3A_850 : i32 to index
            %swap3A_852 = arith.index_cast %mul3A_93 : i32 to index
            %swap3A_853 = tpu.vector_load %arg11[%swap3A_851, %swap3A_852] {strides = array<i32>} : memref<32x128xf32, #tpu.memory_space<vmem>>, vector<16xf32>,
            tpu.vector_store %arg11[%swap3A_851, %swap3A_852], %mul3A_849 {strides = array<i32>} : memref<32x128xf32, #tpu.memory_space<vmem>>, vector<16xf32>,
            %mul3A_854 = arith.mulf %max3A_173, %div3A_844 : vector<16xf32>
            %swap3A_855 = arith.constant 2 : i32
            %swap3A_856 = arith.index_cast %swap3A_855 : i32 to index
            %swap3A_857 = arith.index_cast %mul3A_93 : i32 to index
            %swap3A_858 = tpu.vector_load %arg11[%swap3A_856, %swap3A_857] {strides = array<i32>} : memref<32x128xf32, #tpu.memory_space<vmem>>, vector<16xf32>,
            tpu.vector_store %arg11[%swap3A_856, %swap3A_857], %mul3A_854 {strides = array<i32>} : memref<32x128xf32, #tpu.memory_space<vmem>>, vector<16xf32>,
            %mul3A_859 = arith.mulf %max3A_196, %div3A_844 : vector<16xf32>
            %swap3A_860 = arith.constant 3 : i32
            %swap3A_861 = arith.index_cast %swap3A_860 : i32 to index
            %swap3A_862 = arith.index_cast %mul3A_93 : i32 to index
            %swap3A_863 = tpu.vector_load %arg11[%swap3A_861, %swap3A_862] {strides = array<i32>} : memref<32x128xf32, #tpu.memory_space<vmem>>, vector<16xf32>,
            tpu.vector_store %arg11[%swap3A_861, %swap3A_862], %mul3A_859 {strides = array<i32>} : memref<32x128xf32, #tpu.memory_space<vmem>>, vector<16xf32>,
            %mul3A_864 = arith.mulf %max3A_219, %div3A_844 : vector<16xf32>
            %swap3A_865 = arith.constant 4 : i32
            %swap3A_866 = arith.index_cast %swap3A_865 : i32 to index
            %swap3A_867 = arith.index_cast %mul3A_93 : i32 to index
            %swap3A_868 = tpu.vector_load %arg11[%swap3A_866, %swap3A_867] {strides = array<i32>} : memref<32x128xf32, #tpu.memory_space<vmem>>, vector<16xf32>,
            tpu.vector_store %arg11[%swap3A_866, %swap3A_867], %mul3A_864 {strides = array<i32>} : memref<32x128xf32, #tpu.memory_space<vmem>>, vector<16xf32>,
            %mul3A_869 = arith.mulf %max3A_242, %div3A_844 : vector<16xf32>
            %swap3A_870 = arith.constant 5 : i32
            %swap3A_871 = arith.index_cast %swap3A_870 : i32 to index
            %swap3A_872 = arith.index_cast %mul3A_93 : i32 to index
            %swap3A_873 = tpu.vector_load %arg11[%swap3A_871, %swap3A_872] {strides = array<i32>} : memref<32x128xf32, #tpu.memory_space<vmem>>, vector<16xf32>,
            tpu.vector_store %arg11[%swap3A_871, %swap3A_872], %mul3A_869 {strides = array<i32>} : memref<32x128xf32, #tpu.memory_space<vmem>>, vector<16xf32>,
            %mul3A_874 = arith.mulf %max3A_265, %div3A_844 : vector<16xf32>
            %swap3A_875 = arith.constant 6 : i32
            %swap3A_876 = arith.index_cast %swap3A_875 : i32 to index
            %swap3A_877 = arith.index_cast %mul3A_93 : i32 to index
            %swap3A_878 = tpu.vector_load %arg11[%swap3A_876, %swap3A_877] {strides = array<i32>} : memref<32x128xf32, #tpu.memory_space<vmem>>, vector<16xf32>,
            tpu.vector_store %arg11[%swap3A_876, %swap3A_877], %mul3A_874 {strides = array<i32>} : memref<32x128xf32, #tpu.memory_space<vmem>>, vector<16xf32>,
            %mul3A_879 = arith.mulf %max3A_288, %div3A_844 : vector<16xf32>
            %swap3A_880 = arith.constant 7 : i32
            %swap3A_881 = arith.index_cast %swap3A_880 : i32 to index
            %swap3A_882 = arith.index_cast %mul3A_93 : i32 to index
            %swap3A_883 = tpu.vector_load %arg11[%swap3A_881, %swap3A_882] {strides = array<i32>} : memref<32x128xf32, #tpu.memory_space<vmem>>, vector<16xf32>,
            tpu.vector_store %arg11[%swap3A_881, %swap3A_882], %mul3A_879 {strides = array<i32>} : memref<32x128xf32, #tpu.memory_space<vmem>>, vector<16xf32>,
            %mul3A_884 = arith.mulf %max3A_311, %div3A_844 : vector<16xf32>
            %swap3A_885 = arith.constant 8 : i32
            %swap3A_886 = arith.index_cast %swap3A_885 : i32 to index
            %swap3A_887 = arith.index_cast %mul3A_93 : i32 to index
            %swap3A_888 = tpu.vector_load %arg11[%swap3A_886, %swap3A_887] {strides = array<i32>} : memref<32x128xf32, #tpu.memory_space<vmem>>, vector<16xf32>,
            tpu.vector_store %arg11[%swap3A_886, %swap3A_887], %mul3A_884 {strides = array<i32>} : memref<32x128xf32, #tpu.memory_space<vmem>>, vector<16xf32>,
            %mul3A_889 = arith.mulf %max3A_334, %div3A_844 : vector<16xf32>
            %swap3A_890 = arith.constant 9 : i32
            %swap3A_891 = arith.index_cast %swap3A_890 : i32 to index
            %swap3A_892 = arith.index_cast %mul3A_93 : i32 to index
            %swap3A_893 = tpu.vector_load %arg11[%swap3A_891, %swap3A_892] {strides = array<i32>} : memref<32x128xf32, #tpu.memory_space<vmem>>, vector<16xf32>,
            tpu.vector_store %arg11[%swap3A_891, %swap3A_892], %mul3A_889 {strides = array<i32>} : memref<32x128xf32, #tpu.memory_space<vmem>>, vector<16xf32>,
            %mul3A_894 = arith.mulf %max3A_357, %div3A_844 : vector<16xf32>
            %swap3A_895 = arith.constant 10 : i32
            %swap3A_896 = arith.index_cast %swap3A_895 : i32 to index
            %swap3A_897 = arith.index_cast %mul3A_93 : i32 to index
            %swap3A_898 = tpu.vector_load %arg11[%swap3A_896, %swap3A_897] {strides = array<i32>} : memref<32x128xf32, #tpu.memory_space<vmem>>, vector<16xf32>,
            tpu.vector_store %arg11[%swap3A_896, %swap3A_897], %mul3A_894 {strides = array<i32>} : memref<32x128xf32, #tpu.memory_space<vmem>>, vector<16xf32>,
            %mul3A_899 = arith.mulf %max3A_380, %div3A_844 : vector<16xf32>
            %swap3A_900 = arith.constant 11 : i32
            %swap3A_901 = arith.index_cast %swap3A_900 : i32 to index
            %swap3A_902 = arith.index_cast %mul3A_93 : i32 to index
            %swap3A_903 = tpu.vector_load %arg11[%swap3A_901, %swap3A_902] {strides = array<i32>} : memref<32x128xf32, #tpu.memory_space<vmem>>, vector<16xf32>,
            tpu.vector_store %arg11[%swap3A_901, %swap3A_902], %mul3A_899 {strides = array<i32>} : memref<32x128xf32, #tpu.memory_space<vmem>>, vector<16xf32>,
            %mul3A_904 = arith.mulf %max3A_403, %div3A_844 : vector<16xf32>
            %swap3A_905 = arith.constant 12 : i32
            %swap3A_906 = arith.index_cast %swap3A_905 : i32 to index
            %swap3A_907 = arith.index_cast %mul3A_93 : i32 to index
            %swap3A_908 = tpu.vector_load %arg11[%swap3A_906, %swap3A_907] {strides = array<i32>} : memref<32x128xf32, #tpu.memory_space<vmem>>, vector<16xf32>,
            tpu.vector_store %arg11[%swap3A_906, %swap3A_907], %mul3A_904 {strides = array<i32>} : memref<32x128xf32, #tpu.memory_space<vmem>>, vector<16xf32>,
            %mul3A_909 = arith.mulf %max3A_426, %div3A_844 : vector<16xf32>
            %swap3A_910 = arith.constant 13 : i32
            %swap3A_911 = arith.index_cast %swap3A_910 : i32 to index
            %swap3A_912 = arith.index_cast %mul3A_93 : i32 to index
            %swap3A_913 = tpu.vector_load %arg11[%swap3A_911, %swap3A_912] {strides = array<i32>} : memref<32x128xf32, #tpu.memory_space<vmem>>, vector<16xf32>,
            tpu.vector_store %arg11[%swap3A_911, %swap3A_912], %mul3A_909 {strides = array<i32>} : memref<32x128xf32, #tpu.memory_space<vmem>>, vector<16xf32>,
            %mul3A_914 = arith.mulf %max3A_449, %div3A_844 : vector<16xf32>
            %swap3A_915 = arith.constant 14 : i32
            %swap3A_916 = arith.index_cast %swap3A_915 : i32 to index
            %swap3A_917 = arith.index_cast %mul3A_93 : i32 to index
            %swap3A_918 = tpu.vector_load %arg11[%swap3A_916, %swap3A_917] {strides = array<i32>} : memref<32x128xf32, #tpu.memory_space<vmem>>, vector<16xf32>,
            tpu.vector_store %arg11[%swap3A_916, %swap3A_917], %mul3A_914 {strides = array<i32>} : memref<32x128xf32, #tpu.memory_space<vmem>>, vector<16xf32>,
            %mul3A_919 = arith.mulf %max3A_472, %div3A_844 : vector<16xf32>
            %swap3A_920 = arith.constant 15 : i32
            %swap3A_921 = arith.index_cast %swap3A_920 : i32 to index
            %swap3A_922 = arith.index_cast %mul3A_93 : i32 to index
            %swap3A_923 = tpu.vector_load %arg11[%swap3A_921, %swap3A_922] {strides = array<i32>} : memref<32x128xf32, #tpu.memory_space<vmem>>, vector<16xf32>,
            tpu.vector_store %arg11[%swap3A_921, %swap3A_922], %mul3A_919 {strides = array<i32>} : memref<32x128xf32, #tpu.memory_space<vmem>>, vector<16xf32>,
            %mul3A_924 = arith.mulf %max3A_495, %div3A_844 : vector<16xf32>
            %swap3A_925 = arith.constant 16 : i32
            %swap3A_926 = arith.index_cast %swap3A_925 : i32 to index
            %swap3A_927 = arith.index_cast %mul3A_93 : i32 to index
            %swap3A_928 = tpu.vector_load %arg11[%swap3A_926, %swap3A_927] {strides = array<i32>} : memref<32x128xf32, #tpu.memory_space<vmem>>, vector<16xf32>,
            tpu.vector_store %arg11[%swap3A_926, %swap3A_927], %mul3A_924 {strides = array<i32>} : memref<32x128xf32, #tpu.memory_space<vmem>>, vector<16xf32>,
            %mul3A_929 = arith.mulf %max3A_518, %div3A_844 : vector<16xf32>
            %swap3A_930 = arith.constant 17 : i32
            %swap3A_931 = arith.index_cast %swap3A_930 : i32 to index
            %swap3A_932 = arith.index_cast %mul3A_93 : i32 to index
            %swap3A_933 = tpu.vector_load %arg11[%swap3A_931, %swap3A_932] {strides = array<i32>} : memref<32x128xf32, #tpu.memory_space<vmem>>, vector<16xf32>,
            tpu.vector_store %arg11[%swap3A_931, %swap3A_932], %mul3A_929 {strides = array<i32>} : memref<32x128xf32, #tpu.memory_space<vmem>>, vector<16xf32>,
            %mul3A_934 = arith.mulf %max3A_541, %div3A_844 : vector<16xf32>
            %swap3A_935 = arith.constant 18 : i32
            %swap3A_936 = arith.index_cast %swap3A_935 : i32 to index
            %swap3A_937 = arith.index_cast %mul3A_93 : i32 to index
            %swap3A_938 = tpu.vector_load %arg11[%swap3A_936, %swap3A_937] {strides = array<i32>} : memref<32x128xf32, #tpu.memory_space<vmem>>, vector<16xf32>,
            tpu.vector_store %arg11[%swap3A_936, %swap3A_937], %mul3A_934 {strides = array<i32>} : memref<32x128xf32, #tpu.memory_space<vmem>>, vector<16xf32>,
            %mul3A_939 = arith.mulf %max3A_564, %div3A_844 : vector<16xf32>
            %swap3A_940 = arith.constant 19 : i32
            %swap3A_941 = arith.index_cast %swap3A_940 : i32 to index
            %swap3A_942 = arith.index_cast %mul3A_93 : i32 to index
            %swap3A_943 = tpu.vector_load %arg11[%swap3A_941, %swap3A_942] {strides = array<i32>} : memref<32x128xf32, #tpu.memory_space<vmem>>, vector<16xf32>,
            tpu.vector_store %arg11[%swap3A_941, %swap3A_942], %mul3A_939 {strides = array<i32>} : memref<32x128xf32, #tpu.memory_space<vmem>>, vector<16xf32>,
            %mul3A_944 = arith.mulf %max3A_587, %div3A_844 : vector<16xf32>
            %swap3A_945 = arith.constant 20 : i32
            %swap3A_946 = arith.index_cast %swap3A_945 : i32 to index
            %swap3A_947 = arith.index_cast %mul3A_93 : i32 to index
            %swap3A_948 = tpu.vector_load %arg11[%swap3A_946, %swap3A_947] {strides = array<i32>} : memref<32x128xf32, #tpu.memory_space<vmem>>, vector<16xf32>,
            tpu.vector_store %arg11[%swap3A_946, %swap3A_947], %mul3A_944 {strides = array<i32>} : memref<32x128xf32, #tpu.memory_space<vmem>>, vector<16xf32>,
            %mul3A_949 = arith.mulf %max3A_610, %div3A_844 : vector<16xf32>
            %swap3A_950 = arith.constant 21 : i32
            %swap3A_951 = arith.index_cast %swap3A_950 : i32 to index
            %swap3A_952 = arith.index_cast %mul3A_93 : i32 to index
            %swap3A_953 = tpu.vector_load %arg11[%swap3A_951, %swap3A_952] {strides = array<i32>} : memref<32x128xf32, #tpu.memory_space<vmem>>, vector<16xf32>,
            tpu.vector_store %arg11[%swap3A_951, %swap3A_952], %mul3A_949 {strides = array<i32>} : memref<32x128xf32, #tpu.memory_space<vmem>>, vector<16xf32>,
            %mul3A_954 = arith.mulf %max3A_633, %div3A_844 : vector<16xf32>
            %swap3A_955 = arith.constant 22 : i32
            %swap3A_956 = arith.index_cast %swap3A_955 : i32 to index
            %swap3A_957 = arith.index_cast %mul3A_93 : i32 to index
            %swap3A_958 = tpu.vector_load %arg11[%swap3A_956, %swap3A_957] {strides = array<i32>} : memref<32x128xf32, #tpu.memory_space<vmem>>, vector<16xf32>,
            tpu.vector_store %arg11[%swap3A_956, %swap3A_957], %mul3A_954 {strides = array<i32>} : memref<32x128xf32, #tpu.memory_space<vmem>>, vector<16xf32>,
            %mul3A_959 = arith.mulf %max3A_656, %div3A_844 : vector<16xf32>
            %swap3A_960 = arith.constant 23 : i32
            %swap3A_961 = arith.index_cast %swap3A_960 : i32 to index
            %swap3A_962 = arith.index_cast %mul3A_93 : i32 to index
            %swap3A_963 = tpu.vector_load %arg11[%swap3A_961, %swap3A_962] {strides = array<i32>} : memref<32x128xf32, #tpu.memory_space<vmem>>, vector<16xf32>,
            tpu.vector_store %arg11[%swap3A_961, %swap3A_962], %mul3A_959 {strides = array<i32>} : memref<32x128xf32, #tpu.memory_space<vmem>>, vector<16xf32>,
            %mul3A_964 = arith.mulf %max3A_679, %div3A_844 : vector<16xf32>
            %swap3A_965 = arith.constant 24 : i32
            %swap3A_966 = arith.index_cast %swap3A_965 : i32 to index
            %swap3A_967 = arith.index_cast %mul3A_93 : i32 to index
            %swap3A_968 = tpu.vector_load %arg11[%swap3A_966, %swap3A_967] {strides = array<i32>} : memref<32x128xf32, #tpu.memory_space<vmem>>, vector<16xf32>,
            tpu.vector_store %arg11[%swap3A_966, %swap3A_967], %mul3A_964 {strides = array<i32>} : memref<32x128xf32, #tpu.memory_space<vmem>>, vector<16xf32>,
            %mul3A_969 = arith.mulf %max3A_702, %div3A_844 : vector<16xf32>
            %swap3A_970 = arith.constant 25 : i32
            %swap3A_971 = arith.index_cast %swap3A_970 : i32 to index
            %swap3A_972 = arith.index_cast %mul3A_93 : i32 to index
            %swap3A_973 = tpu.vector_load %arg11[%swap3A_971, %swap3A_972] {strides = array<i32>} : memref<32x128xf32, #tpu.memory_space<vmem>>, vector<16xf32>,
            tpu.vector_store %arg11[%swap3A_971, %swap3A_972], %mul3A_969 {strides = array<i32>} : memref<32x128xf32, #tpu.memory_space<vmem>>, vector<16xf32>,
            %mul3A_974 = arith.mulf %max3A_725, %div3A_844 : vector<16xf32>
            %swap3A_975 = arith.constant 26 : i32
            %swap3A_976 = arith.index_cast %swap3A_975 : i32 to index
            %swap3A_977 = arith.index_cast %mul3A_93 : i32 to index
            %swap3A_978 = tpu.vector_load %arg11[%swap3A_976, %swap3A_977] {strides = array<i32>} : memref<32x128xf32, #tpu.memory_space<vmem>>, vector<16xf32>,
            tpu.vector_store %arg11[%swap3A_976, %swap3A_977], %mul3A_974 {strides = array<i32>} : memref<32x128xf32, #tpu.memory_space<vmem>>, vector<16xf32>,
            %mul3A_979 = arith.mulf %max3A_748, %div3A_844 : vector<16xf32>
            %swap3A_980 = arith.constant 27 : i32
            %swap3A_981 = arith.index_cast %swap3A_980 : i32 to index
            %swap3A_982 = arith.index_cast %mul3A_93 : i32 to index
            %swap3A_983 = tpu.vector_load %arg11[%swap3A_981, %swap3A_982] {strides = array<i32>} : memref<32x128xf32, #tpu.memory_space<vmem>>, vector<16xf32>,
            tpu.vector_store %arg11[%swap3A_981, %swap3A_982], %mul3A_979 {strides = array<i32>} : memref<32x128xf32, #tpu.memory_space<vmem>>, vector<16xf32>,
            %mul3A_984 = arith.mulf %max3A_771, %div3A_844 : vector<16xf32>
            %swap3A_985 = arith.constant 28 : i32
            %swap3A_986 = arith.index_cast %swap3A_985 : i32 to index
            %swap3A_987 = arith.index_cast %mul3A_93 : i32 to index
            %swap3A_988 = tpu.vector_load %arg11[%swap3A_986, %swap3A_987] {strides = array<i32>} : memref<32x128xf32, #tpu.memory_space<vmem>>, vector<16xf32>,
            tpu.vector_store %arg11[%swap3A_986, %swap3A_987], %mul3A_984 {strides = array<i32>} : memref<32x128xf32, #tpu.memory_space<vmem>>, vector<16xf32>,
            %mul3A_989 = arith.mulf %max3A_794, %div3A_844 : vector<16xf32>
            %swap3A_990 = arith.constant 29 : i32
            %swap3A_991 = arith.index_cast %swap3A_990 : i32 to index
            %swap3A_992 = arith.index_cast %mul3A_93 : i32 to index
            %swap3A_993 = tpu.vector_load %arg11[%swap3A_991, %swap3A_992] {strides = array<i32>} : memref<32x128xf32, #tpu.memory_space<vmem>>, vector<16xf32>,
            tpu.vector_store %arg11[%swap3A_991, %swap3A_992], %mul3A_989 {strides = array<i32>} : memref<32x128xf32, #tpu.memory_space<vmem>>, vector<16xf32>,
            %mul3A_994 = arith.mulf %max3A_817, %div3A_844 : vector<16xf32>
            %swap3A_995 = arith.constant 30 : i32
            %swap3A_996 = arith.index_cast %swap3A_995 : i32 to index
            %swap3A_997 = arith.index_cast %mul3A_93 : i32 to index
            %swap3A_998 = tpu.vector_load %arg11[%swap3A_996, %swap3A_997] {strides = array<i32>} : memref<32x128xf32, #tpu.memory_space<vmem>>, vector<16xf32>,
            tpu.vector_store %arg11[%swap3A_996, %swap3A_997], %mul3A_994 {strides = array<i32>} : memref<32x128xf32, #tpu.memory_space<vmem>>, vector<16xf32>,
            %mul3A_999 = arith.mulf %max3A_840, %div3A_844 : vector<16xf32>
            %swap3A_1000 = arith.constant 31 : i32
            %swap3A_1001 = arith.index_cast %swap3A_1000 : i32 to index
            %swap3A_1002 = arith.index_cast %mul3A_93 : i32 to index
            %swap3A_1003 = tpu.vector_load %arg11[%swap3A_1001, %swap3A_1002] {strides = array<i32>} : memref<32x128xf32, #tpu.memory_space<vmem>>, vector<16xf32>,
            tpu.vector_store %arg11[%swap3A_1001, %swap3A_1002], %mul3A_999 {strides = array<i32>} : memref<32x128xf32, #tpu.memory_space<vmem>>, vector<16xf32>,
          }
          %scan3A_82 = arith.constant 8 : i32
          %mul3A_83 = arith.constant 32 : i32
          %mul3A_84 = arith.muli %mul3A_42, %mul3A_83 : i32
          %add3A_85 = arith.addi %add3A, %mul3A_84 : i32
          %mul3A_86 = arith.constant 128 : i32
          %mul3A_87 = arith.muli %add3A_85, %mul3A_86 : i32
          %multiple_of3A = tpu.assume_multiple %mul3A_87, 128 : i32
          %dma_start3A = arith.constant 0 : i32
          %dma_start3A_88 = tpu.memref_slice %arg6[%dma_start3A, %multiple_of3A] : memref<32x100000xf32, #tpu.memory_space<hbm>> -> memref<32x128xf32, #tpu.memory_space<hbm>>
          %dma_start3A_89 = arith.constant 0 : i32
          %dma_start3A_90 = tpu.memref_slice %arg6[%dma_start3A_89, %multiple_of3A] : memref<32x100000xf32, #tpu.memory_space<hbm>> -> memref<32x128xf32, #tpu.memory_space<hbm>>
          tpu.enqueue_dma source(%arg11 : memref<32x128xf32, #tpu.memory_space<vmem>>) target(%dma_start3A_90 : memref<32x128xf32, #tpu.memory_space<hbm>>) target_semaphore(%arg18 : memref<!tpu.dma_semaphore, #tpu.memory_space<semaphore_mem>>)
        } else {
        }
      } else {
      }
      %lt3A_48 = arith.cmpi slt, %add3A_44, %select_n3A : i32
      %convert_element_type3A_49 = arith.extui %lt3A_48 : i1 to i32
      %cond3A_50 = arith.constant 0 : i32
      %cond3A_51 = arith.cmpi ne, %convert_element_type3A_49, %cond3A_50 : i32
      scf.if %cond3A_51 {
        %add3A_52 = arith.constant 1 : i32
        %add3A_53 = arith.addi %add3A_44, %add3A_52 : i32
        %lt3A_54 = arith.cmpi slt, %add3A_53, %select_n3A : i32
        %convert_element_type3A_55 = arith.extui %lt3A_54 : i1 to i32
        %cond3A_56 = arith.constant 0 : i32
        %cond3A_57 = arith.cmpi ne, %convert_element_type3A_55, %cond3A_56 : i32
        scf.if %cond3A_57 {
          %add3A_83 = arith.constant 1 : i32
          %add3A_84 = arith.addi %add3A_44, %add3A_83 : i32
          %mul3A_85 = arith.constant 32 : i32
          %mul3A_86 = arith.muli %add3A_84, %mul3A_85 : i32
          %add3A_87 = arith.addi %add3A, %mul3A_86 : i32
          %mul3A_88 = arith.constant 128 : i32
          %mul3A_89 = arith.muli %add3A_87, %mul3A_88 : i32
          %multiple_of3A_90 = tpu.assume_multiple %mul3A_89, 128 : i32
          %dma_start3A_91 = arith.constant 0 : i32
          %dma_start3A_92 = tpu.memref_slice %arg4[%dma_start3A_91, %multiple_of3A_90] : memref<33x100000xi32, #tpu.memory_space<hbm>> -> memref<33x128xi32, #tpu.memory_space<hbm>>
          %dma_start3A_93 = arith.constant 0 : i32
          %dma_start3A_94 = tpu.memref_slice %arg4[%dma_start3A_93, %multiple_of3A_90] : memref<33x100000xi32, #tpu.memory_space<hbm>> -> memref<33x128xi32, #tpu.memory_space<hbm>>
          tpu.enqueue_dma source(%dma_start3A_94 : memref<33x128xi32, #tpu.memory_space<hbm>>) target(%arg9 : memref<33x128xi32, #tpu.memory_space<vmem>>) target_semaphore(%arg16 : memref<!tpu.dma_semaphore, #tpu.memory_space<semaphore_mem>>)
        } else {
        }
        %dma_wait3A = arith.constant 0 : i32
        %dma_wait3A_58 = arith.constant 0 : i32
        %dma_wait3A_59 = tpu.memref_slice %arg4[%dma_wait3A, %dma_wait3A_58] : memref<33x100000xi32, #tpu.memory_space<hbm>> -> memref<33x128xi32, #tpu.memory_space<hbm>>
        %dma_wait3A_60 = arith.constant 0 : i32
        %dma_wait3A_61 = arith.constant 0 : i32
        %dma_wait3A_62 = tpu.memref_slice %arg4[%dma_wait3A_60, %dma_wait3A_61] : memref<33x100000xi32, #tpu.memory_space<hbm>> -> memref<33x128xi32, #tpu.memory_space<hbm>>
        tpu.wait_dma2 semaphore(%arg17 : memref<!tpu.dma_semaphore, #tpu.memory_space<semaphore_mem>>) src(%dma_wait3A_62 : memref<33x128xi32, #tpu.memory_space<hbm>>) dst(%arg10 : memref<33x128xi32, #tpu.memory_space<vmem>>)
        %dma_wait3A_63 = arith.constant 0 : i32
        %dma_wait3A_64 = arith.constant 0 : i32
        %dma_wait3A_65 = tpu.memref_slice %arg6[%dma_wait3A_63, %dma_wait3A_64] : memref<32x100000xf32, #tpu.memory_space<hbm>> -> memref<32x128xf32, #tpu.memory_space<hbm>>
        %dma_wait3A_66 = arith.constant 0 : i32
        %dma_wait3A_67 = arith.constant 0 : i32
        %dma_wait3A_68 = tpu.memref_slice %arg6[%dma_wait3A_66, %dma_wait3A_67] : memref<32x100000xf32, #tpu.memory_space<hbm>> -> memref<32x128xf32, #tpu.memory_space<hbm>>
        tpu.wait_dma2 semaphore(%arg18 : memref<!tpu.dma_semaphore, #tpu.memory_space<semaphore_mem>>) src(%arg11 : memref<32x128xf32, #tpu.memory_space<vmem>>) dst(%dma_wait3A_68 : memref<32x128xf32, #tpu.memory_space<hbm>>)
        %scan3A_69 = arith.constant 0 : i32
        %scan3A_70 = arith.constant 0 : i32
        %scan3A_71 = arith.constant 8 : i32
        %scan3A_72 = arith.addi %scan3A_70, %scan3A_71 : i32
        %scan3A_73 = arith.constant 1 : i32
        scf.for %scan3A_83 = %scan3A_70 to %scan3A_72 step %scan3A_73  : i32 {
          %mul3A_84 = arith.constant 16 : i32
          %mul3A_85 = arith.muli %scan3A_83, %mul3A_84 : i32
          %get3A_86 = arith.constant 0 : i32
          %get3A_87 = arith.index_cast %get3A_86 : i32 to index
          %get3A_88 = arith.index_cast %mul3A_85 : i32 to index
          %get3A_89 = tpu.vector_load %arg10[%get3A_87, %get3A_88] {strides = array<i32>} : memref<33x128xi32, #tpu.memory_space<vmem>>, vector<16xi32>,
          %gather3A = tpu.vector_load_idx %arg8[%get3A_89] : memref<100000xi32, #tpu.memory_space<vmem>>[vector<16xi32>], vector<16xi32>,
          %shift_left3A = arith.constant 16 : i32
          %shift_left3A_90 = vector.broadcast %shift_left3A : i32 to vector<16xi32>
          %shift_left3A_91 = arith.shli %gather3A, %shift_left3A_90 : vector<16xi32>
          %shift_right_arithmetic3A = arith.constant 16 : i32
          %shift_right_arithmetic3A_92 = vector.broadcast %shift_right_arithmetic3A : i32 to vector<16xi32>
          %shift_right_arithmetic3A_93 = arith.shrsi %shift_left3A_91, %shift_right_arithmetic3A_92 : vector<16xi32>
          %shift_right_arithmetic3A_94 = arith.constant 16 : i32
          %shift_right_arithmetic3A_95 = vector.broadcast %shift_right_arithmetic3A_94 : i32 to vector<16xi32>
          %shift_right_arithmetic3A_96 = arith.shrsi %gather3A, %shift_right_arithmetic3A_95 : vector<16xi32>
          %convert_element_type3A_97 = arith.sitofp %shift_right_arithmetic3A_93 : vector<16xi32> to vector<16xf32>
          %convert_element_type3A_98 = arith.sitofp %shift_right_arithmetic3A_96 : vector<16xi32> to vector<16xf32>
          %get3A_99 = arith.constant 1 : i32
          %get3A_100 = arith.index_cast %get3A_99 : i32 to index
          %get3A_101 = arith.index_cast %mul3A_85 : i32 to index
          %get3A_102 = tpu.vector_load %arg10[%get3A_100, %get3A_101] {strides = array<i32>} : memref<33x128xi32, #tpu.memory_space<vmem>>, vector<16xi32>,
          %gather3A_103 = tpu.vector_load_idx %arg8[%get3A_102] : memref<100000xi32, #tpu.memory_space<vmem>>[vector<16xi32>], vector<16xi32>,
          %shift_left3A_104 = arith.constant 16 : i32
          %shift_left3A_105 = vector.broadcast %shift_left3A_104 : i32 to vector<16xi32>
          %shift_left3A_106 = arith.shli %gather3A_103, %shift_left3A_105 : vector<16xi32>
          %shift_right_arithmetic3A_107 = arith.constant 16 : i32
          %shift_right_arithmetic3A_108 = vector.broadcast %shift_right_arithmetic3A_107 : i32 to vector<16xi32>
          %shift_right_arithmetic3A_109 = arith.shrsi %shift_left3A_106, %shift_right_arithmetic3A_108 : vector<16xi32>
          %shift_right_arithmetic3A_110 = arith.constant 16 : i32
          %shift_right_arithmetic3A_111 = vector.broadcast %shift_right_arithmetic3A_110 : i32 to vector<16xi32>
          %shift_right_arithmetic3A_112 = arith.shrsi %gather3A_103, %shift_right_arithmetic3A_111 : vector<16xi32>
          %convert_element_type3A_113 = arith.sitofp %shift_right_arithmetic3A_109 : vector<16xi32> to vector<16xf32>
          %convert_element_type3A_114 = arith.sitofp %shift_right_arithmetic3A_112 : vector<16xi32> to vector<16xf32>
          %mul3A_115 = arith.mulf %convert_element_type3A_97, %convert_element_type3A_113 : vector<16xf32>
          %mul3A_116 = arith.mulf %convert_element_type3A_98, %convert_element_type3A_114 : vector<16xf32>
          %add3A_117 = arith.addf %mul3A_115, %mul3A_116 : vector<16xf32>
          %max3A = arith.constant 0.000000e+00 : f32
          %max3A_118 = vector.broadcast %max3A : f32 to vector<16xf32>
          %max3A_119 = arith.maximumf %add3A_117, %max3A_118 : vector<16xf32>
          %add3A_120 = arith.addf %get3A_25, %max3A_119 : vector<16xf32>
          %get3A_121 = arith.constant 2 : i32
          %get3A_122 = arith.index_cast %get3A_121 : i32 to index
          %get3A_123 = arith.index_cast %mul3A_85 : i32 to index
          %get3A_124 = tpu.vector_load %arg10[%get3A_122, %get3A_123] {strides = array<i32>} : memref<33x128xi32, #tpu.memory_space<vmem>>, vector<16xi32>,
          %gather3A_125 = tpu.vector_load_idx %arg8[%get3A_124] : memref<100000xi32, #tpu.memory_space<vmem>>[vector<16xi32>], vector<16xi32>,
          %shift_left3A_126 = arith.constant 16 : i32
          %shift_left3A_127 = vector.broadcast %shift_left3A_126 : i32 to vector<16xi32>
          %shift_left3A_128 = arith.shli %gather3A_125, %shift_left3A_127 : vector<16xi32>
          %shift_right_arithmetic3A_129 = arith.constant 16 : i32
          %shift_right_arithmetic3A_130 = vector.broadcast %shift_right_arithmetic3A_129 : i32 to vector<16xi32>
          %shift_right_arithmetic3A_131 = arith.shrsi %shift_left3A_128, %shift_right_arithmetic3A_130 : vector<16xi32>
          %shift_right_arithmetic3A_132 = arith.constant 16 : i32
          %shift_right_arithmetic3A_133 = vector.broadcast %shift_right_arithmetic3A_132 : i32 to vector<16xi32>
          %shift_right_arithmetic3A_134 = arith.shrsi %gather3A_125, %shift_right_arithmetic3A_133 : vector<16xi32>
          %convert_element_type3A_135 = arith.sitofp %shift_right_arithmetic3A_131 : vector<16xi32> to vector<16xf32>
          %convert_element_type3A_136 = arith.sitofp %shift_right_arithmetic3A_134 : vector<16xi32> to vector<16xf32>
          %mul3A_137 = arith.mulf %convert_element_type3A_97, %convert_element_type3A_135 : vector<16xf32>
          %mul3A_138 = arith.mulf %convert_element_type3A_98, %convert_element_type3A_136 : vector<16xf32>
          %add3A_139 = arith.addf %mul3A_137, %mul3A_138 : vector<16xf32>
          %max3A_140 = arith.constant 0.000000e+00 : f32
          %max3A_141 = vector.broadcast %max3A_140 : f32 to vector<16xf32>
          %max3A_142 = arith.maximumf %add3A_139, %max3A_141 : vector<16xf32>
          %add3A_143 = arith.addf %add3A_120, %max3A_142 : vector<16xf32>
          %get3A_144 = arith.constant 3 : i32
          %get3A_145 = arith.index_cast %get3A_144 : i32 to index
          %get3A_146 = arith.index_cast %mul3A_85 : i32 to index
          %get3A_147 = tpu.vector_load %arg10[%get3A_145, %get3A_146] {strides = array<i32>} : memref<33x128xi32, #tpu.memory_space<vmem>>, vector<16xi32>,
          %gather3A_148 = tpu.vector_load_idx %arg8[%get3A_147] : memref<100000xi32, #tpu.memory_space<vmem>>[vector<16xi32>], vector<16xi32>,
          %shift_left3A_149 = arith.constant 16 : i32
          %shift_left3A_150 = vector.broadcast %shift_left3A_149 : i32 to vector<16xi32>
          %shift_left3A_151 = arith.shli %gather3A_148, %shift_left3A_150 : vector<16xi32>
          %shift_right_arithmetic3A_152 = arith.constant 16 : i32
          %shift_right_arithmetic3A_153 = vector.broadcast %shift_right_arithmetic3A_152 : i32 to vector<16xi32>
          %shift_right_arithmetic3A_154 = arith.shrsi %shift_left3A_151, %shift_right_arithmetic3A_153 : vector<16xi32>
          %shift_right_arithmetic3A_155 = arith.constant 16 : i32
          %shift_right_arithmetic3A_156 = vector.broadcast %shift_right_arithmetic3A_155 : i32 to vector<16xi32>
          %shift_right_arithmetic3A_157 = arith.shrsi %gather3A_148, %shift_right_arithmetic3A_156 : vector<16xi32>
          %convert_element_type3A_158 = arith.sitofp %shift_right_arithmetic3A_154 : vector<16xi32> to vector<16xf32>
          %convert_element_type3A_159 = arith.sitofp %shift_right_arithmetic3A_157 : vector<16xi32> to vector<16xf32>
          %mul3A_160 = arith.mulf %convert_element_type3A_97, %convert_element_type3A_158 : vector<16xf32>
          %mul3A_161 = arith.mulf %convert_element_type3A_98, %convert_element_type3A_159 : vector<16xf32>
          %add3A_162 = arith.addf %mul3A_160, %mul3A_161 : vector<16xf32>
          %max3A_163 = arith.constant 0.000000e+00 : f32
          %max3A_164 = vector.broadcast %max3A_163 : f32 to vector<16xf32>
          %max3A_165 = arith.maximumf %add3A_162, %max3A_164 : vector<16xf32>
          %add3A_166 = arith.addf %add3A_143, %max3A_165 : vector<16xf32>
          %get3A_167 = arith.constant 4 : i32
          %get3A_168 = arith.index_cast %get3A_167 : i32 to index
          %get3A_169 = arith.index_cast %mul3A_85 : i32 to index
          %get3A_170 = tpu.vector_load %arg10[%get3A_168, %get3A_169] {strides = array<i32>} : memref<33x128xi32, #tpu.memory_space<vmem>>, vector<16xi32>,
          %gather3A_171 = tpu.vector_load_idx %arg8[%get3A_170] : memref<100000xi32, #tpu.memory_space<vmem>>[vector<16xi32>], vector<16xi32>,
          %shift_left3A_172 = arith.constant 16 : i32
          %shift_left3A_173 = vector.broadcast %shift_left3A_172 : i32 to vector<16xi32>
          %shift_left3A_174 = arith.shli %gather3A_171, %shift_left3A_173 : vector<16xi32>
          %shift_right_arithmetic3A_175 = arith.constant 16 : i32
          %shift_right_arithmetic3A_176 = vector.broadcast %shift_right_arithmetic3A_175 : i32 to vector<16xi32>
          %shift_right_arithmetic3A_177 = arith.shrsi %shift_left3A_174, %shift_right_arithmetic3A_176 : vector<16xi32>
          %shift_right_arithmetic3A_178 = arith.constant 16 : i32
          %shift_right_arithmetic3A_179 = vector.broadcast %shift_right_arithmetic3A_178 : i32 to vector<16xi32>
          %shift_right_arithmetic3A_180 = arith.shrsi %gather3A_171, %shift_right_arithmetic3A_179 : vector<16xi32>
          %convert_element_type3A_181 = arith.sitofp %shift_right_arithmetic3A_177 : vector<16xi32> to vector<16xf32>
          %convert_element_type3A_182 = arith.sitofp %shift_right_arithmetic3A_180 : vector<16xi32> to vector<16xf32>
          %mul3A_183 = arith.mulf %convert_element_type3A_97, %convert_element_type3A_181 : vector<16xf32>
          %mul3A_184 = arith.mulf %convert_element_type3A_98, %convert_element_type3A_182 : vector<16xf32>
          %add3A_185 = arith.addf %mul3A_183, %mul3A_184 : vector<16xf32>
          %max3A_186 = arith.constant 0.000000e+00 : f32
          %max3A_187 = vector.broadcast %max3A_186 : f32 to vector<16xf32>
          %max3A_188 = arith.maximumf %add3A_185, %max3A_187 : vector<16xf32>
          %add3A_189 = arith.addf %add3A_166, %max3A_188 : vector<16xf32>
          %get3A_190 = arith.constant 5 : i32
          %get3A_191 = arith.index_cast %get3A_190 : i32 to index
          %get3A_192 = arith.index_cast %mul3A_85 : i32 to index
          %get3A_193 = tpu.vector_load %arg10[%get3A_191, %get3A_192] {strides = array<i32>} : memref<33x128xi32, #tpu.memory_space<vmem>>, vector<16xi32>,
          %gather3A_194 = tpu.vector_load_idx %arg8[%get3A_193] : memref<100000xi32, #tpu.memory_space<vmem>>[vector<16xi32>], vector<16xi32>,
          %shift_left3A_195 = arith.constant 16 : i32
          %shift_left3A_196 = vector.broadcast %shift_left3A_195 : i32 to vector<16xi32>
          %shift_left3A_197 = arith.shli %gather3A_194, %shift_left3A_196 : vector<16xi32>
          %shift_right_arithmetic3A_198 = arith.constant 16 : i32
          %shift_right_arithmetic3A_199 = vector.broadcast %shift_right_arithmetic3A_198 : i32 to vector<16xi32>
          %shift_right_arithmetic3A_200 = arith.shrsi %shift_left3A_197, %shift_right_arithmetic3A_199 : vector<16xi32>
          %shift_right_arithmetic3A_201 = arith.constant 16 : i32
          %shift_right_arithmetic3A_202 = vector.broadcast %shift_right_arithmetic3A_201 : i32 to vector<16xi32>
          %shift_right_arithmetic3A_203 = arith.shrsi %gather3A_194, %shift_right_arithmetic3A_202 : vector<16xi32>
          %convert_element_type3A_204 = arith.sitofp %shift_right_arithmetic3A_200 : vector<16xi32> to vector<16xf32>
          %convert_element_type3A_205 = arith.sitofp %shift_right_arithmetic3A_203 : vector<16xi32> to vector<16xf32>
          %mul3A_206 = arith.mulf %convert_element_type3A_97, %convert_element_type3A_204 : vector<16xf32>
          %mul3A_207 = arith.mulf %convert_element_type3A_98, %convert_element_type3A_205 : vector<16xf32>
          %add3A_208 = arith.addf %mul3A_206, %mul3A_207 : vector<16xf32>
          %max3A_209 = arith.constant 0.000000e+00 : f32
          %max3A_210 = vector.broadcast %max3A_209 : f32 to vector<16xf32>
          %max3A_211 = arith.maximumf %add3A_208, %max3A_210 : vector<16xf32>
          %add3A_212 = arith.addf %add3A_189, %max3A_211 : vector<16xf32>
          %get3A_213 = arith.constant 6 : i32
          %get3A_214 = arith.index_cast %get3A_213 : i32 to index
          %get3A_215 = arith.index_cast %mul3A_85 : i32 to index
          %get3A_216 = tpu.vector_load %arg10[%get3A_214, %get3A_215] {strides = array<i32>} : memref<33x128xi32, #tpu.memory_space<vmem>>, vector<16xi32>,
          %gather3A_217 = tpu.vector_load_idx %arg8[%get3A_216] : memref<100000xi32, #tpu.memory_space<vmem>>[vector<16xi32>], vector<16xi32>,
          %shift_left3A_218 = arith.constant 16 : i32
          %shift_left3A_219 = vector.broadcast %shift_left3A_218 : i32 to vector<16xi32>
          %shift_left3A_220 = arith.shli %gather3A_217, %shift_left3A_219 : vector<16xi32>
          %shift_right_arithmetic3A_221 = arith.constant 16 : i32
          %shift_right_arithmetic3A_222 = vector.broadcast %shift_right_arithmetic3A_221 : i32 to vector<16xi32>
          %shift_right_arithmetic3A_223 = arith.shrsi %shift_left3A_220, %shift_right_arithmetic3A_222 : vector<16xi32>
          %shift_right_arithmetic3A_224 = arith.constant 16 : i32
          %shift_right_arithmetic3A_225 = vector.broadcast %shift_right_arithmetic3A_224 : i32 to vector<16xi32>
          %shift_right_arithmetic3A_226 = arith.shrsi %gather3A_217, %shift_right_arithmetic3A_225 : vector<16xi32>
          %convert_element_type3A_227 = arith.sitofp %shift_right_arithmetic3A_223 : vector<16xi32> to vector<16xf32>
          %convert_element_type3A_228 = arith.sitofp %shift_right_arithmetic3A_226 : vector<16xi32> to vector<16xf32>
          %mul3A_229 = arith.mulf %convert_element_type3A_97, %convert_element_type3A_227 : vector<16xf32>
          %mul3A_230 = arith.mulf %convert_element_type3A_98, %convert_element_type3A_228 : vector<16xf32>
          %add3A_231 = arith.addf %mul3A_229, %mul3A_230 : vector<16xf32>
          %max3A_232 = arith.constant 0.000000e+00 : f32
          %max3A_233 = vector.broadcast %max3A_232 : f32 to vector<16xf32>
          %max3A_234 = arith.maximumf %add3A_231, %max3A_233 : vector<16xf32>
          %add3A_235 = arith.addf %add3A_212, %max3A_234 : vector<16xf32>
          %get3A_236 = arith.constant 7 : i32
          %get3A_237 = arith.index_cast %get3A_236 : i32 to index
          %get3A_238 = arith.index_cast %mul3A_85 : i32 to index
          %get3A_239 = tpu.vector_load %arg10[%get3A_237, %get3A_238] {strides = array<i32>} : memref<33x128xi32, #tpu.memory_space<vmem>>, vector<16xi32>,
          %gather3A_240 = tpu.vector_load_idx %arg8[%get3A_239] : memref<100000xi32, #tpu.memory_space<vmem>>[vector<16xi32>], vector<16xi32>,
          %shift_left3A_241 = arith.constant 16 : i32
          %shift_left3A_242 = vector.broadcast %shift_left3A_241 : i32 to vector<16xi32>
          %shift_left3A_243 = arith.shli %gather3A_240, %shift_left3A_242 : vector<16xi32>
          %shift_right_arithmetic3A_244 = arith.constant 16 : i32
          %shift_right_arithmetic3A_245 = vector.broadcast %shift_right_arithmetic3A_244 : i32 to vector<16xi32>
          %shift_right_arithmetic3A_246 = arith.shrsi %shift_left3A_243, %shift_right_arithmetic3A_245 : vector<16xi32>
          %shift_right_arithmetic3A_247 = arith.constant 16 : i32
          %shift_right_arithmetic3A_248 = vector.broadcast %shift_right_arithmetic3A_247 : i32 to vector<16xi32>
          %shift_right_arithmetic3A_249 = arith.shrsi %gather3A_240, %shift_right_arithmetic3A_248 : vector<16xi32>
          %convert_element_type3A_250 = arith.sitofp %shift_right_arithmetic3A_246 : vector<16xi32> to vector<16xf32>
          %convert_element_type3A_251 = arith.sitofp %shift_right_arithmetic3A_249 : vector<16xi32> to vector<16xf32>
          %mul3A_252 = arith.mulf %convert_element_type3A_97, %convert_element_type3A_250 : vector<16xf32>
          %mul3A_253 = arith.mulf %convert_element_type3A_98, %convert_element_type3A_251 : vector<16xf32>
          %add3A_254 = arith.addf %mul3A_252, %mul3A_253 : vector<16xf32>
          %max3A_255 = arith.constant 0.000000e+00 : f32
          %max3A_256 = vector.broadcast %max3A_255 : f32 to vector<16xf32>
          %max3A_257 = arith.maximumf %add3A_254, %max3A_256 : vector<16xf32>
          %add3A_258 = arith.addf %add3A_235, %max3A_257 : vector<16xf32>
          %get3A_259 = arith.constant 8 : i32
          %get3A_260 = arith.index_cast %get3A_259 : i32 to index
          %get3A_261 = arith.index_cast %mul3A_85 : i32 to index
          %get3A_262 = tpu.vector_load %arg10[%get3A_260, %get3A_261] {strides = array<i32>} : memref<33x128xi32, #tpu.memory_space<vmem>>, vector<16xi32>,
          %gather3A_263 = tpu.vector_load_idx %arg8[%get3A_262] : memref<100000xi32, #tpu.memory_space<vmem>>[vector<16xi32>], vector<16xi32>,
          %shift_left3A_264 = arith.constant 16 : i32
          %shift_left3A_265 = vector.broadcast %shift_left3A_264 : i32 to vector<16xi32>
          %shift_left3A_266 = arith.shli %gather3A_263, %shift_left3A_265 : vector<16xi32>
          %shift_right_arithmetic3A_267 = arith.constant 16 : i32
          %shift_right_arithmetic3A_268 = vector.broadcast %shift_right_arithmetic3A_267 : i32 to vector<16xi32>
          %shift_right_arithmetic3A_269 = arith.shrsi %shift_left3A_266, %shift_right_arithmetic3A_268 : vector<16xi32>
          %shift_right_arithmetic3A_270 = arith.constant 16 : i32
          %shift_right_arithmetic3A_271 = vector.broadcast %shift_right_arithmetic3A_270 : i32 to vector<16xi32>
          %shift_right_arithmetic3A_272 = arith.shrsi %gather3A_263, %shift_right_arithmetic3A_271 : vector<16xi32>
          %convert_element_type3A_273 = arith.sitofp %shift_right_arithmetic3A_269 : vector<16xi32> to vector<16xf32>
          %convert_element_type3A_274 = arith.sitofp %shift_right_arithmetic3A_272 : vector<16xi32> to vector<16xf32>
          %mul3A_275 = arith.mulf %convert_element_type3A_97, %convert_element_type3A_273 : vector<16xf32>
          %mul3A_276 = arith.mulf %convert_element_type3A_98, %convert_element_type3A_274 : vector<16xf32>
          %add3A_277 = arith.addf %mul3A_275, %mul3A_276 : vector<16xf32>
          %max3A_278 = arith.constant 0.000000e+00 : f32
          %max3A_279 = vector.broadcast %max3A_278 : f32 to vector<16xf32>
          %max3A_280 = arith.maximumf %add3A_277, %max3A_279 : vector<16xf32>
          %add3A_281 = arith.addf %add3A_258, %max3A_280 : vector<16xf32>
          %get3A_282 = arith.constant 9 : i32
          %get3A_283 = arith.index_cast %get3A_282 : i32 to index
          %get3A_284 = arith.index_cast %mul3A_85 : i32 to index
          %get3A_285 = tpu.vector_load %arg10[%get3A_283, %get3A_284] {strides = array<i32>} : memref<33x128xi32, #tpu.memory_space<vmem>>, vector<16xi32>,
          %gather3A_286 = tpu.vector_load_idx %arg8[%get3A_285] : memref<100000xi32, #tpu.memory_space<vmem>>[vector<16xi32>], vector<16xi32>,
          %shift_left3A_287 = arith.constant 16 : i32
          %shift_left3A_288 = vector.broadcast %shift_left3A_287 : i32 to vector<16xi32>
          %shift_left3A_289 = arith.shli %gather3A_286, %shift_left3A_288 : vector<16xi32>
          %shift_right_arithmetic3A_290 = arith.constant 16 : i32
          %shift_right_arithmetic3A_291 = vector.broadcast %shift_right_arithmetic3A_290 : i32 to vector<16xi32>
          %shift_right_arithmetic3A_292 = arith.shrsi %shift_left3A_289, %shift_right_arithmetic3A_291 : vector<16xi32>
          %shift_right_arithmetic3A_293 = arith.constant 16 : i32
          %shift_right_arithmetic3A_294 = vector.broadcast %shift_right_arithmetic3A_293 : i32 to vector<16xi32>
          %shift_right_arithmetic3A_295 = arith.shrsi %gather3A_286, %shift_right_arithmetic3A_294 : vector<16xi32>
          %convert_element_type3A_296 = arith.sitofp %shift_right_arithmetic3A_292 : vector<16xi32> to vector<16xf32>
          %convert_element_type3A_297 = arith.sitofp %shift_right_arithmetic3A_295 : vector<16xi32> to vector<16xf32>
          %mul3A_298 = arith.mulf %convert_element_type3A_97, %convert_element_type3A_296 : vector<16xf32>
          %mul3A_299 = arith.mulf %convert_element_type3A_98, %convert_element_type3A_297 : vector<16xf32>
          %add3A_300 = arith.addf %mul3A_298, %mul3A_299 : vector<16xf32>
          %max3A_301 = arith.constant 0.000000e+00 : f32
          %max3A_302 = vector.broadcast %max3A_301 : f32 to vector<16xf32>
          %max3A_303 = arith.maximumf %add3A_300, %max3A_302 : vector<16xf32>
          %add3A_304 = arith.addf %add3A_281, %max3A_303 : vector<16xf32>
          %get3A_305 = arith.constant 10 : i32
          %get3A_306 = arith.index_cast %get3A_305 : i32 to index
          %get3A_307 = arith.index_cast %mul3A_85 : i32 to index
          %get3A_308 = tpu.vector_load %arg10[%get3A_306, %get3A_307] {strides = array<i32>} : memref<33x128xi32, #tpu.memory_space<vmem>>, vector<16xi32>,
          %gather3A_309 = tpu.vector_load_idx %arg8[%get3A_308] : memref<100000xi32, #tpu.memory_space<vmem>>[vector<16xi32>], vector<16xi32>,
          %shift_left3A_310 = arith.constant 16 : i32
          %shift_left3A_311 = vector.broadcast %shift_left3A_310 : i32 to vector<16xi32>
          %shift_left3A_312 = arith.shli %gather3A_309, %shift_left3A_311 : vector<16xi32>
          %shift_right_arithmetic3A_313 = arith.constant 16 : i32
          %shift_right_arithmetic3A_314 = vector.broadcast %shift_right_arithmetic3A_313 : i32 to vector<16xi32>
          %shift_right_arithmetic3A_315 = arith.shrsi %shift_left3A_312, %shift_right_arithmetic3A_314 : vector<16xi32>
          %shift_right_arithmetic3A_316 = arith.constant 16 : i32
          %shift_right_arithmetic3A_317 = vector.broadcast %shift_right_arithmetic3A_316 : i32 to vector<16xi32>
          %shift_right_arithmetic3A_318 = arith.shrsi %gather3A_309, %shift_right_arithmetic3A_317 : vector<16xi32>
          %convert_element_type3A_319 = arith.sitofp %shift_right_arithmetic3A_315 : vector<16xi32> to vector<16xf32>
          %convert_element_type3A_320 = arith.sitofp %shift_right_arithmetic3A_318 : vector<16xi32> to vector<16xf32>
          %mul3A_321 = arith.mulf %convert_element_type3A_97, %convert_element_type3A_319 : vector<16xf32>
          %mul3A_322 = arith.mulf %convert_element_type3A_98, %convert_element_type3A_320 : vector<16xf32>
          %add3A_323 = arith.addf %mul3A_321, %mul3A_322 : vector<16xf32>
          %max3A_324 = arith.constant 0.000000e+00 : f32
          %max3A_325 = vector.broadcast %max3A_324 : f32 to vector<16xf32>
          %max3A_326 = arith.maximumf %add3A_323, %max3A_325 : vector<16xf32>
          %add3A_327 = arith.addf %add3A_304, %max3A_326 : vector<16xf32>
          %get3A_328 = arith.constant 11 : i32
          %get3A_329 = arith.index_cast %get3A_328 : i32 to index
          %get3A_330 = arith.index_cast %mul3A_85 : i32 to index
          %get3A_331 = tpu.vector_load %arg10[%get3A_329, %get3A_330] {strides = array<i32>} : memref<33x128xi32, #tpu.memory_space<vmem>>, vector<16xi32>,
          %gather3A_332 = tpu.vector_load_idx %arg8[%get3A_331] : memref<100000xi32, #tpu.memory_space<vmem>>[vector<16xi32>], vector<16xi32>,
          %shift_left3A_333 = arith.constant 16 : i32
          %shift_left3A_334 = vector.broadcast %shift_left3A_333 : i32 to vector<16xi32>
          %shift_left3A_335 = arith.shli %gather3A_332, %shift_left3A_334 : vector<16xi32>
          %shift_right_arithmetic3A_336 = arith.constant 16 : i32
          %shift_right_arithmetic3A_337 = vector.broadcast %shift_right_arithmetic3A_336 : i32 to vector<16xi32>
          %shift_right_arithmetic3A_338 = arith.shrsi %shift_left3A_335, %shift_right_arithmetic3A_337 : vector<16xi32>
          %shift_right_arithmetic3A_339 = arith.constant 16 : i32
          %shift_right_arithmetic3A_340 = vector.broadcast %shift_right_arithmetic3A_339 : i32 to vector<16xi32>
          %shift_right_arithmetic3A_341 = arith.shrsi %gather3A_332, %shift_right_arithmetic3A_340 : vector<16xi32>
          %convert_element_type3A_342 = arith.sitofp %shift_right_arithmetic3A_338 : vector<16xi32> to vector<16xf32>
          %convert_element_type3A_343 = arith.sitofp %shift_right_arithmetic3A_341 : vector<16xi32> to vector<16xf32>
          %mul3A_344 = arith.mulf %convert_element_type3A_97, %convert_element_type3A_342 : vector<16xf32>
          %mul3A_345 = arith.mulf %convert_element_type3A_98, %convert_element_type3A_343 : vector<16xf32>
          %add3A_346 = arith.addf %mul3A_344, %mul3A_345 : vector<16xf32>
          %max3A_347 = arith.constant 0.000000e+00 : f32
          %max3A_348 = vector.broadcast %max3A_347 : f32 to vector<16xf32>
          %max3A_349 = arith.maximumf %add3A_346, %max3A_348 : vector<16xf32>
          %add3A_350 = arith.addf %add3A_327, %max3A_349 : vector<16xf32>
          %get3A_351 = arith.constant 12 : i32
          %get3A_352 = arith.index_cast %get3A_351 : i32 to index
          %get3A_353 = arith.index_cast %mul3A_85 : i32 to index
          %get3A_354 = tpu.vector_load %arg10[%get3A_352, %get3A_353] {strides = array<i32>} : memref<33x128xi32, #tpu.memory_space<vmem>>, vector<16xi32>,
          %gather3A_355 = tpu.vector_load_idx %arg8[%get3A_354] : memref<100000xi32, #tpu.memory_space<vmem>>[vector<16xi32>], vector<16xi32>,
          %shift_left3A_356 = arith.constant 16 : i32
          %shift_left3A_357 = vector.broadcast %shift_left3A_356 : i32 to vector<16xi32>
          %shift_left3A_358 = arith.shli %gather3A_355, %shift_left3A_357 : vector<16xi32>
          %shift_right_arithmetic3A_359 = arith.constant 16 : i32
          %shift_right_arithmetic3A_360 = vector.broadcast %shift_right_arithmetic3A_359 : i32 to vector<16xi32>
          %shift_right_arithmetic3A_361 = arith.shrsi %shift_left3A_358, %shift_right_arithmetic3A_360 : vector<16xi32>
          %shift_right_arithmetic3A_362 = arith.constant 16 : i32
          %shift_right_arithmetic3A_363 = vector.broadcast %shift_right_arithmetic3A_362 : i32 to vector<16xi32>
          %shift_right_arithmetic3A_364 = arith.shrsi %gather3A_355, %shift_right_arithmetic3A_363 : vector<16xi32>
          %convert_element_type3A_365 = arith.sitofp %shift_right_arithmetic3A_361 : vector<16xi32> to vector<16xf32>
          %convert_element_type3A_366 = arith.sitofp %shift_right_arithmetic3A_364 : vector<16xi32> to vector<16xf32>
          %mul3A_367 = arith.mulf %convert_element_type3A_97, %convert_element_type3A_365 : vector<16xf32>
          %mul3A_368 = arith.mulf %convert_element_type3A_98, %convert_element_type3A_366 : vector<16xf32>
          %add3A_369 = arith.addf %mul3A_367, %mul3A_368 : vector<16xf32>
          %max3A_370 = arith.constant 0.000000e+00 : f32
          %max3A_371 = vector.broadcast %max3A_370 : f32 to vector<16xf32>
          %max3A_372 = arith.maximumf %add3A_369, %max3A_371 : vector<16xf32>
          %add3A_373 = arith.addf %add3A_350, %max3A_372 : vector<16xf32>
          %get3A_374 = arith.constant 13 : i32
          %get3A_375 = arith.index_cast %get3A_374 : i32 to index
          %get3A_376 = arith.index_cast %mul3A_85 : i32 to index
          %get3A_377 = tpu.vector_load %arg10[%get3A_375, %get3A_376] {strides = array<i32>} : memref<33x128xi32, #tpu.memory_space<vmem>>, vector<16xi32>,
          %gather3A_378 = tpu.vector_load_idx %arg8[%get3A_377] : memref<100000xi32, #tpu.memory_space<vmem>>[vector<16xi32>], vector<16xi32>,
          %shift_left3A_379 = arith.constant 16 : i32
          %shift_left3A_380 = vector.broadcast %shift_left3A_379 : i32 to vector<16xi32>
          %shift_left3A_381 = arith.shli %gather3A_378, %shift_left3A_380 : vector<16xi32>
          %shift_right_arithmetic3A_382 = arith.constant 16 : i32
          %shift_right_arithmetic3A_383 = vector.broadcast %shift_right_arithmetic3A_382 : i32 to vector<16xi32>
          %shift_right_arithmetic3A_384 = arith.shrsi %shift_left3A_381, %shift_right_arithmetic3A_383 : vector<16xi32>
          %shift_right_arithmetic3A_385 = arith.constant 16 : i32
          %shift_right_arithmetic3A_386 = vector.broadcast %shift_right_arithmetic3A_385 : i32 to vector<16xi32>
          %shift_right_arithmetic3A_387 = arith.shrsi %gather3A_378, %shift_right_arithmetic3A_386 : vector<16xi32>
          %convert_element_type3A_388 = arith.sitofp %shift_right_arithmetic3A_384 : vector<16xi32> to vector<16xf32>
          %convert_element_type3A_389 = arith.sitofp %shift_right_arithmetic3A_387 : vector<16xi32> to vector<16xf32>
          %mul3A_390 = arith.mulf %convert_element_type3A_97, %convert_element_type3A_388 : vector<16xf32>
          %mul3A_391 = arith.mulf %convert_element_type3A_98, %convert_element_type3A_389 : vector<16xf32>
          %add3A_392 = arith.addf %mul3A_390, %mul3A_391 : vector<16xf32>
          %max3A_393 = arith.constant 0.000000e+00 : f32
          %max3A_394 = vector.broadcast %max3A_393 : f32 to vector<16xf32>
          %max3A_395 = arith.maximumf %add3A_392, %max3A_394 : vector<16xf32>
          %add3A_396 = arith.addf %add3A_373, %max3A_395 : vector<16xf32>
          %get3A_397 = arith.constant 14 : i32
          %get3A_398 = arith.index_cast %get3A_397 : i32 to index
          %get3A_399 = arith.index_cast %mul3A_85 : i32 to index
          %get3A_400 = tpu.vector_load %arg10[%get3A_398, %get3A_399] {strides = array<i32>} : memref<33x128xi32, #tpu.memory_space<vmem>>, vector<16xi32>,
          %gather3A_401 = tpu.vector_load_idx %arg8[%get3A_400] : memref<100000xi32, #tpu.memory_space<vmem>>[vector<16xi32>], vector<16xi32>,
          %shift_left3A_402 = arith.constant 16 : i32
          %shift_left3A_403 = vector.broadcast %shift_left3A_402 : i32 to vector<16xi32>
          %shift_left3A_404 = arith.shli %gather3A_401, %shift_left3A_403 : vector<16xi32>
          %shift_right_arithmetic3A_405 = arith.constant 16 : i32
          %shift_right_arithmetic3A_406 = vector.broadcast %shift_right_arithmetic3A_405 : i32 to vector<16xi32>
          %shift_right_arithmetic3A_407 = arith.shrsi %shift_left3A_404, %shift_right_arithmetic3A_406 : vector<16xi32>
          %shift_right_arithmetic3A_408 = arith.constant 16 : i32
          %shift_right_arithmetic3A_409 = vector.broadcast %shift_right_arithmetic3A_408 : i32 to vector<16xi32>
          %shift_right_arithmetic3A_410 = arith.shrsi %gather3A_401, %shift_right_arithmetic3A_409 : vector<16xi32>
          %convert_element_type3A_411 = arith.sitofp %shift_right_arithmetic3A_407 : vector<16xi32> to vector<16xf32>
          %convert_element_type3A_412 = arith.sitofp %shift_right_arithmetic3A_410 : vector<16xi32> to vector<16xf32>
          %mul3A_413 = arith.mulf %convert_element_type3A_97, %convert_element_type3A_411 : vector<16xf32>
          %mul3A_414 = arith.mulf %convert_element_type3A_98, %convert_element_type3A_412 : vector<16xf32>
          %add3A_415 = arith.addf %mul3A_413, %mul3A_414 : vector<16xf32>
          %max3A_416 = arith.constant 0.000000e+00 : f32
          %max3A_417 = vector.broadcast %max3A_416 : f32 to vector<16xf32>
          %max3A_418 = arith.maximumf %add3A_415, %max3A_417 : vector<16xf32>
          %add3A_419 = arith.addf %add3A_396, %max3A_418 : vector<16xf32>
          %get3A_420 = arith.constant 15 : i32
          %get3A_421 = arith.index_cast %get3A_420 : i32 to index
          %get3A_422 = arith.index_cast %mul3A_85 : i32 to index
          %get3A_423 = tpu.vector_load %arg10[%get3A_421, %get3A_422] {strides = array<i32>} : memref<33x128xi32, #tpu.memory_space<vmem>>, vector<16xi32>,
          %gather3A_424 = tpu.vector_load_idx %arg8[%get3A_423] : memref<100000xi32, #tpu.memory_space<vmem>>[vector<16xi32>], vector<16xi32>,
          %shift_left3A_425 = arith.constant 16 : i32
          %shift_left3A_426 = vector.broadcast %shift_left3A_425 : i32 to vector<16xi32>
          %shift_left3A_427 = arith.shli %gather3A_424, %shift_left3A_426 : vector<16xi32>
          %shift_right_arithmetic3A_428 = arith.constant 16 : i32
          %shift_right_arithmetic3A_429 = vector.broadcast %shift_right_arithmetic3A_428 : i32 to vector<16xi32>
          %shift_right_arithmetic3A_430 = arith.shrsi %shift_left3A_427, %shift_right_arithmetic3A_429 : vector<16xi32>
          %shift_right_arithmetic3A_431 = arith.constant 16 : i32
          %shift_right_arithmetic3A_432 = vector.broadcast %shift_right_arithmetic3A_431 : i32 to vector<16xi32>
          %shift_right_arithmetic3A_433 = arith.shrsi %gather3A_424, %shift_right_arithmetic3A_432 : vector<16xi32>
          %convert_element_type3A_434 = arith.sitofp %shift_right_arithmetic3A_430 : vector<16xi32> to vector<16xf32>
          %convert_element_type3A_435 = arith.sitofp %shift_right_arithmetic3A_433 : vector<16xi32> to vector<16xf32>
          %mul3A_436 = arith.mulf %convert_element_type3A_97, %convert_element_type3A_434 : vector<16xf32>
          %mul3A_437 = arith.mulf %convert_element_type3A_98, %convert_element_type3A_435 : vector<16xf32>
          %add3A_438 = arith.addf %mul3A_436, %mul3A_437 : vector<16xf32>
          %max3A_439 = arith.constant 0.000000e+00 : f32
          %max3A_440 = vector.broadcast %max3A_439 : f32 to vector<16xf32>
          %max3A_441 = arith.maximumf %add3A_438, %max3A_440 : vector<16xf32>
          %add3A_442 = arith.addf %add3A_419, %max3A_441 : vector<16xf32>
          %get3A_443 = arith.constant 16 : i32
          %get3A_444 = arith.index_cast %get3A_443 : i32 to index
          %get3A_445 = arith.index_cast %mul3A_85 : i32 to index
          %get3A_446 = tpu.vector_load %arg10[%get3A_444, %get3A_445] {strides = array<i32>} : memref<33x128xi32, #tpu.memory_space<vmem>>, vector<16xi32>,
          %gather3A_447 = tpu.vector_load_idx %arg8[%get3A_446] : memref<100000xi32, #tpu.memory_space<vmem>>[vector<16xi32>], vector<16xi32>,
          %shift_left3A_448 = arith.constant 16 : i32
          %shift_left3A_449 = vector.broadcast %shift_left3A_448 : i32 to vector<16xi32>
          %shift_left3A_450 = arith.shli %gather3A_447, %shift_left3A_449 : vector<16xi32>
          %shift_right_arithmetic3A_451 = arith.constant 16 : i32
          %shift_right_arithmetic3A_452 = vector.broadcast %shift_right_arithmetic3A_451 : i32 to vector<16xi32>
          %shift_right_arithmetic3A_453 = arith.shrsi %shift_left3A_450, %shift_right_arithmetic3A_452 : vector<16xi32>
          %shift_right_arithmetic3A_454 = arith.constant 16 : i32
          %shift_right_arithmetic3A_455 = vector.broadcast %shift_right_arithmetic3A_454 : i32 to vector<16xi32>
          %shift_right_arithmetic3A_456 = arith.shrsi %gather3A_447, %shift_right_arithmetic3A_455 : vector<16xi32>
          %convert_element_type3A_457 = arith.sitofp %shift_right_arithmetic3A_453 : vector<16xi32> to vector<16xf32>
          %convert_element_type3A_458 = arith.sitofp %shift_right_arithmetic3A_456 : vector<16xi32> to vector<16xf32>
          %mul3A_459 = arith.mulf %convert_element_type3A_97, %convert_element_type3A_457 : vector<16xf32>
          %mul3A_460 = arith.mulf %convert_element_type3A_98, %convert_element_type3A_458 : vector<16xf32>
          %add3A_461 = arith.addf %mul3A_459, %mul3A_460 : vector<16xf32>
          %max3A_462 = arith.constant 0.000000e+00 : f32
          %max3A_463 = vector.broadcast %max3A_462 : f32 to vector<16xf32>
          %max3A_464 = arith.maximumf %add3A_461, %max3A_463 : vector<16xf32>
          %add3A_465 = arith.addf %add3A_442, %max3A_464 : vector<16xf32>
          %get3A_466 = arith.constant 17 : i32
          %get3A_467 = arith.index_cast %get3A_466 : i32 to index
          %get3A_468 = arith.index_cast %mul3A_85 : i32 to index
          %get3A_469 = tpu.vector_load %arg10[%get3A_467, %get3A_468] {strides = array<i32>} : memref<33x128xi32, #tpu.memory_space<vmem>>, vector<16xi32>,
          %gather3A_470 = tpu.vector_load_idx %arg8[%get3A_469] : memref<100000xi32, #tpu.memory_space<vmem>>[vector<16xi32>], vector<16xi32>,
          %shift_left3A_471 = arith.constant 16 : i32
          %shift_left3A_472 = vector.broadcast %shift_left3A_471 : i32 to vector<16xi32>
          %shift_left3A_473 = arith.shli %gather3A_470, %shift_left3A_472 : vector<16xi32>
          %shift_right_arithmetic3A_474 = arith.constant 16 : i32
          %shift_right_arithmetic3A_475 = vector.broadcast %shift_right_arithmetic3A_474 : i32 to vector<16xi32>
          %shift_right_arithmetic3A_476 = arith.shrsi %shift_left3A_473, %shift_right_arithmetic3A_475 : vector<16xi32>
          %shift_right_arithmetic3A_477 = arith.constant 16 : i32
          %shift_right_arithmetic3A_478 = vector.broadcast %shift_right_arithmetic3A_477 : i32 to vector<16xi32>
          %shift_right_arithmetic3A_479 = arith.shrsi %gather3A_470, %shift_right_arithmetic3A_478 : vector<16xi32>
          %convert_element_type3A_480 = arith.sitofp %shift_right_arithmetic3A_476 : vector<16xi32> to vector<16xf32>
          %convert_element_type3A_481 = arith.sitofp %shift_right_arithmetic3A_479 : vector<16xi32> to vector<16xf32>
          %mul3A_482 = arith.mulf %convert_element_type3A_97, %convert_element_type3A_480 : vector<16xf32>
          %mul3A_483 = arith.mulf %convert_element_type3A_98, %convert_element_type3A_481 : vector<16xf32>
          %add3A_484 = arith.addf %mul3A_482, %mul3A_483 : vector<16xf32>
          %max3A_485 = arith.constant 0.000000e+00 : f32
          %max3A_486 = vector.broadcast %max3A_485 : f32 to vector<16xf32>
          %max3A_487 = arith.maximumf %add3A_484, %max3A_486 : vector<16xf32>
          %add3A_488 = arith.addf %add3A_465, %max3A_487 : vector<16xf32>
          %get3A_489 = arith.constant 18 : i32
          %get3A_490 = arith.index_cast %get3A_489 : i32 to index
          %get3A_491 = arith.index_cast %mul3A_85 : i32 to index
          %get3A_492 = tpu.vector_load %arg10[%get3A_490, %get3A_491] {strides = array<i32>} : memref<33x128xi32, #tpu.memory_space<vmem>>, vector<16xi32>,
          %gather3A_493 = tpu.vector_load_idx %arg8[%get3A_492] : memref<100000xi32, #tpu.memory_space<vmem>>[vector<16xi32>], vector<16xi32>,
          %shift_left3A_494 = arith.constant 16 : i32
          %shift_left3A_495 = vector.broadcast %shift_left3A_494 : i32 to vector<16xi32>
          %shift_left3A_496 = arith.shli %gather3A_493, %shift_left3A_495 : vector<16xi32>
          %shift_right_arithmetic3A_497 = arith.constant 16 : i32
          %shift_right_arithmetic3A_498 = vector.broadcast %shift_right_arithmetic3A_497 : i32 to vector<16xi32>
          %shift_right_arithmetic3A_499 = arith.shrsi %shift_left3A_496, %shift_right_arithmetic3A_498 : vector<16xi32>
          %shift_right_arithmetic3A_500 = arith.constant 16 : i32
          %shift_right_arithmetic3A_501 = vector.broadcast %shift_right_arithmetic3A_500 : i32 to vector<16xi32>
          %shift_right_arithmetic3A_502 = arith.shrsi %gather3A_493, %shift_right_arithmetic3A_501 : vector<16xi32>
          %convert_element_type3A_503 = arith.sitofp %shift_right_arithmetic3A_499 : vector<16xi32> to vector<16xf32>
          %convert_element_type3A_504 = arith.sitofp %shift_right_arithmetic3A_502 : vector<16xi32> to vector<16xf32>
          %mul3A_505 = arith.mulf %convert_element_type3A_97, %convert_element_type3A_503 : vector<16xf32>
          %mul3A_506 = arith.mulf %convert_element_type3A_98, %convert_element_type3A_504 : vector<16xf32>
          %add3A_507 = arith.addf %mul3A_505, %mul3A_506 : vector<16xf32>
          %max3A_508 = arith.constant 0.000000e+00 : f32
          %max3A_509 = vector.broadcast %max3A_508 : f32 to vector<16xf32>
          %max3A_510 = arith.maximumf %add3A_507, %max3A_509 : vector<16xf32>
          %add3A_511 = arith.addf %add3A_488, %max3A_510 : vector<16xf32>
          %get3A_512 = arith.constant 19 : i32
          %get3A_513 = arith.index_cast %get3A_512 : i32 to index
          %get3A_514 = arith.index_cast %mul3A_85 : i32 to index
          %get3A_515 = tpu.vector_load %arg10[%get3A_513, %get3A_514] {strides = array<i32>} : memref<33x128xi32, #tpu.memory_space<vmem>>, vector<16xi32>,
          %gather3A_516 = tpu.vector_load_idx %arg8[%get3A_515] : memref<100000xi32, #tpu.memory_space<vmem>>[vector<16xi32>], vector<16xi32>,
          %shift_left3A_517 = arith.constant 16 : i32
          %shift_left3A_518 = vector.broadcast %shift_left3A_517 : i32 to vector<16xi32>
          %shift_left3A_519 = arith.shli %gather3A_516, %shift_left3A_518 : vector<16xi32>
          %shift_right_arithmetic3A_520 = arith.constant 16 : i32
          %shift_right_arithmetic3A_521 = vector.broadcast %shift_right_arithmetic3A_520 : i32 to vector<16xi32>
          %shift_right_arithmetic3A_522 = arith.shrsi %shift_left3A_519, %shift_right_arithmetic3A_521 : vector<16xi32>
          %shift_right_arithmetic3A_523 = arith.constant 16 : i32
          %shift_right_arithmetic3A_524 = vector.broadcast %shift_right_arithmetic3A_523 : i32 to vector<16xi32>
          %shift_right_arithmetic3A_525 = arith.shrsi %gather3A_516, %shift_right_arithmetic3A_524 : vector<16xi32>
          %convert_element_type3A_526 = arith.sitofp %shift_right_arithmetic3A_522 : vector<16xi32> to vector<16xf32>
          %convert_element_type3A_527 = arith.sitofp %shift_right_arithmetic3A_525 : vector<16xi32> to vector<16xf32>
          %mul3A_528 = arith.mulf %convert_element_type3A_97, %convert_element_type3A_526 : vector<16xf32>
          %mul3A_529 = arith.mulf %convert_element_type3A_98, %convert_element_type3A_527 : vector<16xf32>
          %add3A_530 = arith.addf %mul3A_528, %mul3A_529 : vector<16xf32>
          %max3A_531 = arith.constant 0.000000e+00 : f32
          %max3A_532 = vector.broadcast %max3A_531 : f32 to vector<16xf32>
          %max3A_533 = arith.maximumf %add3A_530, %max3A_532 : vector<16xf32>
          %add3A_534 = arith.addf %add3A_511, %max3A_533 : vector<16xf32>
          %get3A_535 = arith.constant 20 : i32
          %get3A_536 = arith.index_cast %get3A_535 : i32 to index
          %get3A_537 = arith.index_cast %mul3A_85 : i32 to index
          %get3A_538 = tpu.vector_load %arg10[%get3A_536, %get3A_537] {strides = array<i32>} : memref<33x128xi32, #tpu.memory_space<vmem>>, vector<16xi32>,
          %gather3A_539 = tpu.vector_load_idx %arg8[%get3A_538] : memref<100000xi32, #tpu.memory_space<vmem>>[vector<16xi32>], vector<16xi32>,
          %shift_left3A_540 = arith.constant 16 : i32
          %shift_left3A_541 = vector.broadcast %shift_left3A_540 : i32 to vector<16xi32>
          %shift_left3A_542 = arith.shli %gather3A_539, %shift_left3A_541 : vector<16xi32>
          %shift_right_arithmetic3A_543 = arith.constant 16 : i32
          %shift_right_arithmetic3A_544 = vector.broadcast %shift_right_arithmetic3A_543 : i32 to vector<16xi32>
          %shift_right_arithmetic3A_545 = arith.shrsi %shift_left3A_542, %shift_right_arithmetic3A_544 : vector<16xi32>
          %shift_right_arithmetic3A_546 = arith.constant 16 : i32
          %shift_right_arithmetic3A_547 = vector.broadcast %shift_right_arithmetic3A_546 : i32 to vector<16xi32>
          %shift_right_arithmetic3A_548 = arith.shrsi %gather3A_539, %shift_right_arithmetic3A_547 : vector<16xi32>
          %convert_element_type3A_549 = arith.sitofp %shift_right_arithmetic3A_545 : vector<16xi32> to vector<16xf32>
          %convert_element_type3A_550 = arith.sitofp %shift_right_arithmetic3A_548 : vector<16xi32> to vector<16xf32>
          %mul3A_551 = arith.mulf %convert_element_type3A_97, %convert_element_type3A_549 : vector<16xf32>
          %mul3A_552 = arith.mulf %convert_element_type3A_98, %convert_element_type3A_550 : vector<16xf32>
          %add3A_553 = arith.addf %mul3A_551, %mul3A_552 : vector<16xf32>
          %max3A_554 = arith.constant 0.000000e+00 : f32
          %max3A_555 = vector.broadcast %max3A_554 : f32 to vector<16xf32>
          %max3A_556 = arith.maximumf %add3A_553, %max3A_555 : vector<16xf32>
          %add3A_557 = arith.addf %add3A_534, %max3A_556 : vector<16xf32>
          %get3A_558 = arith.constant 21 : i32
          %get3A_559 = arith.index_cast %get3A_558 : i32 to index
          %get3A_560 = arith.index_cast %mul3A_85 : i32 to index
          %get3A_561 = tpu.vector_load %arg10[%get3A_559, %get3A_560] {strides = array<i32>} : memref<33x128xi32, #tpu.memory_space<vmem>>, vector<16xi32>,
          %gather3A_562 = tpu.vector_load_idx %arg8[%get3A_561] : memref<100000xi32, #tpu.memory_space<vmem>>[vector<16xi32>], vector<16xi32>,
          %shift_left3A_563 = arith.constant 16 : i32
          %shift_left3A_564 = vector.broadcast %shift_left3A_563 : i32 to vector<16xi32>
          %shift_left3A_565 = arith.shli %gather3A_562, %shift_left3A_564 : vector<16xi32>
          %shift_right_arithmetic3A_566 = arith.constant 16 : i32
          %shift_right_arithmetic3A_567 = vector.broadcast %shift_right_arithmetic3A_566 : i32 to vector<16xi32>
          %shift_right_arithmetic3A_568 = arith.shrsi %shift_left3A_565, %shift_right_arithmetic3A_567 : vector<16xi32>
          %shift_right_arithmetic3A_569 = arith.constant 16 : i32
          %shift_right_arithmetic3A_570 = vector.broadcast %shift_right_arithmetic3A_569 : i32 to vector<16xi32>
          %shift_right_arithmetic3A_571 = arith.shrsi %gather3A_562, %shift_right_arithmetic3A_570 : vector<16xi32>
          %convert_element_type3A_572 = arith.sitofp %shift_right_arithmetic3A_568 : vector<16xi32> to vector<16xf32>
          %convert_element_type3A_573 = arith.sitofp %shift_right_arithmetic3A_571 : vector<16xi32> to vector<16xf32>
          %mul3A_574 = arith.mulf %convert_element_type3A_97, %convert_element_type3A_572 : vector<16xf32>
          %mul3A_575 = arith.mulf %convert_element_type3A_98, %convert_element_type3A_573 : vector<16xf32>
          %add3A_576 = arith.addf %mul3A_574, %mul3A_575 : vector<16xf32>
          %max3A_577 = arith.constant 0.000000e+00 : f32
          %max3A_578 = vector.broadcast %max3A_577 : f32 to vector<16xf32>
          %max3A_579 = arith.maximumf %add3A_576, %max3A_578 : vector<16xf32>
          %add3A_580 = arith.addf %add3A_557, %max3A_579 : vector<16xf32>
          %get3A_581 = arith.constant 22 : i32
          %get3A_582 = arith.index_cast %get3A_581 : i32 to index
          %get3A_583 = arith.index_cast %mul3A_85 : i32 to index
          %get3A_584 = tpu.vector_load %arg10[%get3A_582, %get3A_583] {strides = array<i32>} : memref<33x128xi32, #tpu.memory_space<vmem>>, vector<16xi32>,
          %gather3A_585 = tpu.vector_load_idx %arg8[%get3A_584] : memref<100000xi32, #tpu.memory_space<vmem>>[vector<16xi32>], vector<16xi32>,
          %shift_left3A_586 = arith.constant 16 : i32
          %shift_left3A_587 = vector.broadcast %shift_left3A_586 : i32 to vector<16xi32>
          %shift_left3A_588 = arith.shli %gather3A_585, %shift_left3A_587 : vector<16xi32>
          %shift_right_arithmetic3A_589 = arith.constant 16 : i32
          %shift_right_arithmetic3A_590 = vector.broadcast %shift_right_arithmetic3A_589 : i32 to vector<16xi32>
          %shift_right_arithmetic3A_591 = arith.shrsi %shift_left3A_588, %shift_right_arithmetic3A_590 : vector<16xi32>
          %shift_right_arithmetic3A_592 = arith.constant 16 : i32
          %shift_right_arithmetic3A_593 = vector.broadcast %shift_right_arithmetic3A_592 : i32 to vector<16xi32>
          %shift_right_arithmetic3A_594 = arith.shrsi %gather3A_585, %shift_right_arithmetic3A_593 : vector<16xi32>
          %convert_element_type3A_595 = arith.sitofp %shift_right_arithmetic3A_591 : vector<16xi32> to vector<16xf32>
          %convert_element_type3A_596 = arith.sitofp %shift_right_arithmetic3A_594 : vector<16xi32> to vector<16xf32>
          %mul3A_597 = arith.mulf %convert_element_type3A_97, %convert_element_type3A_595 : vector<16xf32>
          %mul3A_598 = arith.mulf %convert_element_type3A_98, %convert_element_type3A_596 : vector<16xf32>
          %add3A_599 = arith.addf %mul3A_597, %mul3A_598 : vector<16xf32>
          %max3A_600 = arith.constant 0.000000e+00 : f32
          %max3A_601 = vector.broadcast %max3A_600 : f32 to vector<16xf32>
          %max3A_602 = arith.maximumf %add3A_599, %max3A_601 : vector<16xf32>
          %add3A_603 = arith.addf %add3A_580, %max3A_602 : vector<16xf32>
          %get3A_604 = arith.constant 23 : i32
          %get3A_605 = arith.index_cast %get3A_604 : i32 to index
          %get3A_606 = arith.index_cast %mul3A_85 : i32 to index
          %get3A_607 = tpu.vector_load %arg10[%get3A_605, %get3A_606] {strides = array<i32>} : memref<33x128xi32, #tpu.memory_space<vmem>>, vector<16xi32>,
          %gather3A_608 = tpu.vector_load_idx %arg8[%get3A_607] : memref<100000xi32, #tpu.memory_space<vmem>>[vector<16xi32>], vector<16xi32>,
          %shift_left3A_609 = arith.constant 16 : i32
          %shift_left3A_610 = vector.broadcast %shift_left3A_609 : i32 to vector<16xi32>
          %shift_left3A_611 = arith.shli %gather3A_608, %shift_left3A_610 : vector<16xi32>
          %shift_right_arithmetic3A_612 = arith.constant 16 : i32
          %shift_right_arithmetic3A_613 = vector.broadcast %shift_right_arithmetic3A_612 : i32 to vector<16xi32>
          %shift_right_arithmetic3A_614 = arith.shrsi %shift_left3A_611, %shift_right_arithmetic3A_613 : vector<16xi32>
          %shift_right_arithmetic3A_615 = arith.constant 16 : i32
          %shift_right_arithmetic3A_616 = vector.broadcast %shift_right_arithmetic3A_615 : i32 to vector<16xi32>
          %shift_right_arithmetic3A_617 = arith.shrsi %gather3A_608, %shift_right_arithmetic3A_616 : vector<16xi32>
          %convert_element_type3A_618 = arith.sitofp %shift_right_arithmetic3A_614 : vector<16xi32> to vector<16xf32>
          %convert_element_type3A_619 = arith.sitofp %shift_right_arithmetic3A_617 : vector<16xi32> to vector<16xf32>
          %mul3A_620 = arith.mulf %convert_element_type3A_97, %convert_element_type3A_618 : vector<16xf32>
          %mul3A_621 = arith.mulf %convert_element_type3A_98, %convert_element_type3A_619 : vector<16xf32>
          %add3A_622 = arith.addf %mul3A_620, %mul3A_621 : vector<16xf32>
          %max3A_623 = arith.constant 0.000000e+00 : f32
          %max3A_624 = vector.broadcast %max3A_623 : f32 to vector<16xf32>
          %max3A_625 = arith.maximumf %add3A_622, %max3A_624 : vector<16xf32>
          %add3A_626 = arith.addf %add3A_603, %max3A_625 : vector<16xf32>
          %get3A_627 = arith.constant 24 : i32
          %get3A_628 = arith.index_cast %get3A_627 : i32 to index
          %get3A_629 = arith.index_cast %mul3A_85 : i32 to index
          %get3A_630 = tpu.vector_load %arg10[%get3A_628, %get3A_629] {strides = array<i32>} : memref<33x128xi32, #tpu.memory_space<vmem>>, vector<16xi32>,
          %gather3A_631 = tpu.vector_load_idx %arg8[%get3A_630] : memref<100000xi32, #tpu.memory_space<vmem>>[vector<16xi32>], vector<16xi32>,
          %shift_left3A_632 = arith.constant 16 : i32
          %shift_left3A_633 = vector.broadcast %shift_left3A_632 : i32 to vector<16xi32>
          %shift_left3A_634 = arith.shli %gather3A_631, %shift_left3A_633 : vector<16xi32>
          %shift_right_arithmetic3A_635 = arith.constant 16 : i32
          %shift_right_arithmetic3A_636 = vector.broadcast %shift_right_arithmetic3A_635 : i32 to vector<16xi32>
          %shift_right_arithmetic3A_637 = arith.shrsi %shift_left3A_634, %shift_right_arithmetic3A_636 : vector<16xi32>
          %shift_right_arithmetic3A_638 = arith.constant 16 : i32
          %shift_right_arithmetic3A_639 = vector.broadcast %shift_right_arithmetic3A_638 : i32 to vector<16xi32>
          %shift_right_arithmetic3A_640 = arith.shrsi %gather3A_631, %shift_right_arithmetic3A_639 : vector<16xi32>
          %convert_element_type3A_641 = arith.sitofp %shift_right_arithmetic3A_637 : vector<16xi32> to vector<16xf32>
          %convert_element_type3A_642 = arith.sitofp %shift_right_arithmetic3A_640 : vector<16xi32> to vector<16xf32>
          %mul3A_643 = arith.mulf %convert_element_type3A_97, %convert_element_type3A_641 : vector<16xf32>
          %mul3A_644 = arith.mulf %convert_element_type3A_98, %convert_element_type3A_642 : vector<16xf32>
          %add3A_645 = arith.addf %mul3A_643, %mul3A_644 : vector<16xf32>
          %max3A_646 = arith.constant 0.000000e+00 : f32
          %max3A_647 = vector.broadcast %max3A_646 : f32 to vector<16xf32>
          %max3A_648 = arith.maximumf %add3A_645, %max3A_647 : vector<16xf32>
          %add3A_649 = arith.addf %add3A_626, %max3A_648 : vector<16xf32>
          %get3A_650 = arith.constant 25 : i32
          %get3A_651 = arith.index_cast %get3A_650 : i32 to index
          %get3A_652 = arith.index_cast %mul3A_85 : i32 to index
          %get3A_653 = tpu.vector_load %arg10[%get3A_651, %get3A_652] {strides = array<i32>} : memref<33x128xi32, #tpu.memory_space<vmem>>, vector<16xi32>,
          %gather3A_654 = tpu.vector_load_idx %arg8[%get3A_653] : memref<100000xi32, #tpu.memory_space<vmem>>[vector<16xi32>], vector<16xi32>,
          %shift_left3A_655 = arith.constant 16 : i32
          %shift_left3A_656 = vector.broadcast %shift_left3A_655 : i32 to vector<16xi32>
          %shift_left3A_657 = arith.shli %gather3A_654, %shift_left3A_656 : vector<16xi32>
          %shift_right_arithmetic3A_658 = arith.constant 16 : i32
          %shift_right_arithmetic3A_659 = vector.broadcast %shift_right_arithmetic3A_658 : i32 to vector<16xi32>
          %shift_right_arithmetic3A_660 = arith.shrsi %shift_left3A_657, %shift_right_arithmetic3A_659 : vector<16xi32>
          %shift_right_arithmetic3A_661 = arith.constant 16 : i32
          %shift_right_arithmetic3A_662 = vector.broadcast %shift_right_arithmetic3A_661 : i32 to vector<16xi32>
          %shift_right_arithmetic3A_663 = arith.shrsi %gather3A_654, %shift_right_arithmetic3A_662 : vector<16xi32>
          %convert_element_type3A_664 = arith.sitofp %shift_right_arithmetic3A_660 : vector<16xi32> to vector<16xf32>
          %convert_element_type3A_665 = arith.sitofp %shift_right_arithmetic3A_663 : vector<16xi32> to vector<16xf32>
          %mul3A_666 = arith.mulf %convert_element_type3A_97, %convert_element_type3A_664 : vector<16xf32>
          %mul3A_667 = arith.mulf %convert_element_type3A_98, %convert_element_type3A_665 : vector<16xf32>
          %add3A_668 = arith.addf %mul3A_666, %mul3A_667 : vector<16xf32>
          %max3A_669 = arith.constant 0.000000e+00 : f32
          %max3A_670 = vector.broadcast %max3A_669 : f32 to vector<16xf32>
          %max3A_671 = arith.maximumf %add3A_668, %max3A_670 : vector<16xf32>
          %add3A_672 = arith.addf %add3A_649, %max3A_671 : vector<16xf32>
          %get3A_673 = arith.constant 26 : i32
          %get3A_674 = arith.index_cast %get3A_673 : i32 to index
          %get3A_675 = arith.index_cast %mul3A_85 : i32 to index
          %get3A_676 = tpu.vector_load %arg10[%get3A_674, %get3A_675] {strides = array<i32>} : memref<33x128xi32, #tpu.memory_space<vmem>>, vector<16xi32>,
          %gather3A_677 = tpu.vector_load_idx %arg8[%get3A_676] : memref<100000xi32, #tpu.memory_space<vmem>>[vector<16xi32>], vector<16xi32>,
          %shift_left3A_678 = arith.constant 16 : i32
          %shift_left3A_679 = vector.broadcast %shift_left3A_678 : i32 to vector<16xi32>
          %shift_left3A_680 = arith.shli %gather3A_677, %shift_left3A_679 : vector<16xi32>
          %shift_right_arithmetic3A_681 = arith.constant 16 : i32
          %shift_right_arithmetic3A_682 = vector.broadcast %shift_right_arithmetic3A_681 : i32 to vector<16xi32>
          %shift_right_arithmetic3A_683 = arith.shrsi %shift_left3A_680, %shift_right_arithmetic3A_682 : vector<16xi32>
          %shift_right_arithmetic3A_684 = arith.constant 16 : i32
          %shift_right_arithmetic3A_685 = vector.broadcast %shift_right_arithmetic3A_684 : i32 to vector<16xi32>
          %shift_right_arithmetic3A_686 = arith.shrsi %gather3A_677, %shift_right_arithmetic3A_685 : vector<16xi32>
          %convert_element_type3A_687 = arith.sitofp %shift_right_arithmetic3A_683 : vector<16xi32> to vector<16xf32>
          %convert_element_type3A_688 = arith.sitofp %shift_right_arithmetic3A_686 : vector<16xi32> to vector<16xf32>
          %mul3A_689 = arith.mulf %convert_element_type3A_97, %convert_element_type3A_687 : vector<16xf32>
          %mul3A_690 = arith.mulf %convert_element_type3A_98, %convert_element_type3A_688 : vector<16xf32>
          %add3A_691 = arith.addf %mul3A_689, %mul3A_690 : vector<16xf32>
          %max3A_692 = arith.constant 0.000000e+00 : f32
          %max3A_693 = vector.broadcast %max3A_692 : f32 to vector<16xf32>
          %max3A_694 = arith.maximumf %add3A_691, %max3A_693 : vector<16xf32>
          %add3A_695 = arith.addf %add3A_672, %max3A_694 : vector<16xf32>
          %get3A_696 = arith.constant 27 : i32
          %get3A_697 = arith.index_cast %get3A_696 : i32 to index
          %get3A_698 = arith.index_cast %mul3A_85 : i32 to index
          %get3A_699 = tpu.vector_load %arg10[%get3A_697, %get3A_698] {strides = array<i32>} : memref<33x128xi32, #tpu.memory_space<vmem>>, vector<16xi32>,
          %gather3A_700 = tpu.vector_load_idx %arg8[%get3A_699] : memref<100000xi32, #tpu.memory_space<vmem>>[vector<16xi32>], vector<16xi32>,
          %shift_left3A_701 = arith.constant 16 : i32
          %shift_left3A_702 = vector.broadcast %shift_left3A_701 : i32 to vector<16xi32>
          %shift_left3A_703 = arith.shli %gather3A_700, %shift_left3A_702 : vector<16xi32>
          %shift_right_arithmetic3A_704 = arith.constant 16 : i32
          %shift_right_arithmetic3A_705 = vector.broadcast %shift_right_arithmetic3A_704 : i32 to vector<16xi32>
          %shift_right_arithmetic3A_706 = arith.shrsi %shift_left3A_703, %shift_right_arithmetic3A_705 : vector<16xi32>
          %shift_right_arithmetic3A_707 = arith.constant 16 : i32
          %shift_right_arithmetic3A_708 = vector.broadcast %shift_right_arithmetic3A_707 : i32 to vector<16xi32>
          %shift_right_arithmetic3A_709 = arith.shrsi %gather3A_700, %shift_right_arithmetic3A_708 : vector<16xi32>
          %convert_element_type3A_710 = arith.sitofp %shift_right_arithmetic3A_706 : vector<16xi32> to vector<16xf32>
          %convert_element_type3A_711 = arith.sitofp %shift_right_arithmetic3A_709 : vector<16xi32> to vector<16xf32>
          %mul3A_712 = arith.mulf %convert_element_type3A_97, %convert_element_type3A_710 : vector<16xf32>
          %mul3A_713 = arith.mulf %convert_element_type3A_98, %convert_element_type3A_711 : vector<16xf32>
          %add3A_714 = arith.addf %mul3A_712, %mul3A_713 : vector<16xf32>
          %max3A_715 = arith.constant 0.000000e+00 : f32
          %max3A_716 = vector.broadcast %max3A_715 : f32 to vector<16xf32>
          %max3A_717 = arith.maximumf %add3A_714, %max3A_716 : vector<16xf32>
          %add3A_718 = arith.addf %add3A_695, %max3A_717 : vector<16xf32>
          %get3A_719 = arith.constant 28 : i32
          %get3A_720 = arith.index_cast %get3A_719 : i32 to index
          %get3A_721 = arith.index_cast %mul3A_85 : i32 to index
          %get3A_722 = tpu.vector_load %arg10[%get3A_720, %get3A_721] {strides = array<i32>} : memref<33x128xi32, #tpu.memory_space<vmem>>, vector<16xi32>,
          %gather3A_723 = tpu.vector_load_idx %arg8[%get3A_722] : memref<100000xi32, #tpu.memory_space<vmem>>[vector<16xi32>], vector<16xi32>,
          %shift_left3A_724 = arith.constant 16 : i32
          %shift_left3A_725 = vector.broadcast %shift_left3A_724 : i32 to vector<16xi32>
          %shift_left3A_726 = arith.shli %gather3A_723, %shift_left3A_725 : vector<16xi32>
          %shift_right_arithmetic3A_727 = arith.constant 16 : i32
          %shift_right_arithmetic3A_728 = vector.broadcast %shift_right_arithmetic3A_727 : i32 to vector<16xi32>
          %shift_right_arithmetic3A_729 = arith.shrsi %shift_left3A_726, %shift_right_arithmetic3A_728 : vector<16xi32>
          %shift_right_arithmetic3A_730 = arith.constant 16 : i32
          %shift_right_arithmetic3A_731 = vector.broadcast %shift_right_arithmetic3A_730 : i32 to vector<16xi32>
          %shift_right_arithmetic3A_732 = arith.shrsi %gather3A_723, %shift_right_arithmetic3A_731 : vector<16xi32>
          %convert_element_type3A_733 = arith.sitofp %shift_right_arithmetic3A_729 : vector<16xi32> to vector<16xf32>
          %convert_element_type3A_734 = arith.sitofp %shift_right_arithmetic3A_732 : vector<16xi32> to vector<16xf32>
          %mul3A_735 = arith.mulf %convert_element_type3A_97, %convert_element_type3A_733 : vector<16xf32>
          %mul3A_736 = arith.mulf %convert_element_type3A_98, %convert_element_type3A_734 : vector<16xf32>
          %add3A_737 = arith.addf %mul3A_735, %mul3A_736 : vector<16xf32>
          %max3A_738 = arith.constant 0.000000e+00 : f32
          %max3A_739 = vector.broadcast %max3A_738 : f32 to vector<16xf32>
          %max3A_740 = arith.maximumf %add3A_737, %max3A_739 : vector<16xf32>
          %add3A_741 = arith.addf %add3A_718, %max3A_740 : vector<16xf32>
          %get3A_742 = arith.constant 29 : i32
          %get3A_743 = arith.index_cast %get3A_742 : i32 to index
          %get3A_744 = arith.index_cast %mul3A_85 : i32 to index
          %get3A_745 = tpu.vector_load %arg10[%get3A_743, %get3A_744] {strides = array<i32>} : memref<33x128xi32, #tpu.memory_space<vmem>>, vector<16xi32>,
          %gather3A_746 = tpu.vector_load_idx %arg8[%get3A_745] : memref<100000xi32, #tpu.memory_space<vmem>>[vector<16xi32>], vector<16xi32>,
          %shift_left3A_747 = arith.constant 16 : i32
          %shift_left3A_748 = vector.broadcast %shift_left3A_747 : i32 to vector<16xi32>
          %shift_left3A_749 = arith.shli %gather3A_746, %shift_left3A_748 : vector<16xi32>
          %shift_right_arithmetic3A_750 = arith.constant 16 : i32
          %shift_right_arithmetic3A_751 = vector.broadcast %shift_right_arithmetic3A_750 : i32 to vector<16xi32>
          %shift_right_arithmetic3A_752 = arith.shrsi %shift_left3A_749, %shift_right_arithmetic3A_751 : vector<16xi32>
          %shift_right_arithmetic3A_753 = arith.constant 16 : i32
          %shift_right_arithmetic3A_754 = vector.broadcast %shift_right_arithmetic3A_753 : i32 to vector<16xi32>
          %shift_right_arithmetic3A_755 = arith.shrsi %gather3A_746, %shift_right_arithmetic3A_754 : vector<16xi32>
          %convert_element_type3A_756 = arith.sitofp %shift_right_arithmetic3A_752 : vector<16xi32> to vector<16xf32>
          %convert_element_type3A_757 = arith.sitofp %shift_right_arithmetic3A_755 : vector<16xi32> to vector<16xf32>
          %mul3A_758 = arith.mulf %convert_element_type3A_97, %convert_element_type3A_756 : vector<16xf32>
          %mul3A_759 = arith.mulf %convert_element_type3A_98, %convert_element_type3A_757 : vector<16xf32>
          %add3A_760 = arith.addf %mul3A_758, %mul3A_759 : vector<16xf32>
          %max3A_761 = arith.constant 0.000000e+00 : f32
          %max3A_762 = vector.broadcast %max3A_761 : f32 to vector<16xf32>
          %max3A_763 = arith.maximumf %add3A_760, %max3A_762 : vector<16xf32>
          %add3A_764 = arith.addf %add3A_741, %max3A_763 : vector<16xf32>
          %get3A_765 = arith.constant 30 : i32
          %get3A_766 = arith.index_cast %get3A_765 : i32 to index
          %get3A_767 = arith.index_cast %mul3A_85 : i32 to index
          %get3A_768 = tpu.vector_load %arg10[%get3A_766, %get3A_767] {strides = array<i32>} : memref<33x128xi32, #tpu.memory_space<vmem>>, vector<16xi32>,
          %gather3A_769 = tpu.vector_load_idx %arg8[%get3A_768] : memref<100000xi32, #tpu.memory_space<vmem>>[vector<16xi32>], vector<16xi32>,
          %shift_left3A_770 = arith.constant 16 : i32
          %shift_left3A_771 = vector.broadcast %shift_left3A_770 : i32 to vector<16xi32>
          %shift_left3A_772 = arith.shli %gather3A_769, %shift_left3A_771 : vector<16xi32>
          %shift_right_arithmetic3A_773 = arith.constant 16 : i32
          %shift_right_arithmetic3A_774 = vector.broadcast %shift_right_arithmetic3A_773 : i32 to vector<16xi32>
          %shift_right_arithmetic3A_775 = arith.shrsi %shift_left3A_772, %shift_right_arithmetic3A_774 : vector<16xi32>
          %shift_right_arithmetic3A_776 = arith.constant 16 : i32
          %shift_right_arithmetic3A_777 = vector.broadcast %shift_right_arithmetic3A_776 : i32 to vector<16xi32>
          %shift_right_arithmetic3A_778 = arith.shrsi %gather3A_769, %shift_right_arithmetic3A_777 : vector<16xi32>
          %convert_element_type3A_779 = arith.sitofp %shift_right_arithmetic3A_775 : vector<16xi32> to vector<16xf32>
          %convert_element_type3A_780 = arith.sitofp %shift_right_arithmetic3A_778 : vector<16xi32> to vector<16xf32>
          %mul3A_781 = arith.mulf %convert_element_type3A_97, %convert_element_type3A_779 : vector<16xf32>
          %mul3A_782 = arith.mulf %convert_element_type3A_98, %convert_element_type3A_780 : vector<16xf32>
          %add3A_783 = arith.addf %mul3A_781, %mul3A_782 : vector<16xf32>
          %max3A_784 = arith.constant 0.000000e+00 : f32
          %max3A_785 = vector.broadcast %max3A_784 : f32 to vector<16xf32>
          %max3A_786 = arith.maximumf %add3A_783, %max3A_785 : vector<16xf32>
          %add3A_787 = arith.addf %add3A_764, %max3A_786 : vector<16xf32>
          %get3A_788 = arith.constant 31 : i32
          %get3A_789 = arith.index_cast %get3A_788 : i32 to index
          %get3A_790 = arith.index_cast %mul3A_85 : i32 to index
          %get3A_791 = tpu.vector_load %arg10[%get3A_789, %get3A_790] {strides = array<i32>} : memref<33x128xi32, #tpu.memory_space<vmem>>, vector<16xi32>,
          %gather3A_792 = tpu.vector_load_idx %arg8[%get3A_791] : memref<100000xi32, #tpu.memory_space<vmem>>[vector<16xi32>], vector<16xi32>,
          %shift_left3A_793 = arith.constant 16 : i32
          %shift_left3A_794 = vector.broadcast %shift_left3A_793 : i32 to vector<16xi32>
          %shift_left3A_795 = arith.shli %gather3A_792, %shift_left3A_794 : vector<16xi32>
          %shift_right_arithmetic3A_796 = arith.constant 16 : i32
          %shift_right_arithmetic3A_797 = vector.broadcast %shift_right_arithmetic3A_796 : i32 to vector<16xi32>
          %shift_right_arithmetic3A_798 = arith.shrsi %shift_left3A_795, %shift_right_arithmetic3A_797 : vector<16xi32>
          %shift_right_arithmetic3A_799 = arith.constant 16 : i32
          %shift_right_arithmetic3A_800 = vector.broadcast %shift_right_arithmetic3A_799 : i32 to vector<16xi32>
          %shift_right_arithmetic3A_801 = arith.shrsi %gather3A_792, %shift_right_arithmetic3A_800 : vector<16xi32>
          %convert_element_type3A_802 = arith.sitofp %shift_right_arithmetic3A_798 : vector<16xi32> to vector<16xf32>
          %convert_element_type3A_803 = arith.sitofp %shift_right_arithmetic3A_801 : vector<16xi32> to vector<16xf32>
          %mul3A_804 = arith.mulf %convert_element_type3A_97, %convert_element_type3A_802 : vector<16xf32>
          %mul3A_805 = arith.mulf %convert_element_type3A_98, %convert_element_type3A_803 : vector<16xf32>
          %add3A_806 = arith.addf %mul3A_804, %mul3A_805 : vector<16xf32>
          %max3A_807 = arith.constant 0.000000e+00 : f32
          %max3A_808 = vector.broadcast %max3A_807 : f32 to vector<16xf32>
          %max3A_809 = arith.maximumf %add3A_806, %max3A_808 : vector<16xf32>
          %add3A_810 = arith.addf %add3A_787, %max3A_809 : vector<16xf32>
          %get3A_811 = arith.constant 32 : i32
          %get3A_812 = arith.index_cast %get3A_811 : i32 to index
          %get3A_813 = arith.index_cast %mul3A_85 : i32 to index
          %get3A_814 = tpu.vector_load %arg10[%get3A_812, %get3A_813] {strides = array<i32>} : memref<33x128xi32, #tpu.memory_space<vmem>>, vector<16xi32>,
          %gather3A_815 = tpu.vector_load_idx %arg8[%get3A_814] : memref<100000xi32, #tpu.memory_space<vmem>>[vector<16xi32>], vector<16xi32>,
          %shift_left3A_816 = arith.constant 16 : i32
          %shift_left3A_817 = vector.broadcast %shift_left3A_816 : i32 to vector<16xi32>
          %shift_left3A_818 = arith.shli %gather3A_815, %shift_left3A_817 : vector<16xi32>
          %shift_right_arithmetic3A_819 = arith.constant 16 : i32
          %shift_right_arithmetic3A_820 = vector.broadcast %shift_right_arithmetic3A_819 : i32 to vector<16xi32>
          %shift_right_arithmetic3A_821 = arith.shrsi %shift_left3A_818, %shift_right_arithmetic3A_820 : vector<16xi32>
          %shift_right_arithmetic3A_822 = arith.constant 16 : i32
          %shift_right_arithmetic3A_823 = vector.broadcast %shift_right_arithmetic3A_822 : i32 to vector<16xi32>
          %shift_right_arithmetic3A_824 = arith.shrsi %gather3A_815, %shift_right_arithmetic3A_823 : vector<16xi32>
          %convert_element_type3A_825 = arith.sitofp %shift_right_arithmetic3A_821 : vector<16xi32> to vector<16xf32>
          %convert_element_type3A_826 = arith.sitofp %shift_right_arithmetic3A_824 : vector<16xi32> to vector<16xf32>
          %mul3A_827 = arith.mulf %convert_element_type3A_97, %convert_element_type3A_825 : vector<16xf32>
          %mul3A_828 = arith.mulf %convert_element_type3A_98, %convert_element_type3A_826 : vector<16xf32>
          %add3A_829 = arith.addf %mul3A_827, %mul3A_828 : vector<16xf32>
          %max3A_830 = arith.constant 0.000000e+00 : f32
          %max3A_831 = vector.broadcast %max3A_830 : f32 to vector<16xf32>
          %max3A_832 = arith.maximumf %add3A_829, %max3A_831 : vector<16xf32>
          %add3A_833 = arith.addf %add3A_810, %max3A_832 : vector<16xf32>
          %div3A_834 = arith.constant 1.000000e+00 : f32
          %div3A_835 = vector.broadcast %div3A_834 : f32 to vector<16xf32>
          %div3A_836 = arith.divf %div3A_835, %add3A_833 : vector<16xf32>
          %mul3A_837 = arith.mulf %max3A_119, %div3A_836 : vector<16xf32>
          %swap3A = arith.constant 0 : i32
          %swap3A_838 = arith.index_cast %swap3A : i32 to index
          %swap3A_839 = arith.index_cast %mul3A_85 : i32 to index
          %swap3A_840 = tpu.vector_load %arg11[%swap3A_838, %swap3A_839] {strides = array<i32>} : memref<32x128xf32, #tpu.memory_space<vmem>>, vector<16xf32>,
          tpu.vector_store %arg11[%swap3A_838, %swap3A_839], %mul3A_837 {strides = array<i32>} : memref<32x128xf32, #tpu.memory_space<vmem>>, vector<16xf32>,
          %mul3A_841 = arith.mulf %max3A_142, %div3A_836 : vector<16xf32>
          %swap3A_842 = arith.constant 1 : i32
          %swap3A_843 = arith.index_cast %swap3A_842 : i32 to index
          %swap3A_844 = arith.index_cast %mul3A_85 : i32 to index
          %swap3A_845 = tpu.vector_load %arg11[%swap3A_843, %swap3A_844] {strides = array<i32>} : memref<32x128xf32, #tpu.memory_space<vmem>>, vector<16xf32>,
          tpu.vector_store %arg11[%swap3A_843, %swap3A_844], %mul3A_841 {strides = array<i32>} : memref<32x128xf32, #tpu.memory_space<vmem>>, vector<16xf32>,
          %mul3A_846 = arith.mulf %max3A_165, %div3A_836 : vector<16xf32>
          %swap3A_847 = arith.constant 2 : i32
          %swap3A_848 = arith.index_cast %swap3A_847 : i32 to index
          %swap3A_849 = arith.index_cast %mul3A_85 : i32 to index
          %swap3A_850 = tpu.vector_load %arg11[%swap3A_848, %swap3A_849] {strides = array<i32>} : memref<32x128xf32, #tpu.memory_space<vmem>>, vector<16xf32>,
          tpu.vector_store %arg11[%swap3A_848, %swap3A_849], %mul3A_846 {strides = array<i32>} : memref<32x128xf32, #tpu.memory_space<vmem>>, vector<16xf32>,
          %mul3A_851 = arith.mulf %max3A_188, %div3A_836 : vector<16xf32>
          %swap3A_852 = arith.constant 3 : i32
          %swap3A_853 = arith.index_cast %swap3A_852 : i32 to index
          %swap3A_854 = arith.index_cast %mul3A_85 : i32 to index
          %swap3A_855 = tpu.vector_load %arg11[%swap3A_853, %swap3A_854] {strides = array<i32>} : memref<32x128xf32, #tpu.memory_space<vmem>>, vector<16xf32>,
          tpu.vector_store %arg11[%swap3A_853, %swap3A_854], %mul3A_851 {strides = array<i32>} : memref<32x128xf32, #tpu.memory_space<vmem>>, vector<16xf32>,
          %mul3A_856 = arith.mulf %max3A_211, %div3A_836 : vector<16xf32>
          %swap3A_857 = arith.constant 4 : i32
          %swap3A_858 = arith.index_cast %swap3A_857 : i32 to index
          %swap3A_859 = arith.index_cast %mul3A_85 : i32 to index
          %swap3A_860 = tpu.vector_load %arg11[%swap3A_858, %swap3A_859] {strides = array<i32>} : memref<32x128xf32, #tpu.memory_space<vmem>>, vector<16xf32>,
          tpu.vector_store %arg11[%swap3A_858, %swap3A_859], %mul3A_856 {strides = array<i32>} : memref<32x128xf32, #tpu.memory_space<vmem>>, vector<16xf32>,
          %mul3A_861 = arith.mulf %max3A_234, %div3A_836 : vector<16xf32>
          %swap3A_862 = arith.constant 5 : i32
          %swap3A_863 = arith.index_cast %swap3A_862 : i32 to index
          %swap3A_864 = arith.index_cast %mul3A_85 : i32 to index
          %swap3A_865 = tpu.vector_load %arg11[%swap3A_863, %swap3A_864] {strides = array<i32>} : memref<32x128xf32, #tpu.memory_space<vmem>>, vector<16xf32>,
          tpu.vector_store %arg11[%swap3A_863, %swap3A_864], %mul3A_861 {strides = array<i32>} : memref<32x128xf32, #tpu.memory_space<vmem>>, vector<16xf32>,
          %mul3A_866 = arith.mulf %max3A_257, %div3A_836 : vector<16xf32>
          %swap3A_867 = arith.constant 6 : i32
          %swap3A_868 = arith.index_cast %swap3A_867 : i32 to index
          %swap3A_869 = arith.index_cast %mul3A_85 : i32 to index
          %swap3A_870 = tpu.vector_load %arg11[%swap3A_868, %swap3A_869] {strides = array<i32>} : memref<32x128xf32, #tpu.memory_space<vmem>>, vector<16xf32>,
          tpu.vector_store %arg11[%swap3A_868, %swap3A_869], %mul3A_866 {strides = array<i32>} : memref<32x128xf32, #tpu.memory_space<vmem>>, vector<16xf32>,
          %mul3A_871 = arith.mulf %max3A_280, %div3A_836 : vector<16xf32>
          %swap3A_872 = arith.constant 7 : i32
          %swap3A_873 = arith.index_cast %swap3A_872 : i32 to index
          %swap3A_874 = arith.index_cast %mul3A_85 : i32 to index
          %swap3A_875 = tpu.vector_load %arg11[%swap3A_873, %swap3A_874] {strides = array<i32>} : memref<32x128xf32, #tpu.memory_space<vmem>>, vector<16xf32>,
          tpu.vector_store %arg11[%swap3A_873, %swap3A_874], %mul3A_871 {strides = array<i32>} : memref<32x128xf32, #tpu.memory_space<vmem>>, vector<16xf32>,
          %mul3A_876 = arith.mulf %max3A_303, %div3A_836 : vector<16xf32>
          %swap3A_877 = arith.constant 8 : i32
          %swap3A_878 = arith.index_cast %swap3A_877 : i32 to index
          %swap3A_879 = arith.index_cast %mul3A_85 : i32 to index
          %swap3A_880 = tpu.vector_load %arg11[%swap3A_878, %swap3A_879] {strides = array<i32>} : memref<32x128xf32, #tpu.memory_space<vmem>>, vector<16xf32>,
          tpu.vector_store %arg11[%swap3A_878, %swap3A_879], %mul3A_876 {strides = array<i32>} : memref<32x128xf32, #tpu.memory_space<vmem>>, vector<16xf32>,
          %mul3A_881 = arith.mulf %max3A_326, %div3A_836 : vector<16xf32>
          %swap3A_882 = arith.constant 9 : i32
          %swap3A_883 = arith.index_cast %swap3A_882 : i32 to index
          %swap3A_884 = arith.index_cast %mul3A_85 : i32 to index
          %swap3A_885 = tpu.vector_load %arg11[%swap3A_883, %swap3A_884] {strides = array<i32>} : memref<32x128xf32, #tpu.memory_space<vmem>>, vector<16xf32>,
          tpu.vector_store %arg11[%swap3A_883, %swap3A_884], %mul3A_881 {strides = array<i32>} : memref<32x128xf32, #tpu.memory_space<vmem>>, vector<16xf32>,
          %mul3A_886 = arith.mulf %max3A_349, %div3A_836 : vector<16xf32>
          %swap3A_887 = arith.constant 10 : i32
          %swap3A_888 = arith.index_cast %swap3A_887 : i32 to index
          %swap3A_889 = arith.index_cast %mul3A_85 : i32 to index
          %swap3A_890 = tpu.vector_load %arg11[%swap3A_888, %swap3A_889] {strides = array<i32>} : memref<32x128xf32, #tpu.memory_space<vmem>>, vector<16xf32>,
          tpu.vector_store %arg11[%swap3A_888, %swap3A_889], %mul3A_886 {strides = array<i32>} : memref<32x128xf32, #tpu.memory_space<vmem>>, vector<16xf32>,
          %mul3A_891 = arith.mulf %max3A_372, %div3A_836 : vector<16xf32>
          %swap3A_892 = arith.constant 11 : i32
          %swap3A_893 = arith.index_cast %swap3A_892 : i32 to index
          %swap3A_894 = arith.index_cast %mul3A_85 : i32 to index
          %swap3A_895 = tpu.vector_load %arg11[%swap3A_893, %swap3A_894] {strides = array<i32>} : memref<32x128xf32, #tpu.memory_space<vmem>>, vector<16xf32>,
          tpu.vector_store %arg11[%swap3A_893, %swap3A_894], %mul3A_891 {strides = array<i32>} : memref<32x128xf32, #tpu.memory_space<vmem>>, vector<16xf32>,
          %mul3A_896 = arith.mulf %max3A_395, %div3A_836 : vector<16xf32>
          %swap3A_897 = arith.constant 12 : i32
          %swap3A_898 = arith.index_cast %swap3A_897 : i32 to index
          %swap3A_899 = arith.index_cast %mul3A_85 : i32 to index
          %swap3A_900 = tpu.vector_load %arg11[%swap3A_898, %swap3A_899] {strides = array<i32>} : memref<32x128xf32, #tpu.memory_space<vmem>>, vector<16xf32>,
          tpu.vector_store %arg11[%swap3A_898, %swap3A_899], %mul3A_896 {strides = array<i32>} : memref<32x128xf32, #tpu.memory_space<vmem>>, vector<16xf32>,
          %mul3A_901 = arith.mulf %max3A_418, %div3A_836 : vector<16xf32>
          %swap3A_902 = arith.constant 13 : i32
          %swap3A_903 = arith.index_cast %swap3A_902 : i32 to index
          %swap3A_904 = arith.index_cast %mul3A_85 : i32 to index
          %swap3A_905 = tpu.vector_load %arg11[%swap3A_903, %swap3A_904] {strides = array<i32>} : memref<32x128xf32, #tpu.memory_space<vmem>>, vector<16xf32>,
          tpu.vector_store %arg11[%swap3A_903, %swap3A_904], %mul3A_901 {strides = array<i32>} : memref<32x128xf32, #tpu.memory_space<vmem>>, vector<16xf32>,
          %mul3A_906 = arith.mulf %max3A_441, %div3A_836 : vector<16xf32>
          %swap3A_907 = arith.constant 14 : i32
          %swap3A_908 = arith.index_cast %swap3A_907 : i32 to index
          %swap3A_909 = arith.index_cast %mul3A_85 : i32 to index
          %swap3A_910 = tpu.vector_load %arg11[%swap3A_908, %swap3A_909] {strides = array<i32>} : memref<32x128xf32, #tpu.memory_space<vmem>>, vector<16xf32>,
          tpu.vector_store %arg11[%swap3A_908, %swap3A_909], %mul3A_906 {strides = array<i32>} : memref<32x128xf32, #tpu.memory_space<vmem>>, vector<16xf32>,
          %mul3A_911 = arith.mulf %max3A_464, %div3A_836 : vector<16xf32>
          %swap3A_912 = arith.constant 15 : i32
          %swap3A_913 = arith.index_cast %swap3A_912 : i32 to index
          %swap3A_914 = arith.index_cast %mul3A_85 : i32 to index
          %swap3A_915 = tpu.vector_load %arg11[%swap3A_913, %swap3A_914] {strides = array<i32>} : memref<32x128xf32, #tpu.memory_space<vmem>>, vector<16xf32>,
          tpu.vector_store %arg11[%swap3A_913, %swap3A_914], %mul3A_911 {strides = array<i32>} : memref<32x128xf32, #tpu.memory_space<vmem>>, vector<16xf32>,
          %mul3A_916 = arith.mulf %max3A_487, %div3A_836 : vector<16xf32>
          %swap3A_917 = arith.constant 16 : i32
          %swap3A_918 = arith.index_cast %swap3A_917 : i32 to index
          %swap3A_919 = arith.index_cast %mul3A_85 : i32 to index
          %swap3A_920 = tpu.vector_load %arg11[%swap3A_918, %swap3A_919] {strides = array<i32>} : memref<32x128xf32, #tpu.memory_space<vmem>>, vector<16xf32>,
          tpu.vector_store %arg11[%swap3A_918, %swap3A_919], %mul3A_916 {strides = array<i32>} : memref<32x128xf32, #tpu.memory_space<vmem>>, vector<16xf32>,
          %mul3A_921 = arith.mulf %max3A_510, %div3A_836 : vector<16xf32>
          %swap3A_922 = arith.constant 17 : i32
          %swap3A_923 = arith.index_cast %swap3A_922 : i32 to index
          %swap3A_924 = arith.index_cast %mul3A_85 : i32 to index
          %swap3A_925 = tpu.vector_load %arg11[%swap3A_923, %swap3A_924] {strides = array<i32>} : memref<32x128xf32, #tpu.memory_space<vmem>>, vector<16xf32>,
          tpu.vector_store %arg11[%swap3A_923, %swap3A_924], %mul3A_921 {strides = array<i32>} : memref<32x128xf32, #tpu.memory_space<vmem>>, vector<16xf32>,
          %mul3A_926 = arith.mulf %max3A_533, %div3A_836 : vector<16xf32>
          %swap3A_927 = arith.constant 18 : i32
          %swap3A_928 = arith.index_cast %swap3A_927 : i32 to index
          %swap3A_929 = arith.index_cast %mul3A_85 : i32 to index
          %swap3A_930 = tpu.vector_load %arg11[%swap3A_928, %swap3A_929] {strides = array<i32>} : memref<32x128xf32, #tpu.memory_space<vmem>>, vector<16xf32>,
          tpu.vector_store %arg11[%swap3A_928, %swap3A_929], %mul3A_926 {strides = array<i32>} : memref<32x128xf32, #tpu.memory_space<vmem>>, vector<16xf32>,
          %mul3A_931 = arith.mulf %max3A_556, %div3A_836 : vector<16xf32>
          %swap3A_932 = arith.constant 19 : i32
          %swap3A_933 = arith.index_cast %swap3A_932 : i32 to index
          %swap3A_934 = arith.index_cast %mul3A_85 : i32 to index
          %swap3A_935 = tpu.vector_load %arg11[%swap3A_933, %swap3A_934] {strides = array<i32>} : memref<32x128xf32, #tpu.memory_space<vmem>>, vector<16xf32>,
          tpu.vector_store %arg11[%swap3A_933, %swap3A_934], %mul3A_931 {strides = array<i32>} : memref<32x128xf32, #tpu.memory_space<vmem>>, vector<16xf32>,
          %mul3A_936 = arith.mulf %max3A_579, %div3A_836 : vector<16xf32>
          %swap3A_937 = arith.constant 20 : i32
          %swap3A_938 = arith.index_cast %swap3A_937 : i32 to index
          %swap3A_939 = arith.index_cast %mul3A_85 : i32 to index
          %swap3A_940 = tpu.vector_load %arg11[%swap3A_938, %swap3A_939] {strides = array<i32>} : memref<32x128xf32, #tpu.memory_space<vmem>>, vector<16xf32>,
          tpu.vector_store %arg11[%swap3A_938, %swap3A_939], %mul3A_936 {strides = array<i32>} : memref<32x128xf32, #tpu.memory_space<vmem>>, vector<16xf32>,
          %mul3A_941 = arith.mulf %max3A_602, %div3A_836 : vector<16xf32>
          %swap3A_942 = arith.constant 21 : i32
          %swap3A_943 = arith.index_cast %swap3A_942 : i32 to index
          %swap3A_944 = arith.index_cast %mul3A_85 : i32 to index
          %swap3A_945 = tpu.vector_load %arg11[%swap3A_943, %swap3A_944] {strides = array<i32>} : memref<32x128xf32, #tpu.memory_space<vmem>>, vector<16xf32>,
          tpu.vector_store %arg11[%swap3A_943, %swap3A_944], %mul3A_941 {strides = array<i32>} : memref<32x128xf32, #tpu.memory_space<vmem>>, vector<16xf32>,
          %mul3A_946 = arith.mulf %max3A_625, %div3A_836 : vector<16xf32>
          %swap3A_947 = arith.constant 22 : i32
          %swap3A_948 = arith.index_cast %swap3A_947 : i32 to index
          %swap3A_949 = arith.index_cast %mul3A_85 : i32 to index
          %swap3A_950 = tpu.vector_load %arg11[%swap3A_948, %swap3A_949] {strides = array<i32>} : memref<32x128xf32, #tpu.memory_space<vmem>>, vector<16xf32>,
          tpu.vector_store %arg11[%swap3A_948, %swap3A_949], %mul3A_946 {strides = array<i32>} : memref<32x128xf32, #tpu.memory_space<vmem>>, vector<16xf32>,
          %mul3A_951 = arith.mulf %max3A_648, %div3A_836 : vector<16xf32>
          %swap3A_952 = arith.constant 23 : i32
          %swap3A_953 = arith.index_cast %swap3A_952 : i32 to index
          %swap3A_954 = arith.index_cast %mul3A_85 : i32 to index
          %swap3A_955 = tpu.vector_load %arg11[%swap3A_953, %swap3A_954] {strides = array<i32>} : memref<32x128xf32, #tpu.memory_space<vmem>>, vector<16xf32>,
          tpu.vector_store %arg11[%swap3A_953, %swap3A_954], %mul3A_951 {strides = array<i32>} : memref<32x128xf32, #tpu.memory_space<vmem>>, vector<16xf32>,
          %mul3A_956 = arith.mulf %max3A_671, %div3A_836 : vector<16xf32>
          %swap3A_957 = arith.constant 24 : i32
          %swap3A_958 = arith.index_cast %swap3A_957 : i32 to index
          %swap3A_959 = arith.index_cast %mul3A_85 : i32 to index
          %swap3A_960 = tpu.vector_load %arg11[%swap3A_958, %swap3A_959] {strides = array<i32>} : memref<32x128xf32, #tpu.memory_space<vmem>>, vector<16xf32>,
          tpu.vector_store %arg11[%swap3A_958, %swap3A_959], %mul3A_956 {strides = array<i32>} : memref<32x128xf32, #tpu.memory_space<vmem>>, vector<16xf32>,
          %mul3A_961 = arith.mulf %max3A_694, %div3A_836 : vector<16xf32>
          %swap3A_962 = arith.constant 25 : i32
          %swap3A_963 = arith.index_cast %swap3A_962 : i32 to index
          %swap3A_964 = arith.index_cast %mul3A_85 : i32 to index
          %swap3A_965 = tpu.vector_load %arg11[%swap3A_963, %swap3A_964] {strides = array<i32>} : memref<32x128xf32, #tpu.memory_space<vmem>>, vector<16xf32>,
          tpu.vector_store %arg11[%swap3A_963, %swap3A_964], %mul3A_961 {strides = array<i32>} : memref<32x128xf32, #tpu.memory_space<vmem>>, vector<16xf32>,
          %mul3A_966 = arith.mulf %max3A_717, %div3A_836 : vector<16xf32>
          %swap3A_967 = arith.constant 26 : i32
          %swap3A_968 = arith.index_cast %swap3A_967 : i32 to index
          %swap3A_969 = arith.index_cast %mul3A_85 : i32 to index
          %swap3A_970 = tpu.vector_load %arg11[%swap3A_968, %swap3A_969] {strides = array<i32>} : memref<32x128xf32, #tpu.memory_space<vmem>>, vector<16xf32>,
          tpu.vector_store %arg11[%swap3A_968, %swap3A_969], %mul3A_966 {strides = array<i32>} : memref<32x128xf32, #tpu.memory_space<vmem>>, vector<16xf32>,
          %mul3A_971 = arith.mulf %max3A_740, %div3A_836 : vector<16xf32>
          %swap3A_972 = arith.constant 27 : i32
          %swap3A_973 = arith.index_cast %swap3A_972 : i32 to index
          %swap3A_974 = arith.index_cast %mul3A_85 : i32 to index
          %swap3A_975 = tpu.vector_load %arg11[%swap3A_973, %swap3A_974] {strides = array<i32>} : memref<32x128xf32, #tpu.memory_space<vmem>>, vector<16xf32>,
          tpu.vector_store %arg11[%swap3A_973, %swap3A_974], %mul3A_971 {strides = array<i32>} : memref<32x128xf32, #tpu.memory_space<vmem>>, vector<16xf32>,
          %mul3A_976 = arith.mulf %max3A_763, %div3A_836 : vector<16xf32>
          %swap3A_977 = arith.constant 28 : i32
          %swap3A_978 = arith.index_cast %swap3A_977 : i32 to index
          %swap3A_979 = arith.index_cast %mul3A_85 : i32 to index
          %swap3A_980 = tpu.vector_load %arg11[%swap3A_978, %swap3A_979] {strides = array<i32>} : memref<32x128xf32, #tpu.memory_space<vmem>>, vector<16xf32>,
          tpu.vector_store %arg11[%swap3A_978, %swap3A_979], %mul3A_976 {strides = array<i32>} : memref<32x128xf32, #tpu.memory_space<vmem>>, vector<16xf32>,
          %mul3A_981 = arith.mulf %max3A_786, %div3A_836 : vector<16xf32>
          %swap3A_982 = arith.constant 29 : i32
          %swap3A_983 = arith.index_cast %swap3A_982 : i32 to index
          %swap3A_984 = arith.index_cast %mul3A_85 : i32 to index
          %swap3A_985 = tpu.vector_load %arg11[%swap3A_983, %swap3A_984] {strides = array<i32>} : memref<32x128xf32, #tpu.memory_space<vmem>>, vector<16xf32>,
          tpu.vector_store %arg11[%swap3A_983, %swap3A_984], %mul3A_981 {strides = array<i32>} : memref<32x128xf32, #tpu.memory_space<vmem>>, vector<16xf32>,
          %mul3A_986 = arith.mulf %max3A_809, %div3A_836 : vector<16xf32>
          %swap3A_987 = arith.constant 30 : i32
          %swap3A_988 = arith.index_cast %swap3A_987 : i32 to index
          %swap3A_989 = arith.index_cast %mul3A_85 : i32 to index
          %swap3A_990 = tpu.vector_load %arg11[%swap3A_988, %swap3A_989] {strides = array<i32>} : memref<32x128xf32, #tpu.memory_space<vmem>>, vector<16xf32>,
          tpu.vector_store %arg11[%swap3A_988, %swap3A_989], %mul3A_986 {strides = array<i32>} : memref<32x128xf32, #tpu.memory_space<vmem>>, vector<16xf32>,
          %mul3A_991 = arith.mulf %max3A_832, %div3A_836 : vector<16xf32>
          %swap3A_992 = arith.constant 31 : i32
          %swap3A_993 = arith.index_cast %swap3A_992 : i32 to index
          %swap3A_994 = arith.index_cast %mul3A_85 : i32 to index
          %swap3A_995 = tpu.vector_load %arg11[%swap3A_993, %swap3A_994] {strides = array<i32>} : memref<32x128xf32, #tpu.memory_space<vmem>>, vector<16xf32>,
          tpu.vector_store %arg11[%swap3A_993, %swap3A_994], %mul3A_991 {strides = array<i32>} : memref<32x128xf32, #tpu.memory_space<vmem>>, vector<16xf32>,
        }
        %scan3A_74 = arith.constant 8 : i32
        %mul3A_75 = arith.constant 32 : i32
        %mul3A_76 = arith.muli %add3A_44, %mul3A_75 : i32
        %add3A_77 = arith.addi %add3A, %mul3A_76 : i32
        %mul3A_78 = arith.constant 128 : i32
        %mul3A_79 = arith.muli %add3A_77, %mul3A_78 : i32
        %multiple_of3A = tpu.assume_multiple %mul3A_79, 128 : i32
        %dma_start3A = arith.constant 0 : i32
        %dma_start3A_80 = tpu.memref_slice %arg6[%dma_start3A, %multiple_of3A] : memref<32x100000xf32, #tpu.memory_space<hbm>> -> memref<32x128xf32, #tpu.memory_space<hbm>>
        %dma_start3A_81 = arith.constant 0 : i32
        %dma_start3A_82 = tpu.memref_slice %arg6[%dma_start3A_81, %multiple_of3A] : memref<32x100000xf32, #tpu.memory_space<hbm>> -> memref<32x128xf32, #tpu.memory_space<hbm>>
        tpu.enqueue_dma source(%arg11 : memref<32x128xf32, #tpu.memory_space<vmem>>) target(%dma_start3A_82 : memref<32x128xf32, #tpu.memory_space<hbm>>) target_semaphore(%arg18 : memref<!tpu.dma_semaphore, #tpu.memory_space<semaphore_mem>>)
      } else {
      }
    }
    %scan3A_30 = arith.constant 13 : i32
    %gt3A_31 = arith.constant 0 : i32
    %gt3A_32 = arith.cmpi sgt, %select_n3A, %gt3A_31 : i32
    %convert_element_type3A_33 = arith.extui %gt3A_32 : i1 to i32
    %cond3A_34 = arith.constant 0 : i32
    %cond3A_35 = arith.cmpi ne, %convert_element_type3A_33, %cond3A_34 : i32
    scf.if %cond3A_35 {
      %dma_wait3A = arith.constant 0 : i32
      %dma_wait3A_40 = arith.constant 0 : i32
      %dma_wait3A_41 = tpu.memref_slice %arg6[%dma_wait3A, %dma_wait3A_40] : memref<32x100000xf32, #tpu.memory_space<hbm>> -> memref<32x128xf32, #tpu.memory_space<hbm>>
      %dma_wait3A_42 = arith.constant 0 : i32
      %dma_wait3A_43 = arith.constant 0 : i32
      %dma_wait3A_44 = tpu.memref_slice %arg6[%dma_wait3A_42, %dma_wait3A_43] : memref<32x100000xf32, #tpu.memory_space<hbm>> -> memref<32x128xf32, #tpu.memory_space<hbm>>
      tpu.wait_dma2 semaphore(%arg18 : memref<!tpu.dma_semaphore, #tpu.memory_space<semaphore_mem>>) src(%arg11 : memref<32x128xf32, #tpu.memory_space<vmem>>) dst(%dma_wait3A_44 : memref<32x128xf32, #tpu.memory_space<hbm>>)
    } else {
    }
    %eq3A = arith.constant 13 : i32
    %eq3A_36 = arith.cmpi eq, %add3A, %eq3A : i32
    %convert_element_type3A_37 = arith.extui %eq3A_36 : i1 to i32
    %cond3A_38 = arith.constant 0 : i32
    %cond3A_39 = arith.cmpi ne, %convert_element_type3A_37, %cond3A_38 : i32
    scf.if %cond3A_39 {
      "tpu.region"() ({
        %run_scoped3A = tpu.sem_alloc : memref<!tpu.dma_semaphore, #tpu.memory_space<semaphore_mem>>
        %dma_start3A = arith.constant 0 : i32
        %dma_start3A_46 = arith.constant 0 : i32
        %dma_start3A_47 = tpu.memref_slice %arg13[%dma_start3A, %dma_start3A_46] : memref<33x32xi32, #tpu.memory_space<vmem>> -> memref<33x32xi32, #tpu.memory_space<vmem>>
        %dma_start3A_48 = arith.constant 0 : i32
        %dma_start3A_49 = arith.constant 0 : i32
        %dma_start3A_50 = tpu.memref_slice %arg13[%dma_start3A_48, %dma_start3A_49] : memref<33x32xi32, #tpu.memory_space<vmem>> -> memref<33x32xi32, #tpu.memory_space<vmem>>
        tpu.enqueue_dma source(%arg5 : memref<33x32xi32, #tpu.memory_space<hbm>>) target(%dma_start3A_50 : memref<33x32xi32, #tpu.memory_space<vmem>>) target_semaphore(%run_scoped3A : memref<!tpu.dma_semaphore, #tpu.memory_space<semaphore_mem>>)
        %dma_wait3A = arith.constant 0 : i32
        %dma_wait3A_51 = arith.constant 0 : i32
        %dma_wait3A_52 = tpu.memref_slice %arg13[%dma_wait3A, %dma_wait3A_51] : memref<33x32xi32, #tpu.memory_space<vmem>> -> memref<33x32xi32, #tpu.memory_space<vmem>>
        %dma_wait3A_53 = arith.constant 0 : i32
        %dma_wait3A_54 = arith.constant 0 : i32
        %dma_wait3A_55 = tpu.memref_slice %arg13[%dma_wait3A_53, %dma_wait3A_54] : memref<33x32xi32, #tpu.memory_space<vmem>> -> memref<33x32xi32, #tpu.memory_space<vmem>>
        tpu.wait_dma2 semaphore(%run_scoped3A : memref<!tpu.dma_semaphore, #tpu.memory_space<semaphore_mem>>) src(%arg5 : memref<33x32xi32, #tpu.memory_space<hbm>>) dst(%dma_wait3A_55 : memref<33x32xi32, #tpu.memory_space<vmem>>)
        tpu.yield
      }) : () -> ()
      %scan3A_40 = arith.constant 0 : i32
      %scan3A_41 = arith.constant 0 : i32
      %scan3A_42 = arith.constant 2 : i32
      %scan3A_43 = arith.addi %scan3A_41, %scan3A_42 : i32
      %scan3A_44 = arith.constant 1 : i32
      scf.for %scan3A_46 = %scan3A_41 to %scan3A_43 step %scan3A_44  : i32 {
        %mul3A_47 = arith.constant 16 : i32
        %mul3A_48 = arith.muli %scan3A_46, %mul3A_47 : i32
        %get3A_49 = arith.constant 0 : i32
        %get3A_50 = arith.index_cast %get3A_49 : i32 to index
        %get3A_51 = arith.index_cast %mul3A_48 : i32 to index
        %get3A_52 = tpu.vector_load %arg13[%get3A_50, %get3A_51] {strides = array<i32>} : memref<33x32xi32, #tpu.memory_space<vmem>>, vector<16xi32>,
        %gather3A = tpu.vector_load_idx %arg8[%get3A_52] : memref<100000xi32, #tpu.memory_space<vmem>>[vector<16xi32>], vector<16xi32>,
        %shift_left3A = arith.constant 16 : i32
        %shift_left3A_53 = vector.broadcast %shift_left3A : i32 to vector<16xi32>
        %shift_left3A_54 = arith.shli %gather3A, %shift_left3A_53 : vector<16xi32>
        %shift_right_arithmetic3A = arith.constant 16 : i32
        %shift_right_arithmetic3A_55 = vector.broadcast %shift_right_arithmetic3A : i32 to vector<16xi32>
        %shift_right_arithmetic3A_56 = arith.shrsi %shift_left3A_54, %shift_right_arithmetic3A_55 : vector<16xi32>
        %shift_right_arithmetic3A_57 = arith.constant 16 : i32
        %shift_right_arithmetic3A_58 = vector.broadcast %shift_right_arithmetic3A_57 : i32 to vector<16xi32>
        %shift_right_arithmetic3A_59 = arith.shrsi %gather3A, %shift_right_arithmetic3A_58 : vector<16xi32>
        %convert_element_type3A_60 = arith.sitofp %shift_right_arithmetic3A_56 : vector<16xi32> to vector<16xf32>
        %convert_element_type3A_61 = arith.sitofp %shift_right_arithmetic3A_59 : vector<16xi32> to vector<16xf32>
        %get3A_62 = arith.constant 1 : i32
        %get3A_63 = arith.index_cast %get3A_62 : i32 to index
        %get3A_64 = arith.index_cast %mul3A_48 : i32 to index
        %get3A_65 = tpu.vector_load %arg13[%get3A_63, %get3A_64] {strides = array<i32>} : memref<33x32xi32, #tpu.memory_space<vmem>>, vector<16xi32>,
        %gather3A_66 = tpu.vector_load_idx %arg8[%get3A_65] : memref<100000xi32, #tpu.memory_space<vmem>>[vector<16xi32>], vector<16xi32>,
        %shift_left3A_67 = arith.constant 16 : i32
        %shift_left3A_68 = vector.broadcast %shift_left3A_67 : i32 to vector<16xi32>
        %shift_left3A_69 = arith.shli %gather3A_66, %shift_left3A_68 : vector<16xi32>
        %shift_right_arithmetic3A_70 = arith.constant 16 : i32
        %shift_right_arithmetic3A_71 = vector.broadcast %shift_right_arithmetic3A_70 : i32 to vector<16xi32>
        %shift_right_arithmetic3A_72 = arith.shrsi %shift_left3A_69, %shift_right_arithmetic3A_71 : vector<16xi32>
        %shift_right_arithmetic3A_73 = arith.constant 16 : i32
        %shift_right_arithmetic3A_74 = vector.broadcast %shift_right_arithmetic3A_73 : i32 to vector<16xi32>
        %shift_right_arithmetic3A_75 = arith.shrsi %gather3A_66, %shift_right_arithmetic3A_74 : vector<16xi32>
        %convert_element_type3A_76 = arith.sitofp %shift_right_arithmetic3A_72 : vector<16xi32> to vector<16xf32>
        %convert_element_type3A_77 = arith.sitofp %shift_right_arithmetic3A_75 : vector<16xi32> to vector<16xf32>
        %mul3A_78 = arith.mulf %convert_element_type3A_60, %convert_element_type3A_76 : vector<16xf32>
        %mul3A_79 = arith.mulf %convert_element_type3A_61, %convert_element_type3A_77 : vector<16xf32>
        %add3A_80 = arith.addf %mul3A_78, %mul3A_79 : vector<16xf32>
        %max3A = arith.constant 0.000000e+00 : f32
        %max3A_81 = vector.broadcast %max3A : f32 to vector<16xf32>
        %max3A_82 = arith.maximumf %add3A_80, %max3A_81 : vector<16xf32>
        %add3A_83 = arith.addf %get3A_25, %max3A_82 : vector<16xf32>
        %get3A_84 = arith.constant 2 : i32
        %get3A_85 = arith.index_cast %get3A_84 : i32 to index
        %get3A_86 = arith.index_cast %mul3A_48 : i32 to index
        %get3A_87 = tpu.vector_load %arg13[%get3A_85, %get3A_86] {strides = array<i32>} : memref<33x32xi32, #tpu.memory_space<vmem>>, vector<16xi32>,
        %gather3A_88 = tpu.vector_load_idx %arg8[%get3A_87] : memref<100000xi32, #tpu.memory_space<vmem>>[vector<16xi32>], vector<16xi32>,
        %shift_left3A_89 = arith.constant 16 : i32
        %shift_left3A_90 = vector.broadcast %shift_left3A_89 : i32 to vector<16xi32>
        %shift_left3A_91 = arith.shli %gather3A_88, %shift_left3A_90 : vector<16xi32>
        %shift_right_arithmetic3A_92 = arith.constant 16 : i32
        %shift_right_arithmetic3A_93 = vector.broadcast %shift_right_arithmetic3A_92 : i32 to vector<16xi32>
        %shift_right_arithmetic3A_94 = arith.shrsi %shift_left3A_91, %shift_right_arithmetic3A_93 : vector<16xi32>
        %shift_right_arithmetic3A_95 = arith.constant 16 : i32
        %shift_right_arithmetic3A_96 = vector.broadcast %shift_right_arithmetic3A_95 : i32 to vector<16xi32>
        %shift_right_arithmetic3A_97 = arith.shrsi %gather3A_88, %shift_right_arithmetic3A_96 : vector<16xi32>
        %convert_element_type3A_98 = arith.sitofp %shift_right_arithmetic3A_94 : vector<16xi32> to vector<16xf32>
        %convert_element_type3A_99 = arith.sitofp %shift_right_arithmetic3A_97 : vector<16xi32> to vector<16xf32>
        %mul3A_100 = arith.mulf %convert_element_type3A_60, %convert_element_type3A_98 : vector<16xf32>
        %mul3A_101 = arith.mulf %convert_element_type3A_61, %convert_element_type3A_99 : vector<16xf32>
        %add3A_102 = arith.addf %mul3A_100, %mul3A_101 : vector<16xf32>
        %max3A_103 = arith.constant 0.000000e+00 : f32
        %max3A_104 = vector.broadcast %max3A_103 : f32 to vector<16xf32>
        %max3A_105 = arith.maximumf %add3A_102, %max3A_104 : vector<16xf32>
        %add3A_106 = arith.addf %add3A_83, %max3A_105 : vector<16xf32>
        %get3A_107 = arith.constant 3 : i32
        %get3A_108 = arith.index_cast %get3A_107 : i32 to index
        %get3A_109 = arith.index_cast %mul3A_48 : i32 to index
        %get3A_110 = tpu.vector_load %arg13[%get3A_108, %get3A_109] {strides = array<i32>} : memref<33x32xi32, #tpu.memory_space<vmem>>, vector<16xi32>,
        %gather3A_111 = tpu.vector_load_idx %arg8[%get3A_110] : memref<100000xi32, #tpu.memory_space<vmem>>[vector<16xi32>], vector<16xi32>,
        %shift_left3A_112 = arith.constant 16 : i32
        %shift_left3A_113 = vector.broadcast %shift_left3A_112 : i32 to vector<16xi32>
        %shift_left3A_114 = arith.shli %gather3A_111, %shift_left3A_113 : vector<16xi32>
        %shift_right_arithmetic3A_115 = arith.constant 16 : i32
        %shift_right_arithmetic3A_116 = vector.broadcast %shift_right_arithmetic3A_115 : i32 to vector<16xi32>
        %shift_right_arithmetic3A_117 = arith.shrsi %shift_left3A_114, %shift_right_arithmetic3A_116 : vector<16xi32>
        %shift_right_arithmetic3A_118 = arith.constant 16 : i32
        %shift_right_arithmetic3A_119 = vector.broadcast %shift_right_arithmetic3A_118 : i32 to vector<16xi32>
        %shift_right_arithmetic3A_120 = arith.shrsi %gather3A_111, %shift_right_arithmetic3A_119 : vector<16xi32>
        %convert_element_type3A_121 = arith.sitofp %shift_right_arithmetic3A_117 : vector<16xi32> to vector<16xf32>
        %convert_element_type3A_122 = arith.sitofp %shift_right_arithmetic3A_120 : vector<16xi32> to vector<16xf32>
        %mul3A_123 = arith.mulf %convert_element_type3A_60, %convert_element_type3A_121 : vector<16xf32>
        %mul3A_124 = arith.mulf %convert_element_type3A_61, %convert_element_type3A_122 : vector<16xf32>
        %add3A_125 = arith.addf %mul3A_123, %mul3A_124 : vector<16xf32>
        %max3A_126 = arith.constant 0.000000e+00 : f32
        %max3A_127 = vector.broadcast %max3A_126 : f32 to vector<16xf32>
        %max3A_128 = arith.maximumf %add3A_125, %max3A_127 : vector<16xf32>
        %add3A_129 = arith.addf %add3A_106, %max3A_128 : vector<16xf32>
        %get3A_130 = arith.constant 4 : i32
        %get3A_131 = arith.index_cast %get3A_130 : i32 to index
        %get3A_132 = arith.index_cast %mul3A_48 : i32 to index
        %get3A_133 = tpu.vector_load %arg13[%get3A_131, %get3A_132] {strides = array<i32>} : memref<33x32xi32, #tpu.memory_space<vmem>>, vector<16xi32>,
        %gather3A_134 = tpu.vector_load_idx %arg8[%get3A_133] : memref<100000xi32, #tpu.memory_space<vmem>>[vector<16xi32>], vector<16xi32>,
        %shift_left3A_135 = arith.constant 16 : i32
        %shift_left3A_136 = vector.broadcast %shift_left3A_135 : i32 to vector<16xi32>
        %shift_left3A_137 = arith.shli %gather3A_134, %shift_left3A_136 : vector<16xi32>
        %shift_right_arithmetic3A_138 = arith.constant 16 : i32
        %shift_right_arithmetic3A_139 = vector.broadcast %shift_right_arithmetic3A_138 : i32 to vector<16xi32>
        %shift_right_arithmetic3A_140 = arith.shrsi %shift_left3A_137, %shift_right_arithmetic3A_139 : vector<16xi32>
        %shift_right_arithmetic3A_141 = arith.constant 16 : i32
        %shift_right_arithmetic3A_142 = vector.broadcast %shift_right_arithmetic3A_141 : i32 to vector<16xi32>
        %shift_right_arithmetic3A_143 = arith.shrsi %gather3A_134, %shift_right_arithmetic3A_142 : vector<16xi32>
        %convert_element_type3A_144 = arith.sitofp %shift_right_arithmetic3A_140 : vector<16xi32> to vector<16xf32>
        %convert_element_type3A_145 = arith.sitofp %shift_right_arithmetic3A_143 : vector<16xi32> to vector<16xf32>
        %mul3A_146 = arith.mulf %convert_element_type3A_60, %convert_element_type3A_144 : vector<16xf32>
        %mul3A_147 = arith.mulf %convert_element_type3A_61, %convert_element_type3A_145 : vector<16xf32>
        %add3A_148 = arith.addf %mul3A_146, %mul3A_147 : vector<16xf32>
        %max3A_149 = arith.constant 0.000000e+00 : f32
        %max3A_150 = vector.broadcast %max3A_149 : f32 to vector<16xf32>
        %max3A_151 = arith.maximumf %add3A_148, %max3A_150 : vector<16xf32>
        %add3A_152 = arith.addf %add3A_129, %max3A_151 : vector<16xf32>
        %get3A_153 = arith.constant 5 : i32
        %get3A_154 = arith.index_cast %get3A_153 : i32 to index
        %get3A_155 = arith.index_cast %mul3A_48 : i32 to index
        %get3A_156 = tpu.vector_load %arg13[%get3A_154, %get3A_155] {strides = array<i32>} : memref<33x32xi32, #tpu.memory_space<vmem>>, vector<16xi32>,
        %gather3A_157 = tpu.vector_load_idx %arg8[%get3A_156] : memref<100000xi32, #tpu.memory_space<vmem>>[vector<16xi32>], vector<16xi32>,
        %shift_left3A_158 = arith.constant 16 : i32
        %shift_left3A_159 = vector.broadcast %shift_left3A_158 : i32 to vector<16xi32>
        %shift_left3A_160 = arith.shli %gather3A_157, %shift_left3A_159 : vector<16xi32>
        %shift_right_arithmetic3A_161 = arith.constant 16 : i32
        %shift_right_arithmetic3A_162 = vector.broadcast %shift_right_arithmetic3A_161 : i32 to vector<16xi32>
        %shift_right_arithmetic3A_163 = arith.shrsi %shift_left3A_160, %shift_right_arithmetic3A_162 : vector<16xi32>
        %shift_right_arithmetic3A_164 = arith.constant 16 : i32
        %shift_right_arithmetic3A_165 = vector.broadcast %shift_right_arithmetic3A_164 : i32 to vector<16xi32>
        %shift_right_arithmetic3A_166 = arith.shrsi %gather3A_157, %shift_right_arithmetic3A_165 : vector<16xi32>
        %convert_element_type3A_167 = arith.sitofp %shift_right_arithmetic3A_163 : vector<16xi32> to vector<16xf32>
        %convert_element_type3A_168 = arith.sitofp %shift_right_arithmetic3A_166 : vector<16xi32> to vector<16xf32>
        %mul3A_169 = arith.mulf %convert_element_type3A_60, %convert_element_type3A_167 : vector<16xf32>
        %mul3A_170 = arith.mulf %convert_element_type3A_61, %convert_element_type3A_168 : vector<16xf32>
        %add3A_171 = arith.addf %mul3A_169, %mul3A_170 : vector<16xf32>
        %max3A_172 = arith.constant 0.000000e+00 : f32
        %max3A_173 = vector.broadcast %max3A_172 : f32 to vector<16xf32>
        %max3A_174 = arith.maximumf %add3A_171, %max3A_173 : vector<16xf32>
        %add3A_175 = arith.addf %add3A_152, %max3A_174 : vector<16xf32>
        %get3A_176 = arith.constant 6 : i32
        %get3A_177 = arith.index_cast %get3A_176 : i32 to index
        %get3A_178 = arith.index_cast %mul3A_48 : i32 to index
        %get3A_179 = tpu.vector_load %arg13[%get3A_177, %get3A_178] {strides = array<i32>} : memref<33x32xi32, #tpu.memory_space<vmem>>, vector<16xi32>,
        %gather3A_180 = tpu.vector_load_idx %arg8[%get3A_179] : memref<100000xi32, #tpu.memory_space<vmem>>[vector<16xi32>], vector<16xi32>,
        %shift_left3A_181 = arith.constant 16 : i32
        %shift_left3A_182 = vector.broadcast %shift_left3A_181 : i32 to vector<16xi32>
        %shift_left3A_183 = arith.shli %gather3A_180, %shift_left3A_182 : vector<16xi32>
        %shift_right_arithmetic3A_184 = arith.constant 16 : i32
        %shift_right_arithmetic3A_185 = vector.broadcast %shift_right_arithmetic3A_184 : i32 to vector<16xi32>
        %shift_right_arithmetic3A_186 = arith.shrsi %shift_left3A_183, %shift_right_arithmetic3A_185 : vector<16xi32>
        %shift_right_arithmetic3A_187 = arith.constant 16 : i32
        %shift_right_arithmetic3A_188 = vector.broadcast %shift_right_arithmetic3A_187 : i32 to vector<16xi32>
        %shift_right_arithmetic3A_189 = arith.shrsi %gather3A_180, %shift_right_arithmetic3A_188 : vector<16xi32>
        %convert_element_type3A_190 = arith.sitofp %shift_right_arithmetic3A_186 : vector<16xi32> to vector<16xf32>
        %convert_element_type3A_191 = arith.sitofp %shift_right_arithmetic3A_189 : vector<16xi32> to vector<16xf32>
        %mul3A_192 = arith.mulf %convert_element_type3A_60, %convert_element_type3A_190 : vector<16xf32>
        %mul3A_193 = arith.mulf %convert_element_type3A_61, %convert_element_type3A_191 : vector<16xf32>
        %add3A_194 = arith.addf %mul3A_192, %mul3A_193 : vector<16xf32>
        %max3A_195 = arith.constant 0.000000e+00 : f32
        %max3A_196 = vector.broadcast %max3A_195 : f32 to vector<16xf32>
        %max3A_197 = arith.maximumf %add3A_194, %max3A_196 : vector<16xf32>
        %add3A_198 = arith.addf %add3A_175, %max3A_197 : vector<16xf32>
        %get3A_199 = arith.constant 7 : i32
        %get3A_200 = arith.index_cast %get3A_199 : i32 to index
        %get3A_201 = arith.index_cast %mul3A_48 : i32 to index
        %get3A_202 = tpu.vector_load %arg13[%get3A_200, %get3A_201] {strides = array<i32>} : memref<33x32xi32, #tpu.memory_space<vmem>>, vector<16xi32>,
        %gather3A_203 = tpu.vector_load_idx %arg8[%get3A_202] : memref<100000xi32, #tpu.memory_space<vmem>>[vector<16xi32>], vector<16xi32>,
        %shift_left3A_204 = arith.constant 16 : i32
        %shift_left3A_205 = vector.broadcast %shift_left3A_204 : i32 to vector<16xi32>
        %shift_left3A_206 = arith.shli %gather3A_203, %shift_left3A_205 : vector<16xi32>
        %shift_right_arithmetic3A_207 = arith.constant 16 : i32
        %shift_right_arithmetic3A_208 = vector.broadcast %shift_right_arithmetic3A_207 : i32 to vector<16xi32>
        %shift_right_arithmetic3A_209 = arith.shrsi %shift_left3A_206, %shift_right_arithmetic3A_208 : vector<16xi32>
        %shift_right_arithmetic3A_210 = arith.constant 16 : i32
        %shift_right_arithmetic3A_211 = vector.broadcast %shift_right_arithmetic3A_210 : i32 to vector<16xi32>
        %shift_right_arithmetic3A_212 = arith.shrsi %gather3A_203, %shift_right_arithmetic3A_211 : vector<16xi32>
        %convert_element_type3A_213 = arith.sitofp %shift_right_arithmetic3A_209 : vector<16xi32> to vector<16xf32>
        %convert_element_type3A_214 = arith.sitofp %shift_right_arithmetic3A_212 : vector<16xi32> to vector<16xf32>
        %mul3A_215 = arith.mulf %convert_element_type3A_60, %convert_element_type3A_213 : vector<16xf32>
        %mul3A_216 = arith.mulf %convert_element_type3A_61, %convert_element_type3A_214 : vector<16xf32>
        %add3A_217 = arith.addf %mul3A_215, %mul3A_216 : vector<16xf32>
        %max3A_218 = arith.constant 0.000000e+00 : f32
        %max3A_219 = vector.broadcast %max3A_218 : f32 to vector<16xf32>
        %max3A_220 = arith.maximumf %add3A_217, %max3A_219 : vector<16xf32>
        %add3A_221 = arith.addf %add3A_198, %max3A_220 : vector<16xf32>
        %get3A_222 = arith.constant 8 : i32
        %get3A_223 = arith.index_cast %get3A_222 : i32 to index
        %get3A_224 = arith.index_cast %mul3A_48 : i32 to index
        %get3A_225 = tpu.vector_load %arg13[%get3A_223, %get3A_224] {strides = array<i32>} : memref<33x32xi32, #tpu.memory_space<vmem>>, vector<16xi32>,
        %gather3A_226 = tpu.vector_load_idx %arg8[%get3A_225] : memref<100000xi32, #tpu.memory_space<vmem>>[vector<16xi32>], vector<16xi32>,
        %shift_left3A_227 = arith.constant 16 : i32
        %shift_left3A_228 = vector.broadcast %shift_left3A_227 : i32 to vector<16xi32>
        %shift_left3A_229 = arith.shli %gather3A_226, %shift_left3A_228 : vector<16xi32>
        %shift_right_arithmetic3A_230 = arith.constant 16 : i32
        %shift_right_arithmetic3A_231 = vector.broadcast %shift_right_arithmetic3A_230 : i32 to vector<16xi32>
        %shift_right_arithmetic3A_232 = arith.shrsi %shift_left3A_229, %shift_right_arithmetic3A_231 : vector<16xi32>
        %shift_right_arithmetic3A_233 = arith.constant 16 : i32
        %shift_right_arithmetic3A_234 = vector.broadcast %shift_right_arithmetic3A_233 : i32 to vector<16xi32>
        %shift_right_arithmetic3A_235 = arith.shrsi %gather3A_226, %shift_right_arithmetic3A_234 : vector<16xi32>
        %convert_element_type3A_236 = arith.sitofp %shift_right_arithmetic3A_232 : vector<16xi32> to vector<16xf32>
        %convert_element_type3A_237 = arith.sitofp %shift_right_arithmetic3A_235 : vector<16xi32> to vector<16xf32>
        %mul3A_238 = arith.mulf %convert_element_type3A_60, %convert_element_type3A_236 : vector<16xf32>
        %mul3A_239 = arith.mulf %convert_element_type3A_61, %convert_element_type3A_237 : vector<16xf32>
        %add3A_240 = arith.addf %mul3A_238, %mul3A_239 : vector<16xf32>
        %max3A_241 = arith.constant 0.000000e+00 : f32
        %max3A_242 = vector.broadcast %max3A_241 : f32 to vector<16xf32>
        %max3A_243 = arith.maximumf %add3A_240, %max3A_242 : vector<16xf32>
        %add3A_244 = arith.addf %add3A_221, %max3A_243 : vector<16xf32>
        %get3A_245 = arith.constant 9 : i32
        %get3A_246 = arith.index_cast %get3A_245 : i32 to index
        %get3A_247 = arith.index_cast %mul3A_48 : i32 to index
        %get3A_248 = tpu.vector_load %arg13[%get3A_246, %get3A_247] {strides = array<i32>} : memref<33x32xi32, #tpu.memory_space<vmem>>, vector<16xi32>,
        %gather3A_249 = tpu.vector_load_idx %arg8[%get3A_248] : memref<100000xi32, #tpu.memory_space<vmem>>[vector<16xi32>], vector<16xi32>,
        %shift_left3A_250 = arith.constant 16 : i32
        %shift_left3A_251 = vector.broadcast %shift_left3A_250 : i32 to vector<16xi32>
        %shift_left3A_252 = arith.shli %gather3A_249, %shift_left3A_251 : vector<16xi32>
        %shift_right_arithmetic3A_253 = arith.constant 16 : i32
        %shift_right_arithmetic3A_254 = vector.broadcast %shift_right_arithmetic3A_253 : i32 to vector<16xi32>
        %shift_right_arithmetic3A_255 = arith.shrsi %shift_left3A_252, %shift_right_arithmetic3A_254 : vector<16xi32>
        %shift_right_arithmetic3A_256 = arith.constant 16 : i32
        %shift_right_arithmetic3A_257 = vector.broadcast %shift_right_arithmetic3A_256 : i32 to vector<16xi32>
        %shift_right_arithmetic3A_258 = arith.shrsi %gather3A_249, %shift_right_arithmetic3A_257 : vector<16xi32>
        %convert_element_type3A_259 = arith.sitofp %shift_right_arithmetic3A_255 : vector<16xi32> to vector<16xf32>
        %convert_element_type3A_260 = arith.sitofp %shift_right_arithmetic3A_258 : vector<16xi32> to vector<16xf32>
        %mul3A_261 = arith.mulf %convert_element_type3A_60, %convert_element_type3A_259 : vector<16xf32>
        %mul3A_262 = arith.mulf %convert_element_type3A_61, %convert_element_type3A_260 : vector<16xf32>
        %add3A_263 = arith.addf %mul3A_261, %mul3A_262 : vector<16xf32>
        %max3A_264 = arith.constant 0.000000e+00 : f32
        %max3A_265 = vector.broadcast %max3A_264 : f32 to vector<16xf32>
        %max3A_266 = arith.maximumf %add3A_263, %max3A_265 : vector<16xf32>
        %add3A_267 = arith.addf %add3A_244, %max3A_266 : vector<16xf32>
        %get3A_268 = arith.constant 10 : i32
        %get3A_269 = arith.index_cast %get3A_268 : i32 to index
        %get3A_270 = arith.index_cast %mul3A_48 : i32 to index
        %get3A_271 = tpu.vector_load %arg13[%get3A_269, %get3A_270] {strides = array<i32>} : memref<33x32xi32, #tpu.memory_space<vmem>>, vector<16xi32>,
        %gather3A_272 = tpu.vector_load_idx %arg8[%get3A_271] : memref<100000xi32, #tpu.memory_space<vmem>>[vector<16xi32>], vector<16xi32>,
        %shift_left3A_273 = arith.constant 16 : i32
        %shift_left3A_274 = vector.broadcast %shift_left3A_273 : i32 to vector<16xi32>
        %shift_left3A_275 = arith.shli %gather3A_272, %shift_left3A_274 : vector<16xi32>
        %shift_right_arithmetic3A_276 = arith.constant 16 : i32
        %shift_right_arithmetic3A_277 = vector.broadcast %shift_right_arithmetic3A_276 : i32 to vector<16xi32>
        %shift_right_arithmetic3A_278 = arith.shrsi %shift_left3A_275, %shift_right_arithmetic3A_277 : vector<16xi32>
        %shift_right_arithmetic3A_279 = arith.constant 16 : i32
        %shift_right_arithmetic3A_280 = vector.broadcast %shift_right_arithmetic3A_279 : i32 to vector<16xi32>
        %shift_right_arithmetic3A_281 = arith.shrsi %gather3A_272, %shift_right_arithmetic3A_280 : vector<16xi32>
        %convert_element_type3A_282 = arith.sitofp %shift_right_arithmetic3A_278 : vector<16xi32> to vector<16xf32>
        %convert_element_type3A_283 = arith.sitofp %shift_right_arithmetic3A_281 : vector<16xi32> to vector<16xf32>
        %mul3A_284 = arith.mulf %convert_element_type3A_60, %convert_element_type3A_282 : vector<16xf32>
        %mul3A_285 = arith.mulf %convert_element_type3A_61, %convert_element_type3A_283 : vector<16xf32>
        %add3A_286 = arith.addf %mul3A_284, %mul3A_285 : vector<16xf32>
        %max3A_287 = arith.constant 0.000000e+00 : f32
        %max3A_288 = vector.broadcast %max3A_287 : f32 to vector<16xf32>
        %max3A_289 = arith.maximumf %add3A_286, %max3A_288 : vector<16xf32>
        %add3A_290 = arith.addf %add3A_267, %max3A_289 : vector<16xf32>
        %get3A_291 = arith.constant 11 : i32
        %get3A_292 = arith.index_cast %get3A_291 : i32 to index
        %get3A_293 = arith.index_cast %mul3A_48 : i32 to index
        %get3A_294 = tpu.vector_load %arg13[%get3A_292, %get3A_293] {strides = array<i32>} : memref<33x32xi32, #tpu.memory_space<vmem>>, vector<16xi32>,
        %gather3A_295 = tpu.vector_load_idx %arg8[%get3A_294] : memref<100000xi32, #tpu.memory_space<vmem>>[vector<16xi32>], vector<16xi32>,
        %shift_left3A_296 = arith.constant 16 : i32
        %shift_left3A_297 = vector.broadcast %shift_left3A_296 : i32 to vector<16xi32>
        %shift_left3A_298 = arith.shli %gather3A_295, %shift_left3A_297 : vector<16xi32>
        %shift_right_arithmetic3A_299 = arith.constant 16 : i32
        %shift_right_arithmetic3A_300 = vector.broadcast %shift_right_arithmetic3A_299 : i32 to vector<16xi32>
        %shift_right_arithmetic3A_301 = arith.shrsi %shift_left3A_298, %shift_right_arithmetic3A_300 : vector<16xi32>
        %shift_right_arithmetic3A_302 = arith.constant 16 : i32
        %shift_right_arithmetic3A_303 = vector.broadcast %shift_right_arithmetic3A_302 : i32 to vector<16xi32>
        %shift_right_arithmetic3A_304 = arith.shrsi %gather3A_295, %shift_right_arithmetic3A_303 : vector<16xi32>
        %convert_element_type3A_305 = arith.sitofp %shift_right_arithmetic3A_301 : vector<16xi32> to vector<16xf32>
        %convert_element_type3A_306 = arith.sitofp %shift_right_arithmetic3A_304 : vector<16xi32> to vector<16xf32>
        %mul3A_307 = arith.mulf %convert_element_type3A_60, %convert_element_type3A_305 : vector<16xf32>
        %mul3A_308 = arith.mulf %convert_element_type3A_61, %convert_element_type3A_306 : vector<16xf32>
        %add3A_309 = arith.addf %mul3A_307, %mul3A_308 : vector<16xf32>
        %max3A_310 = arith.constant 0.000000e+00 : f32
        %max3A_311 = vector.broadcast %max3A_310 : f32 to vector<16xf32>
        %max3A_312 = arith.maximumf %add3A_309, %max3A_311 : vector<16xf32>
        %add3A_313 = arith.addf %add3A_290, %max3A_312 : vector<16xf32>
        %get3A_314 = arith.constant 12 : i32
        %get3A_315 = arith.index_cast %get3A_314 : i32 to index
        %get3A_316 = arith.index_cast %mul3A_48 : i32 to index
        %get3A_317 = tpu.vector_load %arg13[%get3A_315, %get3A_316] {strides = array<i32>} : memref<33x32xi32, #tpu.memory_space<vmem>>, vector<16xi32>,
        %gather3A_318 = tpu.vector_load_idx %arg8[%get3A_317] : memref<100000xi32, #tpu.memory_space<vmem>>[vector<16xi32>], vector<16xi32>,
        %shift_left3A_319 = arith.constant 16 : i32
        %shift_left3A_320 = vector.broadcast %shift_left3A_319 : i32 to vector<16xi32>
        %shift_left3A_321 = arith.shli %gather3A_318, %shift_left3A_320 : vector<16xi32>
        %shift_right_arithmetic3A_322 = arith.constant 16 : i32
        %shift_right_arithmetic3A_323 = vector.broadcast %shift_right_arithmetic3A_322 : i32 to vector<16xi32>
        %shift_right_arithmetic3A_324 = arith.shrsi %shift_left3A_321, %shift_right_arithmetic3A_323 : vector<16xi32>
        %shift_right_arithmetic3A_325 = arith.constant 16 : i32
        %shift_right_arithmetic3A_326 = vector.broadcast %shift_right_arithmetic3A_325 : i32 to vector<16xi32>
        %shift_right_arithmetic3A_327 = arith.shrsi %gather3A_318, %shift_right_arithmetic3A_326 : vector<16xi32>
        %convert_element_type3A_328 = arith.sitofp %shift_right_arithmetic3A_324 : vector<16xi32> to vector<16xf32>
        %convert_element_type3A_329 = arith.sitofp %shift_right_arithmetic3A_327 : vector<16xi32> to vector<16xf32>
        %mul3A_330 = arith.mulf %convert_element_type3A_60, %convert_element_type3A_328 : vector<16xf32>
        %mul3A_331 = arith.mulf %convert_element_type3A_61, %convert_element_type3A_329 : vector<16xf32>
        %add3A_332 = arith.addf %mul3A_330, %mul3A_331 : vector<16xf32>
        %max3A_333 = arith.constant 0.000000e+00 : f32
        %max3A_334 = vector.broadcast %max3A_333 : f32 to vector<16xf32>
        %max3A_335 = arith.maximumf %add3A_332, %max3A_334 : vector<16xf32>
        %add3A_336 = arith.addf %add3A_313, %max3A_335 : vector<16xf32>
        %get3A_337 = arith.constant 13 : i32
        %get3A_338 = arith.index_cast %get3A_337 : i32 to index
        %get3A_339 = arith.index_cast %mul3A_48 : i32 to index
        %get3A_340 = tpu.vector_load %arg13[%get3A_338, %get3A_339] {strides = array<i32>} : memref<33x32xi32, #tpu.memory_space<vmem>>, vector<16xi32>,
        %gather3A_341 = tpu.vector_load_idx %arg8[%get3A_340] : memref<100000xi32, #tpu.memory_space<vmem>>[vector<16xi32>], vector<16xi32>,
        %shift_left3A_342 = arith.constant 16 : i32
        %shift_left3A_343 = vector.broadcast %shift_left3A_342 : i32 to vector<16xi32>
        %shift_left3A_344 = arith.shli %gather3A_341, %shift_left3A_343 : vector<16xi32>
        %shift_right_arithmetic3A_345 = arith.constant 16 : i32
        %shift_right_arithmetic3A_346 = vector.broadcast %shift_right_arithmetic3A_345 : i32 to vector<16xi32>
        %shift_right_arithmetic3A_347 = arith.shrsi %shift_left3A_344, %shift_right_arithmetic3A_346 : vector<16xi32>
        %shift_right_arithmetic3A_348 = arith.constant 16 : i32
        %shift_right_arithmetic3A_349 = vector.broadcast %shift_right_arithmetic3A_348 : i32 to vector<16xi32>
        %shift_right_arithmetic3A_350 = arith.shrsi %gather3A_341, %shift_right_arithmetic3A_349 : vector<16xi32>
        %convert_element_type3A_351 = arith.sitofp %shift_right_arithmetic3A_347 : vector<16xi32> to vector<16xf32>
        %convert_element_type3A_352 = arith.sitofp %shift_right_arithmetic3A_350 : vector<16xi32> to vector<16xf32>
        %mul3A_353 = arith.mulf %convert_element_type3A_60, %convert_element_type3A_351 : vector<16xf32>
        %mul3A_354 = arith.mulf %convert_element_type3A_61, %convert_element_type3A_352 : vector<16xf32>
        %add3A_355 = arith.addf %mul3A_353, %mul3A_354 : vector<16xf32>
        %max3A_356 = arith.constant 0.000000e+00 : f32
        %max3A_357 = vector.broadcast %max3A_356 : f32 to vector<16xf32>
        %max3A_358 = arith.maximumf %add3A_355, %max3A_357 : vector<16xf32>
        %add3A_359 = arith.addf %add3A_336, %max3A_358 : vector<16xf32>
        %get3A_360 = arith.constant 14 : i32
        %get3A_361 = arith.index_cast %get3A_360 : i32 to index
        %get3A_362 = arith.index_cast %mul3A_48 : i32 to index
        %get3A_363 = tpu.vector_load %arg13[%get3A_361, %get3A_362] {strides = array<i32>} : memref<33x32xi32, #tpu.memory_space<vmem>>, vector<16xi32>,
        %gather3A_364 = tpu.vector_load_idx %arg8[%get3A_363] : memref<100000xi32, #tpu.memory_space<vmem>>[vector<16xi32>], vector<16xi32>,
        %shift_left3A_365 = arith.constant 16 : i32
        %shift_left3A_366 = vector.broadcast %shift_left3A_365 : i32 to vector<16xi32>
        %shift_left3A_367 = arith.shli %gather3A_364, %shift_left3A_366 : vector<16xi32>
        %shift_right_arithmetic3A_368 = arith.constant 16 : i32
        %shift_right_arithmetic3A_369 = vector.broadcast %shift_right_arithmetic3A_368 : i32 to vector<16xi32>
        %shift_right_arithmetic3A_370 = arith.shrsi %shift_left3A_367, %shift_right_arithmetic3A_369 : vector<16xi32>
        %shift_right_arithmetic3A_371 = arith.constant 16 : i32
        %shift_right_arithmetic3A_372 = vector.broadcast %shift_right_arithmetic3A_371 : i32 to vector<16xi32>
        %shift_right_arithmetic3A_373 = arith.shrsi %gather3A_364, %shift_right_arithmetic3A_372 : vector<16xi32>
        %convert_element_type3A_374 = arith.sitofp %shift_right_arithmetic3A_370 : vector<16xi32> to vector<16xf32>
        %convert_element_type3A_375 = arith.sitofp %shift_right_arithmetic3A_373 : vector<16xi32> to vector<16xf32>
        %mul3A_376 = arith.mulf %convert_element_type3A_60, %convert_element_type3A_374 : vector<16xf32>
        %mul3A_377 = arith.mulf %convert_element_type3A_61, %convert_element_type3A_375 : vector<16xf32>
        %add3A_378 = arith.addf %mul3A_376, %mul3A_377 : vector<16xf32>
        %max3A_379 = arith.constant 0.000000e+00 : f32
        %max3A_380 = vector.broadcast %max3A_379 : f32 to vector<16xf32>
        %max3A_381 = arith.maximumf %add3A_378, %max3A_380 : vector<16xf32>
        %add3A_382 = arith.addf %add3A_359, %max3A_381 : vector<16xf32>
        %get3A_383 = arith.constant 15 : i32
        %get3A_384 = arith.index_cast %get3A_383 : i32 to index
        %get3A_385 = arith.index_cast %mul3A_48 : i32 to index
        %get3A_386 = tpu.vector_load %arg13[%get3A_384, %get3A_385] {strides = array<i32>} : memref<33x32xi32, #tpu.memory_space<vmem>>, vector<16xi32>,
        %gather3A_387 = tpu.vector_load_idx %arg8[%get3A_386] : memref<100000xi32, #tpu.memory_space<vmem>>[vector<16xi32>], vector<16xi32>,
        %shift_left3A_388 = arith.constant 16 : i32
        %shift_left3A_389 = vector.broadcast %shift_left3A_388 : i32 to vector<16xi32>
        %shift_left3A_390 = arith.shli %gather3A_387, %shift_left3A_389 : vector<16xi32>
        %shift_right_arithmetic3A_391 = arith.constant 16 : i32
        %shift_right_arithmetic3A_392 = vector.broadcast %shift_right_arithmetic3A_391 : i32 to vector<16xi32>
        %shift_right_arithmetic3A_393 = arith.shrsi %shift_left3A_390, %shift_right_arithmetic3A_392 : vector<16xi32>
        %shift_right_arithmetic3A_394 = arith.constant 16 : i32
        %shift_right_arithmetic3A_395 = vector.broadcast %shift_right_arithmetic3A_394 : i32 to vector<16xi32>
        %shift_right_arithmetic3A_396 = arith.shrsi %gather3A_387, %shift_right_arithmetic3A_395 : vector<16xi32>
        %convert_element_type3A_397 = arith.sitofp %shift_right_arithmetic3A_393 : vector<16xi32> to vector<16xf32>
        %convert_element_type3A_398 = arith.sitofp %shift_right_arithmetic3A_396 : vector<16xi32> to vector<16xf32>
        %mul3A_399 = arith.mulf %convert_element_type3A_60, %convert_element_type3A_397 : vector<16xf32>
        %mul3A_400 = arith.mulf %convert_element_type3A_61, %convert_element_type3A_398 : vector<16xf32>
        %add3A_401 = arith.addf %mul3A_399, %mul3A_400 : vector<16xf32>
        %max3A_402 = arith.constant 0.000000e+00 : f32
        %max3A_403 = vector.broadcast %max3A_402 : f32 to vector<16xf32>
        %max3A_404 = arith.maximumf %add3A_401, %max3A_403 : vector<16xf32>
        %add3A_405 = arith.addf %add3A_382, %max3A_404 : vector<16xf32>
        %get3A_406 = arith.constant 16 : i32
        %get3A_407 = arith.index_cast %get3A_406 : i32 to index
        %get3A_408 = arith.index_cast %mul3A_48 : i32 to index
        %get3A_409 = tpu.vector_load %arg13[%get3A_407, %get3A_408] {strides = array<i32>} : memref<33x32xi32, #tpu.memory_space<vmem>>, vector<16xi32>,
        %gather3A_410 = tpu.vector_load_idx %arg8[%get3A_409] : memref<100000xi32, #tpu.memory_space<vmem>>[vector<16xi32>], vector<16xi32>,
        %shift_left3A_411 = arith.constant 16 : i32
        %shift_left3A_412 = vector.broadcast %shift_left3A_411 : i32 to vector<16xi32>
        %shift_left3A_413 = arith.shli %gather3A_410, %shift_left3A_412 : vector<16xi32>
        %shift_right_arithmetic3A_414 = arith.constant 16 : i32
        %shift_right_arithmetic3A_415 = vector.broadcast %shift_right_arithmetic3A_414 : i32 to vector<16xi32>
        %shift_right_arithmetic3A_416 = arith.shrsi %shift_left3A_413, %shift_right_arithmetic3A_415 : vector<16xi32>
        %shift_right_arithmetic3A_417 = arith.constant 16 : i32
        %shift_right_arithmetic3A_418 = vector.broadcast %shift_right_arithmetic3A_417 : i32 to vector<16xi32>
        %shift_right_arithmetic3A_419 = arith.shrsi %gather3A_410, %shift_right_arithmetic3A_418 : vector<16xi32>
        %convert_element_type3A_420 = arith.sitofp %shift_right_arithmetic3A_416 : vector<16xi32> to vector<16xf32>
        %convert_element_type3A_421 = arith.sitofp %shift_right_arithmetic3A_419 : vector<16xi32> to vector<16xf32>
        %mul3A_422 = arith.mulf %convert_element_type3A_60, %convert_element_type3A_420 : vector<16xf32>
        %mul3A_423 = arith.mulf %convert_element_type3A_61, %convert_element_type3A_421 : vector<16xf32>
        %add3A_424 = arith.addf %mul3A_422, %mul3A_423 : vector<16xf32>
        %max3A_425 = arith.constant 0.000000e+00 : f32
        %max3A_426 = vector.broadcast %max3A_425 : f32 to vector<16xf32>
        %max3A_427 = arith.maximumf %add3A_424, %max3A_426 : vector<16xf32>
        %add3A_428 = arith.addf %add3A_405, %max3A_427 : vector<16xf32>
        %get3A_429 = arith.constant 17 : i32
        %get3A_430 = arith.index_cast %get3A_429 : i32 to index
        %get3A_431 = arith.index_cast %mul3A_48 : i32 to index
        %get3A_432 = tpu.vector_load %arg13[%get3A_430, %get3A_431] {strides = array<i32>} : memref<33x32xi32, #tpu.memory_space<vmem>>, vector<16xi32>,
        %gather3A_433 = tpu.vector_load_idx %arg8[%get3A_432] : memref<100000xi32, #tpu.memory_space<vmem>>[vector<16xi32>], vector<16xi32>,
        %shift_left3A_434 = arith.constant 16 : i32
        %shift_left3A_435 = vector.broadcast %shift_left3A_434 : i32 to vector<16xi32>
        %shift_left3A_436 = arith.shli %gather3A_433, %shift_left3A_435 : vector<16xi32>
        %shift_right_arithmetic3A_437 = arith.constant 16 : i32
        %shift_right_arithmetic3A_438 = vector.broadcast %shift_right_arithmetic3A_437 : i32 to vector<16xi32>
        %shift_right_arithmetic3A_439 = arith.shrsi %shift_left3A_436, %shift_right_arithmetic3A_438 : vector<16xi32>
        %shift_right_arithmetic3A_440 = arith.constant 16 : i32
        %shift_right_arithmetic3A_441 = vector.broadcast %shift_right_arithmetic3A_440 : i32 to vector<16xi32>
        %shift_right_arithmetic3A_442 = arith.shrsi %gather3A_433, %shift_right_arithmetic3A_441 : vector<16xi32>
        %convert_element_type3A_443 = arith.sitofp %shift_right_arithmetic3A_439 : vector<16xi32> to vector<16xf32>
        %convert_element_type3A_444 = arith.sitofp %shift_right_arithmetic3A_442 : vector<16xi32> to vector<16xf32>
        %mul3A_445 = arith.mulf %convert_element_type3A_60, %convert_element_type3A_443 : vector<16xf32>
        %mul3A_446 = arith.mulf %convert_element_type3A_61, %convert_element_type3A_444 : vector<16xf32>
        %add3A_447 = arith.addf %mul3A_445, %mul3A_446 : vector<16xf32>
        %max3A_448 = arith.constant 0.000000e+00 : f32
        %max3A_449 = vector.broadcast %max3A_448 : f32 to vector<16xf32>
        %max3A_450 = arith.maximumf %add3A_447, %max3A_449 : vector<16xf32>
        %add3A_451 = arith.addf %add3A_428, %max3A_450 : vector<16xf32>
        %get3A_452 = arith.constant 18 : i32
        %get3A_453 = arith.index_cast %get3A_452 : i32 to index
        %get3A_454 = arith.index_cast %mul3A_48 : i32 to index
        %get3A_455 = tpu.vector_load %arg13[%get3A_453, %get3A_454] {strides = array<i32>} : memref<33x32xi32, #tpu.memory_space<vmem>>, vector<16xi32>,
        %gather3A_456 = tpu.vector_load_idx %arg8[%get3A_455] : memref<100000xi32, #tpu.memory_space<vmem>>[vector<16xi32>], vector<16xi32>,
        %shift_left3A_457 = arith.constant 16 : i32
        %shift_left3A_458 = vector.broadcast %shift_left3A_457 : i32 to vector<16xi32>
        %shift_left3A_459 = arith.shli %gather3A_456, %shift_left3A_458 : vector<16xi32>
        %shift_right_arithmetic3A_460 = arith.constant 16 : i32
        %shift_right_arithmetic3A_461 = vector.broadcast %shift_right_arithmetic3A_460 : i32 to vector<16xi32>
        %shift_right_arithmetic3A_462 = arith.shrsi %shift_left3A_459, %shift_right_arithmetic3A_461 : vector<16xi32>
        %shift_right_arithmetic3A_463 = arith.constant 16 : i32
        %shift_right_arithmetic3A_464 = vector.broadcast %shift_right_arithmetic3A_463 : i32 to vector<16xi32>
        %shift_right_arithmetic3A_465 = arith.shrsi %gather3A_456, %shift_right_arithmetic3A_464 : vector<16xi32>
        %convert_element_type3A_466 = arith.sitofp %shift_right_arithmetic3A_462 : vector<16xi32> to vector<16xf32>
        %convert_element_type3A_467 = arith.sitofp %shift_right_arithmetic3A_465 : vector<16xi32> to vector<16xf32>
        %mul3A_468 = arith.mulf %convert_element_type3A_60, %convert_element_type3A_466 : vector<16xf32>
        %mul3A_469 = arith.mulf %convert_element_type3A_61, %convert_element_type3A_467 : vector<16xf32>
        %add3A_470 = arith.addf %mul3A_468, %mul3A_469 : vector<16xf32>
        %max3A_471 = arith.constant 0.000000e+00 : f32
        %max3A_472 = vector.broadcast %max3A_471 : f32 to vector<16xf32>
        %max3A_473 = arith.maximumf %add3A_470, %max3A_472 : vector<16xf32>
        %add3A_474 = arith.addf %add3A_451, %max3A_473 : vector<16xf32>
        %get3A_475 = arith.constant 19 : i32
        %get3A_476 = arith.index_cast %get3A_475 : i32 to index
        %get3A_477 = arith.index_cast %mul3A_48 : i32 to index
        %get3A_478 = tpu.vector_load %arg13[%get3A_476, %get3A_477] {strides = array<i32>} : memref<33x32xi32, #tpu.memory_space<vmem>>, vector<16xi32>,
        %gather3A_479 = tpu.vector_load_idx %arg8[%get3A_478] : memref<100000xi32, #tpu.memory_space<vmem>>[vector<16xi32>], vector<16xi32>,
        %shift_left3A_480 = arith.constant 16 : i32
        %shift_left3A_481 = vector.broadcast %shift_left3A_480 : i32 to vector<16xi32>
        %shift_left3A_482 = arith.shli %gather3A_479, %shift_left3A_481 : vector<16xi32>
        %shift_right_arithmetic3A_483 = arith.constant 16 : i32
        %shift_right_arithmetic3A_484 = vector.broadcast %shift_right_arithmetic3A_483 : i32 to vector<16xi32>
        %shift_right_arithmetic3A_485 = arith.shrsi %shift_left3A_482, %shift_right_arithmetic3A_484 : vector<16xi32>
        %shift_right_arithmetic3A_486 = arith.constant 16 : i32
        %shift_right_arithmetic3A_487 = vector.broadcast %shift_right_arithmetic3A_486 : i32 to vector<16xi32>
        %shift_right_arithmetic3A_488 = arith.shrsi %gather3A_479, %shift_right_arithmetic3A_487 : vector<16xi32>
        %convert_element_type3A_489 = arith.sitofp %shift_right_arithmetic3A_485 : vector<16xi32> to vector<16xf32>
        %convert_element_type3A_490 = arith.sitofp %shift_right_arithmetic3A_488 : vector<16xi32> to vector<16xf32>
        %mul3A_491 = arith.mulf %convert_element_type3A_60, %convert_element_type3A_489 : vector<16xf32>
        %mul3A_492 = arith.mulf %convert_element_type3A_61, %convert_element_type3A_490 : vector<16xf32>
        %add3A_493 = arith.addf %mul3A_491, %mul3A_492 : vector<16xf32>
        %max3A_494 = arith.constant 0.000000e+00 : f32
        %max3A_495 = vector.broadcast %max3A_494 : f32 to vector<16xf32>
        %max3A_496 = arith.maximumf %add3A_493, %max3A_495 : vector<16xf32>
        %add3A_497 = arith.addf %add3A_474, %max3A_496 : vector<16xf32>
        %get3A_498 = arith.constant 20 : i32
        %get3A_499 = arith.index_cast %get3A_498 : i32 to index
        %get3A_500 = arith.index_cast %mul3A_48 : i32 to index
        %get3A_501 = tpu.vector_load %arg13[%get3A_499, %get3A_500] {strides = array<i32>} : memref<33x32xi32, #tpu.memory_space<vmem>>, vector<16xi32>,
        %gather3A_502 = tpu.vector_load_idx %arg8[%get3A_501] : memref<100000xi32, #tpu.memory_space<vmem>>[vector<16xi32>], vector<16xi32>,
        %shift_left3A_503 = arith.constant 16 : i32
        %shift_left3A_504 = vector.broadcast %shift_left3A_503 : i32 to vector<16xi32>
        %shift_left3A_505 = arith.shli %gather3A_502, %shift_left3A_504 : vector<16xi32>
        %shift_right_arithmetic3A_506 = arith.constant 16 : i32
        %shift_right_arithmetic3A_507 = vector.broadcast %shift_right_arithmetic3A_506 : i32 to vector<16xi32>
        %shift_right_arithmetic3A_508 = arith.shrsi %shift_left3A_505, %shift_right_arithmetic3A_507 : vector<16xi32>
        %shift_right_arithmetic3A_509 = arith.constant 16 : i32
        %shift_right_arithmetic3A_510 = vector.broadcast %shift_right_arithmetic3A_509 : i32 to vector<16xi32>
        %shift_right_arithmetic3A_511 = arith.shrsi %gather3A_502, %shift_right_arithmetic3A_510 : vector<16xi32>
        %convert_element_type3A_512 = arith.sitofp %shift_right_arithmetic3A_508 : vector<16xi32> to vector<16xf32>
        %convert_element_type3A_513 = arith.sitofp %shift_right_arithmetic3A_511 : vector<16xi32> to vector<16xf32>
        %mul3A_514 = arith.mulf %convert_element_type3A_60, %convert_element_type3A_512 : vector<16xf32>
        %mul3A_515 = arith.mulf %convert_element_type3A_61, %convert_element_type3A_513 : vector<16xf32>
        %add3A_516 = arith.addf %mul3A_514, %mul3A_515 : vector<16xf32>
        %max3A_517 = arith.constant 0.000000e+00 : f32
        %max3A_518 = vector.broadcast %max3A_517 : f32 to vector<16xf32>
        %max3A_519 = arith.maximumf %add3A_516, %max3A_518 : vector<16xf32>
        %add3A_520 = arith.addf %add3A_497, %max3A_519 : vector<16xf32>
        %get3A_521 = arith.constant 21 : i32
        %get3A_522 = arith.index_cast %get3A_521 : i32 to index
        %get3A_523 = arith.index_cast %mul3A_48 : i32 to index
        %get3A_524 = tpu.vector_load %arg13[%get3A_522, %get3A_523] {strides = array<i32>} : memref<33x32xi32, #tpu.memory_space<vmem>>, vector<16xi32>,
        %gather3A_525 = tpu.vector_load_idx %arg8[%get3A_524] : memref<100000xi32, #tpu.memory_space<vmem>>[vector<16xi32>], vector<16xi32>,
        %shift_left3A_526 = arith.constant 16 : i32
        %shift_left3A_527 = vector.broadcast %shift_left3A_526 : i32 to vector<16xi32>
        %shift_left3A_528 = arith.shli %gather3A_525, %shift_left3A_527 : vector<16xi32>
        %shift_right_arithmetic3A_529 = arith.constant 16 : i32
        %shift_right_arithmetic3A_530 = vector.broadcast %shift_right_arithmetic3A_529 : i32 to vector<16xi32>
        %shift_right_arithmetic3A_531 = arith.shrsi %shift_left3A_528, %shift_right_arithmetic3A_530 : vector<16xi32>
        %shift_right_arithmetic3A_532 = arith.constant 16 : i32
        %shift_right_arithmetic3A_533 = vector.broadcast %shift_right_arithmetic3A_532 : i32 to vector<16xi32>
        %shift_right_arithmetic3A_534 = arith.shrsi %gather3A_525, %shift_right_arithmetic3A_533 : vector<16xi32>
        %convert_element_type3A_535 = arith.sitofp %shift_right_arithmetic3A_531 : vector<16xi32> to vector<16xf32>
        %convert_element_type3A_536 = arith.sitofp %shift_right_arithmetic3A_534 : vector<16xi32> to vector<16xf32>
        %mul3A_537 = arith.mulf %convert_element_type3A_60, %convert_element_type3A_535 : vector<16xf32>
        %mul3A_538 = arith.mulf %convert_element_type3A_61, %convert_element_type3A_536 : vector<16xf32>
        %add3A_539 = arith.addf %mul3A_537, %mul3A_538 : vector<16xf32>
        %max3A_540 = arith.constant 0.000000e+00 : f32
        %max3A_541 = vector.broadcast %max3A_540 : f32 to vector<16xf32>
        %max3A_542 = arith.maximumf %add3A_539, %max3A_541 : vector<16xf32>
        %add3A_543 = arith.addf %add3A_520, %max3A_542 : vector<16xf32>
        %get3A_544 = arith.constant 22 : i32
        %get3A_545 = arith.index_cast %get3A_544 : i32 to index
        %get3A_546 = arith.index_cast %mul3A_48 : i32 to index
        %get3A_547 = tpu.vector_load %arg13[%get3A_545, %get3A_546] {strides = array<i32>} : memref<33x32xi32, #tpu.memory_space<vmem>>, vector<16xi32>,
        %gather3A_548 = tpu.vector_load_idx %arg8[%get3A_547] : memref<100000xi32, #tpu.memory_space<vmem>>[vector<16xi32>], vector<16xi32>,
        %shift_left3A_549 = arith.constant 16 : i32
        %shift_left3A_550 = vector.broadcast %shift_left3A_549 : i32 to vector<16xi32>
        %shift_left3A_551 = arith.shli %gather3A_548, %shift_left3A_550 : vector<16xi32>
        %shift_right_arithmetic3A_552 = arith.constant 16 : i32
        %shift_right_arithmetic3A_553 = vector.broadcast %shift_right_arithmetic3A_552 : i32 to vector<16xi32>
        %shift_right_arithmetic3A_554 = arith.shrsi %shift_left3A_551, %shift_right_arithmetic3A_553 : vector<16xi32>
        %shift_right_arithmetic3A_555 = arith.constant 16 : i32
        %shift_right_arithmetic3A_556 = vector.broadcast %shift_right_arithmetic3A_555 : i32 to vector<16xi32>
        %shift_right_arithmetic3A_557 = arith.shrsi %gather3A_548, %shift_right_arithmetic3A_556 : vector<16xi32>
        %convert_element_type3A_558 = arith.sitofp %shift_right_arithmetic3A_554 : vector<16xi32> to vector<16xf32>
        %convert_element_type3A_559 = arith.sitofp %shift_right_arithmetic3A_557 : vector<16xi32> to vector<16xf32>
        %mul3A_560 = arith.mulf %convert_element_type3A_60, %convert_element_type3A_558 : vector<16xf32>
        %mul3A_561 = arith.mulf %convert_element_type3A_61, %convert_element_type3A_559 : vector<16xf32>
        %add3A_562 = arith.addf %mul3A_560, %mul3A_561 : vector<16xf32>
        %max3A_563 = arith.constant 0.000000e+00 : f32
        %max3A_564 = vector.broadcast %max3A_563 : f32 to vector<16xf32>
        %max3A_565 = arith.maximumf %add3A_562, %max3A_564 : vector<16xf32>
        %add3A_566 = arith.addf %add3A_543, %max3A_565 : vector<16xf32>
        %get3A_567 = arith.constant 23 : i32
        %get3A_568 = arith.index_cast %get3A_567 : i32 to index
        %get3A_569 = arith.index_cast %mul3A_48 : i32 to index
        %get3A_570 = tpu.vector_load %arg13[%get3A_568, %get3A_569] {strides = array<i32>} : memref<33x32xi32, #tpu.memory_space<vmem>>, vector<16xi32>,
        %gather3A_571 = tpu.vector_load_idx %arg8[%get3A_570] : memref<100000xi32, #tpu.memory_space<vmem>>[vector<16xi32>], vector<16xi32>,
        %shift_left3A_572 = arith.constant 16 : i32
        %shift_left3A_573 = vector.broadcast %shift_left3A_572 : i32 to vector<16xi32>
        %shift_left3A_574 = arith.shli %gather3A_571, %shift_left3A_573 : vector<16xi32>
        %shift_right_arithmetic3A_575 = arith.constant 16 : i32
        %shift_right_arithmetic3A_576 = vector.broadcast %shift_right_arithmetic3A_575 : i32 to vector<16xi32>
        %shift_right_arithmetic3A_577 = arith.shrsi %shift_left3A_574, %shift_right_arithmetic3A_576 : vector<16xi32>
        %shift_right_arithmetic3A_578 = arith.constant 16 : i32
        %shift_right_arithmetic3A_579 = vector.broadcast %shift_right_arithmetic3A_578 : i32 to vector<16xi32>
        %shift_right_arithmetic3A_580 = arith.shrsi %gather3A_571, %shift_right_arithmetic3A_579 : vector<16xi32>
        %convert_element_type3A_581 = arith.sitofp %shift_right_arithmetic3A_577 : vector<16xi32> to vector<16xf32>
        %convert_element_type3A_582 = arith.sitofp %shift_right_arithmetic3A_580 : vector<16xi32> to vector<16xf32>
        %mul3A_583 = arith.mulf %convert_element_type3A_60, %convert_element_type3A_581 : vector<16xf32>
        %mul3A_584 = arith.mulf %convert_element_type3A_61, %convert_element_type3A_582 : vector<16xf32>
        %add3A_585 = arith.addf %mul3A_583, %mul3A_584 : vector<16xf32>
        %max3A_586 = arith.constant 0.000000e+00 : f32
        %max3A_587 = vector.broadcast %max3A_586 : f32 to vector<16xf32>
        %max3A_588 = arith.maximumf %add3A_585, %max3A_587 : vector<16xf32>
        %add3A_589 = arith.addf %add3A_566, %max3A_588 : vector<16xf32>
        %get3A_590 = arith.constant 24 : i32
        %get3A_591 = arith.index_cast %get3A_590 : i32 to index
        %get3A_592 = arith.index_cast %mul3A_48 : i32 to index
        %get3A_593 = tpu.vector_load %arg13[%get3A_591, %get3A_592] {strides = array<i32>} : memref<33x32xi32, #tpu.memory_space<vmem>>, vector<16xi32>,
        %gather3A_594 = tpu.vector_load_idx %arg8[%get3A_593] : memref<100000xi32, #tpu.memory_space<vmem>>[vector<16xi32>], vector<16xi32>,
        %shift_left3A_595 = arith.constant 16 : i32
        %shift_left3A_596 = vector.broadcast %shift_left3A_595 : i32 to vector<16xi32>
        %shift_left3A_597 = arith.shli %gather3A_594, %shift_left3A_596 : vector<16xi32>
        %shift_right_arithmetic3A_598 = arith.constant 16 : i32
        %shift_right_arithmetic3A_599 = vector.broadcast %shift_right_arithmetic3A_598 : i32 to vector<16xi32>
        %shift_right_arithmetic3A_600 = arith.shrsi %shift_left3A_597, %shift_right_arithmetic3A_599 : vector<16xi32>
        %shift_right_arithmetic3A_601 = arith.constant 16 : i32
        %shift_right_arithmetic3A_602 = vector.broadcast %shift_right_arithmetic3A_601 : i32 to vector<16xi32>
        %shift_right_arithmetic3A_603 = arith.shrsi %gather3A_594, %shift_right_arithmetic3A_602 : vector<16xi32>
        %convert_element_type3A_604 = arith.sitofp %shift_right_arithmetic3A_600 : vector<16xi32> to vector<16xf32>
        %convert_element_type3A_605 = arith.sitofp %shift_right_arithmetic3A_603 : vector<16xi32> to vector<16xf32>
        %mul3A_606 = arith.mulf %convert_element_type3A_60, %convert_element_type3A_604 : vector<16xf32>
        %mul3A_607 = arith.mulf %convert_element_type3A_61, %convert_element_type3A_605 : vector<16xf32>
        %add3A_608 = arith.addf %mul3A_606, %mul3A_607 : vector<16xf32>
        %max3A_609 = arith.constant 0.000000e+00 : f32
        %max3A_610 = vector.broadcast %max3A_609 : f32 to vector<16xf32>
        %max3A_611 = arith.maximumf %add3A_608, %max3A_610 : vector<16xf32>
        %add3A_612 = arith.addf %add3A_589, %max3A_611 : vector<16xf32>
        %get3A_613 = arith.constant 25 : i32
        %get3A_614 = arith.index_cast %get3A_613 : i32 to index
        %get3A_615 = arith.index_cast %mul3A_48 : i32 to index
        %get3A_616 = tpu.vector_load %arg13[%get3A_614, %get3A_615] {strides = array<i32>} : memref<33x32xi32, #tpu.memory_space<vmem>>, vector<16xi32>,
        %gather3A_617 = tpu.vector_load_idx %arg8[%get3A_616] : memref<100000xi32, #tpu.memory_space<vmem>>[vector<16xi32>], vector<16xi32>,
        %shift_left3A_618 = arith.constant 16 : i32
        %shift_left3A_619 = vector.broadcast %shift_left3A_618 : i32 to vector<16xi32>
        %shift_left3A_620 = arith.shli %gather3A_617, %shift_left3A_619 : vector<16xi32>
        %shift_right_arithmetic3A_621 = arith.constant 16 : i32
        %shift_right_arithmetic3A_622 = vector.broadcast %shift_right_arithmetic3A_621 : i32 to vector<16xi32>
        %shift_right_arithmetic3A_623 = arith.shrsi %shift_left3A_620, %shift_right_arithmetic3A_622 : vector<16xi32>
        %shift_right_arithmetic3A_624 = arith.constant 16 : i32
        %shift_right_arithmetic3A_625 = vector.broadcast %shift_right_arithmetic3A_624 : i32 to vector<16xi32>
        %shift_right_arithmetic3A_626 = arith.shrsi %gather3A_617, %shift_right_arithmetic3A_625 : vector<16xi32>
        %convert_element_type3A_627 = arith.sitofp %shift_right_arithmetic3A_623 : vector<16xi32> to vector<16xf32>
        %convert_element_type3A_628 = arith.sitofp %shift_right_arithmetic3A_626 : vector<16xi32> to vector<16xf32>
        %mul3A_629 = arith.mulf %convert_element_type3A_60, %convert_element_type3A_627 : vector<16xf32>
        %mul3A_630 = arith.mulf %convert_element_type3A_61, %convert_element_type3A_628 : vector<16xf32>
        %add3A_631 = arith.addf %mul3A_629, %mul3A_630 : vector<16xf32>
        %max3A_632 = arith.constant 0.000000e+00 : f32
        %max3A_633 = vector.broadcast %max3A_632 : f32 to vector<16xf32>
        %max3A_634 = arith.maximumf %add3A_631, %max3A_633 : vector<16xf32>
        %add3A_635 = arith.addf %add3A_612, %max3A_634 : vector<16xf32>
        %get3A_636 = arith.constant 26 : i32
        %get3A_637 = arith.index_cast %get3A_636 : i32 to index
        %get3A_638 = arith.index_cast %mul3A_48 : i32 to index
        %get3A_639 = tpu.vector_load %arg13[%get3A_637, %get3A_638] {strides = array<i32>} : memref<33x32xi32, #tpu.memory_space<vmem>>, vector<16xi32>,
        %gather3A_640 = tpu.vector_load_idx %arg8[%get3A_639] : memref<100000xi32, #tpu.memory_space<vmem>>[vector<16xi32>], vector<16xi32>,
        %shift_left3A_641 = arith.constant 16 : i32
        %shift_left3A_642 = vector.broadcast %shift_left3A_641 : i32 to vector<16xi32>
        %shift_left3A_643 = arith.shli %gather3A_640, %shift_left3A_642 : vector<16xi32>
        %shift_right_arithmetic3A_644 = arith.constant 16 : i32
        %shift_right_arithmetic3A_645 = vector.broadcast %shift_right_arithmetic3A_644 : i32 to vector<16xi32>
        %shift_right_arithmetic3A_646 = arith.shrsi %shift_left3A_643, %shift_right_arithmetic3A_645 : vector<16xi32>
        %shift_right_arithmetic3A_647 = arith.constant 16 : i32
        %shift_right_arithmetic3A_648 = vector.broadcast %shift_right_arithmetic3A_647 : i32 to vector<16xi32>
        %shift_right_arithmetic3A_649 = arith.shrsi %gather3A_640, %shift_right_arithmetic3A_648 : vector<16xi32>
        %convert_element_type3A_650 = arith.sitofp %shift_right_arithmetic3A_646 : vector<16xi32> to vector<16xf32>
        %convert_element_type3A_651 = arith.sitofp %shift_right_arithmetic3A_649 : vector<16xi32> to vector<16xf32>
        %mul3A_652 = arith.mulf %convert_element_type3A_60, %convert_element_type3A_650 : vector<16xf32>
        %mul3A_653 = arith.mulf %convert_element_type3A_61, %convert_element_type3A_651 : vector<16xf32>
        %add3A_654 = arith.addf %mul3A_652, %mul3A_653 : vector<16xf32>
        %max3A_655 = arith.constant 0.000000e+00 : f32
        %max3A_656 = vector.broadcast %max3A_655 : f32 to vector<16xf32>
        %max3A_657 = arith.maximumf %add3A_654, %max3A_656 : vector<16xf32>
        %add3A_658 = arith.addf %add3A_635, %max3A_657 : vector<16xf32>
        %get3A_659 = arith.constant 27 : i32
        %get3A_660 = arith.index_cast %get3A_659 : i32 to index
        %get3A_661 = arith.index_cast %mul3A_48 : i32 to index
        %get3A_662 = tpu.vector_load %arg13[%get3A_660, %get3A_661] {strides = array<i32>} : memref<33x32xi32, #tpu.memory_space<vmem>>, vector<16xi32>,
        %gather3A_663 = tpu.vector_load_idx %arg8[%get3A_662] : memref<100000xi32, #tpu.memory_space<vmem>>[vector<16xi32>], vector<16xi32>,
        %shift_left3A_664 = arith.constant 16 : i32
        %shift_left3A_665 = vector.broadcast %shift_left3A_664 : i32 to vector<16xi32>
        %shift_left3A_666 = arith.shli %gather3A_663, %shift_left3A_665 : vector<16xi32>
        %shift_right_arithmetic3A_667 = arith.constant 16 : i32
        %shift_right_arithmetic3A_668 = vector.broadcast %shift_right_arithmetic3A_667 : i32 to vector<16xi32>
        %shift_right_arithmetic3A_669 = arith.shrsi %shift_left3A_666, %shift_right_arithmetic3A_668 : vector<16xi32>
        %shift_right_arithmetic3A_670 = arith.constant 16 : i32
        %shift_right_arithmetic3A_671 = vector.broadcast %shift_right_arithmetic3A_670 : i32 to vector<16xi32>
        %shift_right_arithmetic3A_672 = arith.shrsi %gather3A_663, %shift_right_arithmetic3A_671 : vector<16xi32>
        %convert_element_type3A_673 = arith.sitofp %shift_right_arithmetic3A_669 : vector<16xi32> to vector<16xf32>
        %convert_element_type3A_674 = arith.sitofp %shift_right_arithmetic3A_672 : vector<16xi32> to vector<16xf32>
        %mul3A_675 = arith.mulf %convert_element_type3A_60, %convert_element_type3A_673 : vector<16xf32>
        %mul3A_676 = arith.mulf %convert_element_type3A_61, %convert_element_type3A_674 : vector<16xf32>
        %add3A_677 = arith.addf %mul3A_675, %mul3A_676 : vector<16xf32>
        %max3A_678 = arith.constant 0.000000e+00 : f32
        %max3A_679 = vector.broadcast %max3A_678 : f32 to vector<16xf32>
        %max3A_680 = arith.maximumf %add3A_677, %max3A_679 : vector<16xf32>
        %add3A_681 = arith.addf %add3A_658, %max3A_680 : vector<16xf32>
        %get3A_682 = arith.constant 28 : i32
        %get3A_683 = arith.index_cast %get3A_682 : i32 to index
        %get3A_684 = arith.index_cast %mul3A_48 : i32 to index
        %get3A_685 = tpu.vector_load %arg13[%get3A_683, %get3A_684] {strides = array<i32>} : memref<33x32xi32, #tpu.memory_space<vmem>>, vector<16xi32>,
        %gather3A_686 = tpu.vector_load_idx %arg8[%get3A_685] : memref<100000xi32, #tpu.memory_space<vmem>>[vector<16xi32>], vector<16xi32>,
        %shift_left3A_687 = arith.constant 16 : i32
        %shift_left3A_688 = vector.broadcast %shift_left3A_687 : i32 to vector<16xi32>
        %shift_left3A_689 = arith.shli %gather3A_686, %shift_left3A_688 : vector<16xi32>
        %shift_right_arithmetic3A_690 = arith.constant 16 : i32
        %shift_right_arithmetic3A_691 = vector.broadcast %shift_right_arithmetic3A_690 : i32 to vector<16xi32>
        %shift_right_arithmetic3A_692 = arith.shrsi %shift_left3A_689, %shift_right_arithmetic3A_691 : vector<16xi32>
        %shift_right_arithmetic3A_693 = arith.constant 16 : i32
        %shift_right_arithmetic3A_694 = vector.broadcast %shift_right_arithmetic3A_693 : i32 to vector<16xi32>
        %shift_right_arithmetic3A_695 = arith.shrsi %gather3A_686, %shift_right_arithmetic3A_694 : vector<16xi32>
        %convert_element_type3A_696 = arith.sitofp %shift_right_arithmetic3A_692 : vector<16xi32> to vector<16xf32>
        %convert_element_type3A_697 = arith.sitofp %shift_right_arithmetic3A_695 : vector<16xi32> to vector<16xf32>
        %mul3A_698 = arith.mulf %convert_element_type3A_60, %convert_element_type3A_696 : vector<16xf32>
        %mul3A_699 = arith.mulf %convert_element_type3A_61, %convert_element_type3A_697 : vector<16xf32>
        %add3A_700 = arith.addf %mul3A_698, %mul3A_699 : vector<16xf32>
        %max3A_701 = arith.constant 0.000000e+00 : f32
        %max3A_702 = vector.broadcast %max3A_701 : f32 to vector<16xf32>
        %max3A_703 = arith.maximumf %add3A_700, %max3A_702 : vector<16xf32>
        %add3A_704 = arith.addf %add3A_681, %max3A_703 : vector<16xf32>
        %get3A_705 = arith.constant 29 : i32
        %get3A_706 = arith.index_cast %get3A_705 : i32 to index
        %get3A_707 = arith.index_cast %mul3A_48 : i32 to index
        %get3A_708 = tpu.vector_load %arg13[%get3A_706, %get3A_707] {strides = array<i32>} : memref<33x32xi32, #tpu.memory_space<vmem>>, vector<16xi32>,
        %gather3A_709 = tpu.vector_load_idx %arg8[%get3A_708] : memref<100000xi32, #tpu.memory_space<vmem>>[vector<16xi32>], vector<16xi32>,
        %shift_left3A_710 = arith.constant 16 : i32
        %shift_left3A_711 = vector.broadcast %shift_left3A_710 : i32 to vector<16xi32>
        %shift_left3A_712 = arith.shli %gather3A_709, %shift_left3A_711 : vector<16xi32>
        %shift_right_arithmetic3A_713 = arith.constant 16 : i32
        %shift_right_arithmetic3A_714 = vector.broadcast %shift_right_arithmetic3A_713 : i32 to vector<16xi32>
        %shift_right_arithmetic3A_715 = arith.shrsi %shift_left3A_712, %shift_right_arithmetic3A_714 : vector<16xi32>
        %shift_right_arithmetic3A_716 = arith.constant 16 : i32
        %shift_right_arithmetic3A_717 = vector.broadcast %shift_right_arithmetic3A_716 : i32 to vector<16xi32>
        %shift_right_arithmetic3A_718 = arith.shrsi %gather3A_709, %shift_right_arithmetic3A_717 : vector<16xi32>
        %convert_element_type3A_719 = arith.sitofp %shift_right_arithmetic3A_715 : vector<16xi32> to vector<16xf32>
        %convert_element_type3A_720 = arith.sitofp %shift_right_arithmetic3A_718 : vector<16xi32> to vector<16xf32>
        %mul3A_721 = arith.mulf %convert_element_type3A_60, %convert_element_type3A_719 : vector<16xf32>
        %mul3A_722 = arith.mulf %convert_element_type3A_61, %convert_element_type3A_720 : vector<16xf32>
        %add3A_723 = arith.addf %mul3A_721, %mul3A_722 : vector<16xf32>
        %max3A_724 = arith.constant 0.000000e+00 : f32
        %max3A_725 = vector.broadcast %max3A_724 : f32 to vector<16xf32>
        %max3A_726 = arith.maximumf %add3A_723, %max3A_725 : vector<16xf32>
        %add3A_727 = arith.addf %add3A_704, %max3A_726 : vector<16xf32>
        %get3A_728 = arith.constant 30 : i32
        %get3A_729 = arith.index_cast %get3A_728 : i32 to index
        %get3A_730 = arith.index_cast %mul3A_48 : i32 to index
        %get3A_731 = tpu.vector_load %arg13[%get3A_729, %get3A_730] {strides = array<i32>} : memref<33x32xi32, #tpu.memory_space<vmem>>, vector<16xi32>,
        %gather3A_732 = tpu.vector_load_idx %arg8[%get3A_731] : memref<100000xi32, #tpu.memory_space<vmem>>[vector<16xi32>], vector<16xi32>,
        %shift_left3A_733 = arith.constant 16 : i32
        %shift_left3A_734 = vector.broadcast %shift_left3A_733 : i32 to vector<16xi32>
        %shift_left3A_735 = arith.shli %gather3A_732, %shift_left3A_734 : vector<16xi32>
        %shift_right_arithmetic3A_736 = arith.constant 16 : i32
        %shift_right_arithmetic3A_737 = vector.broadcast %shift_right_arithmetic3A_736 : i32 to vector<16xi32>
        %shift_right_arithmetic3A_738 = arith.shrsi %shift_left3A_735, %shift_right_arithmetic3A_737 : vector<16xi32>
        %shift_right_arithmetic3A_739 = arith.constant 16 : i32
        %shift_right_arithmetic3A_740 = vector.broadcast %shift_right_arithmetic3A_739 : i32 to vector<16xi32>
        %shift_right_arithmetic3A_741 = arith.shrsi %gather3A_732, %shift_right_arithmetic3A_740 : vector<16xi32>
        %convert_element_type3A_742 = arith.sitofp %shift_right_arithmetic3A_738 : vector<16xi32> to vector<16xf32>
        %convert_element_type3A_743 = arith.sitofp %shift_right_arithmetic3A_741 : vector<16xi32> to vector<16xf32>
        %mul3A_744 = arith.mulf %convert_element_type3A_60, %convert_element_type3A_742 : vector<16xf32>
        %mul3A_745 = arith.mulf %convert_element_type3A_61, %convert_element_type3A_743 : vector<16xf32>
        %add3A_746 = arith.addf %mul3A_744, %mul3A_745 : vector<16xf32>
        %max3A_747 = arith.constant 0.000000e+00 : f32
        %max3A_748 = vector.broadcast %max3A_747 : f32 to vector<16xf32>
        %max3A_749 = arith.maximumf %add3A_746, %max3A_748 : vector<16xf32>
        %add3A_750 = arith.addf %add3A_727, %max3A_749 : vector<16xf32>
        %get3A_751 = arith.constant 31 : i32
        %get3A_752 = arith.index_cast %get3A_751 : i32 to index
        %get3A_753 = arith.index_cast %mul3A_48 : i32 to index
        %get3A_754 = tpu.vector_load %arg13[%get3A_752, %get3A_753] {strides = array<i32>} : memref<33x32xi32, #tpu.memory_space<vmem>>, vector<16xi32>,
        %gather3A_755 = tpu.vector_load_idx %arg8[%get3A_754] : memref<100000xi32, #tpu.memory_space<vmem>>[vector<16xi32>], vector<16xi32>,
        %shift_left3A_756 = arith.constant 16 : i32
        %shift_left3A_757 = vector.broadcast %shift_left3A_756 : i32 to vector<16xi32>
        %shift_left3A_758 = arith.shli %gather3A_755, %shift_left3A_757 : vector<16xi32>
        %shift_right_arithmetic3A_759 = arith.constant 16 : i32
        %shift_right_arithmetic3A_760 = vector.broadcast %shift_right_arithmetic3A_759 : i32 to vector<16xi32>
        %shift_right_arithmetic3A_761 = arith.shrsi %shift_left3A_758, %shift_right_arithmetic3A_760 : vector<16xi32>
        %shift_right_arithmetic3A_762 = arith.constant 16 : i32
        %shift_right_arithmetic3A_763 = vector.broadcast %shift_right_arithmetic3A_762 : i32 to vector<16xi32>
        %shift_right_arithmetic3A_764 = arith.shrsi %gather3A_755, %shift_right_arithmetic3A_763 : vector<16xi32>
        %convert_element_type3A_765 = arith.sitofp %shift_right_arithmetic3A_761 : vector<16xi32> to vector<16xf32>
        %convert_element_type3A_766 = arith.sitofp %shift_right_arithmetic3A_764 : vector<16xi32> to vector<16xf32>
        %mul3A_767 = arith.mulf %convert_element_type3A_60, %convert_element_type3A_765 : vector<16xf32>
        %mul3A_768 = arith.mulf %convert_element_type3A_61, %convert_element_type3A_766 : vector<16xf32>
        %add3A_769 = arith.addf %mul3A_767, %mul3A_768 : vector<16xf32>
        %max3A_770 = arith.constant 0.000000e+00 : f32
        %max3A_771 = vector.broadcast %max3A_770 : f32 to vector<16xf32>
        %max3A_772 = arith.maximumf %add3A_769, %max3A_771 : vector<16xf32>
        %add3A_773 = arith.addf %add3A_750, %max3A_772 : vector<16xf32>
        %get3A_774 = arith.constant 32 : i32
        %get3A_775 = arith.index_cast %get3A_774 : i32 to index
        %get3A_776 = arith.index_cast %mul3A_48 : i32 to index
        %get3A_777 = tpu.vector_load %arg13[%get3A_775, %get3A_776] {strides = array<i32>} : memref<33x32xi32, #tpu.memory_space<vmem>>, vector<16xi32>,
        %gather3A_778 = tpu.vector_load_idx %arg8[%get3A_777] : memref<100000xi32, #tpu.memory_space<vmem>>[vector<16xi32>], vector<16xi32>,
        %shift_left3A_779 = arith.constant 16 : i32
        %shift_left3A_780 = vector.broadcast %shift_left3A_779 : i32 to vector<16xi32>
        %shift_left3A_781 = arith.shli %gather3A_778, %shift_left3A_780 : vector<16xi32>
        %shift_right_arithmetic3A_782 = arith.constant 16 : i32
        %shift_right_arithmetic3A_783 = vector.broadcast %shift_right_arithmetic3A_782 : i32 to vector<16xi32>
        %shift_right_arithmetic3A_784 = arith.shrsi %shift_left3A_781, %shift_right_arithmetic3A_783 : vector<16xi32>
        %shift_right_arithmetic3A_785 = arith.constant 16 : i32
        %shift_right_arithmetic3A_786 = vector.broadcast %shift_right_arithmetic3A_785 : i32 to vector<16xi32>
        %shift_right_arithmetic3A_787 = arith.shrsi %gather3A_778, %shift_right_arithmetic3A_786 : vector<16xi32>
        %convert_element_type3A_788 = arith.sitofp %shift_right_arithmetic3A_784 : vector<16xi32> to vector<16xf32>
        %convert_element_type3A_789 = arith.sitofp %shift_right_arithmetic3A_787 : vector<16xi32> to vector<16xf32>
        %mul3A_790 = arith.mulf %convert_element_type3A_60, %convert_element_type3A_788 : vector<16xf32>
        %mul3A_791 = arith.mulf %convert_element_type3A_61, %convert_element_type3A_789 : vector<16xf32>
        %add3A_792 = arith.addf %mul3A_790, %mul3A_791 : vector<16xf32>
        %max3A_793 = arith.constant 0.000000e+00 : f32
        %max3A_794 = vector.broadcast %max3A_793 : f32 to vector<16xf32>
        %max3A_795 = arith.maximumf %add3A_792, %max3A_794 : vector<16xf32>
        %add3A_796 = arith.addf %add3A_773, %max3A_795 : vector<16xf32>
        %div3A_797 = arith.constant 1.000000e+00 : f32
        %div3A_798 = vector.broadcast %div3A_797 : f32 to vector<16xf32>
        %div3A_799 = arith.divf %div3A_798, %add3A_796 : vector<16xf32>
        %mul3A_800 = arith.mulf %max3A_82, %div3A_799 : vector<16xf32>
        %swap3A = arith.constant 0 : i32
        %swap3A_801 = arith.index_cast %swap3A : i32 to index
        %swap3A_802 = arith.index_cast %mul3A_48 : i32 to index
        %swap3A_803 = tpu.vector_load %arg14[%swap3A_801, %swap3A_802] {strides = array<i32>} : memref<32x32xf32, #tpu.memory_space<vmem>>, vector<16xf32>,
        tpu.vector_store %arg14[%swap3A_801, %swap3A_802], %mul3A_800 {strides = array<i32>} : memref<32x32xf32, #tpu.memory_space<vmem>>, vector<16xf32>,
        %mul3A_804 = arith.mulf %max3A_105, %div3A_799 : vector<16xf32>
        %swap3A_805 = arith.constant 1 : i32
        %swap3A_806 = arith.index_cast %swap3A_805 : i32 to index
        %swap3A_807 = arith.index_cast %mul3A_48 : i32 to index
        %swap3A_808 = tpu.vector_load %arg14[%swap3A_806, %swap3A_807] {strides = array<i32>} : memref<32x32xf32, #tpu.memory_space<vmem>>, vector<16xf32>,
        tpu.vector_store %arg14[%swap3A_806, %swap3A_807], %mul3A_804 {strides = array<i32>} : memref<32x32xf32, #tpu.memory_space<vmem>>, vector<16xf32>,
        %mul3A_809 = arith.mulf %max3A_128, %div3A_799 : vector<16xf32>
        %swap3A_810 = arith.constant 2 : i32
        %swap3A_811 = arith.index_cast %swap3A_810 : i32 to index
        %swap3A_812 = arith.index_cast %mul3A_48 : i32 to index
        %swap3A_813 = tpu.vector_load %arg14[%swap3A_811, %swap3A_812] {strides = array<i32>} : memref<32x32xf32, #tpu.memory_space<vmem>>, vector<16xf32>,
        tpu.vector_store %arg14[%swap3A_811, %swap3A_812], %mul3A_809 {strides = array<i32>} : memref<32x32xf32, #tpu.memory_space<vmem>>, vector<16xf32>,
        %mul3A_814 = arith.mulf %max3A_151, %div3A_799 : vector<16xf32>
        %swap3A_815 = arith.constant 3 : i32
        %swap3A_816 = arith.index_cast %swap3A_815 : i32 to index
        %swap3A_817 = arith.index_cast %mul3A_48 : i32 to index
        %swap3A_818 = tpu.vector_load %arg14[%swap3A_816, %swap3A_817] {strides = array<i32>} : memref<32x32xf32, #tpu.memory_space<vmem>>, vector<16xf32>,
        tpu.vector_store %arg14[%swap3A_816, %swap3A_817], %mul3A_814 {strides = array<i32>} : memref<32x32xf32, #tpu.memory_space<vmem>>, vector<16xf32>,
        %mul3A_819 = arith.mulf %max3A_174, %div3A_799 : vector<16xf32>
        %swap3A_820 = arith.constant 4 : i32
        %swap3A_821 = arith.index_cast %swap3A_820 : i32 to index
        %swap3A_822 = arith.index_cast %mul3A_48 : i32 to index
        %swap3A_823 = tpu.vector_load %arg14[%swap3A_821, %swap3A_822] {strides = array<i32>} : memref<32x32xf32, #tpu.memory_space<vmem>>, vector<16xf32>,
        tpu.vector_store %arg14[%swap3A_821, %swap3A_822], %mul3A_819 {strides = array<i32>} : memref<32x32xf32, #tpu.memory_space<vmem>>, vector<16xf32>,
        %mul3A_824 = arith.mulf %max3A_197, %div3A_799 : vector<16xf32>
        %swap3A_825 = arith.constant 5 : i32
        %swap3A_826 = arith.index_cast %swap3A_825 : i32 to index
        %swap3A_827 = arith.index_cast %mul3A_48 : i32 to index
        %swap3A_828 = tpu.vector_load %arg14[%swap3A_826, %swap3A_827] {strides = array<i32>} : memref<32x32xf32, #tpu.memory_space<vmem>>, vector<16xf32>,
        tpu.vector_store %arg14[%swap3A_826, %swap3A_827], %mul3A_824 {strides = array<i32>} : memref<32x32xf32, #tpu.memory_space<vmem>>, vector<16xf32>,
        %mul3A_829 = arith.mulf %max3A_220, %div3A_799 : vector<16xf32>
        %swap3A_830 = arith.constant 6 : i32
        %swap3A_831 = arith.index_cast %swap3A_830 : i32 to index
        %swap3A_832 = arith.index_cast %mul3A_48 : i32 to index
        %swap3A_833 = tpu.vector_load %arg14[%swap3A_831, %swap3A_832] {strides = array<i32>} : memref<32x32xf32, #tpu.memory_space<vmem>>, vector<16xf32>,
        tpu.vector_store %arg14[%swap3A_831, %swap3A_832], %mul3A_829 {strides = array<i32>} : memref<32x32xf32, #tpu.memory_space<vmem>>, vector<16xf32>,
        %mul3A_834 = arith.mulf %max3A_243, %div3A_799 : vector<16xf32>
        %swap3A_835 = arith.constant 7 : i32
        %swap3A_836 = arith.index_cast %swap3A_835 : i32 to index
        %swap3A_837 = arith.index_cast %mul3A_48 : i32 to index
        %swap3A_838 = tpu.vector_load %arg14[%swap3A_836, %swap3A_837] {strides = array<i32>} : memref<32x32xf32, #tpu.memory_space<vmem>>, vector<16xf32>,
        tpu.vector_store %arg14[%swap3A_836, %swap3A_837], %mul3A_834 {strides = array<i32>} : memref<32x32xf32, #tpu.memory_space<vmem>>, vector<16xf32>,
        %mul3A_839 = arith.mulf %max3A_266, %div3A_799 : vector<16xf32>
        %swap3A_840 = arith.constant 8 : i32
        %swap3A_841 = arith.index_cast %swap3A_840 : i32 to index
        %swap3A_842 = arith.index_cast %mul3A_48 : i32 to index
        %swap3A_843 = tpu.vector_load %arg14[%swap3A_841, %swap3A_842] {strides = array<i32>} : memref<32x32xf32, #tpu.memory_space<vmem>>, vector<16xf32>,
        tpu.vector_store %arg14[%swap3A_841, %swap3A_842], %mul3A_839 {strides = array<i32>} : memref<32x32xf32, #tpu.memory_space<vmem>>, vector<16xf32>,
        %mul3A_844 = arith.mulf %max3A_289, %div3A_799 : vector<16xf32>
        %swap3A_845 = arith.constant 9 : i32
        %swap3A_846 = arith.index_cast %swap3A_845 : i32 to index
        %swap3A_847 = arith.index_cast %mul3A_48 : i32 to index
        %swap3A_848 = tpu.vector_load %arg14[%swap3A_846, %swap3A_847] {strides = array<i32>} : memref<32x32xf32, #tpu.memory_space<vmem>>, vector<16xf32>,
        tpu.vector_store %arg14[%swap3A_846, %swap3A_847], %mul3A_844 {strides = array<i32>} : memref<32x32xf32, #tpu.memory_space<vmem>>, vector<16xf32>,
        %mul3A_849 = arith.mulf %max3A_312, %div3A_799 : vector<16xf32>
        %swap3A_850 = arith.constant 10 : i32
        %swap3A_851 = arith.index_cast %swap3A_850 : i32 to index
        %swap3A_852 = arith.index_cast %mul3A_48 : i32 to index
        %swap3A_853 = tpu.vector_load %arg14[%swap3A_851, %swap3A_852] {strides = array<i32>} : memref<32x32xf32, #tpu.memory_space<vmem>>, vector<16xf32>,
        tpu.vector_store %arg14[%swap3A_851, %swap3A_852], %mul3A_849 {strides = array<i32>} : memref<32x32xf32, #tpu.memory_space<vmem>>, vector<16xf32>,
        %mul3A_854 = arith.mulf %max3A_335, %div3A_799 : vector<16xf32>
        %swap3A_855 = arith.constant 11 : i32
        %swap3A_856 = arith.index_cast %swap3A_855 : i32 to index
        %swap3A_857 = arith.index_cast %mul3A_48 : i32 to index
        %swap3A_858 = tpu.vector_load %arg14[%swap3A_856, %swap3A_857] {strides = array<i32>} : memref<32x32xf32, #tpu.memory_space<vmem>>, vector<16xf32>,
        tpu.vector_store %arg14[%swap3A_856, %swap3A_857], %mul3A_854 {strides = array<i32>} : memref<32x32xf32, #tpu.memory_space<vmem>>, vector<16xf32>,
        %mul3A_859 = arith.mulf %max3A_358, %div3A_799 : vector<16xf32>
        %swap3A_860 = arith.constant 12 : i32
        %swap3A_861 = arith.index_cast %swap3A_860 : i32 to index
        %swap3A_862 = arith.index_cast %mul3A_48 : i32 to index
        %swap3A_863 = tpu.vector_load %arg14[%swap3A_861, %swap3A_862] {strides = array<i32>} : memref<32x32xf32, #tpu.memory_space<vmem>>, vector<16xf32>,
        tpu.vector_store %arg14[%swap3A_861, %swap3A_862], %mul3A_859 {strides = array<i32>} : memref<32x32xf32, #tpu.memory_space<vmem>>, vector<16xf32>,
        %mul3A_864 = arith.mulf %max3A_381, %div3A_799 : vector<16xf32>
        %swap3A_865 = arith.constant 13 : i32
        %swap3A_866 = arith.index_cast %swap3A_865 : i32 to index
        %swap3A_867 = arith.index_cast %mul3A_48 : i32 to index
        %swap3A_868 = tpu.vector_load %arg14[%swap3A_866, %swap3A_867] {strides = array<i32>} : memref<32x32xf32, #tpu.memory_space<vmem>>, vector<16xf32>,
        tpu.vector_store %arg14[%swap3A_866, %swap3A_867], %mul3A_864 {strides = array<i32>} : memref<32x32xf32, #tpu.memory_space<vmem>>, vector<16xf32>,
        %mul3A_869 = arith.mulf %max3A_404, %div3A_799 : vector<16xf32>
        %swap3A_870 = arith.constant 14 : i32
        %swap3A_871 = arith.index_cast %swap3A_870 : i32 to index
        %swap3A_872 = arith.index_cast %mul3A_48 : i32 to index
        %swap3A_873 = tpu.vector_load %arg14[%swap3A_871, %swap3A_872] {strides = array<i32>} : memref<32x32xf32, #tpu.memory_space<vmem>>, vector<16xf32>,
        tpu.vector_store %arg14[%swap3A_871, %swap3A_872], %mul3A_869 {strides = array<i32>} : memref<32x32xf32, #tpu.memory_space<vmem>>, vector<16xf32>,
        %mul3A_874 = arith.mulf %max3A_427, %div3A_799 : vector<16xf32>
        %swap3A_875 = arith.constant 15 : i32
        %swap3A_876 = arith.index_cast %swap3A_875 : i32 to index
        %swap3A_877 = arith.index_cast %mul3A_48 : i32 to index
        %swap3A_878 = tpu.vector_load %arg14[%swap3A_876, %swap3A_877] {strides = array<i32>} : memref<32x32xf32, #tpu.memory_space<vmem>>, vector<16xf32>,
        tpu.vector_store %arg14[%swap3A_876, %swap3A_877], %mul3A_874 {strides = array<i32>} : memref<32x32xf32, #tpu.memory_space<vmem>>, vector<16xf32>,
        %mul3A_879 = arith.mulf %max3A_450, %div3A_799 : vector<16xf32>
        %swap3A_880 = arith.constant 16 : i32
        %swap3A_881 = arith.index_cast %swap3A_880 : i32 to index
        %swap3A_882 = arith.index_cast %mul3A_48 : i32 to index
        %swap3A_883 = tpu.vector_load %arg14[%swap3A_881, %swap3A_882] {strides = array<i32>} : memref<32x32xf32, #tpu.memory_space<vmem>>, vector<16xf32>,
        tpu.vector_store %arg14[%swap3A_881, %swap3A_882], %mul3A_879 {strides = array<i32>} : memref<32x32xf32, #tpu.memory_space<vmem>>, vector<16xf32>,
        %mul3A_884 = arith.mulf %max3A_473, %div3A_799 : vector<16xf32>
        %swap3A_885 = arith.constant 17 : i32
        %swap3A_886 = arith.index_cast %swap3A_885 : i32 to index
        %swap3A_887 = arith.index_cast %mul3A_48 : i32 to index
        %swap3A_888 = tpu.vector_load %arg14[%swap3A_886, %swap3A_887] {strides = array<i32>} : memref<32x32xf32, #tpu.memory_space<vmem>>, vector<16xf32>,
        tpu.vector_store %arg14[%swap3A_886, %swap3A_887], %mul3A_884 {strides = array<i32>} : memref<32x32xf32, #tpu.memory_space<vmem>>, vector<16xf32>,
        %mul3A_889 = arith.mulf %max3A_496, %div3A_799 : vector<16xf32>
        %swap3A_890 = arith.constant 18 : i32
        %swap3A_891 = arith.index_cast %swap3A_890 : i32 to index
        %swap3A_892 = arith.index_cast %mul3A_48 : i32 to index
        %swap3A_893 = tpu.vector_load %arg14[%swap3A_891, %swap3A_892] {strides = array<i32>} : memref<32x32xf32, #tpu.memory_space<vmem>>, vector<16xf32>,
        tpu.vector_store %arg14[%swap3A_891, %swap3A_892], %mul3A_889 {strides = array<i32>} : memref<32x32xf32, #tpu.memory_space<vmem>>, vector<16xf32>,
        %mul3A_894 = arith.mulf %max3A_519, %div3A_799 : vector<16xf32>
        %swap3A_895 = arith.constant 19 : i32
        %swap3A_896 = arith.index_cast %swap3A_895 : i32 to index
        %swap3A_897 = arith.index_cast %mul3A_48 : i32 to index
        %swap3A_898 = tpu.vector_load %arg14[%swap3A_896, %swap3A_897] {strides = array<i32>} : memref<32x32xf32, #tpu.memory_space<vmem>>, vector<16xf32>,
        tpu.vector_store %arg14[%swap3A_896, %swap3A_897], %mul3A_894 {strides = array<i32>} : memref<32x32xf32, #tpu.memory_space<vmem>>, vector<16xf32>,
        %mul3A_899 = arith.mulf %max3A_542, %div3A_799 : vector<16xf32>
        %swap3A_900 = arith.constant 20 : i32
        %swap3A_901 = arith.index_cast %swap3A_900 : i32 to index
        %swap3A_902 = arith.index_cast %mul3A_48 : i32 to index
        %swap3A_903 = tpu.vector_load %arg14[%swap3A_901, %swap3A_902] {strides = array<i32>} : memref<32x32xf32, #tpu.memory_space<vmem>>, vector<16xf32>,
        tpu.vector_store %arg14[%swap3A_901, %swap3A_902], %mul3A_899 {strides = array<i32>} : memref<32x32xf32, #tpu.memory_space<vmem>>, vector<16xf32>,
        %mul3A_904 = arith.mulf %max3A_565, %div3A_799 : vector<16xf32>
        %swap3A_905 = arith.constant 21 : i32
        %swap3A_906 = arith.index_cast %swap3A_905 : i32 to index
        %swap3A_907 = arith.index_cast %mul3A_48 : i32 to index
        %swap3A_908 = tpu.vector_load %arg14[%swap3A_906, %swap3A_907] {strides = array<i32>} : memref<32x32xf32, #tpu.memory_space<vmem>>, vector<16xf32>,
        tpu.vector_store %arg14[%swap3A_906, %swap3A_907], %mul3A_904 {strides = array<i32>} : memref<32x32xf32, #tpu.memory_space<vmem>>, vector<16xf32>,
        %mul3A_909 = arith.mulf %max3A_588, %div3A_799 : vector<16xf32>
        %swap3A_910 = arith.constant 22 : i32
        %swap3A_911 = arith.index_cast %swap3A_910 : i32 to index
        %swap3A_912 = arith.index_cast %mul3A_48 : i32 to index
        %swap3A_913 = tpu.vector_load %arg14[%swap3A_911, %swap3A_912] {strides = array<i32>} : memref<32x32xf32, #tpu.memory_space<vmem>>, vector<16xf32>,
        tpu.vector_store %arg14[%swap3A_911, %swap3A_912], %mul3A_909 {strides = array<i32>} : memref<32x32xf32, #tpu.memory_space<vmem>>, vector<16xf32>,
        %mul3A_914 = arith.mulf %max3A_611, %div3A_799 : vector<16xf32>
        %swap3A_915 = arith.constant 23 : i32
        %swap3A_916 = arith.index_cast %swap3A_915 : i32 to index
        %swap3A_917 = arith.index_cast %mul3A_48 : i32 to index
        %swap3A_918 = tpu.vector_load %arg14[%swap3A_916, %swap3A_917] {strides = array<i32>} : memref<32x32xf32, #tpu.memory_space<vmem>>, vector<16xf32>,
        tpu.vector_store %arg14[%swap3A_916, %swap3A_917], %mul3A_914 {strides = array<i32>} : memref<32x32xf32, #tpu.memory_space<vmem>>, vector<16xf32>,
        %mul3A_919 = arith.mulf %max3A_634, %div3A_799 : vector<16xf32>
        %swap3A_920 = arith.constant 24 : i32
        %swap3A_921 = arith.index_cast %swap3A_920 : i32 to index
        %swap3A_922 = arith.index_cast %mul3A_48 : i32 to index
        %swap3A_923 = tpu.vector_load %arg14[%swap3A_921, %swap3A_922] {strides = array<i32>} : memref<32x32xf32, #tpu.memory_space<vmem>>, vector<16xf32>,
        tpu.vector_store %arg14[%swap3A_921, %swap3A_922], %mul3A_919 {strides = array<i32>} : memref<32x32xf32, #tpu.memory_space<vmem>>, vector<16xf32>,
        %mul3A_924 = arith.mulf %max3A_657, %div3A_799 : vector<16xf32>
        %swap3A_925 = arith.constant 25 : i32
        %swap3A_926 = arith.index_cast %swap3A_925 : i32 to index
        %swap3A_927 = arith.index_cast %mul3A_48 : i32 to index
        %swap3A_928 = tpu.vector_load %arg14[%swap3A_926, %swap3A_927] {strides = array<i32>} : memref<32x32xf32, #tpu.memory_space<vmem>>, vector<16xf32>,
        tpu.vector_store %arg14[%swap3A_926, %swap3A_927], %mul3A_924 {strides = array<i32>} : memref<32x32xf32, #tpu.memory_space<vmem>>, vector<16xf32>,
        %mul3A_929 = arith.mulf %max3A_680, %div3A_799 : vector<16xf32>
        %swap3A_930 = arith.constant 26 : i32
        %swap3A_931 = arith.index_cast %swap3A_930 : i32 to index
        %swap3A_932 = arith.index_cast %mul3A_48 : i32 to index
        %swap3A_933 = tpu.vector_load %arg14[%swap3A_931, %swap3A_932] {strides = array<i32>} : memref<32x32xf32, #tpu.memory_space<vmem>>, vector<16xf32>,
        tpu.vector_store %arg14[%swap3A_931, %swap3A_932], %mul3A_929 {strides = array<i32>} : memref<32x32xf32, #tpu.memory_space<vmem>>, vector<16xf32>,
        %mul3A_934 = arith.mulf %max3A_703, %div3A_799 : vector<16xf32>
        %swap3A_935 = arith.constant 27 : i32
        %swap3A_936 = arith.index_cast %swap3A_935 : i32 to index
        %swap3A_937 = arith.index_cast %mul3A_48 : i32 to index
        %swap3A_938 = tpu.vector_load %arg14[%swap3A_936, %swap3A_937] {strides = array<i32>} : memref<32x32xf32, #tpu.memory_space<vmem>>, vector<16xf32>,
        tpu.vector_store %arg14[%swap3A_936, %swap3A_937], %mul3A_934 {strides = array<i32>} : memref<32x32xf32, #tpu.memory_space<vmem>>, vector<16xf32>,
        %mul3A_939 = arith.mulf %max3A_726, %div3A_799 : vector<16xf32>
        %swap3A_940 = arith.constant 28 : i32
        %swap3A_941 = arith.index_cast %swap3A_940 : i32 to index
        %swap3A_942 = arith.index_cast %mul3A_48 : i32 to index
        %swap3A_943 = tpu.vector_load %arg14[%swap3A_941, %swap3A_942] {strides = array<i32>} : memref<32x32xf32, #tpu.memory_space<vmem>>, vector<16xf32>,
        tpu.vector_store %arg14[%swap3A_941, %swap3A_942], %mul3A_939 {strides = array<i32>} : memref<32x32xf32, #tpu.memory_space<vmem>>, vector<16xf32>,
        %mul3A_944 = arith.mulf %max3A_749, %div3A_799 : vector<16xf32>
        %swap3A_945 = arith.constant 29 : i32
        %swap3A_946 = arith.index_cast %swap3A_945 : i32 to index
        %swap3A_947 = arith.index_cast %mul3A_48 : i32 to index
        %swap3A_948 = tpu.vector_load %arg14[%swap3A_946, %swap3A_947] {strides = array<i32>} : memref<32x32xf32, #tpu.memory_space<vmem>>, vector<16xf32>,
        tpu.vector_store %arg14[%swap3A_946, %swap3A_947], %mul3A_944 {strides = array<i32>} : memref<32x32xf32, #tpu.memory_space<vmem>>, vector<16xf32>,
        %mul3A_949 = arith.mulf %max3A_772, %div3A_799 : vector<16xf32>
        %swap3A_950 = arith.constant 30 : i32
        %swap3A_951 = arith.index_cast %swap3A_950 : i32 to index
        %swap3A_952 = arith.index_cast %mul3A_48 : i32 to index
        %swap3A_953 = tpu.vector_load %arg14[%swap3A_951, %swap3A_952] {strides = array<i32>} : memref<32x32xf32, #tpu.memory_space<vmem>>, vector<16xf32>,
        tpu.vector_store %arg14[%swap3A_951, %swap3A_952], %mul3A_949 {strides = array<i32>} : memref<32x32xf32, #tpu.memory_space<vmem>>, vector<16xf32>,
        %mul3A_954 = arith.mulf %max3A_795, %div3A_799 : vector<16xf32>
        %swap3A_955 = arith.constant 31 : i32
        %swap3A_956 = arith.index_cast %swap3A_955 : i32 to index
        %swap3A_957 = arith.index_cast %mul3A_48 : i32 to index
        %swap3A_958 = tpu.vector_load %arg14[%swap3A_956, %swap3A_957] {strides = array<i32>} : memref<32x32xf32, #tpu.memory_space<vmem>>, vector<16xf32>,
        tpu.vector_store %arg14[%swap3A_956, %swap3A_957], %mul3A_954 {strides = array<i32>} : memref<32x32xf32, #tpu.memory_space<vmem>>, vector<16xf32>,
      }
      %scan3A_45 = arith.constant 2 : i32
      "tpu.region"() ({
        %run_scoped3A = tpu.sem_alloc : memref<!tpu.dma_semaphore, #tpu.memory_space<semaphore_mem>>
        %dma_start3A = arith.constant 0 : i32
        %dma_start3A_46 = arith.constant 0 : i32
        %dma_start3A_47 = tpu.memref_slice %arg14[%dma_start3A, %dma_start3A_46] : memref<32x32xf32, #tpu.memory_space<vmem>> -> memref<32x32xf32, #tpu.memory_space<vmem>>
        %dma_start3A_48 = arith.constant 0 : i32
        %dma_start3A_49 = arith.constant 0 : i32
        %dma_start3A_50 = tpu.memref_slice %arg14[%dma_start3A_48, %dma_start3A_49] : memref<32x32xf32, #tpu.memory_space<vmem>> -> memref<32x32xf32, #tpu.memory_space<vmem>>
        tpu.enqueue_dma source(%dma_start3A_50 : memref<32x32xf32, #tpu.memory_space<vmem>>) target(%arg7 : memref<32x32xf32, #tpu.memory_space<hbm>>) target_semaphore(%run_scoped3A : memref<!tpu.dma_semaphore, #tpu.memory_space<semaphore_mem>>)
        %dma_wait3A = arith.constant 0 : i32
        %dma_wait3A_51 = arith.constant 0 : i32
        %dma_wait3A_52 = tpu.memref_slice %arg14[%dma_wait3A, %dma_wait3A_51] : memref<32x32xf32, #tpu.memory_space<vmem>> -> memref<32x32xf32, #tpu.memory_space<vmem>>
        %dma_wait3A_53 = arith.constant 0 : i32
        %dma_wait3A_54 = arith.constant 0 : i32
        %dma_wait3A_55 = tpu.memref_slice %arg14[%dma_wait3A_53, %dma_wait3A_54] : memref<32x32xf32, #tpu.memory_space<vmem>> -> memref<32x32xf32, #tpu.memory_space<vmem>>
        tpu.wait_dma2 semaphore(%run_scoped3A : memref<!tpu.dma_semaphore, #tpu.memory_space<semaphore_mem>>) src(%dma_wait3A_55 : memref<32x32xf32, #tpu.memory_space<vmem>>) dst(%arg7 : memref<32x32xf32, #tpu.memory_space<hbm>>)
        tpu.yield
      }) : () -> ()
    } else {
    }
    return
  }
}

module attributes {stable_mosaic.version = 14 : i64} {
  func.func @_proj_body(%arg0: i32, %arg1: memref<10000x128xf32, #tpu.memory_space<vmem>>, %arg2: memref<10000x128xf32, #tpu.memory_space<vmem>>, %arg3: memref<1x128xf32, #tpu.memory_space<vmem>>, %arg4: memref<1x128xf32, #tpu.memory_space<vmem>>, %arg5: memref<1x1xf32, #tpu.memory_space<vmem>>, %arg6: memref<1x1xf32, #tpu.memory_space<vmem>>, %arg7: memref<1x1x10000xf32, #tpu.memory_space<vmem>>, %arg8: memref<1x1x10000xf32, #tpu.memory_space<vmem>>, %arg9: memref<1x1xf32, #tpu.memory_space<vmem>>) attributes {dimension_semantics = [#tpu.dimension_semantics<arbitrary>], iteration_bounds = array<i64: 10>, scalar_prefetch = 0 : i64, scratch_operands = 0 : i64, tpu.core_type = #tpu.core_type<tc>, window_params = [{transform_indices = @transform_0, window_bounds = array<i64: 10000, 128>}, {transform_indices = @transform_1, window_bounds = array<i64: 10000, 128>}, {pipeline_mode = #tpu.pipeline_mode<synchronous>, transform_indices = @transform_2, window_bounds = array<i64: 1, 128>}, {pipeline_mode = #tpu.pipeline_mode<synchronous>, transform_indices = @transform_3, window_bounds = array<i64: 1, 128>}, {pipeline_mode = #tpu.pipeline_mode<synchronous>, transform_indices = @transform_4, window_bounds = array<i64: 1, 1>}, {pipeline_mode = #tpu.pipeline_mode<synchronous>, transform_indices = @transform_5, window_bounds = array<i64: 1, 1>}, {transform_indices = @transform_6, window_bounds = array<i64: 1, 1, 10000>}, {transform_indices = @transform_7, window_bounds = array<i64: 1, 1, 10000>}, {pipeline_mode = #tpu.pipeline_mode<synchronous>, transform_indices = @transform_8, window_bounds = array<i64: 1, 1>}]} {
    %get3A = arith.constant 0 : index
    %get3A_0 = arith.constant 0 : index
    %get3A_1 = vector.load %arg1[%get3A, %get3A_0] : memref<10000x128xf32, #tpu.memory_space<vmem>>, vector<10000x128xf32>
    %convert_element_type3A = arith.truncf %get3A_1 : vector<10000x128xf32> to vector<10000x128xbf16>
    %get3A_2 = arith.constant 0 : index
    %get3A_3 = arith.constant 0 : index
    %get3A_4 = vector.load %arg2[%get3A_2, %get3A_3] : memref<10000x128xf32, #tpu.memory_space<vmem>>, vector<10000x128xf32>
    %convert_element_type3A_5 = arith.truncf %get3A_4 : vector<10000x128xf32> to vector<10000x128xbf16>
    %get3A_6 = arith.constant 0 : index
    %get3A_7 = arith.constant 0 : index
    %get3A_8 = vector.load %arg3[%get3A_6, %get3A_7] : memref<1x128xf32, #tpu.memory_space<vmem>>, vector<1x128xf32>
    %get3A_9 = arith.constant 0 : index
    %get3A_10 = arith.constant 0 : index
    %get3A_11 = vector.load %arg4[%get3A_9, %get3A_10] : memref<1x128xf32, #tpu.memory_space<vmem>>, vector<1x128xf32>
    %concatenate3A = tpu.concatenate %get3A_8, %get3A_11 in 0 : vector<1x128xf32>, vector<1x128xf32> -> vector<2x128xf32>
    %convert_element_type3A_12 = arith.truncf %concatenate3A : vector<2x128xf32> to vector<2x128xbf16>
    %dot_general3A = arith.constant dense<0.000000e+00> : vector<2x10000xf32>
    %dot_general3A_13 = tpu.matmul %convert_element_type3A_12, %convert_element_type3A, %dot_general3A {dimension_numbers = #tpu.dot_dimension_numbers<[1], [1], [0], [0], [0, 0, 1, 0], [], []>, transpose_lhs_hint = false} : vector<2x128xbf16>, vector<10000x128xbf16>, vector<2x10000xf32> -> vector<2x10000xf32>
    %dot_general3A_14 = arith.constant dense<0.000000e+00> : vector<2x10000xf32>
    %dot_general3A_15 = tpu.matmul %convert_element_type3A_12, %convert_element_type3A_5, %dot_general3A_14 {dimension_numbers = #tpu.dot_dimension_numbers<[1], [1], [0], [0], [0, 0, 1, 0], [], []>, transpose_lhs_hint = false} : vector<2x128xbf16>, vector<10000x128xbf16>, vector<2x10000xf32> -> vector<2x10000xf32>
    %slice3A = vector.extract_strided_slice %dot_general3A_13 {offsets = [0, 0], sizes = [1, 10000], strides = [1, 1]} : vector<2x10000xf32> to vector<1x10000xf32>
    %slice3A_16 = vector.extract_strided_slice %dot_general3A_15 {offsets = [1, 0], sizes = [1, 10000], strides = [1, 1]} : vector<2x10000xf32> to vector<1x10000xf32>
    %sub3A = arith.subf %slice3A, %slice3A_16 : vector<1x10000xf32>
    %get3A_17 = arith.constant 0 : index
    %get3A_18 = arith.constant 0 : index
    %get3A_19 = vector.load %arg5[%get3A_17, %get3A_18] : memref<1x1xf32, #tpu.memory_space<vmem>>, vector<1x1xf32>
    %get3A_20 = vector.extract %get3A_19[0, 0] : f32 from vector<1x1xf32>
    %add3A = vector.broadcast %get3A_20 : f32 to vector<1x10000xf32>
    %add3A_21 = arith.addf %sub3A, %add3A : vector<1x10000xf32>
    %slice3A_22 = vector.extract_strided_slice %dot_general3A_13 {offsets = [1, 0], sizes = [1, 10000], strides = [1, 1]} : vector<2x10000xf32> to vector<1x10000xf32>
    %slice3A_23 = vector.extract_strided_slice %dot_general3A_15 {offsets = [0, 0], sizes = [1, 10000], strides = [1, 1]} : vector<2x10000xf32> to vector<1x10000xf32>
    %add3A_24 = arith.addf %slice3A_22, %slice3A_23 : vector<1x10000xf32>
    %get3A_25 = arith.constant 0 : index
    %get3A_26 = arith.constant 0 : index
    %get3A_27 = vector.load %arg6[%get3A_25, %get3A_26] : memref<1x1xf32, #tpu.memory_space<vmem>>, vector<1x1xf32>
    %get3A_28 = vector.extract %get3A_27[0, 0] : f32 from vector<1x1xf32>
    %add3A_29 = vector.broadcast %get3A_28 : f32 to vector<1x10000xf32>
    %add3A_30 = arith.addf %add3A_24, %add3A_29 : vector<1x10000xf32>
    %reshape3A = vector.shape_cast %add3A_21 : vector<1x10000xf32> to vector<1x1x10000xf32>
    %swap3A = arith.constant 0 : index
    %swap3A_31 = arith.constant 0 : index
    %swap3A_32 = arith.constant 0 : index
    %swap3A_33 = vector.load %arg7[%swap3A, %swap3A_31, %swap3A_32] : memref<1x1x10000xf32, #tpu.memory_space<vmem>>, vector<1x1x10000xf32>
    tpu.vector_store %arg7[%swap3A, %swap3A_31, %swap3A_32], %reshape3A {strides = array<i32>} : memref<1x1x10000xf32, #tpu.memory_space<vmem>>, vector<1x1x10000xf32>,
    %reshape3A_34 = vector.shape_cast %add3A_30 : vector<1x10000xf32> to vector<1x1x10000xf32>
    %swap3A_35 = arith.constant 0 : index
    %swap3A_36 = arith.constant 0 : index
    %swap3A_37 = arith.constant 0 : index
    %swap3A_38 = vector.load %arg8[%swap3A_35, %swap3A_36, %swap3A_37] : memref<1x1x10000xf32, #tpu.memory_space<vmem>>, vector<1x1x10000xf32>
    tpu.vector_store %arg8[%swap3A_35, %swap3A_36, %swap3A_37], %reshape3A_34 {strides = array<i32>} : memref<1x1x10000xf32, #tpu.memory_space<vmem>>, vector<1x1x10000xf32>,
    %abs3A = math.absf %add3A_21 : vector<1x10000xf32>
    %reduce_max3A = vector.shape_cast %abs3A : vector<1x10000xf32> to vector<1x1x10000xf32>
    %reduce_max3A_39 = arith.constant dense<0xFF800000> : vector<1xf32>
    %reduce_max3A_40 = vector.multi_reduction <maximumf>, %reduce_max3A, %reduce_max3A_39 [1, 2] : vector<1x1x10000xf32> to vector<1xf32>
    %reduce_max3A_41 = vector.shape_cast %reduce_max3A_40 : vector<1xf32> to vector<1x1x1xf32>
    %reduce_max3A_42 = vector.extract %reduce_max3A_41[0, 0, 0] : f32 from vector<1x1x1xf32>
    %abs3A_43 = math.absf %add3A_30 : vector<1x10000xf32>
    %reduce_max3A_44 = vector.shape_cast %abs3A_43 : vector<1x10000xf32> to vector<1x1x10000xf32>
    %reduce_max3A_45 = arith.constant dense<0xFF800000> : vector<1xf32>
    %reduce_max3A_46 = vector.multi_reduction <maximumf>, %reduce_max3A_44, %reduce_max3A_45 [1, 2] : vector<1x1x10000xf32> to vector<1xf32>
    %reduce_max3A_47 = vector.shape_cast %reduce_max3A_46 : vector<1xf32> to vector<1x1x1xf32>
    %reduce_max3A_48 = vector.extract %reduce_max3A_47[0, 0, 0] : f32 from vector<1x1x1xf32>
    %max3A = arith.maximumf %reduce_max3A_42, %reduce_max3A_48 : f32
    %reshape3A_49 = vector.broadcast %max3A : f32 to vector<1x1xf32>
    %eq3A = arith.constant 0 : i32
    %eq3A_50 = arith.cmpi eq, %arg0, %eq3A : i32
    %convert_element_type3A_51 = arith.extui %eq3A_50 : i1 to i32
    %cond3A = arith.constant 0 : i32
    %cond3A_52 = arith.cmpi ne, %convert_element_type3A_51, %cond3A : i32
    scf.if %cond3A_52 {
      %swap3A_57 = arith.constant 0 : index
      %swap3A_58 = arith.constant 0 : index
      %swap3A_59 = vector.load %arg9[%swap3A_57, %swap3A_58] : memref<1x1xf32, #tpu.memory_space<vmem>>, vector<1x1xf32>
      tpu.vector_store %arg9[%swap3A_57, %swap3A_58], %reshape3A_49 {strides = array<i32>} : memref<1x1xf32, #tpu.memory_space<vmem>>, vector<1x1xf32>,
    } else {
    }
    %gt3A = arith.constant 0 : i32
    %gt3A_53 = arith.cmpi sgt, %arg0, %gt3A : i32
    %convert_element_type3A_54 = arith.extui %gt3A_53 : i1 to i32
    %cond3A_55 = arith.constant 0 : i32
    %cond3A_56 = arith.cmpi ne, %convert_element_type3A_54, %cond3A_55 : i32
    scf.if %cond3A_56 {
      %get3A_57 = arith.constant 0 : index
      %get3A_58 = arith.constant 0 : index
      %get3A_59 = vector.load %arg9[%get3A_57, %get3A_58] : memref<1x1xf32, #tpu.memory_space<vmem>>, vector<1x1xf32>
      %max3A_60 = arith.maximumf %get3A_59, %reshape3A_49 : vector<1x1xf32>
      %swap3A_61 = arith.constant 0 : index
      %swap3A_62 = arith.constant 0 : index
      %swap3A_63 = vector.load %arg9[%swap3A_61, %swap3A_62] : memref<1x1xf32, #tpu.memory_space<vmem>>, vector<1x1xf32>
      tpu.vector_store %arg9[%swap3A_61, %swap3A_62], %max3A_60 {strides = array<i32>} : memref<1x1xf32, #tpu.memory_space<vmem>>, vector<1x1xf32>,
    } else {
    }
    return
  }
  func.func @transform_0(%arg0: i32) -> (i32, i32) {
    %c0_i32 = arith.constant 0 : i32
    %c0_i32_0 = arith.constant 0 : i32
    return %arg0, %c0_i32 : i32, i32
  }
  func.func @transform_1(%arg0: i32) -> (i32, i32) {
    %c0_i32 = arith.constant 0 : i32
    %c0_i32_0 = arith.constant 0 : i32
    return %arg0, %c0_i32 : i32, i32
  }
  func.func @transform_2(%arg0: i32) -> (i32, i32) {
    %c0_i32 = arith.constant 0 : i32
    %c0_i32_0 = arith.constant 0 : i32
    %c0_i32_1 = arith.constant 0 : i32
    return %c0_i32, %c0_i32_0 : i32, i32
  }
  func.func @transform_3(%arg0: i32) -> (i32, i32) {
    %c0_i32 = arith.constant 0 : i32
    %c0_i32_0 = arith.constant 0 : i32
    %c0_i32_1 = arith.constant 0 : i32
    return %c0_i32, %c0_i32_0 : i32, i32
  }
  func.func @transform_4(%arg0: i32) -> (i32, i32) {
    %c0_i32 = arith.constant 0 : i32
    %c0_i32_0 = arith.constant 0 : i32
    %c0_i32_1 = arith.constant 0 : i32
    return %c0_i32, %c0_i32_0 : i32, i32
  }
  func.func @transform_5(%arg0: i32) -> (i32, i32) {
    %c0_i32 = arith.constant 0 : i32
    %c0_i32_0 = arith.constant 0 : i32
    %c0_i32_1 = arith.constant 0 : i32
    return %c0_i32, %c0_i32_0 : i32, i32
  }
  func.func @transform_6(%arg0: i32) -> (i32, i32, i32) {
    %c0_i32 = arith.constant 0 : i32
    %c0_i32_0 = arith.constant 0 : i32
    %c0_i32_1 = arith.constant 0 : i32
    return %arg0, %c0_i32, %c0_i32_0 : i32, i32, i32
  }
  func.func @transform_7(%arg0: i32) -> (i32, i32, i32) {
    %c0_i32 = arith.constant 0 : i32
    %c0_i32_0 = arith.constant 0 : i32
    %c0_i32_1 = arith.constant 0 : i32
    return %arg0, %c0_i32, %c0_i32_0 : i32, i32, i32
  }
  func.func @transform_8(%arg0: i32) -> (i32, i32) {
    %c0_i32 = arith.constant 0 : i32
    %c0_i32_0 = arith.constant 0 : i32
    %c0_i32_1 = arith.constant 0 : i32
    return %c0_i32, %c0_i32_0 : i32, i32
  }
}

module attributes {stable_mosaic.version = 14 : i64} {
  func.func @_pack_body(%arg0: memref<10x1x10000xf32, #tpu.memory_space<vmem>>, %arg1: memref<10x1x10000xf32, #tpu.memory_space<vmem>>, %arg2: memref<1x1xf32, #tpu.memory_space<vmem>>, %arg3: memref<10x1x10000xi32, #tpu.memory_space<vmem>>) attributes {dimension_semantics = [], scalar_prefetch = 0 : i64, scratch_operands = 0 : i64, tpu.core_type = #tpu.core_type<tc>} {
    %get3A = arith.constant 0 : index
    %get3A_0 = arith.constant 0 : index
    %get3A_1 = vector.load %arg2[%get3A, %get3A_0] : memref<1x1xf32, #tpu.memory_space<vmem>>, vector<1x1xf32>
    %get3A_2 = vector.extract %get3A_1[0, 0] : f32 from vector<1x1xf32>
    %get3A_3 = arith.constant 0 : index
    %get3A_4 = arith.constant 0 : index
    %get3A_5 = arith.constant 0 : index
    %get3A_6 = vector.load %arg0[%get3A_3, %get3A_4, %get3A_5] : memref<10x1x10000xf32, #tpu.memory_space<vmem>>, vector<10x1x10000xf32>
    %mul3A = vector.broadcast %get3A_2 : f32 to vector<10x1x10000xf32>
    %mul3A_7 = arith.mulf %get3A_6, %mul3A : vector<10x1x10000xf32>
    %get3A_8 = arith.constant 0 : index
    %get3A_9 = arith.constant 0 : index
    %get3A_10 = arith.constant 0 : index
    %get3A_11 = vector.load %arg1[%get3A_8, %get3A_9, %get3A_10] : memref<10x1x10000xf32, #tpu.memory_space<vmem>>, vector<10x1x10000xf32>
    %mul3A_12 = vector.broadcast %get3A_2 : f32 to vector<10x1x10000xf32>
    %mul3A_13 = arith.mulf %get3A_11, %mul3A_12 : vector<10x1x10000xf32>
    %ge3A = arith.constant 0.000000e+00 : f32
    %ge3A_14 = vector.broadcast %ge3A : f32 to vector<10x1x10000xf32>
    %ge3A_15 = arith.cmpf oge, %mul3A_7, %ge3A_14 : vector<10x1x10000xf32>
    %jit3A = arith.constant 5.000000e-01 : f32
    %jit3A_16 = arith.constant -5.000000e-01 : f32
    %broadcast_in_dim3A = vector.broadcast %jit3A : f32 to vector<10x1x10000xf32>
    %broadcast_in_dim3A_17 = vector.broadcast %jit3A_16 : f32 to vector<10x1x10000xf32>
    %select_n3A = arith.select %ge3A_15, %broadcast_in_dim3A, %broadcast_in_dim3A_17 : vector<10x1x10000xi1>, vector<10x1x10000xf32>
    %add3A = arith.addf %mul3A_7, %select_n3A : vector<10x1x10000xf32>
    %ge3A_18 = arith.constant 0.000000e+00 : f32
    %ge3A_19 = vector.broadcast %ge3A_18 : f32 to vector<10x1x10000xf32>
    %ge3A_20 = arith.cmpf oge, %mul3A_13, %ge3A_19 : vector<10x1x10000xf32>
    %jit3A_21 = arith.constant 5.000000e-01 : f32
    %jit3A_22 = arith.constant -5.000000e-01 : f32
    %broadcast_in_dim3A_23 = vector.broadcast %jit3A_21 : f32 to vector<10x1x10000xf32>
    %broadcast_in_dim3A_24 = vector.broadcast %jit3A_22 : f32 to vector<10x1x10000xf32>
    %select_n3A_25 = arith.select %ge3A_20, %broadcast_in_dim3A_23, %broadcast_in_dim3A_24 : vector<10x1x10000xi1>, vector<10x1x10000xf32>
    %add3A_26 = arith.addf %mul3A_13, %select_n3A_25 : vector<10x1x10000xf32>
    %convert_element_type3A = arith.fptosi %add3A : vector<10x1x10000xf32> to vector<10x1x10000xi32>
    %convert_element_type3A_27 = arith.fptosi %add3A_26 : vector<10x1x10000xf32> to vector<10x1x10000xi32>
    %shift_left3A = arith.constant 16 : i32
    %shift_left3A_28 = vector.broadcast %shift_left3A : i32 to vector<10x1x10000xi32>
    %shift_left3A_29 = arith.shli %convert_element_type3A_27, %shift_left3A_28 : vector<10x1x10000xi32>
    %and3A = arith.constant 65535 : i32
    %and3A_30 = vector.broadcast %and3A : i32 to vector<10x1x10000xi32>
    %and3A_31 = arith.andi %convert_element_type3A, %and3A_30 : vector<10x1x10000xi32>
    %or3A = arith.ori %shift_left3A_29, %and3A_31 : vector<10x1x10000xi32>
    %swap3A = arith.constant 0 : index
    %swap3A_32 = arith.constant 0 : index
    %swap3A_33 = arith.constant 0 : index
    %swap3A_34 = vector.load %arg3[%swap3A, %swap3A_32, %swap3A_33] : memref<10x1x10000xi32, #tpu.memory_space<vmem>>, vector<10x1x10000xi32>
    tpu.vector_store %arg3[%swap3A, %swap3A_32, %swap3A_33], %or3A {strides = array<i32>} : memref<10x1x10000xi32, #tpu.memory_space<vmem>>, vector<10x1x10000xi32>,
    return
  }
}

</mosaic_0001>

<sc_bundles>
// kernel: kernel.5.cloned.1.call-start
scs
__scs_entry_jumppad:
0x0: {  	(pc) =	sbr.rel $0x88, $3  }
0x1: {  	(tag) =	ssettag $0x0;
	lr =	simm.s32 $0x1  }
0x2: {  	[smem:$0x3F9A] =	sst lr;
	_ =	strace $0xD0000000  }
0x3: {  	_ = 	snop  }
0x4: {  	_ = 	snop  }
0x5: {  	_ = 	snop  }
0x6: {  	_ = 	snop  }
0x7: {  	_ = 	snop  }
__scs_overlays_trampoline_lowered:
0x8: {  	[smem:$0x3FA9] =	sst s0  }
0x9: {  	[smem:$0x3FAA] =	sst s1  }
0xa: {  	[smem:$0x3FAB] =	sst s2  }
0xb: {  	[smem:$0x3FAC] =	sst s3  }
0xc: {  	[smem:$0x3FAD] =	sst s4  }
0xd: {  	[smem:$0x3FAE] =	sst s5  }
0xe: {  	[smem:$0x3FAF] =	sst s6  }
0xf: {  	[smem:$0x3FB0] =	sst s7  }
0x10: {  	[smem:$0x3FB1] =	sst s8  }
0x11: {  	[smem:$0x3FB2] =	sst s9;
	s0 =	simm.s32 @!p0 $0x0  }
0x12: {  	s1 =	sld [smem:$0x3F98];
	s0 =	simm.s32 @p0 $0x1  }
0x13: {  	[smem:$0x3FB3] =	sst s0;
	s0 =	simm.s32 @!p1 $0x0  }
0x14: {  	s2 =	sld [smem:$0x3F97];
	s0 =	simm.s32 @p1 $0x1  }
0x15: {  	[smem:$0x3FB4] =	sst s0;
	s0 =	simm.s32 @!p2 $0x0  }
0x16: {  	s3 =	sld [smem:$0x3FDB];
	s0 =	simm.s32 @p2 $0x1  }
0x17: {  	s4 =	simm.s32 $0x1BF5;
	[smem:$0x3FB6] =	sst s0  }
0x18: {  	s0 =	sld [smem:$0x3F99];
	_ =	swait.ge [sflag:s4], $0x0  }
0x19: {  	s7 =	sld [smem:$0x3F9A]  }
0x1a: {  	s8 =	sadd.s32 $0xFFFFE003, lr  }
0x1b: {  	s9 =	sadd.s32 $0xFFFFFEF7, lr;
	s5 =	simm.s32 $0xFFFFFFFF;
	p2 =	slt.u32 s8, $0xFFFFF086  }
0x1c: {  	p1 =	slt.u32 s9, $0xF7A;
	s5 =	simm.s32 @!p2 $0x0  }
0x1d: {  	s5 =	simm.s32 @p1 $0x1;
	p0 =	seq.s32 s7, s2  }
0x1e: {  	s7 =	smul.u32 @!p0 $0xF7A, s2;
	p2 =	seq.s32 @!p0 s5, $0x0  }
0x1f: {  	s9 =	smul.u32 $0xF7A, s1;
	s8 =	simm.s32 @!p0 $0x1BF5;
	p2 =	por !p2, p0  }
0x20: {  	[sflag:s8] =	ssyncset.s32 @!p0 $0xFFFFF086;
	s6 =	sadd.s32 @!p0 s3, s7;
	s7 =	simm.s32 @!p0 $0x108  }
0x21: {  	s3 =	sadd.s32 s3, s9;
	s6 =	sadd.s32 @!p0 $0x88, s6;
	s7 =	simm.s32 @p2 $0x1082  }
0x22: {  	[simem:s7], [sflag:s8] =	dma.local @!p0 [hbm:s6], $0xF7A  }
0x23: {  	s9 =	sor.u32 $0xD0000000, s2;
	s6 =	simm.s32 $0x108;
	_ =	swait.ge @!p0 [sflag:s8], $0x0  }
0x24: {  	s3 =	sadd.s32 $0x88, s3;
	s6 =	simm.s32 @!p1 $0x1082;
	[sflag:s4] =	ssyncset.s32 $0xFFFFF086  }
0x25: {  	[simem:s6], [sflag:s4] =	dma.local [hbm:s3], $0xF7A  }
0x26: {  	[smem:$0x3F9A] =	sst s1;
	(tag) =	ssettag s2;
	_ =	strace s9  }
0x27: {  	s1 =	sld [smem:$0x3FAA]  }
0x28: {  	s2 =	sld [smem:$0x3FAB]  }
0x29: {  	s4 =	sld [smem:$0x3FAD]  }
0x2a: {  	p0 =	seq.s32 s5, $0x0;
	s5 =	sld [smem:$0x3FAE]  }
0x2b: {  	s6 =	sld [smem:$0x3FAF]  }
0x2c: {  	s7 =	sld [smem:$0x3FB0]  }
0x2d: {  	s3 =	simm.s32 $0x108;
	s8 =	sld [smem:$0x3FB1]  }
0x2e: {  	s3 =	simm.s32 @!p0 $0x1082;
	s9 =	sld [smem:$0x3FB2]  }
0x2f: {  	lr =	sadd.s32 s0, s3;
	s0 =	sld [smem:$0x3FA9]  }
0x30: {  	s3 =	sld [smem:$0x3FAC]  }
0x31: {  	[smem:$0x3FB5] =	sst s10  }
0x32: {  	s10 =	sld [smem:$0x3FB3];
	_ =	sdelay $0x3  }
0x33: {  	p0 =	seq.s32 s10, $0x1;
	s10 =	sld [smem:$0x3FB5];
	_ =	sdelay $0x3  }
0x34: {  	[smem:$0x3FB5] =	sst s10  }
0x35: {  	s10 =	sld [smem:$0x3FB4];
	_ =	sdelay $0x3  }
0x36: {  	p1 =	seq.s32 s10, $0x1;
	s10 =	sld [smem:$0x3FB5];
	_ =	sdelay $0x3  }
0x37: {  	[smem:$0x3FB5] =	sst s10  }
0x38: {  	s10 =	sld [smem:$0x3FB6]  }
0x39: {  	_ = 	snop;
	(pc) =	sbr.ind lr, $3  }
0x3a: {  	_ = 	snop  }
0x3b: {  	_ = 	snop  }
0x3c: {  	p2 =	seq.s32 s10, $0x1;
	s10 =	sld [smem:$0x3FB5]  }
0x3d: {  	_ =	shalt  }
0x3e: {  	_ =	shalt  }
0x3f: {  	_ =	shalt  }
0x40: {  	_ =	shalt  }
0x41: {  	_ =	shalt  }
0x42: {  	_ =	shalt  }
0x43: {  	_ =	shalt  }
0x44: {  	_ =	shalt  }
0x45: {  	_ =	shalt  }
0x46: {  	_ =	shalt  }
0x47: {  	_ =	shalt  }
0x48: {  	_ =	shalt  }
0x49: {  	_ =	shalt  }
0x4a: {  	_ =	shalt  }
0x4b: {  	_ =	shalt  }
0x4c: {  	_ =	shalt  }
0x4d: {  	_ =	shalt  }
0x4e: {  	_ =	shalt  }
0x4f: {  	_ =	shalt  }
0x50: {  	_ =	shalt  }
0x51: {  	_ =	shalt  }
0x52: {  	_ =	shalt  }
0x53: {  	_ =	shalt  }
0x54: {  	_ =	shalt  }
0x55: {  	_ =	shalt  }
0x56: {  	_ =	shalt  }
0x57: {  	_ =	shalt  }
0x58: {  	_ =	shalt  }
0x59: {  	_ =	shalt  }
0x5a: {  	_ =	shalt  }
0x5b: {  	_ =	shalt  }
0x5c: {  	_ =	shalt  }
0x5d: {  	_ =	shalt  }
0x5e: {  	_ =	shalt  }
0x5f: {  	_ =	shalt  }
0x60: {  	_ =	shalt  }
0x61: {  	_ =	shalt  }
0x62: {  	_ =	shalt  }
0x63: {  	_ =	shalt  }
0x64: {  	_ =	shalt  }
0x65: {  	_ =	shalt  }
0x66: {  	_ =	shalt  }
0x67: {  	_ =	shalt  }
0x68: {  	_ =	shalt  }
0x69: {  	_ =	shalt  }
0x6a: {  	_ =	shalt  }
0x6b: {  	_ =	shalt  }
0x6c: {  	_ =	shalt  }
0x6d: {  	_ =	shalt  }
0x6e: {  	_ =	shalt  }
0x6f: {  	_ =	shalt  }
0x70: {  	_ =	shalt  }
0x71: {  	_ =	shalt  }
0x72: {  	_ =	shalt  }
0x73: {  	_ =	shalt  }
0x74: {  	_ =	shalt  }
0x75: {  	_ =	shalt  }
0x76: {  	_ =	shalt  }
0x77: {  	_ =	shalt  }
0x78: {  	_ =	shalt  }
0x79: {  	_ =	shalt  }
0x7a: {  	_ =	shalt  }
0x7b: {  	_ =	shalt  }
0x7c: {  	_ =	shalt  }
0x7d: {  	_ =	shalt  }
0x7e: {  	_ =	shalt  }
0x7f: {  	_ =	shalt  }
0x80: {  	_ =	shalt  }
0x81: {  	_ =	shalt  }
0x82: {  	_ =	shalt  }
0x83: {  	_ =	shalt  }
0x84: {  	_ =	shalt  }
0x85: {  	_ =	shalt  }
0x86: {  	_ =	shalt  }
0x87: {  	_ =	shalt  }
.Lfunc_end0:
.L_simem_size_0:
called_computation_lowered:
.L_overlay_start_0:
0x88: {  	s2 =	sld [smem:$0x3FD9]  }
0x89: {  	s3 =	sld [smem:$0x3FFE];
	_ =	sdelay $0x1  }
0x8a: {  	s1 =	srdreg.scid  }
0x8b: {  	s0 =	sand.u32 $0x1, s1  }
0x8c: {  	s17 =	sshll.u32 s0, $0xA;
	s2 =	sadd.s32 s3, s2  }
0x8d: {  	s2 =	sadd.s32 s2, s17  }
0x8e: {  	[smem:$0x3FC1] =	sst s2  }
0x8f: {  	_ = 	snop  }
0x90: {  	s2 =	sld [smem:$0x3FC3]  }
0x91: {  	s18 =	sld [smem:$0x3FD0];
	(tm) =	ssettm $0x1  }
0x92: {  	s4 =	sld [smem:$0x3FFB];
	_ =	sdelay $0x3  }
0x93: {  	_ =	strace s4  }
0x94: {  	s4 =	sld [smem:$0x3FFC];
	_ =	sdelay $0x3  }
0x95: {  	_ =	strace s4  }
0x96: {  	s4 =	sld [smem:$0x3FFD];
	_ =	sdelay $0x3  }
0x97: {  	_ =	strace s4  }
0x98: {  	_ =	strace $0x8FFFFFFF  }
0x99: {  	s19 =	sld [smem:$0x3FDB];
	_ =	sdelay $0x1  }
0x9a: {  	s5 =	simm.s32 $_scs_section_size  }
0x9b: {  	s6 =	simm.s32 $_size__tile_overlayer_lowered;
	s7 =	simm.s32 $_tile_overlayer_lowered  }
0x9c: {  	s22 =	simm.s32 $0x1BFF;
	s21 =	sshll.u32 s7, $0x1;
	s4 =	sadd.s32 s5, s19  }
0x9d: {  	s8 =	simm.s32 $0x0;
	s20 =	sshll.u32 s6, $0x1;
	s6 =	sadd.s32 s21, s4  }
0x9e: {  	[timem:s8], [sflag:s22] =	dma.local [hbm:s6], s20  }
0x9f: {  	_ =	swait.ge [sflag:s22], s20  }
0xa0: {  	s5 =	ssub.s32 $0x0, s20;
	[sflag:s22] =	ssyncset.done $0x0  }
0xa1: {  	[sflag:s22] =	ssyncadd.s32 s5;
	_ =	sdelay $0x1  }
0xa2: {  	s23 =	simm.s32 $0x1B8B  }
0xa3: {  	_ =	swait.ge [sflag:s23], $0x1  }
0xa4: {  	[sflag:s23] =	ssyncset.done $0x0  }
0xa5: {  	s25 =	simm.s32 $0x1B8E;
	s24 =	sld [smem:$0x3FFE];
	[sflag:s23] =	ssyncadd.s32 $0xFFFFFFFF  }
0xa6: {  	s26 =	simm.s32 $execute0_lowered;
	[smem:$0x3FD2] =	sst s25  }
0xa7: {  	s6 =	sshll.u32 s26, $0x1;
	_ =	strace $0x80000046;
	[dreg:$0x1] =	wrdreg $0xFFFFFFFF  }
0xa8: {  	s28 =	simm.s32 $_size_execute0_lowered;
	s4 =	sadd.s32 s4, s6;
	[dreg:$0x0] =	wrdreg $0x0  }
0xa9: {  	s6 =	sshll.u32 s28, $0x1;
	[dreg:$0x2] =	wrdreg s4  }
0xaa: {  	[dreg:$0x3] =	wrdreg s6  }
0xab: {  	[dreg:$0x4] =	wrdreg $0xC0  }
0xac: {  	_ =	task [dreg:s8], $0x5FFFF  }
0xad: {  	[dreg:$0x1] =	wrdreg $0xFFFFFFFF  }
0xae: {  	[dreg:$0x0] =	wrdreg $0x60  }
0xaf: {  	[dreg:$0x2] =	wrdreg s24  }
0xb0: {  	[dreg:$0x3] =	wrdreg s2  }
0xb1: {  	[dreg:$0x4] =	wrdreg s18  }
0xb2: {  	[dreg:$0x5] =	wrdreg $0x9  }
0xb3: {  	_ =	task.clear_ibuf [dreg:s8], $0x6FFFF;
	_ =	strace $0x90000046  }
0xb4: {  	s29 =	simm.s32 $0x9;
	_ =	strace $0x80000048  }
0xb5: {  	_ =	swait.ge [sflag:s29], $0x1  }
0xb6: {  	[sflag:s29] =	ssyncadd.s32 $0xFFFFFFFF  }
0xb7: {  	_ =	strace $0x90000048  }
0xb8: {  	_ =	sfence  }
0xb9: {  	s30 =	sld [smem:$0x0];
	_ =	sdelay $0x2  }
0xba: {  	s31 =	sshll.u32 s1, $0xD;
	s1 =	sshrl.u32 s1, $0x2  }
0xbb: {  	s3 =	sand.u32 $0x4000, s31;
	s1 =	sadd.s32 s1, s30  }
0xbc: {  	s0 =	sor.u32 s3, s0;
	s1 =	sshll.u32 s1, $0x11  }
0xbd: {  	s0 =	sor.u32 s1, s0  }
0xbe: {  	s0 =	sadd.s32 $0x8F2B, s0  }
0xbf: {  	[sflag:s0] =	ssyncadd.remote.s32 $0x1  }
0xc0: {  	_ =	sfence.sel $0xFFFF  }
0xc1: {  	[dreg:$0x0] =	wrdreg $0xFFFFFFFF;
	(pc) =	sbr.abs _section_cstart, $3  }
0xc2: {  	[dreg:$0x1] =	wrdreg $0xFFFFFFFF  }
0xc3: {  	_ =	task.clear_ibuf [dreg:s8], $0x2FFFF;
	_ =	strace $0x9FFFFFFF  }
0xc4: {  	(tm) =	ssettm $0x7FFFFFFF  }
0xc5: {  	_ =	shalt  }
tec
execute0_lowered:
.L_overlay_start_1:
0x0: {  	(tag) =	ssettag $0x1  }
0x1: {  	s6 =	rddreg [dreg:$0x0]  }
0x2: {  	s8 =	rddreg [dreg:$0x1]  }
0x3: {  	s10 =	rddreg [dreg:$0x2];
	s1 =	simm.s32 $0x0;
	s7 =	srdreg.scid  }
0x4: {  	s0 =	stileid.u32;
	s13 =	simm.s32 $0xC3800;
	s14 =	simm.s32 $0x18700  }
0x5: {  	s15 =	simm.s32 $0x19700;
	s16 =	simm.s32 $0x1BF00;
	s17 =	simm.s32 $0x5  }
0x6: {  	s18 =	simm.s32 $0x1;
	s19 =	simm.s32 $0x2;
	s20 =	simm.s32 $0x1AF00  }
0x7: {  	s21 =	simm.s32 $0x4;
	s22 =	simm.s32 $0x3;
	s24 =	simm.s32 $0x1D380  }
0x8: {  	s25 =	simm.s32 $0x0;
	[smem:$0x7FF] =	sst s1;
	s3 =	sadd.s32 $0x1000, s6  }
0x9: {  	s4 =	sadd.s32 $0xA00, s6;
	s5 =	sadd.s32 $0xC00, s6;
	s7 =	sand.u32 $0x1, s7  }
0xa: {  	s9 =	sshll.u32 s0, $0x1;
	s6 =	sadd.s32 $0x4200, s6;
	_ =	strace $0x80000047  }
.Ltmp0:
0xb: {  	s11 =	ssub.s32 $0x2, s7;
	s23 =	sor.u32 s7, s9;
	(pc) =	sbr.rel .LBB2_1-.Ltmp0, $4  }
0xc: {  	s31 =	sshrl.u32 s11, $0x1;
	s9 =	ssub.s32 $0x32C, s23;
	s12 =	sshll.u32 s23, $0x7  }
0xd: {  	p0 =	sne.s32 s23, $0xD;
	s23 =	simm.s32 $0x1BF80;
	s11 =	ssub.s32 s11, s31  }
0xe: {  	s7 =	sshrl.u32 s9, $0x5;
	s8 =	sadd.s32 s8, s12;
	s10 =	sadd.s32 s10, s12  }
0xf: {  	s12 =	simm.s32 $0x400;
	s9 =	sadd.s32 $0x61C00, s8;
	s11 =	smax.u32 s11, $0x1  }
.LBB2_20:
0x10: {  	s25 =	sadd.s32 $0x1, s25  }
0x11: {  	p1 =	sne.s32 s25, s11  }
.Ltmp1:
0x12: {  	_ = 	snop;
	(pc) =	sbr.rel @!p1 .LBB2_21-.Ltmp1, $1  }
0x13: {  	_ =	sdelay $0x3  }
.LBB2_1:
0x14: {  	[tilespmem:s1], [sflag:$0x1] =	stream.linear.gather [hbm4b:s3+s1], $0x18700, $0x38;
	[tilespmem:$0x1E380] =	vst v63  }
0x15: {  	_ = 	snop  }
0x16: {  	[tilespmem:s14], [sflag:$0x2] =	stream.strided.gather [hbm4b:s8+s12], $0x1000, s13, s12, $0x38;
	[tilespmem:$0x1E380] =	vst v63  }
0x17: {  	_ = 	snop  }
0x18: {  	[tilespmem:s15], [sflag:$0x2] =	stream.linear.gather [hbm4b:s9+s1], $0x80, $0x38;
	[tilespmem:$0x1E380] =	vst v63  }
0x19: {  	_ = 	snop  }
0x1a: {  	[tilespmem:s16], [sflag:$0x5] =	stream.linear.gather [hbm4b:s4+s1], $0x80, $0x38;
	[tilespmem:$0x1E380] =	vst v63  }
0x1b: {  	_ =	swait.ge [sflag:s17], $0x80  }
0x1c: {  	[sflag:s17] =	ssyncset.done $0x0  }
.Ltmp2:
0x1d: {  	[sflag:s17] =	ssyncadd.s32 $0xFFFFFF80;
	(pc) =	sbr.rel .LBB2_2-.Ltmp2, $4  }
0x1e: {  	_ =	swait.ge [sflag:s18], $0x18700  }
0x1f: {  	[sflag:s18] =	ssyncset.done $0x0  }
0x20: {  	[sflag:s18] =	ssyncadd.s32 $0xFFFE7900  }
0x21: {  	s26 =	simm.s32 $0x0;
	v0 =	vld [tilespmem:$0x1BF00]  }
.LBB2_15:
0x22: {  	s26 =	sadd.s32 $0x1, s26  }
0x23: {  	p1 =	sne.s32 s26, $0xD  }
.Ltmp3:
0x24: {  	_ = 	snop;
	(pc) =	sbr.rel @!p1 .LBB2_16-.Ltmp3, $1  }
0x25: {  	_ =	sdelay $0x3  }
.LBB2_2:
0x26: {  	s29 =	sshll.u32 s26, $0x1  }
0x27: {  	p2 =	sge.u32 s29, s7  }
.Ltmp4:
0x28: {  	_ = 	snop;
	(pc) =	sbr.rel @p2 .LBB2_11-.Ltmp4, $3  }
0x29: {  	_ =	sdelay $0x1  }
0x2a: {  	s28 =	sshllo.u32 s26, $0x1  }
0x2b: {  	p1 =	sge.u32 s28, s7  }
0x2c: {  	s30 =	sshll.u32 @!p1 s28, $0xC;
	s31 =	simm.s32 @!p1 $0x400  }
0x2d: {  	s0 =	simm.s32 @!p1 $0xC3800;
	s2 =	simm.s32 @!p1 $0x19B00;
	s30 =	sadd.s32 @!p1 s30, s8  }
0x2e: {  	[tilespmem:s2], [sflag:$0x3] =	stream.strided.gather @!p1 [hbm4b:s30+s31], $0x1000, s0, s31, $0x38;
	[tilespmem:$0x1E380] =	vst v63  }
0x2f: {  	p2 =	sne.s32 s26, $0x0;
	s0 =	sadd.s32 @!p1 $0x61C00, s30  }
.Ltmp5:
0x30: {  	s2 =	simm.s32 @!p1 $0x0;
	s30 =	simm.s32 @!p1 $0x1AB00;
	(pc) =	sbr.rel @!p2 .LBB2_4-.Ltmp5, $4  }
0x31: {  	[tilespmem:s30], [sflag:$0x3] =	stream.linear.gather @!p1 [hbm4b:s0+s2], $0x80, $0x38;
	[tilespmem:$0x1E380] =	vst v63  }
0x32: {  	_ =	swait.ge [sflag:s19], $0x1080  }
0x33: {  	[sflag:s19] =	ssyncset.done $0x0  }
0x34: {  	[sflag:s19] =	ssyncadd.s32 $0xFFFFEF80  }
0x35: {  	_ =	swait.ge [sflag:s21], $0x1000  }
0x36: {  	[sflag:s21] =	ssyncset.done $0x0  }
0x37: {  	s30 =	simm.s32 $0xFFFFFE00;
	[sflag:s21] =	ssyncadd.s32 $0xFFFFF000  }
.LBB2_8:
0x38: {  	s31 =	sshra.s32 s30, $0x2  }
0x39: {  	v1 =	vld [tilespmem:s31+$0x18780]  }
0x3a: {  	v2 =	vld [tilespmem:s31+$0x18800]  }
0x3b: {  	v3 =	vld [tilespmem:s31+$0x18880]  }
0x3c: {  	v4 =	vld [tilespmem:s31+$0x18900]  }
0x3d: {  	v9 =	vld [tilespmem:s31+$0x18A00]  }
0x3e: {  	v12 =	vld [tilespmem:s31+$0x18B00]  }
0x3f: {  	v15 =	vld [tilespmem:s31+$0x18C80]  }
0x40: {  	v17 =	vld [tilespmem:s31+$0x18D00]  }
0x41: {  	v19 =	vld [tilespmem:s31+$0x18E80]  }
0x42: {  	v1 =	vld.idx.msk [tilespmem:v1+s1+$0x0], $0xffff  }
0x43: {  	v6 =	vld.idx.msk [tilespmem:v2+s1+$0x0], $0xffff  }
0x44: {  	v3 =	vld.idx.msk [tilespmem:v3+s1+$0x0], $0xffff  }
0x45: {  	v4 =	vld.idx.msk [tilespmem:v4+s1+$0x0], $0xffff  }
0x46: {  	v9 =	vld.idx.msk [tilespmem:v9+s1+$0x0], $0xffff  }
0x47: {  	v32 =	vld.idx.msk [tilespmem:v12+s1+$0x0], $0xffff  }
0x48: {  	v43 =	vld.idx.msk [tilespmem:v15+s1+$0x0], $0xffff  }
0x49: {  	v45 =	vld.idx.msk [tilespmem:v17+s1+$0x0], $0xffff  }
0x4a: {  	v19 =	vld.idx.msk [tilespmem:v19+s1+$0x0], $0xffff  }
0x4b: {  	v2 =	vshll.u32 v1, $0x10;
	v7 =	vshra.s32 v1, $0x10  }
0x4c: {  	v8 =	vshll.u32 v6, $0x10;
	v23 =	vshll.u32 v3, $0x10;
	v6 =	vshra.s32 v6, $0x10  }
0x4d: {  	v3 =	vshra.s32 v3, $0x10;
	v11 =	vshll.u32 v4, $0x10;
	v4 =	vshra.s32 v4, $0x10  }
0x4e: {  	v34 =	vshll.u32 v9, $0x10;
	v9 =	vshra.s32 v9, $0x10;
	v16 =	vshll.u32 v32, $0x10  }
0x4f: {  	v21 =	vld [tilespmem:s31+$0x18F00];
	v49 =	vshll.u32 v43, $0x10;
	v20 =	vshll.u32 v45, $0x10;
	v57 =	vshll.u32 v19, $0x10  }
0x50: {  	v19 =	vshra.s32 v19, $0x10;
	v2 =	vshra.s32 v2, $0x10;
	v22 =	vshra.s32 v8, $0x10  }
0x51: {  	v10 =	vld [tilespmem:s31+$0x18A80];
	v8 =	vshra.s32 v23, $0x10;
	v6 =	vcvt.s32.f32 v6;
	v3 =	vcvt.s32.f32 v3  }
0x52: {  	v5 =	vld [tilespmem:s31+$0x18980];
	v11 =	vshra.s32 v11, $0x10;
	v4 =	vcvt.s32.f32 v4;
	v9 =	vcvt.s32.f32 v9  }
0x53: {  	v12 =	vshra.s32 v34, $0x10;
	v19 =	vcvt.s32.f32 v19;
	v1 =	vcvt.s32.f32 v2  }
0x54: {  	v16 =	vshra.s32 v16, $0x10;
	v2 =	vcvt.s32.f32 v7;
	v7 =	vcvt.s32.f32 v22  }
0x55: {  	v17 =	vshra.s32 v49, $0x10;
	v8 =	vcvt.s32.f32 v8;
	v11 =	vcvt.s32.f32 v11  }
0x56: {  	v20 =	vshra.s32 v20, $0x10;
	v12 =	vcvt.s32.f32 v12;
	v16 =	vcvt.s32.f32 v16  }
0x57: {  	v55 =	vld.idx.msk [tilespmem:v21+s1+$0x0], $0xffff;
	v21 =	vshra.s32 v57, $0x10;
	v17 =	vcvt.s32.f32 v17;
	v20 =	vcvt.s32.f32 v20  }
0x58: {  	v26 =	vld [tilespmem:s31+$0x18B80];
	v21 =	vcvt.s32.f32 v21;
	v7 =	vmul.f32 v7, v1  }
0x59: {  	v29 =	vld.idx.msk [tilespmem:v10+s1+$0x0], $0xffff;
	v6 =	vmul.f32 v6, v2;
	v8 =	vmul.f32 v8, v1  }
0x5a: {  	v5 =	vld.idx.msk [tilespmem:v5+s1+$0x0], $0xffff;
	v3 =	vmul.f32 v3, v2;
	v25 =	vmul.f32 v11, v1  }
0x5b: {  	v40 =	vld [tilespmem:s31+$0x18D80];
	v13 =	vmul.f32 v4, v2;
	v12 =	vmul.f32 v12, v1  }
0x5c: {  	v53 =	vld [tilespmem:s31+$0x18F80];
	v9 =	vmul.f32 v9, v2;
	v38 =	vmul.f32 v16, v1  }
0x5d: {  	v17 =	vmul.f32 v17, v1;
	v51 =	vmul.f32 v20, v1  }
0x5e: {  	v35 =	vshll.u32 v29, $0x10;
	v21 =	vmul.f32 v21, v1;
	v19 =	vmul.f32 v19, v2  }
0x5f: {  	v6 =	vadd.f32 v7, v6;
	v24 =	vadd.f32 v8, v3;
	v3 =	vshll.u32 v5, $0x10  }
0x60: {  	v5 =	vshra.s32 v5, $0x10;
	v8 =	vadd.f32 v25, v13;
	v13 =	vshra.s32 v35, $0x10  }
0x61: {  	v7 =	vshra.s32 v29, $0x10;
	v9 =	vadd.f32 v12, v9;
	v12 =	vshra.s32 v43, $0x10  }
0x62: {  	v11 =	vld.idx.msk [tilespmem:v26+s1+$0x0], $0xffff;
	v59 =	vadd.f32 v21, v19;
	v5 =	vcvt.s32.f32 v5;
	v13 =	vcvt.s32.f32 v13  }
0x63: {  	v16 =	vld.idx.msk [tilespmem:v40+s1+$0x0], $0xffff;
	v27 =	vshra.s32 v3, $0x10;
	v7 =	vcvt.s32.f32 v7;
	v12 =	vcvt.s32.f32 v12  }
0x64: {  	v20 =	vld.idx.msk [tilespmem:v53+s1+$0x0], $0xffff;
	v3 =	vmax.f32 v6, $0.0e+00;
	v28 =	vcvt.s32.f32 v27;
	v4 =	vmax.f32 v24, $0.0e+00  }
0x65: {  	v24 =	vshll.u32 v55, $0x10;
	v14 =	vadd.f32 v3, v0;
	v30 =	vmul.f32 v5, v2  }
0x66: {  	v62 =	vld [tilespmem:s31+$0x19180];
	v5 =	vmax.f32 v8, $0.0e+00;
	v13 =	vmul.f32 v13, v1;
	v7 =	vmul.f32 v7, v2  }
0x67: {  	v23 =	vld [tilespmem:s31+$0x19080];
	v8 =	vshra.s32 v32, $0x10;
	v39 =	vshll.u32 v11, $0x10;
	v11 =	vshra.s32 v11, $0x10  }
0x68: {  	v22 =	vld [tilespmem:s31+$0x19000];
	v12 =	vmul.f32 v12, v2;
	v52 =	vshll.u32 v16, $0x10;
	v16 =	vshra.s32 v16, $0x10  }
0x69: {  	v24 =	vshra.s32 v24, $0x10;
	v61 =	vshll.u32 v20, $0x10;
	v6 =	vmul.f32 v28, v1  }
0x6a: {  	v36 =	vld [tilespmem:s31+$0x18C00];
	v8 =	vcvt.s32.f32 v8;
	v41 =	vshra.s32 v39, $0x10;
	v11 =	vcvt.s32.f32 v11  }
0x6b: {  	v16 =	vcvt.s32.f32 v16;
	v24 =	vcvt.s32.f32 v24;
	v27 =	vshra.s32 v61, $0x10  }
0x6c: {  	v28 =	vshra.s32 v20, $0x10;
	v31 =	vadd.f32 v4, v14;
	v37 =	vadd.f32 v13, v7  }
0x6d: {  	v25 =	vld [tilespmem:s31+$0x19100];
	v42 =	vcvt.s32.f32 v41;
	v12 =	vadd.f32 v17, v12;
	v29 =	vcvt.s32.f32 v27  }
0x6e: {  	v21 =	vld.idx.msk [tilespmem:v62+s1+$0x0], $0xffff;
	v17 =	vshra.s32 v52, $0x10;
	v19 =	vcvt.s32.f32 v28;
	v18 =	vmul.f32 v8, v2  }
0x6f: {  	v23 =	vld.idx.msk [tilespmem:v23+s1+$0x0], $0xffff;
	v7 =	vmax.f32 v9, $0.0e+00;
	v11 =	vmul.f32 v11, v2;
	v17 =	vcvt.s32.f32 v17  }
0x70: {  	v22 =	vld.idx.msk [tilespmem:v22+s1+$0x0], $0xffff;
	v6 =	vadd.f32 v6, v30;
	v16 =	vmul.f32 v16, v2;
	v60 =	vmul.f32 v24, v1  }
0x71: {  	v50 =	vld [tilespmem:s31+$0x18E00];
	v33 =	vadd.f32 v5, v31;
	v8 =	vmax.f32 v37, $0.0e+00;
	v44 =	vmul.f32 v42, v1  }
0x72: {  	v14 =	vld.idx.msk [tilespmem:v36+s1+$0x0], $0xffff;
	v12 =	vmax.f32 v12, $0.0e+00;
	v31 =	vmul.f32 v29, v1;
	v19 =	vmul.f32 v19, v2  }
0x73: {  	v6 =	vmax.f32 v6, $0.0e+00;
	v13 =	vadd.f32 v38, v18;
	v54 =	vmul.f32 v17, v1  }
0x74: {  	v35 =	vshll.u32 v23, $0x10;
	v23 =	vshra.s32 v23, $0x10;
	v38 =	vshll.u32 v21, $0x10  }
0x75: {  	v21 =	vshra.s32 v21, $0x10;
	v10 =	vadd.f32 v6, v33;
	v34 =	vshll.u32 v22, $0x10  }
0x76: {  	v33 =	vld.idx.msk [tilespmem:v25+s1+$0x0], $0xffff;
	v22 =	vshra.s32 v22, $0x10;
	v25 =	vshra.s32 v35, $0x10;
	v23 =	vcvt.s32.f32 v23  }
0x77: {  	v36 =	vld [tilespmem:s31+$0x19200];
	v21 =	vcvt.s32.f32 v21;
	v9 =	vmax.f32 v13, $0.0e+00;
	v47 =	vshll.u32 v14, $0x10  }
0x78: {  	v27 =	vld [tilespmem:s31+$0x19280];
	v14 =	vshra.s32 v14, $0x10;
	v13 =	vshra.s32 v45, $0x10;
	v22 =	vcvt.s32.f32 v22  }
0x79: {  	v18 =	vld.idx.msk [tilespmem:v50+s1+$0x0], $0xffff;
	v24 =	vshra.s32 v34, $0x10;
	v25 =	vcvt.s32.f32 v25;
	v14 =	vcvt.s32.f32 v14  }
0x7a: {  	v11 =	vadd.f32 v44, v11;
	v13 =	vcvt.s32.f32 v13;
	v24 =	vcvt.s32.f32 v24  }
0x7b: {  	v10 =	vadd.f32 v7, v10;
	v23 =	vmul.f32 v23, v2;
	v44 =	vmul.f32 v21, v2  }
0x7c: {  	v48 =	vshra.s32 v47, $0x10;
	v22 =	vmul.f32 v22, v2;
	v25 =	vmul.f32 v25, v1  }
0x7d: {  	v10 =	vadd.f32 v8, v10;
	v14 =	vmul.f32 v14, v2;
	v13 =	vmul.f32 v13, v2  }
0x7e: {  	v29 =	vld [tilespmem:s31+$0x19300];
	v56 =	vshll.u32 v18, $0x10;
	v18 =	vshra.s32 v18, $0x10;
	v24 =	vmul.f32 v24, v1  }
0x7f: {  	v41 =	vld.idx.msk [tilespmem:v36+s1+$0x0], $0xffff;
	v17 =	vshra.s32 v56, $0x10;
	v18 =	vcvt.s32.f32 v18;
	v28 =	vshll.u32 v33, $0x10  }
0x80: {  	v43 =	vld.idx.msk [tilespmem:v27+s1+$0x0], $0xffff;
	v23 =	vadd.f32 v25, v23;
	v25 =	vshra.s32 v38, $0x10;
	v46 =	vadd.f32 v9, v10  }
0x81: {  	v35 =	vld [tilespmem:s31+$0x19680];
	v10 =	vmax.f32 v11, $0.0e+00;
	v11 =	vcvt.s32.f32 v48;
	v13 =	vadd.f32 v51, v13  }
0x82: {  	v39 =	vld [tilespmem:s31+$0x19380];
	v17 =	vcvt.s32.f32 v17;
	v28 =	vshra.s32 v28, $0x10;
	v40 =	vcvt.s32.f32 v25  }
0x83: {  	v22 =	vadd.f32 v24, v22;
	v18 =	vmul.f32 v18, v2;
	v28 =	vcvt.s32.f32 v28  }
0x84: {  	v11 =	vmul.f32 v11, v1;
	v15 =	vadd.f32 v10, v46;
	v17 =	vmul.f32 v17, v1  }
0x85: {  	v37 =	vmul.f32 v28, v1;
	v46 =	vshll.u32 v41, $0x10;
	v47 =	vshll.u32 v43, $0x10  }
0x86: {  	v25 =	vshra.s32 v41, $0x10;
	v11 =	vadd.f32 v11, v14;
	v14 =	vadd.f32 v54, v16  }
0x87: {  	v34 =	vld [tilespmem:s31+$0x19580];
	v16 =	vshra.s32 v55, $0x10;
	v58 =	vadd.f32 v17, v18;
	v18 =	vadd.f32 v31, v19  }
0x88: {  	v45 =	vld.idx.msk [tilespmem:v29+s1+$0x0], $0xffff;
	v19 =	vshra.s32 v33, $0x10;
	v27 =	vshra.s32 v46, $0x10;
	v25 =	vcvt.s32.f32 v25  }
0x89: {  	v35 =	vld.idx.msk [tilespmem:v35+s1+$0x0], $0xffff;
	v29 =	vshra.s32 v47, $0x10;
	v16 =	vcvt.s32.f32 v16;
	v19 =	vcvt.s32.f32 v19  }
0x8a: {  	v13 =	vmax.f32 v13, $0.0e+00;
	v28 =	vld.idx.msk [tilespmem:v39+s1+$0x0], $0xffff;
	v27 =	vcvt.s32.f32 v27;
	v29 =	vcvt.s32.f32 v29  }
0x8b: {  	v11 =	vmax.f32 v11, $0.0e+00;
	v14 =	vmax.f32 v14, $0.0e+00;
	v18 =	vmax.f32 v18, $0.0e+00  }
0x8c: {  	v31 =	vld [tilespmem:s31+$0x19480];
	v25 =	vmul.f32 v25, v2;
	v15 =	vadd.f32 v11, v15;
	v63 =	vmul.f32 v16, v2  }
0x8d: {  	v33 =	vld [tilespmem:s31+$0x19500];
	v16 =	vmax.f32 v59, $0.0e+00;
	v27 =	vmul.f32 v27, v1;
	v29 =	vmul.f32 v29, v1  }
0x8e: {  	v48 =	vld [tilespmem:s31+$0x19400];
	v46 =	vshll.u32 v35, $0x10;
	v35 =	vshra.s32 v35, $0x10;
	v15 =	vadd.f32 v12, v15  }
0x8f: {  	v51 =	vshll.u32 v28, $0x10;
	v28 =	vshra.s32 v28, $0x10;
	v35 =	vcvt.s32.f32 v35  }
0x90: {  	v34 =	vld.idx.msk [tilespmem:v34+s1+$0x0], $0xffff;
	v30 =	vadd.f32 v60, v63;
	v53 =	vshra.s32 v51, $0x10;
	v15 =	vadd.f32 v13, v15  }
0x91: {  	v62 =	vld [tilespmem:s31+$0x19600];
	v25 =	vadd.f32 v27, v25;
	v28 =	vcvt.s32.f32 v28;
	v54 =	vcvt.s32.f32 v53  }
0x92: {  	v35 =	vmul.f32 v35, v2;
	v17 =	vmax.f32 v30, $0.0e+00;
	v26 =	vadd.f32 v14, v15  }
0x93: {  	v30 =	vmul.f32 v19, v2;
	v19 =	vmax.f32 v22, $0.0e+00;
	v15 =	vmax.f32 v58, $0.0e+00  }
0x94: {  	v22 =	vmul.f32 v40, v1;
	v28 =	vmul.f32 v28, v2;
	v55 =	vld.idx.msk [tilespmem:v31+s1+$0x0], $0xffff;
	v26 =	vadd.f32 v15, v26  }
0x95: {  	v40 =	vshll.u32 v34, $0x10;
	v34 =	vshra.s32 v34, $0x10;
	v57 =	vld.idx.msk [tilespmem:v33+s1+$0x0], $0xffff;
	v24 =	vadd.f32 v37, v30  }
0x96: {  	v56 =	vmul.f32 v54, v1;
	v34 =	vcvt.s32.f32 v34;
	v30 =	vld.idx.msk [tilespmem:v48+s1+$0x0], $0xffff;
	v32 =	vadd.f32 v16, v26  }
0x97: {  	v22 =	vadd.f32 v22, v44;
	v21 =	vmax.f32 v24, $0.0e+00;
	v24 =	vshra.s32 v45, $0x10  }
0x98: {  	v28 =	vadd.f32 v56, v28;
	v24 =	vcvt.s32.f32 v24;
	v20 =	vadd.f32 v17, v32  }
0x99: {  	v33 =	vld.idx.msk [tilespmem:v62+s1+$0x0], $0xffff;
	v22 =	vmax.f32 v22, $0.0e+00;
	v61 =	vshll.u32 v55, $0x10;
	v27 =	vshra.s32 v55, $0x10  }
0x9a: {  	v37 =	vld [tilespmem:s31+$0x19700];
	v36 =	vshll.u32 v57, $0x10;
	v52 =	vmul.f32 v24, v2;
	v20 =	vadd.f32 v18, v20  }
0x9b: {  	v59 =	vshll.u32 v30, $0x10;
	v30 =	vshra.s32 v30, $0x10;
	v27 =	vcvt.s32.f32 v27  }
0x9c: {  	v36 =	vshra.s32 v36, $0x10;
	v32 =	vshll.u32 v45, $0x10;
	v42 =	vadd.f32 v19, v20  }
0x9d: {  	v30 =	vcvt.s32.f32 v30;
	v36 =	vcvt.s32.f32 v36;
	v20 =	vmax.f32 v23, $0.0e+00  }
0x9e: {  	v45 =	vshll.u32 v33, $0x10;
	v23 =	vshra.s32 v43, $0x10;
	v26 =	vadd.f32 v20, v42  }
0x9f: {  	v33 =	vshra.s32 v33, $0x10;
	v32 =	vshra.s32 v32, $0x10;
	v23 =	vcvt.s32.f32 v23  }
0xa0: {  	v27 =	vmul.f32 v27, v2;
	v33 =	vcvt.s32.f32 v33;
	v26 =	vadd.f32 v21, v26  }
0xa1: {  	v60 =	vshra.s32 v59, $0x10;
	v32 =	vcvt.s32.f32 v32;
	v23 =	vmul.f32 v23, v2  }
0xa2: {  	v30 =	vmul.f32 v30, v2;
	v44 =	vld.idx.msk [tilespmem:v37+s1+$0x0], $0xffff;
	v37 =	vshra.s32 v46, $0x10;
	v26 =	vadd.f32 v22, v26  }
0xa3: {  	v50 =	vmul.f32 v32, v1;
	v49 =	vadd.f32 v29, v23;
	v23 =	vmax.f32 v25, $0.0e+00  }
0xa4: {  	v63 =	vmul.f32 v36, v1;
	v37 =	vcvt.s32.f32 v37;
	v26 =	vadd.f32 v23, v26  }
0xa5: {  	v33 =	vmul.f32 v33, v2;
	v29 =	vadd.f32 v50, v52;
	v24 =	vmax.f32 v49, $0.0e+00  }
0xa6: {  	v41 =	vld [tilespmem:s31+$0x19780];
	v32 =	vshra.s32 v61, $0x10;
	v43 =	vmul.f32 v34, v2;
	v26 =	vadd.f32 v24, v26  }
0xa7: {  	v34 =	vshra.s32 v45, $0x10;
	v32 =	vcvt.s32.f32 v32;
	v25 =	vmax.f32 v29, $0.0e+00  }
0xa8: {  	v58 =	vadd.f32 v25, v26;
	v26 =	vmax.f32 v28, $0.0e+00;
	v28 =	vcvt.s32.f32 v60  }
0xa9: {  	v34 =	vcvt.s32.f32 v34;
	v37 =	vmul.f32 v37, v1  }
0xaa: {  	v32 =	vmul.f32 v32, v1;
	v28 =	vmul.f32 v28, v1  }
0xab: {  	v34 =	vmul.f32 v34, v1;
	v38 =	vshll.u32 v44, $0x10;
	v29 =	vshra.s32 v57, $0x10  }
0xac: {  	v38 =	vshra.s32 v38, $0x10;
	v29 =	vcvt.s32.f32 v29;
	v28 =	vadd.f32 v28, v30  }
0xad: {  	v27 =	vadd.f32 v32, v27;
	v32 =	vshra.s32 v40, $0x10;
	v31 =	vadd.f32 v26, v58  }
0xae: {  	v36 =	vld.idx.msk [tilespmem:v41+s1+$0x0], $0xffff;
	v32 =	vcvt.s32.f32 v32;
	v29 =	vmul.f32 v29, v2;
	v28 =	vmax.f32 v28, $0.0e+00  }
0xaf: {  	v47 =	vadd.f32 v37, v35;
	v38 =	vcvt.s32.f32 v38;
	v31 =	vadd.f32 v28, v31  }
0xb0: {  	v27 =	vmax.f32 v27, $0.0e+00;
	v42 =	vmul.f32 v32, v1;
	v29 =	vadd.f32 v63, v29  }
0xb1: {  	v33 =	vadd.f32 v34, v33;
	v31 =	vadd.f32 v27, v31  }
0xb2: {  	v48 =	vmul.f32 v38, v1;
	v29 =	vmax.f32 v29, $0.0e+00;
	v30 =	vadd.f32 v42, v43  }
0xb3: {  	v49 =	vshll.u32 v36, $0x10;
	v32 =	vshra.s32 v44, $0x10;
	v31 =	vadd.f32 v29, v31  }
0xb4: {  	v36 =	vshra.s32 v36, $0x10;
	v32 =	vcvt.s32.f32 v32;
	v30 =	vmax.f32 v30, $0.0e+00  }
0xb5: {  	v37 =	vshra.s32 v49, $0x10;
	v36 =	vcvt.s32.f32 v36;
	v31 =	vadd.f32 v30, v31  }
0xb6: {  	v33 =	vmax.f32 v33, $0.0e+00;
	v37 =	vcvt.s32.f32 v37;
	v32 =	vmul.f32 v32, v2  }
0xb7: {  	v34 =	vmax.f32 v47, $0.0e+00;
	v31 =	vadd.f32 v33, v31  }
0xb8: {  	v2 =	vmul.f32 v36, v2;
	v32 =	vadd.f32 v48, v32;
	v1 =	vmul.f32 v37, v1  }
0xb9: {  	v31 =	vadd.f32 v34, v31  }
0xba: {  	v32 =	vmax.f32 v32, $0.0e+00;
	v1 =	vadd.f32 v1, v2  }
0xbb: {  	v2 =	vadd.f32 v32, v31  }
0xbc: {  	v1 =	vmax.f32 v1, $0.0e+00  }
0xbd: {  	v2 =	vadd.f32 v1, v2;
	_ =	sdelay $0x1  }
0xbe: {  	(erf) = vrcp.f32 v2;
	_ =	sdelay $0x8  }
0xbf: {  	v2 =	vpop (erf)  }
0xc0: {  	v3 =	vmul.f32 v2, v3  }
0xc1: {  	v4 =	vmul.f32 v2, v4  }
0xc2: {  	v50 =	vmul.f32 v2, v6;
	[tilespmem:s31+$0x1AF80] =	vst v3  }
0xc3: {  	v3 =	vmul.f32 v2, v5;
	[tilespmem:s31+$0x1B000] =	vst v4  }
0xc4: {  	v51 =	vmul.f32 v2, v8;
	[tilespmem:s31+$0x1B100] =	vst v50  }
0xc5: {  	[tilespmem:s31+$0x1B080] =	vst v3;
	v3 =	vmul.f32 v2, v7  }
0xc6: {  	v52 =	vmul.f32 v2, v10;
	[tilespmem:s31+$0x1B200] =	vst v51  }
0xc7: {  	[tilespmem:s31+$0x1B180] =	vst v3;
	v3 =	vmul.f32 v2, v9  }
0xc8: {  	v53 =	vmul.f32 v2, v12;
	[tilespmem:s31+$0x1B300] =	vst v52  }
0xc9: {  	[tilespmem:s31+$0x1B280] =	vst v3;
	v3 =	vmul.f32 v2, v11  }
0xca: {  	v54 =	vmul.f32 v2, v14;
	[tilespmem:s31+$0x1B400] =	vst v53  }
0xcb: {  	[tilespmem:s31+$0x1B380] =	vst v3;
	v3 =	vmul.f32 v2, v13  }
0xcc: {  	v55 =	vmul.f32 v2, v16;
	[tilespmem:s31+$0x1B500] =	vst v54  }
0xcd: {  	[tilespmem:s31+$0x1B480] =	vst v3;
	v3 =	vmul.f32 v2, v15  }
0xce: {  	v56 =	vmul.f32 v2, v18;
	[tilespmem:s31+$0x1B600] =	vst v55  }
0xcf: {  	[tilespmem:s31+$0x1B580] =	vst v3;
	v3 =	vmul.f32 v2, v17  }
0xd0: {  	v57 =	vmul.f32 v2, v20;
	[tilespmem:s31+$0x1B700] =	vst v56  }
0xd1: {  	[tilespmem:s31+$0x1B680] =	vst v3;
	v3 =	vmul.f32 v2, v19  }
0xd2: {  	v58 =	vmul.f32 v2, v22;
	[tilespmem:s31+$0x1B800] =	vst v57  }
0xd3: {  	[tilespmem:s31+$0x1B780] =	vst v3;
	v3 =	vmul.f32 v2, v21  }
0xd4: {  	v59 =	vmul.f32 v2, v24;
	[tilespmem:s31+$0x1B900] =	vst v58  }
0xd5: {  	[tilespmem:s31+$0x1B880] =	vst v3;
	v3 =	vmul.f32 v2, v23  }
0xd6: {  	v60 =	vmul.f32 v2, v26;
	[tilespmem:s31+$0x1BA00] =	vst v59  }
0xd7: {  	[tilespmem:s31+$0x1B980] =	vst v3;
	v3 =	vmul.f32 v2, v25  }
0xd8: {  	v61 =	vmul.f32 v2, v27;
	[tilespmem:s31+$0x1BB00] =	vst v60  }
0xd9: {  	[tilespmem:s31+$0x1BA80] =	vst v3;
	v3 =	vmul.f32 v2, v28  }
0xda: {  	v62 =	vmul.f32 v2, v30;
	[tilespmem:s31+$0x1BC00] =	vst v61  }
0xdb: {  	[tilespmem:s31+$0x1BB80] =	vst v3;
	v3 =	vmul.f32 v2, v29  }
0xdc: {  	p2 =	sne.s32 s30, $0xFFFFFFC0;
	v63 =	vmul.f32 v2, v34;
	[tilespmem:s31+$0x1BD00] =	vst v62  }
.Ltmp6:
0xdd: {  	[tilespmem:s31+$0x1BC80] =	vst v3;
	v3 =	vmul.f32 v2, v33;
	(pc) =	sbr.rel @p2 .LBB2_8-.Ltmp6, $4  }
0xde: {  	v1 =	vmul.f32 v2, v1;
	[tilespmem:s31+$0x1BE00] =	vst v63  }
0xdf: {  	[tilespmem:s31+$0x1BD80] =	vst v3;
	v3 =	vmul.f32 v2, v32  }
0xe0: {  	[tilespmem:s31+$0x1BF00] =	vst v1  }
0xe1: {  	s30 =	sadd.s32 $0x40, s30;
	[tilespmem:s31+$0x1BE80] =	vst v3  }
.Ltmp7:
0xe2: {  	(pc) =	sbr.rel .LBB2_10-.Ltmp7, $3  }
0xe3: {  	_ =	sdelay $0x1  }
0xe4: {  	s0 =	sshll.u32 s26, $0xD  }
0xe5: {  	s30 =	sadd.s32 s0, s10  }
.LBB2_4:
0xe6: {  	s30 =	simm.s32 $0xFFFFFE00  }
.LBB2_5:
0xe7: {  	s31 =	sshra.s32 s30, $0x2  }
0xe8: {  	v1 =	vld [tilespmem:s31+$0x18780]  }
0xe9: {  	v2 =	vld [tilespmem:s31+$0x18800]  }
0xea: {  	v3 =	vld [tilespmem:s31+$0x18880]  }
0xeb: {  	v4 =	vld [tilespmem:s31+$0x18900]  }
0xec: {  	v9 =	vld [tilespmem:s31+$0x18A00]  }
0xed: {  	v12 =	vld [tilespmem:s31+$0x18B00]  }
0xee: {  	v15 =	vld [tilespmem:s31+$0x18C80]  }
0xef: {  	v17 =	vld [tilespmem:s31+$0x18D00]  }
0xf0: {  	v19 =	vld [tilespmem:s31+$0x18E80]  }
0xf1: {  	v1 =	vld.idx.msk [tilespmem:v1+s1+$0x0], $0xffff  }
0xf2: {  	v6 =	vld.idx.msk [tilespmem:v2+s1+$0x0], $0xffff  }
0xf3: {  	v3 =	vld.idx.msk [tilespmem:v3+s1+$0x0], $0xffff  }
0xf4: {  	v4 =	vld.idx.msk [tilespmem:v4+s1+$0x0], $0xffff  }
0xf5: {  	v9 =	vld.idx.msk [tilespmem:v9+s1+$0x0], $0xffff  }
0xf6: {  	v32 =	vld.idx.msk [tilespmem:v12+s1+$0x0], $0xffff  }
0xf7: {  	v43 =	vld.idx.msk [tilespmem:v15+s1+$0x0], $0xffff  }
0xf8: {  	v45 =	vld.idx.msk [tilespmem:v17+s1+$0x0], $0xffff  }
0xf9: {  	v19 =	vld.idx.msk [tilespmem:v19+s1+$0x0], $0xffff  }
0xfa: {  	v2 =	vshll.u32 v1, $0x10;
	v7 =	vshra.s32 v1, $0x10  }
0xfb: {  	v8 =	vshll.u32 v6, $0x10;
	v23 =	vshll.u32 v3, $0x10;
	v6 =	vshra.s32 v6, $0x10  }
0xfc: {  	v3 =	vshra.s32 v3, $0x10;
	v11 =	vshll.u32 v4, $0x10;
	v4 =	vshra.s32 v4, $0x10  }
0xfd: {  	v34 =	vshll.u32 v9, $0x10;
	v9 =	vshra.s32 v9, $0x10;
	v16 =	vshll.u32 v32, $0x10  }
0xfe: {  	v21 =	vld [tilespmem:s31+$0x18F00];
	v49 =	vshll.u32 v43, $0x10;
	v20 =	vshll.u32 v45, $0x10;
	v57 =	vshll.u32 v19, $0x10  }
0xff: {  	v19 =	vshra.s32 v19, $0x10;
	v2 =	vshra.s32 v2, $0x10;
	v22 =	vshra.s32 v8, $0x10  }
0x100: {  	v10 =	vld [tilespmem:s31+$0x18A80];
	v8 =	vshra.s32 v23, $0x10;
	v6 =	vcvt.s32.f32 v6;
	v3 =	vcvt.s32.f32 v3  }
0x101: {  	v5 =	vld [tilespmem:s31+$0x18980];
	v11 =	vshra.s32 v11, $0x10;
	v4 =	vcvt.s32.f32 v4;
	v9 =	vcvt.s32.f32 v9  }
0x102: {  	v12 =	vshra.s32 v34, $0x10;
	v19 =	vcvt.s32.f32 v19;
	v1 =	vcvt.s32.f32 v2  }
0x103: {  	v16 =	vshra.s32 v16, $0x10;
	v2 =	vcvt.s32.f32 v7;
	v7 =	vcvt.s32.f32 v22  }
0x104: {  	v17 =	vshra.s32 v49, $0x10;
	v8 =	vcvt.s32.f32 v8;
	v11 =	vcvt.s32.f32 v11  }
0x105: {  	v20 =	vshra.s32 v20, $0x10;
	v12 =	vcvt.s32.f32 v12;
	v16 =	vcvt.s32.f32 v16  }
0x106: {  	v55 =	vld.idx.msk [tilespmem:v21+s1+$0x0], $0xffff;
	v21 =	vshra.s32 v57, $0x10;
	v17 =	vcvt.s32.f32 v17;
	v20 =	vcvt.s32.f32 v20  }
0x107: {  	v26 =	vld [tilespmem:s31+$0x18B80];
	v21 =	vcvt.s32.f32 v21;
	v7 =	vmul.f32 v7, v1  }
0x108: {  	v29 =	vld.idx.msk [tilespmem:v10+s1+$0x0], $0xffff;
	v6 =	vmul.f32 v6, v2;
	v8 =	vmul.f32 v8, v1  }
0x109: {  	v5 =	vld.idx.msk [tilespmem:v5+s1+$0x0], $0xffff;
	v3 =	vmul.f32 v3, v2;
	v25 =	vmul.f32 v11, v1  }
0x10a: {  	v40 =	vld [tilespmem:s31+$0x18D80];
	v13 =	vmul.f32 v4, v2;
	v12 =	vmul.f32 v12, v1  }
0x10b: {  	v53 =	vld [tilespmem:s31+$0x18F80];
	v9 =	vmul.f32 v9, v2;
	v38 =	vmul.f32 v16, v1  }
0x10c: {  	v17 =	vmul.f32 v17, v1;
	v51 =	vmul.f32 v20, v1  }
0x10d: {  	v35 =	vshll.u32 v29, $0x10;
	v21 =	vmul.f32 v21, v1;
	v19 =	vmul.f32 v19, v2  }
0x10e: {  	v6 =	vadd.f32 v7, v6;
	v24 =	vadd.f32 v8, v3;
	v3 =	vshll.u32 v5, $0x10  }
0x10f: {  	v5 =	vshra.s32 v5, $0x10;
	v8 =	vadd.f32 v25, v13;
	v13 =	vshra.s32 v35, $0x10  }
0x110: {  	v7 =	vshra.s32 v29, $0x10;
	v9 =	vadd.f32 v12, v9;
	v12 =	vshra.s32 v43, $0x10  }
0x111: {  	v11 =	vld.idx.msk [tilespmem:v26+s1+$0x0], $0xffff;
	v59 =	vadd.f32 v21, v19;
	v5 =	vcvt.s32.f32 v5;
	v13 =	vcvt.s32.f32 v13  }
0x112: {  	v16 =	vld.idx.msk [tilespmem:v40+s1+$0x0], $0xffff;
	v27 =	vshra.s32 v3, $0x10;
	v7 =	vcvt.s32.f32 v7;
	v12 =	vcvt.s32.f32 v12  }
0x113: {  	v20 =	vld.idx.msk [tilespmem:v53+s1+$0x0], $0xffff;
	v3 =	vmax.f32 v6, $0.0e+00;
	v28 =	vcvt.s32.f32 v27;
	v4 =	vmax.f32 v24, $0.0e+00  }
0x114: {  	v24 =	vshll.u32 v55, $0x10;
	v14 =	vadd.f32 v3, v0;
	v30 =	vmul.f32 v5, v2  }
0x115: {  	v62 =	vld [tilespmem:s31+$0x19180];
	v5 =	vmax.f32 v8, $0.0e+00;
	v13 =	vmul.f32 v13, v1;
	v7 =	vmul.f32 v7, v2  }
0x116: {  	v23 =	vld [tilespmem:s31+$0x19080];
	v8 =	vshra.s32 v32, $0x10;
	v39 =	vshll.u32 v11, $0x10;
	v11 =	vshra.s32 v11, $0x10  }
0x117: {  	v22 =	vld [tilespmem:s31+$0x19000];
	v12 =	vmul.f32 v12, v2;
	v52 =	vshll.u32 v16, $0x10;
	v16 =	vshra.s32 v16, $0x10  }
0x118: {  	v24 =	vshra.s32 v24, $0x10;
	v61 =	vshll.u32 v20, $0x10;
	v6 =	vmul.f32 v28, v1  }
0x119: {  	v36 =	vld [tilespmem:s31+$0x18C00];
	v8 =	vcvt.s32.f32 v8;
	v41 =	vshra.s32 v39, $0x10;
	v11 =	vcvt.s32.f32 v11  }
0x11a: {  	v16 =	vcvt.s32.f32 v16;
	v24 =	vcvt.s32.f32 v24;
	v27 =	vshra.s32 v61, $0x10  }
0x11b: {  	v28 =	vshra.s32 v20, $0x10;
	v31 =	vadd.f32 v4, v14;
	v37 =	vadd.f32 v13, v7  }
0x11c: {  	v25 =	vld [tilespmem:s31+$0x19100];
	v42 =	vcvt.s32.f32 v41;
	v12 =	vadd.f32 v17, v12;
	v29 =	vcvt.s32.f32 v27  }
0x11d: {  	v21 =	vld.idx.msk [tilespmem:v62+s1+$0x0], $0xffff;
	v17 =	vshra.s32 v52, $0x10;
	v19 =	vcvt.s32.f32 v28;
	v18 =	vmul.f32 v8, v2  }
0x11e: {  	v23 =	vld.idx.msk [tilespmem:v23+s1+$0x0], $0xffff;
	v7 =	vmax.f32 v9, $0.0e+00;
	v11 =	vmul.f32 v11, v2;
	v17 =	vcvt.s32.f32 v17  }
0x11f: {  	v22 =	vld.idx.msk [tilespmem:v22+s1+$0x0], $0xffff;
	v6 =	vadd.f32 v6, v30;
	v16 =	vmul.f32 v16, v2;
	v60 =	vmul.f32 v24, v1  }
0x120: {  	v50 =	vld [tilespmem:s31+$0x18E00];
	v33 =	vadd.f32 v5, v31;
	v8 =	vmax.f32 v37, $0.0e+00;
	v44 =	vmul.f32 v42, v1  }
0x121: {  	v14 =	vld.idx.msk [tilespmem:v36+s1+$0x0], $0xffff;
	v12 =	vmax.f32 v12, $0.0e+00;
	v31 =	vmul.f32 v29, v1;
	v19 =	vmul.f32 v19, v2  }
0x122: {  	v6 =	vmax.f32 v6, $0.0e+00;
	v13 =	vadd.f32 v38, v18;
	v54 =	vmul.f32 v17, v1  }
0x123: {  	v35 =	vshll.u32 v23, $0x10;
	v23 =	vshra.s32 v23, $0x10;
	v38 =	vshll.u32 v21, $0x10  }
0x124: {  	v21 =	vshra.s32 v21, $0x10;
	v10 =	vadd.f32 v6, v33;
	v34 =	vshll.u32 v22, $0x10  }
0x125: {  	v33 =	vld.idx.msk [tilespmem:v25+s1+$0x0], $0xffff;
	v22 =	vshra.s32 v22, $0x10;
	v25 =	vshra.s32 v35, $0x10;
	v23 =	vcvt.s32.f32 v23  }
0x126: {  	v36 =	vld [tilespmem:s31+$0x19200];
	v21 =	vcvt.s32.f32 v21;
	v9 =	vmax.f32 v13, $0.0e+00;
	v47 =	vshll.u32 v14, $0x10  }
0x127: {  	v27 =	vld [tilespmem:s31+$0x19280];
	v14 =	vshra.s32 v14, $0x10;
	v13 =	vshra.s32 v45, $0x10;
	v22 =	vcvt.s32.f32 v22  }
0x128: {  	v18 =	vld.idx.msk [tilespmem:v50+s1+$0x0], $0xffff;
	v24 =	vshra.s32 v34, $0x10;
	v25 =	vcvt.s32.f32 v25;
	v14 =	vcvt.s32.f32 v14  }
0x129: {  	v11 =	vadd.f32 v44, v11;
	v13 =	vcvt.s32.f32 v13;
	v24 =	vcvt.s32.f32 v24  }
0x12a: {  	v10 =	vadd.f32 v7, v10;
	v23 =	vmul.f32 v23, v2;
	v44 =	vmul.f32 v21, v2  }
0x12b: {  	v48 =	vshra.s32 v47, $0x10;
	v22 =	vmul.f32 v22, v2;
	v25 =	vmul.f32 v25, v1  }
0x12c: {  	v10 =	vadd.f32 v8, v10;
	v14 =	vmul.f32 v14, v2;
	v13 =	vmul.f32 v13, v2  }
0x12d: {  	v29 =	vld [tilespmem:s31+$0x19300];
	v56 =	vshll.u32 v18, $0x10;
	v18 =	vshra.s32 v18, $0x10;
	v24 =	vmul.f32 v24, v1  }
0x12e: {  	v41 =	vld.idx.msk [tilespmem:v36+s1+$0x0], $0xffff;
	v17 =	vshra.s32 v56, $0x10;
	v18 =	vcvt.s32.f32 v18;
	v28 =	vshll.u32 v33, $0x10  }
0x12f: {  	v43 =	vld.idx.msk [tilespmem:v27+s1+$0x0], $0xffff;
	v23 =	vadd.f32 v25, v23;
	v25 =	vshra.s32 v38, $0x10;
	v46 =	vadd.f32 v9, v10  }
0x130: {  	v35 =	vld [tilespmem:s31+$0x19680];
	v10 =	vmax.f32 v11, $0.0e+00;
	v11 =	vcvt.s32.f32 v48;
	v13 =	vadd.f32 v51, v13  }
0x131: {  	v39 =	vld [tilespmem:s31+$0x19380];
	v17 =	vcvt.s32.f32 v17;
	v28 =	vshra.s32 v28, $0x10;
	v40 =	vcvt.s32.f32 v25  }
0x132: {  	v22 =	vadd.f32 v24, v22;
	v18 =	vmul.f32 v18, v2;
	v28 =	vcvt.s32.f32 v28  }
0x133: {  	v11 =	vmul.f32 v11, v1;
	v15 =	vadd.f32 v10, v46;
	v17 =	vmul.f32 v17, v1  }
0x134: {  	v37 =	vmul.f32 v28, v1;
	v46 =	vshll.u32 v41, $0x10;
	v47 =	vshll.u32 v43, $0x10  }
0x135: {  	v25 =	vshra.s32 v41, $0x10;
	v11 =	vadd.f32 v11, v14;
	v14 =	vadd.f32 v54, v16  }
0x136: {  	v34 =	vld [tilespmem:s31+$0x19580];
	v16 =	vshra.s32 v55, $0x10;
	v58 =	vadd.f32 v17, v18;
	v18 =	vadd.f32 v31, v19  }
0x137: {  	v45 =	vld.idx.msk [tilespmem:v29+s1+$0x0], $0xffff;
	v19 =	vshra.s32 v33, $0x10;
	v27 =	vshra.s32 v46, $0x10;
	v25 =	vcvt.s32.f32 v25  }
0x138: {  	v35 =	vld.idx.msk [tilespmem:v35+s1+$0x0], $0xffff;
	v29 =	vshra.s32 v47, $0x10;
	v16 =	vcvt.s32.f32 v16;
	v19 =	vcvt.s32.f32 v19  }
0x139: {  	v13 =	vmax.f32 v13, $0.0e+00;
	v28 =	vld.idx.msk [tilespmem:v39+s1+$0x0], $0xffff;
	v27 =	vcvt.s32.f32 v27;
	v29 =	vcvt.s32.f32 v29  }
0x13a: {  	v11 =	vmax.f32 v11, $0.0e+00;
	v14 =	vmax.f32 v14, $0.0e+00;
	v18 =	vmax.f32 v18, $0.0e+00  }
0x13b: {  	v31 =	vld [tilespmem:s31+$0x19480];
	v25 =	vmul.f32 v25, v2;
	v15 =	vadd.f32 v11, v15;
	v63 =	vmul.f32 v16, v2  }
0x13c: {  	v33 =	vld [tilespmem:s31+$0x19500];
	v16 =	vmax.f32 v59, $0.0e+00;
	v27 =	vmul.f32 v27, v1;
	v29 =	vmul.f32 v29, v1  }
0x13d: {  	v48 =	vld [tilespmem:s31+$0x19400];
	v46 =	vshll.u32 v35, $0x10;
	v35 =	vshra.s32 v35, $0x10;
	v15 =	vadd.f32 v12, v15  }
0x13e: {  	v51 =	vshll.u32 v28, $0x10;
	v28 =	vshra.s32 v28, $0x10;
	v35 =	vcvt.s32.f32 v35  }
0x13f: {  	v34 =	vld.idx.msk [tilespmem:v34+s1+$0x0], $0xffff;
	v30 =	vadd.f32 v60, v63;
	v53 =	vshra.s32 v51, $0x10;
	v15 =	vadd.f32 v13, v15  }
0x140: {  	v62 =	vld [tilespmem:s31+$0x19600];
	v25 =	vadd.f32 v27, v25;
	v28 =	vcvt.s32.f32 v28;
	v54 =	vcvt.s32.f32 v53  }
0x141: {  	v35 =	vmul.f32 v35, v2;
	v17 =	vmax.f32 v30, $0.0e+00;
	v26 =	vadd.f32 v14, v15  }
0x142: {  	v30 =	vmul.f32 v19, v2;
	v19 =	vmax.f32 v22, $0.0e+00;
	v15 =	vmax.f32 v58, $0.0e+00  }
0x143: {  	v22 =	vmul.f32 v40, v1;
	v28 =	vmul.f32 v28, v2;
	v55 =	vld.idx.msk [tilespmem:v31+s1+$0x0], $0xffff;
	v26 =	vadd.f32 v15, v26  }
0x144: {  	v40 =	vshll.u32 v34, $0x10;
	v34 =	vshra.s32 v34, $0x10;
	v57 =	vld.idx.msk [tilespmem:v33+s1+$0x0], $0xffff;
	v24 =	vadd.f32 v37, v30  }
0x145: {  	v56 =	vmul.f32 v54, v1;
	v34 =	vcvt.s32.f32 v34;
	v30 =	vld.idx.msk [tilespmem:v48+s1+$0x0], $0xffff;
	v32 =	vadd.f32 v16, v26  }
0x146: {  	v22 =	vadd.f32 v22, v44;
	v21 =	vmax.f32 v24, $0.0e+00;
	v24 =	vshra.s32 v45, $0x10  }
0x147: {  	v28 =	vadd.f32 v56, v28;
	v24 =	vcvt.s32.f32 v24;
	v20 =	vadd.f32 v17, v32  }
0x148: {  	v33 =	vld.idx.msk [tilespmem:v62+s1+$0x0], $0xffff;
	v22 =	vmax.f32 v22, $0.0e+00;
	v61 =	vshll.u32 v55, $0x10;
	v27 =	vshra.s32 v55, $0x10  }
0x149: {  	v37 =	vld [tilespmem:s31+$0x19700];
	v36 =	vshll.u32 v57, $0x10;
	v52 =	vmul.f32 v24, v2;
	v20 =	vadd.f32 v18, v20  }
0x14a: {  	v59 =	vshll.u32 v30, $0x10;
	v30 =	vshra.s32 v30, $0x10;
	v27 =	vcvt.s32.f32 v27  }
0x14b: {  	v36 =	vshra.s32 v36, $0x10;
	v32 =	vshll.u32 v45, $0x10;
	v42 =	vadd.f32 v19, v20  }
0x14c: {  	v30 =	vcvt.s32.f32 v30;
	v36 =	vcvt.s32.f32 v36;
	v20 =	vmax.f32 v23, $0.0e+00  }
0x14d: {  	v45 =	vshll.u32 v33, $0x10;
	v23 =	vshra.s32 v43, $0x10;
	v26 =	vadd.f32 v20, v42  }
0x14e: {  	v33 =	vshra.s32 v33, $0x10;
	v32 =	vshra.s32 v32, $0x10;
	v23 =	vcvt.s32.f32 v23  }
0x14f: {  	v27 =	vmul.f32 v27, v2;
	v33 =	vcvt.s32.f32 v33;
	v26 =	vadd.f32 v21, v26  }
0x150: {  	v60 =	vshra.s32 v59, $0x10;
	v32 =	vcvt.s32.f32 v32;
	v23 =	vmul.f32 v23, v2  }
0x151: {  	v30 =	vmul.f32 v30, v2;
	v44 =	vld.idx.msk [tilespmem:v37+s1+$0x0], $0xffff;
	v37 =	vshra.s32 v46, $0x10;
	v26 =	vadd.f32 v22, v26  }
0x152: {  	v50 =	vmul.f32 v32, v1;
	v49 =	vadd.f32 v29, v23;
	v23 =	vmax.f32 v25, $0.0e+00  }
0x153: {  	v63 =	vmul.f32 v36, v1;
	v37 =	vcvt.s32.f32 v37;
	v26 =	vadd.f32 v23, v26  }
0x154: {  	v33 =	vmul.f32 v33, v2;
	v29 =	vadd.f32 v50, v52;
	v24 =	vmax.f32 v49, $0.0e+00  }
0x155: {  	v41 =	vld [tilespmem:s31+$0x19780];
	v32 =	vshra.s32 v61, $0x10;
	v43 =	vmul.f32 v34, v2;
	v26 =	vadd.f32 v24, v26  }
0x156: {  	v34 =	vshra.s32 v45, $0x10;
	v32 =	vcvt.s32.f32 v32;
	v25 =	vmax.f32 v29, $0.0e+00  }
0x157: {  	v58 =	vadd.f32 v25, v26;
	v26 =	vmax.f32 v28, $0.0e+00;
	v28 =	vcvt.s32.f32 v60  }
0x158: {  	v34 =	vcvt.s32.f32 v34;
	v37 =	vmul.f32 v37, v1  }
0x159: {  	v32 =	vmul.f32 v32, v1;
	v28 =	vmul.f32 v28, v1  }
0x15a: {  	v34 =	vmul.f32 v34, v1;
	v38 =	vshll.u32 v44, $0x10;
	v29 =	vshra.s32 v57, $0x10  }
0x15b: {  	v38 =	vshra.s32 v38, $0x10;
	v29 =	vcvt.s32.f32 v29;
	v28 =	vadd.f32 v28, v30  }
0x15c: {  	v27 =	vadd.f32 v32, v27;
	v32 =	vshra.s32 v40, $0x10;
	v31 =	vadd.f32 v26, v58  }
0x15d: {  	v36 =	vld.idx.msk [tilespmem:v41+s1+$0x0], $0xffff;
	v32 =	vcvt.s32.f32 v32;
	v29 =	vmul.f32 v29, v2;
	v28 =	vmax.f32 v28, $0.0e+00  }
0x15e: {  	v47 =	vadd.f32 v37, v35;
	v38 =	vcvt.s32.f32 v38;
	v31 =	vadd.f32 v28, v31  }
0x15f: {  	v27 =	vmax.f32 v27, $0.0e+00;
	v42 =	vmul.f32 v32, v1;
	v29 =	vadd.f32 v63, v29  }
0x160: {  	v33 =	vadd.f32 v34, v33;
	v31 =	vadd.f32 v27, v31  }
0x161: {  	v48 =	vmul.f32 v38, v1;
	v29 =	vmax.f32 v29, $0.0e+00;
	v30 =	vadd.f32 v42, v43  }
0x162: {  	v49 =	vshll.u32 v36, $0x10;
	v32 =	vshra.s32 v44, $0x10;
	v31 =	vadd.f32 v29, v31  }
0x163: {  	v36 =	vshra.s32 v36, $0x10;
	v32 =	vcvt.s32.f32 v32;
	v30 =	vmax.f32 v30, $0.0e+00  }
0x164: {  	v37 =	vshra.s32 v49, $0x10;
	v36 =	vcvt.s32.f32 v36;
	v31 =	vadd.f32 v30, v31  }
0x165: {  	v33 =	vmax.f32 v33, $0.0e+00;
	v37 =	vcvt.s32.f32 v37;
	v32 =	vmul.f32 v32, v2  }
0x166: {  	v34 =	vmax.f32 v47, $0.0e+00;
	v31 =	vadd.f32 v33, v31  }
0x167: {  	v2 =	vmul.f32 v36, v2;
	v32 =	vadd.f32 v48, v32;
	v1 =	vmul.f32 v37, v1  }
0x168: {  	v31 =	vadd.f32 v34, v31  }
0x169: {  	v32 =	vmax.f32 v32, $0.0e+00;
	v1 =	vadd.f32 v1, v2  }
0x16a: {  	v2 =	vadd.f32 v32, v31  }
0x16b: {  	v1 =	vmax.f32 v1, $0.0e+00  }
0x16c: {  	v2 =	vadd.f32 v1, v2;
	_ =	sdelay $0x1  }
0x16d: {  	(erf) = vrcp.f32 v2;
	_ =	sdelay $0x8  }
0x16e: {  	v2 =	vpop (erf)  }
0x16f: {  	v3 =	vmul.f32 v2, v3  }
0x170: {  	v4 =	vmul.f32 v2, v4  }
0x171: {  	v50 =	vmul.f32 v2, v6;
	[tilespmem:s31+$0x1AF80] =	vst v3  }
0x172: {  	v3 =	vmul.f32 v2, v5;
	[tilespmem:s31+$0x1B000] =	vst v4  }
0x173: {  	v51 =	vmul.f32 v2, v8;
	[tilespmem:s31+$0x1B100] =	vst v50  }
0x174: {  	[tilespmem:s31+$0x1B080] =	vst v3;
	v3 =	vmul.f32 v2, v7  }
0x175: {  	v52 =	vmul.f32 v2, v10;
	[tilespmem:s31+$0x1B200] =	vst v51  }
0x176: {  	[tilespmem:s31+$0x1B180] =	vst v3;
	v3 =	vmul.f32 v2, v9  }
0x177: {  	v53 =	vmul.f32 v2, v12;
	[tilespmem:s31+$0x1B300] =	vst v52  }
0x178: {  	[tilespmem:s31+$0x1B280] =	vst v3;
	v3 =	vmul.f32 v2, v11  }
0x179: {  	v54 =	vmul.f32 v2, v14;
	[tilespmem:s31+$0x1B400] =	vst v53  }
0x17a: {  	[tilespmem:s31+$0x1B380] =	vst v3;
	v3 =	vmul.f32 v2, v13  }
0x17b: {  	v55 =	vmul.f32 v2, v16;
	[tilespmem:s31+$0x1B500] =	vst v54  }
0x17c: {  	[tilespmem:s31+$0x1B480] =	vst v3;
	v3 =	vmul.f32 v2, v15  }
0x17d: {  	v56 =	vmul.f32 v2, v18;
	[tilespmem:s31+$0x1B600] =	vst v55  }
0x17e: {  	[tilespmem:s31+$0x1B580] =	vst v3;
	v3 =	vmul.f32 v2, v17  }
0x17f: {  	v57 =	vmul.f32 v2, v20;
	[tilespmem:s31+$0x1B700] =	vst v56  }
0x180: {  	[tilespmem:s31+$0x1B680] =	vst v3;
	v3 =	vmul.f32 v2, v19  }
0x181: {  	v58 =	vmul.f32 v2, v22;
	[tilespmem:s31+$0x1B800] =	vst v57  }
0x182: {  	[tilespmem:s31+$0x1B780] =	vst v3;
	v3 =	vmul.f32 v2, v21  }
0x183: {  	v59 =	vmul.f32 v2, v24;
	[tilespmem:s31+$0x1B900] =	vst v58  }
0x184: {  	[tilespmem:s31+$0x1B880] =	vst v3;
	v3 =	vmul.f32 v2, v23  }
0x185: {  	v60 =	vmul.f32 v2, v26;
	[tilespmem:s31+$0x1BA00] =	vst v59  }
0x186: {  	[tilespmem:s31+$0x1B980] =	vst v3;
	v3 =	vmul.f32 v2, v25  }
0x187: {  	v61 =	vmul.f32 v2, v27;
	[tilespmem:s31+$0x1BB00] =	vst v60  }
0x188: {  	[tilespmem:s31+$0x1BA80] =	vst v3;
	v3 =	vmul.f32 v2, v28  }
0x189: {  	v62 =	vmul.f32 v2, v30;
	[tilespmem:s31+$0x1BC00] =	vst v61  }
0x18a: {  	[tilespmem:s31+$0x1BB80] =	vst v3;
	v3 =	vmul.f32 v2, v29  }
0x18b: {  	p2 =	seq.s32 s30, $0xFFFFFFC0;
	v63 =	vmul.f32 v2, v34;
	[tilespmem:s31+$0x1BD00] =	vst v62  }
.Ltmp8:
0x18c: {  	[tilespmem:s31+$0x1BC80] =	vst v3;
	v3 =	vmul.f32 v2, v33;
	(pc) =	sbr.rel @!p2 .LBB2_5-.Ltmp8, $4  }
0x18d: {  	v1 =	vmul.f32 v2, v1;
	[tilespmem:s31+$0x1BE00] =	vst v63  }
0x18e: {  	[tilespmem:s31+$0x1BD80] =	vst v3;
	v3 =	vmul.f32 v2, v32  }
0x18f: {  	[tilespmem:s31+$0x1BF00] =	vst v1  }
0x190: {  	s30 =	sadd.s32 $0x40, s30;
	[tilespmem:s31+$0x1BE80] =	vst v3  }
0x191: {  	s30 =	smov.u32 s10  }
.LBB2_10:
0x192: {  	[hbm4b:s30+s12] =	stream.strided.scatter [tilespmem:s20], [sflag:$0x4], $0x1000, s13, s12, $0x38;
	[tilespmem:$0x1E380] =	vst v63  }
.LBB2_11:
.Ltmp9:
0x193: {  	(pc) =	sbr.rel @p1 .LBB2_15-.Ltmp9, $1  }
0x194: {  	_ =	sdelay $0x3  }
0x195: {  	s0 =	sadd.s32 $0x2, s29  }
0x196: {  	p1 =	sge.u32 s0, s7  }
0x197: {  	s0 =	sshll.u32 @!p1 s0, $0xC;
	s2 =	simm.s32 @!p1 $0x400  }
0x198: {  	s29 =	simm.s32 @!p1 $0xC3800;
	s30 =	simm.s32 @!p1 $0x18700;
	s0 =	sadd.s32 @!p1 s0, s8  }
0x199: {  	[tilespmem:s30], [sflag:$0x2] =	stream.strided.gather @!p1 [hbm4b:s0+s2], $0x1000, s29, s2, $0x38;
	[tilespmem:$0x1E380] =	vst v63  }
0x19a: {  	s0 =	sadd.s32 @!p1 $0x61C00, s0;
	s2 =	simm.s32 @!p1 $0x0;
	s29 =	simm.s32 @!p1 $0x19700  }
0x19b: {  	[tilespmem:s29], [sflag:$0x2] =	stream.linear.gather @!p1 [hbm4b:s0+s2], $0x80, $0x38;
	[tilespmem:$0x1E380] =	vst v63  }
0x19c: {  	_ =	swait.ge [sflag:s22], $0x1080  }
0x19d: {  	[sflag:s22] =	ssyncset.done $0x0  }
0x19e: {  	[sflag:s22] =	ssyncadd.s32 $0xFFFFEF80  }
0x19f: {  	_ =	swait.ge [sflag:s21], $0x1000  }
0x1a0: {  	[sflag:s21] =	ssyncset.done $0x0  }
0x1a1: {  	s29 =	simm.s32 $0xFFFFFE00;
	[sflag:s21] =	ssyncadd.s32 $0xFFFFF000  }
.LBB2_13:
0x1a2: {  	s30 =	sshra.s32 s29, $0x2  }
0x1a3: {  	v1 =	vld [tilespmem:s30+$0x19B80]  }
0x1a4: {  	v2 =	vld [tilespmem:s30+$0x19C00]  }
0x1a5: {  	v3 =	vld [tilespmem:s30+$0x19C80]  }
0x1a6: {  	v4 =	vld [tilespmem:s30+$0x19D00]  }
0x1a7: {  	v9 =	vld [tilespmem:s30+$0x19E00]  }
0x1a8: {  	v12 =	vld [tilespmem:s30+$0x19F00]  }
0x1a9: {  	v15 =	vld [tilespmem:s30+$0x1A080]  }
0x1aa: {  	v17 =	vld [tilespmem:s30+$0x1A100]  }
0x1ab: {  	v19 =	vld [tilespmem:s30+$0x1A280]  }
0x1ac: {  	v1 =	vld.idx.msk [tilespmem:v1+s1+$0x0], $0xffff  }
0x1ad: {  	v6 =	vld.idx.msk [tilespmem:v2+s1+$0x0], $0xffff  }
0x1ae: {  	v3 =	vld.idx.msk [tilespmem:v3+s1+$0x0], $0xffff  }
0x1af: {  	v4 =	vld.idx.msk [tilespmem:v4+s1+$0x0], $0xffff  }
0x1b0: {  	v9 =	vld.idx.msk [tilespmem:v9+s1+$0x0], $0xffff  }
0x1b1: {  	v32 =	vld.idx.msk [tilespmem:v12+s1+$0x0], $0xffff  }
0x1b2: {  	v43 =	vld.idx.msk [tilespmem:v15+s1+$0x0], $0xffff  }
0x1b3: {  	v45 =	vld.idx.msk [tilespmem:v17+s1+$0x0], $0xffff  }
0x1b4: {  	v19 =	vld.idx.msk [tilespmem:v19+s1+$0x0], $0xffff  }
0x1b5: {  	v2 =	vshll.u32 v1, $0x10;
	v7 =	vshra.s32 v1, $0x10  }
0x1b6: {  	v8 =	vshll.u32 v6, $0x10;
	v23 =	vshll.u32 v3, $0x10;
	v6 =	vshra.s32 v6, $0x10  }
0x1b7: {  	v3 =	vshra.s32 v3, $0x10;
	v11 =	vshll.u32 v4, $0x10;
	v4 =	vshra.s32 v4, $0x10  }
0x1b8: {  	v34 =	vshll.u32 v9, $0x10;
	v9 =	vshra.s32 v9, $0x10;
	v16 =	vshll.u32 v32, $0x10  }
0x1b9: {  	v21 =	vld [tilespmem:s30+$0x1A300];
	v49 =	vshll.u32 v43, $0x10;
	v20 =	vshll.u32 v45, $0x10;
	v57 =	vshll.u32 v19, $0x10  }
0x1ba: {  	v19 =	vshra.s32 v19, $0x10;
	v2 =	vshra.s32 v2, $0x10;
	v22 =	vshra.s32 v8, $0x10  }
0x1bb: {  	v10 =	vld [tilespmem:s30+$0x19E80];
	v8 =	vshra.s32 v23, $0x10;
	v6 =	vcvt.s32.f32 v6;
	v3 =	vcvt.s32.f32 v3  }
0x1bc: {  	v5 =	vld [tilespmem:s30+$0x19D80];
	v11 =	vshra.s32 v11, $0x10;
	v4 =	vcvt.s32.f32 v4;
	v9 =	vcvt.s32.f32 v9  }
0x1bd: {  	v12 =	vshra.s32 v34, $0x10;
	v19 =	vcvt.s32.f32 v19;
	v1 =	vcvt.s32.f32 v2  }
0x1be: {  	v16 =	vshra.s32 v16, $0x10;
	v2 =	vcvt.s32.f32 v7;
	v7 =	vcvt.s32.f32 v22  }
0x1bf: {  	v17 =	vshra.s32 v49, $0x10;
	v8 =	vcvt.s32.f32 v8;
	v11 =	vcvt.s32.f32 v11  }
0x1c0: {  	v20 =	vshra.s32 v20, $0x10;
	v12 =	vcvt.s32.f32 v12;
	v16 =	vcvt.s32.f32 v16  }
0x1c1: {  	v55 =	vld.idx.msk [tilespmem:v21+s1+$0x0], $0xffff;
	v21 =	vshra.s32 v57, $0x10;
	v17 =	vcvt.s32.f32 v17;
	v20 =	vcvt.s32.f32 v20  }
0x1c2: {  	v26 =	vld [tilespmem:s30+$0x19F80];
	v21 =	vcvt.s32.f32 v21;
	v7 =	vmul.f32 v7, v1  }
0x1c3: {  	v29 =	vld.idx.msk [tilespmem:v10+s1+$0x0], $0xffff;
	v6 =	vmul.f32 v6, v2;
	v8 =	vmul.f32 v8, v1  }
0x1c4: {  	v5 =	vld.idx.msk [tilespmem:v5+s1+$0x0], $0xffff;
	v3 =	vmul.f32 v3, v2;
	v25 =	vmul.f32 v11, v1  }
0x1c5: {  	v40 =	vld [tilespmem:s30+$0x1A180];
	v13 =	vmul.f32 v4, v2;
	v12 =	vmul.f32 v12, v1  }
0x1c6: {  	v53 =	vld [tilespmem:s30+$0x1A380];
	v9 =	vmul.f32 v9, v2;
	v38 =	vmul.f32 v16, v1  }
0x1c7: {  	v17 =	vmul.f32 v17, v1;
	v51 =	vmul.f32 v20, v1  }
0x1c8: {  	v35 =	vshll.u32 v29, $0x10;
	v21 =	vmul.f32 v21, v1;
	v19 =	vmul.f32 v19, v2  }
0x1c9: {  	v6 =	vadd.f32 v7, v6;
	v24 =	vadd.f32 v8, v3;
	v3 =	vshll.u32 v5, $0x10  }
0x1ca: {  	v5 =	vshra.s32 v5, $0x10;
	v8 =	vadd.f32 v25, v13;
	v13 =	vshra.s32 v35, $0x10  }
0x1cb: {  	v7 =	vshra.s32 v29, $0x10;
	v9 =	vadd.f32 v12, v9;
	v12 =	vshra.s32 v43, $0x10  }
0x1cc: {  	v11 =	vld.idx.msk [tilespmem:v26+s1+$0x0], $0xffff;
	v59 =	vadd.f32 v21, v19;
	v5 =	vcvt.s32.f32 v5;
	v13 =	vcvt.s32.f32 v13  }
0x1cd: {  	v16 =	vld.idx.msk [tilespmem:v40+s1+$0x0], $0xffff;
	v27 =	vshra.s32 v3, $0x10;
	v7 =	vcvt.s32.f32 v7;
	v12 =	vcvt.s32.f32 v12  }
0x1ce: {  	v20 =	vld.idx.msk [tilespmem:v53+s1+$0x0], $0xffff;
	v3 =	vmax.f32 v6, $0.0e+00;
	v28 =	vcvt.s32.f32 v27;
	v4 =	vmax.f32 v24, $0.0e+00  }
0x1cf: {  	v24 =	vshll.u32 v55, $0x10;
	v14 =	vadd.f32 v3, v0;
	v30 =	vmul.f32 v5, v2  }
0x1d0: {  	v62 =	vld [tilespmem:s30+$0x1A580];
	v5 =	vmax.f32 v8, $0.0e+00;
	v13 =	vmul.f32 v13, v1;
	v7 =	vmul.f32 v7, v2  }
0x1d1: {  	v23 =	vld [tilespmem:s30+$0x1A480];
	v8 =	vshra.s32 v32, $0x10;
	v39 =	vshll.u32 v11, $0x10;
	v11 =	vshra.s32 v11, $0x10  }
0x1d2: {  	v22 =	vld [tilespmem:s30+$0x1A400];
	v12 =	vmul.f32 v12, v2;
	v52 =	vshll.u32 v16, $0x10;
	v16 =	vshra.s32 v16, $0x10  }
0x1d3: {  	v24 =	vshra.s32 v24, $0x10;
	v61 =	vshll.u32 v20, $0x10;
	v6 =	vmul.f32 v28, v1  }
0x1d4: {  	v36 =	vld [tilespmem:s30+$0x1A000];
	v8 =	vcvt.s32.f32 v8;
	v41 =	vshra.s32 v39, $0x10;
	v11 =	vcvt.s32.f32 v11  }
0x1d5: {  	v16 =	vcvt.s32.f32 v16;
	v24 =	vcvt.s32.f32 v24;
	v27 =	vshra.s32 v61, $0x10  }
0x1d6: {  	v28 =	vshra.s32 v20, $0x10;
	v31 =	vadd.f32 v4, v14;
	v37 =	vadd.f32 v13, v7  }
0x1d7: {  	v25 =	vld [tilespmem:s30+$0x1A500];
	v42 =	vcvt.s32.f32 v41;
	v12 =	vadd.f32 v17, v12;
	v29 =	vcvt.s32.f32 v27  }
0x1d8: {  	v21 =	vld.idx.msk [tilespmem:v62+s1+$0x0], $0xffff;
	v17 =	vshra.s32 v52, $0x10;
	v19 =	vcvt.s32.f32 v28;
	v18 =	vmul.f32 v8, v2  }
0x1d9: {  	v23 =	vld.idx.msk [tilespmem:v23+s1+$0x0], $0xffff;
	v7 =	vmax.f32 v9, $0.0e+00;
	v11 =	vmul.f32 v11, v2;
	v17 =	vcvt.s32.f32 v17  }
0x1da: {  	v22 =	vld.idx.msk [tilespmem:v22+s1+$0x0], $0xffff;
	v6 =	vadd.f32 v6, v30;
	v16 =	vmul.f32 v16, v2;
	v60 =	vmul.f32 v24, v1  }
0x1db: {  	v50 =	vld [tilespmem:s30+$0x1A200];
	v33 =	vadd.f32 v5, v31;
	v8 =	vmax.f32 v37, $0.0e+00;
	v44 =	vmul.f32 v42, v1  }
0x1dc: {  	v14 =	vld.idx.msk [tilespmem:v36+s1+$0x0], $0xffff;
	v12 =	vmax.f32 v12, $0.0e+00;
	v31 =	vmul.f32 v29, v1;
	v19 =	vmul.f32 v19, v2  }
0x1dd: {  	v6 =	vmax.f32 v6, $0.0e+00;
	v13 =	vadd.f32 v38, v18;
	v54 =	vmul.f32 v17, v1  }
0x1de: {  	v35 =	vshll.u32 v23, $0x10;
	v23 =	vshra.s32 v23, $0x10;
	v38 =	vshll.u32 v21, $0x10  }
0x1df: {  	v21 =	vshra.s32 v21, $0x10;
	v10 =	vadd.f32 v6, v33;
	v34 =	vshll.u32 v22, $0x10  }
0x1e0: {  	v33 =	vld.idx.msk [tilespmem:v25+s1+$0x0], $0xffff;
	v22 =	vshra.s32 v22, $0x10;
	v25 =	vshra.s32 v35, $0x10;
	v23 =	vcvt.s32.f32 v23  }
0x1e1: {  	v36 =	vld [tilespmem:s30+$0x1A600];
	v21 =	vcvt.s32.f32 v21;
	v9 =	vmax.f32 v13, $0.0e+00;
	v47 =	vshll.u32 v14, $0x10  }
0x1e2: {  	v27 =	vld [tilespmem:s30+$0x1A680];
	v14 =	vshra.s32 v14, $0x10;
	v13 =	vshra.s32 v45, $0x10;
	v22 =	vcvt.s32.f32 v22  }
0x1e3: {  	v18 =	vld.idx.msk [tilespmem:v50+s1+$0x0], $0xffff;
	v24 =	vshra.s32 v34, $0x10;
	v25 =	vcvt.s32.f32 v25;
	v14 =	vcvt.s32.f32 v14  }
0x1e4: {  	v11 =	vadd.f32 v44, v11;
	v13 =	vcvt.s32.f32 v13;
	v24 =	vcvt.s32.f32 v24  }
0x1e5: {  	v10 =	vadd.f32 v7, v10;
	v23 =	vmul.f32 v23, v2;
	v44 =	vmul.f32 v21, v2  }
0x1e6: {  	v48 =	vshra.s32 v47, $0x10;
	v22 =	vmul.f32 v22, v2;
	v25 =	vmul.f32 v25, v1  }
0x1e7: {  	v10 =	vadd.f32 v8, v10;
	v14 =	vmul.f32 v14, v2;
	v13 =	vmul.f32 v13, v2  }
0x1e8: {  	v29 =	vld [tilespmem:s30+$0x1A700];
	v56 =	vshll.u32 v18, $0x10;
	v18 =	vshra.s32 v18, $0x10;
	v24 =	vmul.f32 v24, v1  }
0x1e9: {  	v41 =	vld.idx.msk [tilespmem:v36+s1+$0x0], $0xffff;
	v17 =	vshra.s32 v56, $0x10;
	v18 =	vcvt.s32.f32 v18;
	v28 =	vshll.u32 v33, $0x10  }
0x1ea: {  	v43 =	vld.idx.msk [tilespmem:v27+s1+$0x0], $0xffff;
	v23 =	vadd.f32 v25, v23;
	v25 =	vshra.s32 v38, $0x10;
	v46 =	vadd.f32 v9, v10  }
0x1eb: {  	v35 =	vld [tilespmem:s30+$0x1AA80];
	v10 =	vmax.f32 v11, $0.0e+00;
	v11 =	vcvt.s32.f32 v48;
	v13 =	vadd.f32 v51, v13  }
0x1ec: {  	v39 =	vld [tilespmem:s30+$0x1A780];
	v17 =	vcvt.s32.f32 v17;
	v28 =	vshra.s32 v28, $0x10;
	v40 =	vcvt.s32.f32 v25  }
0x1ed: {  	v22 =	vadd.f32 v24, v22;
	v18 =	vmul.f32 v18, v2;
	v28 =	vcvt.s32.f32 v28  }
0x1ee: {  	v11 =	vmul.f32 v11, v1;
	v15 =	vadd.f32 v10, v46;
	v17 =	vmul.f32 v17, v1  }
0x1ef: {  	v37 =	vmul.f32 v28, v1;
	v46 =	vshll.u32 v41, $0x10;
	v47 =	vshll.u32 v43, $0x10  }
0x1f0: {  	v25 =	vshra.s32 v41, $0x10;
	v11 =	vadd.f32 v11, v14;
	v14 =	vadd.f32 v54, v16  }
0x1f1: {  	v34 =	vld [tilespmem:s30+$0x1A980];
	v16 =	vshra.s32 v55, $0x10;
	v58 =	vadd.f32 v17, v18;
	v18 =	vadd.f32 v31, v19  }
0x1f2: {  	v45 =	vld.idx.msk [tilespmem:v29+s1+$0x0], $0xffff;
	v19 =	vshra.s32 v33, $0x10;
	v27 =	vshra.s32 v46, $0x10;
	v25 =	vcvt.s32.f32 v25  }
0x1f3: {  	v35 =	vld.idx.msk [tilespmem:v35+s1+$0x0], $0xffff;
	v29 =	vshra.s32 v47, $0x10;
	v16 =	vcvt.s32.f32 v16;
	v19 =	vcvt.s32.f32 v19  }
0x1f4: {  	v13 =	vmax.f32 v13, $0.0e+00;
	v28 =	vld.idx.msk [tilespmem:v39+s1+$0x0], $0xffff;
	v27 =	vcvt.s32.f32 v27;
	v29 =	vcvt.s32.f32 v29  }
0x1f5: {  	v11 =	vmax.f32 v11, $0.0e+00;
	v14 =	vmax.f32 v14, $0.0e+00;
	v18 =	vmax.f32 v18, $0.0e+00  }
0x1f6: {  	v31 =	vld [tilespmem:s30+$0x1A880];
	v25 =	vmul.f32 v25, v2;
	v15 =	vadd.f32 v11, v15;
	v63 =	vmul.f32 v16, v2  }
0x1f7: {  	v33 =	vld [tilespmem:s30+$0x1A900];
	v16 =	vmax.f32 v59, $0.0e+00;
	v27 =	vmul.f32 v27, v1;
	v29 =	vmul.f32 v29, v1  }
0x1f8: {  	v48 =	vld [tilespmem:s30+$0x1A800];
	v46 =	vshll.u32 v35, $0x10;
	v35 =	vshra.s32 v35, $0x10;
	v15 =	vadd.f32 v12, v15  }
0x1f9: {  	v51 =	vshll.u32 v28, $0x10;
	v28 =	vshra.s32 v28, $0x10;
	v35 =	vcvt.s32.f32 v35  }
0x1fa: {  	v34 =	vld.idx.msk [tilespmem:v34+s1+$0x0], $0xffff;
	v30 =	vadd.f32 v60, v63;
	v53 =	vshra.s32 v51, $0x10;
	v15 =	vadd.f32 v13, v15  }
0x1fb: {  	v62 =	vld [tilespmem:s30+$0x1AA00];
	v25 =	vadd.f32 v27, v25;
	v28 =	vcvt.s32.f32 v28;
	v54 =	vcvt.s32.f32 v53  }
0x1fc: {  	v35 =	vmul.f32 v35, v2;
	v17 =	vmax.f32 v30, $0.0e+00;
	v26 =	vadd.f32 v14, v15  }
0x1fd: {  	v30 =	vmul.f32 v19, v2;
	v19 =	vmax.f32 v22, $0.0e+00;
	v15 =	vmax.f32 v58, $0.0e+00  }
0x1fe: {  	v22 =	vmul.f32 v40, v1;
	v28 =	vmul.f32 v28, v2;
	v55 =	vld.idx.msk [tilespmem:v31+s1+$0x0], $0xffff;
	v26 =	vadd.f32 v15, v26  }
0x1ff: {  	v40 =	vshll.u32 v34, $0x10;
	v34 =	vshra.s32 v34, $0x10;
	v57 =	vld.idx.msk [tilespmem:v33+s1+$0x0], $0xffff;
	v24 =	vadd.f32 v37, v30  }
0x200: {  	v56 =	vmul.f32 v54, v1;
	v34 =	vcvt.s32.f32 v34;
	v30 =	vld.idx.msk [tilespmem:v48+s1+$0x0], $0xffff;
	v32 =	vadd.f32 v16, v26  }
0x201: {  	v22 =	vadd.f32 v22, v44;
	v21 =	vmax.f32 v24, $0.0e+00;
	v24 =	vshra.s32 v45, $0x10  }
0x202: {  	v28 =	vadd.f32 v56, v28;
	v24 =	vcvt.s32.f32 v24;
	v20 =	vadd.f32 v17, v32  }
0x203: {  	v33 =	vld.idx.msk [tilespmem:v62+s1+$0x0], $0xffff;
	v22 =	vmax.f32 v22, $0.0e+00;
	v61 =	vshll.u32 v55, $0x10;
	v27 =	vshra.s32 v55, $0x10  }
0x204: {  	v37 =	vld [tilespmem:s30+$0x1AB00];
	v36 =	vshll.u32 v57, $0x10;
	v52 =	vmul.f32 v24, v2;
	v20 =	vadd.f32 v18, v20  }
0x205: {  	v59 =	vshll.u32 v30, $0x10;
	v30 =	vshra.s32 v30, $0x10;
	v27 =	vcvt.s32.f32 v27  }
0x206: {  	v36 =	vshra.s32 v36, $0x10;
	v32 =	vshll.u32 v45, $0x10;
	v42 =	vadd.f32 v19, v20  }
0x207: {  	v30 =	vcvt.s32.f32 v30;
	v36 =	vcvt.s32.f32 v36;
	v20 =	vmax.f32 v23, $0.0e+00  }
0x208: {  	v45 =	vshll.u32 v33, $0x10;
	v23 =	vshra.s32 v43, $0x10;
	v26 =	vadd.f32 v20, v42  }
0x209: {  	v33 =	vshra.s32 v33, $0x10;
	v32 =	vshra.s32 v32, $0x10;
	v23 =	vcvt.s32.f32 v23  }
0x20a: {  	v27 =	vmul.f32 v27, v2;
	v33 =	vcvt.s32.f32 v33;
	v26 =	vadd.f32 v21, v26  }
0x20b: {  	v60 =	vshra.s32 v59, $0x10;
	v32 =	vcvt.s32.f32 v32;
	v23 =	vmul.f32 v23, v2  }
0x20c: {  	v30 =	vmul.f32 v30, v2;
	v44 =	vld.idx.msk [tilespmem:v37+s1+$0x0], $0xffff;
	v37 =	vshra.s32 v46, $0x10;
	v26 =	vadd.f32 v22, v26  }
0x20d: {  	v50 =	vmul.f32 v32, v1;
	v49 =	vadd.f32 v29, v23;
	v23 =	vmax.f32 v25, $0.0e+00  }
0x20e: {  	v63 =	vmul.f32 v36, v1;
	v37 =	vcvt.s32.f32 v37;
	v26 =	vadd.f32 v23, v26  }
0x20f: {  	v33 =	vmul.f32 v33, v2;
	v29 =	vadd.f32 v50, v52;
	v24 =	vmax.f32 v49, $0.0e+00  }
0x210: {  	v41 =	vld [tilespmem:s30+$0x1AB80];
	v32 =	vshra.s32 v61, $0x10;
	v43 =	vmul.f32 v34, v2;
	v26 =	vadd.f32 v24, v26  }
0x211: {  	v34 =	vshra.s32 v45, $0x10;
	v32 =	vcvt.s32.f32 v32;
	v25 =	vmax.f32 v29, $0.0e+00  }
0x212: {  	v58 =	vadd.f32 v25, v26;
	v26 =	vmax.f32 v28, $0.0e+00;
	v28 =	vcvt.s32.f32 v60  }
0x213: {  	v34 =	vcvt.s32.f32 v34;
	v37 =	vmul.f32 v37, v1  }
0x214: {  	v32 =	vmul.f32 v32, v1;
	v28 =	vmul.f32 v28, v1  }
0x215: {  	v34 =	vmul.f32 v34, v1;
	v38 =	vshll.u32 v44, $0x10;
	v29 =	vshra.s32 v57, $0x10  }
0x216: {  	v38 =	vshra.s32 v38, $0x10;
	v29 =	vcvt.s32.f32 v29;
	v28 =	vadd.f32 v28, v30  }
0x217: {  	v27 =	vadd.f32 v32, v27;
	v32 =	vshra.s32 v40, $0x10;
	v31 =	vadd.f32 v26, v58  }
0x218: {  	v36 =	vld.idx.msk [tilespmem:v41+s1+$0x0], $0xffff;
	v32 =	vcvt.s32.f32 v32;
	v29 =	vmul.f32 v29, v2;
	v28 =	vmax.f32 v28, $0.0e+00  }
0x219: {  	v47 =	vadd.f32 v37, v35;
	v38 =	vcvt.s32.f32 v38;
	v31 =	vadd.f32 v28, v31  }
0x21a: {  	v27 =	vmax.f32 v27, $0.0e+00;
	v42 =	vmul.f32 v32, v1;
	v29 =	vadd.f32 v63, v29  }
0x21b: {  	v33 =	vadd.f32 v34, v33;
	v31 =	vadd.f32 v27, v31  }
0x21c: {  	v48 =	vmul.f32 v38, v1;
	v29 =	vmax.f32 v29, $0.0e+00;
	v30 =	vadd.f32 v42, v43  }
0x21d: {  	v49 =	vshll.u32 v36, $0x10;
	v32 =	vshra.s32 v44, $0x10;
	v31 =	vadd.f32 v29, v31  }
0x21e: {  	v36 =	vshra.s32 v36, $0x10;
	v32 =	vcvt.s32.f32 v32;
	v30 =	vmax.f32 v30, $0.0e+00  }
0x21f: {  	v37 =	vshra.s32 v49, $0x10;
	v36 =	vcvt.s32.f32 v36;
	v31 =	vadd.f32 v30, v31  }
0x220: {  	v33 =	vmax.f32 v33, $0.0e+00;
	v37 =	vcvt.s32.f32 v37;
	v32 =	vmul.f32 v32, v2  }
0x221: {  	v34 =	vmax.f32 v47, $0.0e+00;
	v31 =	vadd.f32 v33, v31  }
0x222: {  	v2 =	vmul.f32 v36, v2;
	v32 =	vadd.f32 v48, v32;
	v1 =	vmul.f32 v37, v1  }
0x223: {  	v31 =	vadd.f32 v34, v31  }
0x224: {  	v32 =	vmax.f32 v32, $0.0e+00;
	v1 =	vadd.f32 v1, v2  }
0x225: {  	v2 =	vadd.f32 v32, v31  }
0x226: {  	v1 =	vmax.f32 v1, $0.0e+00  }
0x227: {  	v2 =	vadd.f32 v1, v2;
	_ =	sdelay $0x1  }
0x228: {  	(erf) = vrcp.f32 v2;
	_ =	sdelay $0x8  }
0x229: {  	v2 =	vpop (erf)  }
0x22a: {  	v3 =	vmul.f32 v2, v3  }
0x22b: {  	v4 =	vmul.f32 v2, v4  }
0x22c: {  	v50 =	vmul.f32 v2, v6;
	[tilespmem:s30+$0x1AF80] =	vst v3  }
0x22d: {  	v3 =	vmul.f32 v2, v5;
	[tilespmem:s30+$0x1B000] =	vst v4  }
0x22e: {  	v51 =	vmul.f32 v2, v8;
	[tilespmem:s30+$0x1B100] =	vst v50  }
0x22f: {  	[tilespmem:s30+$0x1B080] =	vst v3;
	v3 =	vmul.f32 v2, v7  }
0x230: {  	v52 =	vmul.f32 v2, v10;
	[tilespmem:s30+$0x1B200] =	vst v51  }
0x231: {  	[tilespmem:s30+$0x1B180] =	vst v3;
	v3 =	vmul.f32 v2, v9  }
0x232: {  	v53 =	vmul.f32 v2, v12;
	[tilespmem:s30+$0x1B300] =	vst v52  }
0x233: {  	[tilespmem:s30+$0x1B280] =	vst v3;
	v3 =	vmul.f32 v2, v11  }
0x234: {  	v54 =	vmul.f32 v2, v14;
	[tilespmem:s30+$0x1B400] =	vst v53  }
0x235: {  	[tilespmem:s30+$0x1B380] =	vst v3;
	v3 =	vmul.f32 v2, v13  }
0x236: {  	v55 =	vmul.f32 v2, v16;
	[tilespmem:s30+$0x1B500] =	vst v54  }
0x237: {  	[tilespmem:s30+$0x1B480] =	vst v3;
	v3 =	vmul.f32 v2, v15  }
0x238: {  	v56 =	vmul.f32 v2, v18;
	[tilespmem:s30+$0x1B600] =	vst v55  }
0x239: {  	[tilespmem:s30+$0x1B580] =	vst v3;
	v3 =	vmul.f32 v2, v17  }
0x23a: {  	v57 =	vmul.f32 v2, v20;
	[tilespmem:s30+$0x1B700] =	vst v56  }
0x23b: {  	[tilespmem:s30+$0x1B680] =	vst v3;
	v3 =	vmul.f32 v2, v19  }
0x23c: {  	v58 =	vmul.f32 v2, v22;
	[tilespmem:s30+$0x1B800] =	vst v57  }
0x23d: {  	[tilespmem:s30+$0x1B780] =	vst v3;
	v3 =	vmul.f32 v2, v21  }
0x23e: {  	v59 =	vmul.f32 v2, v24;
	[tilespmem:s30+$0x1B900] =	vst v58  }
0x23f: {  	[tilespmem:s30+$0x1B880] =	vst v3;
	v3 =	vmul.f32 v2, v23  }
0x240: {  	v60 =	vmul.f32 v2, v26;
	[tilespmem:s30+$0x1BA00] =	vst v59  }
0x241: {  	[tilespmem:s30+$0x1B980] =	vst v3;
	v3 =	vmul.f32 v2, v25  }
0x242: {  	v61 =	vmul.f32 v2, v27;
	[tilespmem:s30+$0x1BB00] =	vst v60  }
0x243: {  	[tilespmem:s30+$0x1BA80] =	vst v3;
	v3 =	vmul.f32 v2, v28  }
0x244: {  	v62 =	vmul.f32 v2, v30;
	[tilespmem:s30+$0x1BC00] =	vst v61  }
0x245: {  	[tilespmem:s30+$0x1BB80] =	vst v3;
	v3 =	vmul.f32 v2, v29  }
0x246: {  	p1 =	sne.s32 s29, $0xFFFFFFC0;
	v63 =	vmul.f32 v2, v34;
	[tilespmem:s30+$0x1BD00] =	vst v62  }
.Ltmp10:
0x247: {  	[tilespmem:s30+$0x1BC80] =	vst v3;
	v3 =	vmul.f32 v2, v33;
	(pc) =	sbr.rel @p1 .LBB2_13-.Ltmp10, $4  }
0x248: {  	v1 =	vmul.f32 v2, v1;
	[tilespmem:s30+$0x1BE00] =	vst v63  }
0x249: {  	[tilespmem:s30+$0x1BD80] =	vst v3;
	v3 =	vmul.f32 v2, v32  }
0x24a: {  	[tilespmem:s30+$0x1BF00] =	vst v1  }
0x24b: {  	s29 =	sadd.s32 $0x40, s29;
	[tilespmem:s30+$0x1BE80] =	vst v3  }
.Ltmp11:
0x24c: {  	(pc) =	sbr.rel .LBB2_15-.Ltmp11, $4  }
0x24d: {  	_ = 	snop  }
0x24e: {  	s0 =	sshll.u32 s28, $0xC  }
0x24f: {  	s0 =	sadd.s32 s0, s10  }
0x250: {  	[hbm4b:s0+s12] =	stream.strided.scatter [tilespmem:s20], [sflag:$0x4], $0x1000, s13, s12, $0x38;
	[tilespmem:$0x1E380] =	vst v63  }
.LBB2_16:
.Ltmp12:
0x251: {  	(pc) =	sbr.rel @p0 .LBB2_20-.Ltmp12, $4  }
0x252: {  	_ = 	snop  }
0x253: {  	_ =	swait.ge [sflag:s21], $0x1000  }
0x254: {  	[sflag:s21] =	ssyncset.done $0x0  }
0x255: {  	[sflag:s21] =	ssyncadd.s32 $0xFFFFF000  }
0x256: {  	s26 =	simm.s32 $0x0  }
0x257: {  	[tilespmem:s23], [sflag:$0x5] =	stream.linear.gather [hbm4b:s5+s26], $0x1080, $0x38;
	[tilespmem:$0x1E380] =	vst v63  }
0x258: {  	_ =	swait.ge [sflag:s17], $0x1080  }
0x259: {  	[sflag:s17] =	ssyncset.done $0x0  }
0x25a: {  	p1 =	por $0x1, $0x1;
	[sflag:s17] =	ssyncadd.s32 $0xFFFFEF80  }
.LBB2_18:
0x25b: {  	v1 =	vld [tilespmem:s26+$0x1BF80]  }
0x25c: {  	v2 =	vld [tilespmem:s26+$0x1C000]  }
0x25d: {  	v3 =	vld [tilespmem:s26+$0x1C080]  }
0x25e: {  	v4 =	vld [tilespmem:s26+$0x1C100]  }
0x25f: {  	v9 =	vld [tilespmem:s26+$0x1C200]  }
0x260: {  	v12 =	vld [tilespmem:s26+$0x1C300]  }
0x261: {  	v15 =	vld [tilespmem:s26+$0x1C480]  }
0x262: {  	v17 =	vld [tilespmem:s26+$0x1C500]  }
0x263: {  	v19 =	vld [tilespmem:s26+$0x1C680]  }
0x264: {  	v1 =	vld.idx.msk [tilespmem:v1+s1+$0x0], $0xffff  }
0x265: {  	v6 =	vld.idx.msk [tilespmem:v2+s1+$0x0], $0xffff  }
0x266: {  	v3 =	vld.idx.msk [tilespmem:v3+s1+$0x0], $0xffff  }
0x267: {  	v4 =	vld.idx.msk [tilespmem:v4+s1+$0x0], $0xffff  }
0x268: {  	v9 =	vld.idx.msk [tilespmem:v9+s1+$0x0], $0xffff  }
0x269: {  	v32 =	vld.idx.msk [tilespmem:v12+s1+$0x0], $0xffff  }
0x26a: {  	v43 =	vld.idx.msk [tilespmem:v15+s1+$0x0], $0xffff  }
0x26b: {  	v45 =	vld.idx.msk [tilespmem:v17+s1+$0x0], $0xffff  }
0x26c: {  	v19 =	vld.idx.msk [tilespmem:v19+s1+$0x0], $0xffff  }
0x26d: {  	v2 =	vshll.u32 v1, $0x10;
	v7 =	vshra.s32 v1, $0x10  }
0x26e: {  	v8 =	vshll.u32 v6, $0x10;
	v23 =	vshll.u32 v3, $0x10;
	v6 =	vshra.s32 v6, $0x10  }
0x26f: {  	v3 =	vshra.s32 v3, $0x10;
	v11 =	vshll.u32 v4, $0x10;
	v4 =	vshra.s32 v4, $0x10  }
0x270: {  	v34 =	vshll.u32 v9, $0x10;
	v9 =	vshra.s32 v9, $0x10;
	v16 =	vshll.u32 v32, $0x10  }
0x271: {  	v21 =	vld [tilespmem:s26+$0x1C700];
	v49 =	vshll.u32 v43, $0x10;
	v20 =	vshll.u32 v45, $0x10;
	v57 =	vshll.u32 v19, $0x10  }
0x272: {  	v19 =	vshra.s32 v19, $0x10;
	v2 =	vshra.s32 v2, $0x10;
	v22 =	vshra.s32 v8, $0x10  }
0x273: {  	v10 =	vld [tilespmem:s26+$0x1C280];
	v8 =	vshra.s32 v23, $0x10;
	v6 =	vcvt.s32.f32 v6;
	v3 =	vcvt.s32.f32 v3  }
0x274: {  	v5 =	vld [tilespmem:s26+$0x1C180];
	v11 =	vshra.s32 v11, $0x10;
	v4 =	vcvt.s32.f32 v4;
	v9 =	vcvt.s32.f32 v9  }
0x275: {  	v12 =	vshra.s32 v34, $0x10;
	v19 =	vcvt.s32.f32 v19;
	v1 =	vcvt.s32.f32 v2  }
0x276: {  	v16 =	vshra.s32 v16, $0x10;
	v2 =	vcvt.s32.f32 v7;
	v7 =	vcvt.s32.f32 v22  }
0x277: {  	v17 =	vshra.s32 v49, $0x10;
	v8 =	vcvt.s32.f32 v8;
	v11 =	vcvt.s32.f32 v11  }
0x278: {  	v20 =	vshra.s32 v20, $0x10;
	v12 =	vcvt.s32.f32 v12;
	v16 =	vcvt.s32.f32 v16  }
0x279: {  	v55 =	vld.idx.msk [tilespmem:v21+s1+$0x0], $0xffff;
	v21 =	vshra.s32 v57, $0x10;
	v17 =	vcvt.s32.f32 v17;
	v20 =	vcvt.s32.f32 v20  }
0x27a: {  	v26 =	vld [tilespmem:s26+$0x1C380];
	v21 =	vcvt.s32.f32 v21;
	v7 =	vmul.f32 v7, v1  }
0x27b: {  	v29 =	vld.idx.msk [tilespmem:v10+s1+$0x0], $0xffff;
	v6 =	vmul.f32 v6, v2;
	v8 =	vmul.f32 v8, v1  }
0x27c: {  	v5 =	vld.idx.msk [tilespmem:v5+s1+$0x0], $0xffff;
	v3 =	vmul.f32 v3, v2;
	v25 =	vmul.f32 v11, v1  }
0x27d: {  	v40 =	vld [tilespmem:s26+$0x1C580];
	v13 =	vmul.f32 v4, v2;
	v12 =	vmul.f32 v12, v1  }
0x27e: {  	v53 =	vld [tilespmem:s26+$0x1C780];
	v9 =	vmul.f32 v9, v2;
	v38 =	vmul.f32 v16, v1  }
0x27f: {  	v17 =	vmul.f32 v17, v1;
	v51 =	vmul.f32 v20, v1  }
0x280: {  	v35 =	vshll.u32 v29, $0x10;
	v21 =	vmul.f32 v21, v1;
	v19 =	vmul.f32 v19, v2  }
0x281: {  	v6 =	vadd.f32 v7, v6;
	v24 =	vadd.f32 v8, v3;
	v3 =	vshll.u32 v5, $0x10  }
0x282: {  	v5 =	vshra.s32 v5, $0x10;
	v8 =	vadd.f32 v25, v13;
	v13 =	vshra.s32 v35, $0x10  }
0x283: {  	v7 =	vshra.s32 v29, $0x10;
	v9 =	vadd.f32 v12, v9;
	v12 =	vshra.s32 v43, $0x10  }
0x284: {  	v11 =	vld.idx.msk [tilespmem:v26+s1+$0x0], $0xffff;
	v59 =	vadd.f32 v21, v19;
	v5 =	vcvt.s32.f32 v5;
	v13 =	vcvt.s32.f32 v13  }
0x285: {  	v16 =	vld.idx.msk [tilespmem:v40+s1+$0x0], $0xffff;
	v27 =	vshra.s32 v3, $0x10;
	v7 =	vcvt.s32.f32 v7;
	v12 =	vcvt.s32.f32 v12  }
0x286: {  	v20 =	vld.idx.msk [tilespmem:v53+s1+$0x0], $0xffff;
	v3 =	vmax.f32 v6, $0.0e+00;
	v28 =	vcvt.s32.f32 v27;
	v4 =	vmax.f32 v24, $0.0e+00  }
0x287: {  	v24 =	vshll.u32 v55, $0x10;
	v14 =	vadd.f32 v3, v0;
	v30 =	vmul.f32 v5, v2  }
0x288: {  	v62 =	vld [tilespmem:s26+$0x1C980];
	v5 =	vmax.f32 v8, $0.0e+00;
	v13 =	vmul.f32 v13, v1;
	v7 =	vmul.f32 v7, v2  }
0x289: {  	v23 =	vld [tilespmem:s26+$0x1C880];
	v8 =	vshra.s32 v32, $0x10;
	v39 =	vshll.u32 v11, $0x10;
	v11 =	vshra.s32 v11, $0x10  }
0x28a: {  	v22 =	vld [tilespmem:s26+$0x1C800];
	v12 =	vmul.f32 v12, v2;
	v52 =	vshll.u32 v16, $0x10;
	v16 =	vshra.s32 v16, $0x10  }
0x28b: {  	v24 =	vshra.s32 v24, $0x10;
	v61 =	vshll.u32 v20, $0x10;
	v6 =	vmul.f32 v28, v1  }
0x28c: {  	v36 =	vld [tilespmem:s26+$0x1C400];
	v8 =	vcvt.s32.f32 v8;
	v41 =	vshra.s32 v39, $0x10;
	v11 =	vcvt.s32.f32 v11  }
0x28d: {  	v16 =	vcvt.s32.f32 v16;
	v24 =	vcvt.s32.f32 v24;
	v27 =	vshra.s32 v61, $0x10  }
0x28e: {  	v28 =	vshra.s32 v20, $0x10;
	v31 =	vadd.f32 v4, v14;
	v37 =	vadd.f32 v13, v7  }
0x28f: {  	v25 =	vld [tilespmem:s26+$0x1C900];
	v42 =	vcvt.s32.f32 v41;
	v12 =	vadd.f32 v17, v12;
	v29 =	vcvt.s32.f32 v27  }
0x290: {  	v21 =	vld.idx.msk [tilespmem:v62+s1+$0x0], $0xffff;
	v17 =	vshra.s32 v52, $0x10;
	v19 =	vcvt.s32.f32 v28;
	v18 =	vmul.f32 v8, v2  }
0x291: {  	v23 =	vld.idx.msk [tilespmem:v23+s1+$0x0], $0xffff;
	v7 =	vmax.f32 v9, $0.0e+00;
	v11 =	vmul.f32 v11, v2;
	v17 =	vcvt.s32.f32 v17  }
0x292: {  	v22 =	vld.idx.msk [tilespmem:v22+s1+$0x0], $0xffff;
	v6 =	vadd.f32 v6, v30;
	v16 =	vmul.f32 v16, v2;
	v60 =	vmul.f32 v24, v1  }
0x293: {  	v50 =	vld [tilespmem:s26+$0x1C600];
	v33 =	vadd.f32 v5, v31;
	v8 =	vmax.f32 v37, $0.0e+00;
	v44 =	vmul.f32 v42, v1  }
0x294: {  	v14 =	vld.idx.msk [tilespmem:v36+s1+$0x0], $0xffff;
	v12 =	vmax.f32 v12, $0.0e+00;
	v31 =	vmul.f32 v29, v1;
	v19 =	vmul.f32 v19, v2  }
0x295: {  	v6 =	vmax.f32 v6, $0.0e+00;
	v13 =	vadd.f32 v38, v18;
	v54 =	vmul.f32 v17, v1  }
0x296: {  	v35 =	vshll.u32 v23, $0x10;
	v23 =	vshra.s32 v23, $0x10;
	v38 =	vshll.u32 v21, $0x10  }
0x297: {  	v21 =	vshra.s32 v21, $0x10;
	v10 =	vadd.f32 v6, v33;
	v34 =	vshll.u32 v22, $0x10  }
0x298: {  	v33 =	vld.idx.msk [tilespmem:v25+s1+$0x0], $0xffff;
	v22 =	vshra.s32 v22, $0x10;
	v25 =	vshra.s32 v35, $0x10;
	v23 =	vcvt.s32.f32 v23  }
0x299: {  	v36 =	vld [tilespmem:s26+$0x1CA00];
	v21 =	vcvt.s32.f32 v21;
	v9 =	vmax.f32 v13, $0.0e+00;
	v47 =	vshll.u32 v14, $0x10  }
0x29a: {  	v27 =	vld [tilespmem:s26+$0x1CA80];
	v14 =	vshra.s32 v14, $0x10;
	v13 =	vshra.s32 v45, $0x10;
	v22 =	vcvt.s32.f32 v22  }
0x29b: {  	v18 =	vld.idx.msk [tilespmem:v50+s1+$0x0], $0xffff;
	v24 =	vshra.s32 v34, $0x10;
	v25 =	vcvt.s32.f32 v25;
	v14 =	vcvt.s32.f32 v14  }
0x29c: {  	v11 =	vadd.f32 v44, v11;
	v13 =	vcvt.s32.f32 v13;
	v24 =	vcvt.s32.f32 v24  }
0x29d: {  	v10 =	vadd.f32 v7, v10;
	v23 =	vmul.f32 v23, v2;
	v44 =	vmul.f32 v21, v2  }
0x29e: {  	v48 =	vshra.s32 v47, $0x10;
	v22 =	vmul.f32 v22, v2;
	v25 =	vmul.f32 v25, v1  }
0x29f: {  	v10 =	vadd.f32 v8, v10;
	v14 =	vmul.f32 v14, v2;
	v13 =	vmul.f32 v13, v2  }
0x2a0: {  	v29 =	vld [tilespmem:s26+$0x1CB00];
	v56 =	vshll.u32 v18, $0x10;
	v18 =	vshra.s32 v18, $0x10;
	v24 =	vmul.f32 v24, v1  }
0x2a1: {  	v41 =	vld.idx.msk [tilespmem:v36+s1+$0x0], $0xffff;
	v17 =	vshra.s32 v56, $0x10;
	v18 =	vcvt.s32.f32 v18;
	v28 =	vshll.u32 v33, $0x10  }
0x2a2: {  	v43 =	vld.idx.msk [tilespmem:v27+s1+$0x0], $0xffff;
	v23 =	vadd.f32 v25, v23;
	v25 =	vshra.s32 v38, $0x10;
	v46 =	vadd.f32 v9, v10  }
0x2a3: {  	v35 =	vld [tilespmem:s26+$0x1CE80];
	v10 =	vmax.f32 v11, $0.0e+00;
	v11 =	vcvt.s32.f32 v48;
	v13 =	vadd.f32 v51, v13  }
0x2a4: {  	v39 =	vld [tilespmem:s26+$0x1CB80];
	v17 =	vcvt.s32.f32 v17;
	v28 =	vshra.s32 v28, $0x10;
	v40 =	vcvt.s32.f32 v25  }
0x2a5: {  	v22 =	vadd.f32 v24, v22;
	v18 =	vmul.f32 v18, v2;
	v28 =	vcvt.s32.f32 v28  }
0x2a6: {  	v11 =	vmul.f32 v11, v1;
	v15 =	vadd.f32 v10, v46;
	v17 =	vmul.f32 v17, v1  }
0x2a7: {  	v37 =	vmul.f32 v28, v1;
	v46 =	vshll.u32 v41, $0x10;
	v47 =	vshll.u32 v43, $0x10  }
0x2a8: {  	v25 =	vshra.s32 v41, $0x10;
	v11 =	vadd.f32 v11, v14;
	v14 =	vadd.f32 v54, v16  }
0x2a9: {  	v34 =	vld [tilespmem:s26+$0x1CD80];
	v16 =	vshra.s32 v55, $0x10;
	v58 =	vadd.f32 v17, v18;
	v18 =	vadd.f32 v31, v19  }
0x2aa: {  	v45 =	vld.idx.msk [tilespmem:v29+s1+$0x0], $0xffff;
	v19 =	vshra.s32 v33, $0x10;
	v27 =	vshra.s32 v46, $0x10;
	v25 =	vcvt.s32.f32 v25  }
0x2ab: {  	v35 =	vld.idx.msk [tilespmem:v35+s1+$0x0], $0xffff;
	v29 =	vshra.s32 v47, $0x10;
	v16 =	vcvt.s32.f32 v16;
	v19 =	vcvt.s32.f32 v19  }
0x2ac: {  	v13 =	vmax.f32 v13, $0.0e+00;
	v28 =	vld.idx.msk [tilespmem:v39+s1+$0x0], $0xffff;
	v27 =	vcvt.s32.f32 v27;
	v29 =	vcvt.s32.f32 v29  }
0x2ad: {  	v11 =	vmax.f32 v11, $0.0e+00;
	v14 =	vmax.f32 v14, $0.0e+00;
	v18 =	vmax.f32 v18, $0.0e+00  }
0x2ae: {  	v31 =	vld [tilespmem:s26+$0x1CC80];
	v25 =	vmul.f32 v25, v2;
	v15 =	vadd.f32 v11, v15;
	v63 =	vmul.f32 v16, v2  }
0x2af: {  	v33 =	vld [tilespmem:s26+$0x1CD00];
	v16 =	vmax.f32 v59, $0.0e+00;
	v27 =	vmul.f32 v27, v1;
	v29 =	vmul.f32 v29, v1  }
0x2b0: {  	v48 =	vld [tilespmem:s26+$0x1CC00];
	v46 =	vshll.u32 v35, $0x10;
	v35 =	vshra.s32 v35, $0x10;
	v15 =	vadd.f32 v12, v15  }
0x2b1: {  	v51 =	vshll.u32 v28, $0x10;
	v28 =	vshra.s32 v28, $0x10;
	v35 =	vcvt.s32.f32 v35  }
0x2b2: {  	v34 =	vld.idx.msk [tilespmem:v34+s1+$0x0], $0xffff;
	v30 =	vadd.f32 v60, v63;
	v53 =	vshra.s32 v51, $0x10;
	v15 =	vadd.f32 v13, v15  }
0x2b3: {  	v62 =	vld [tilespmem:s26+$0x1CE00];
	v25 =	vadd.f32 v27, v25;
	v28 =	vcvt.s32.f32 v28;
	v54 =	vcvt.s32.f32 v53  }
0x2b4: {  	v35 =	vmul.f32 v35, v2;
	v17 =	vmax.f32 v30, $0.0e+00;
	v26 =	vadd.f32 v14, v15  }
0x2b5: {  	v30 =	vmul.f32 v19, v2;
	v19 =	vmax.f32 v22, $0.0e+00;
	v15 =	vmax.f32 v58, $0.0e+00  }
0x2b6: {  	v22 =	vmul.f32 v40, v1;
	v28 =	vmul.f32 v28, v2;
	v55 =	vld.idx.msk [tilespmem:v31+s1+$0x0], $0xffff;
	v26 =	vadd.f32 v15, v26  }
0x2b7: {  	v40 =	vshll.u32 v34, $0x10;
	v34 =	vshra.s32 v34, $0x10;
	v57 =	vld.idx.msk [tilespmem:v33+s1+$0x0], $0xffff;
	v24 =	vadd.f32 v37, v30  }
0x2b8: {  	v56 =	vmul.f32 v54, v1;
	v34 =	vcvt.s32.f32 v34;
	v30 =	vld.idx.msk [tilespmem:v48+s1+$0x0], $0xffff;
	v32 =	vadd.f32 v16, v26  }
0x2b9: {  	v22 =	vadd.f32 v22, v44;
	v21 =	vmax.f32 v24, $0.0e+00;
	v24 =	vshra.s32 v45, $0x10  }
0x2ba: {  	v28 =	vadd.f32 v56, v28;
	v24 =	vcvt.s32.f32 v24;
	v20 =	vadd.f32 v17, v32  }
0x2bb: {  	v33 =	vld.idx.msk [tilespmem:v62+s1+$0x0], $0xffff;
	v22 =	vmax.f32 v22, $0.0e+00;
	v61 =	vshll.u32 v55, $0x10;
	v27 =	vshra.s32 v55, $0x10  }
0x2bc: {  	v37 =	vld [tilespmem:s26+$0x1CF00];
	v36 =	vshll.u32 v57, $0x10;
	v52 =	vmul.f32 v24, v2;
	v20 =	vadd.f32 v18, v20  }
0x2bd: {  	v59 =	vshll.u32 v30, $0x10;
	v30 =	vshra.s32 v30, $0x10;
	v27 =	vcvt.s32.f32 v27  }
0x2be: {  	v36 =	vshra.s32 v36, $0x10;
	v32 =	vshll.u32 v45, $0x10;
	v42 =	vadd.f32 v19, v20  }
0x2bf: {  	v30 =	vcvt.s32.f32 v30;
	v36 =	vcvt.s32.f32 v36;
	v20 =	vmax.f32 v23, $0.0e+00  }
0x2c0: {  	v45 =	vshll.u32 v33, $0x10;
	v23 =	vshra.s32 v43, $0x10;
	v26 =	vadd.f32 v20, v42  }
0x2c1: {  	v33 =	vshra.s32 v33, $0x10;
	v32 =	vshra.s32 v32, $0x10;
	v23 =	vcvt.s32.f32 v23  }
0x2c2: {  	v27 =	vmul.f32 v27, v2;
	v33 =	vcvt.s32.f32 v33;
	v26 =	vadd.f32 v21, v26  }
0x2c3: {  	v60 =	vshra.s32 v59, $0x10;
	v32 =	vcvt.s32.f32 v32;
	v23 =	vmul.f32 v23, v2  }
0x2c4: {  	v30 =	vmul.f32 v30, v2;
	v44 =	vld.idx.msk [tilespmem:v37+s1+$0x0], $0xffff;
	v37 =	vshra.s32 v46, $0x10;
	v26 =	vadd.f32 v22, v26  }
0x2c5: {  	v50 =	vmul.f32 v32, v1;
	v49 =	vadd.f32 v29, v23;
	v23 =	vmax.f32 v25, $0.0e+00  }
0x2c6: {  	v63 =	vmul.f32 v36, v1;
	v37 =	vcvt.s32.f32 v37;
	v26 =	vadd.f32 v23, v26  }
0x2c7: {  	v33 =	vmul.f32 v33, v2;
	v29 =	vadd.f32 v50, v52;
	v24 =	vmax.f32 v49, $0.0e+00  }
0x2c8: {  	v41 =	vld [tilespmem:s26+$0x1CF80];
	v32 =	vshra.s32 v61, $0x10;
	v43 =	vmul.f32 v34, v2;
	v26 =	vadd.f32 v24, v26  }
0x2c9: {  	v34 =	vshra.s32 v45, $0x10;
	v32 =	vcvt.s32.f32 v32;
	v25 =	vmax.f32 v29, $0.0e+00  }
0x2ca: {  	v58 =	vadd.f32 v25, v26;
	v26 =	vmax.f32 v28, $0.0e+00;
	v28 =	vcvt.s32.f32 v60  }
0x2cb: {  	v34 =	vcvt.s32.f32 v34;
	v37 =	vmul.f32 v37, v1  }
0x2cc: {  	v32 =	vmul.f32 v32, v1;
	v28 =	vmul.f32 v28, v1  }
0x2cd: {  	v34 =	vmul.f32 v34, v1;
	v38 =	vshll.u32 v44, $0x10;
	v29 =	vshra.s32 v57, $0x10  }
0x2ce: {  	v38 =	vshra.s32 v38, $0x10;
	v29 =	vcvt.s32.f32 v29;
	v28 =	vadd.f32 v28, v30  }
0x2cf: {  	v27 =	vadd.f32 v32, v27;
	v32 =	vshra.s32 v40, $0x10;
	v31 =	vadd.f32 v26, v58  }
0x2d0: {  	v36 =	vld.idx.msk [tilespmem:v41+s1+$0x0], $0xffff;
	v32 =	vcvt.s32.f32 v32;
	v29 =	vmul.f32 v29, v2;
	v28 =	vmax.f32 v28, $0.0e+00  }
0x2d1: {  	v47 =	vadd.f32 v37, v35;
	v38 =	vcvt.s32.f32 v38;
	v31 =	vadd.f32 v28, v31  }
0x2d2: {  	v27 =	vmax.f32 v27, $0.0e+00;
	v42 =	vmul.f32 v32, v1;
	v29 =	vadd.f32 v63, v29  }
0x2d3: {  	v33 =	vadd.f32 v34, v33;
	v31 =	vadd.f32 v27, v31  }
0x2d4: {  	v48 =	vmul.f32 v38, v1;
	v29 =	vmax.f32 v29, $0.0e+00;
	v30 =	vadd.f32 v42, v43  }
0x2d5: {  	v49 =	vshll.u32 v36, $0x10;
	v32 =	vshra.s32 v44, $0x10;
	v31 =	vadd.f32 v29, v31  }
0x2d6: {  	v36 =	vshra.s32 v36, $0x10;
	v32 =	vcvt.s32.f32 v32;
	v30 =	vmax.f32 v30, $0.0e+00  }
0x2d7: {  	v37 =	vshra.s32 v49, $0x10;
	v36 =	vcvt.s32.f32 v36;
	v31 =	vadd.f32 v30, v31  }
0x2d8: {  	v33 =	vmax.f32 v33, $0.0e+00;
	v37 =	vcvt.s32.f32 v37;
	v32 =	vmul.f32 v32, v2  }
0x2d9: {  	v34 =	vmax.f32 v47, $0.0e+00;
	v31 =	vadd.f32 v33, v31  }
0x2da: {  	v2 =	vmul.f32 v36, v2;
	v32 =	vadd.f32 v48, v32;
	v1 =	vmul.f32 v37, v1  }
0x2db: {  	v31 =	vadd.f32 v34, v31  }
0x2dc: {  	v32 =	vmax.f32 v32, $0.0e+00;
	v1 =	vadd.f32 v1, v2  }
0x2dd: {  	v2 =	vadd.f32 v32, v31  }
0x2de: {  	v1 =	vmax.f32 v1, $0.0e+00  }
0x2df: {  	v2 =	vadd.f32 v1, v2;
	_ =	sdelay $0x1  }
0x2e0: {  	(erf) = vrcp.f32 v2;
	_ =	sdelay $0x8  }
0x2e1: {  	v2 =	vpop (erf)  }
0x2e2: {  	v3 =	vmul.f32 v2, v3  }
0x2e3: {  	v4 =	vmul.f32 v2, v4  }
0x2e4: {  	v50 =	vmul.f32 v2, v6;
	[tilespmem:s26+$0x1D380] =	vst v3  }
0x2e5: {  	v3 =	vmul.f32 v2, v5;
	[tilespmem:s26+$0x1D400] =	vst v4  }
0x2e6: {  	v51 =	vmul.f32 v2, v8;
	[tilespmem:s26+$0x1D500] =	vst v50  }
0x2e7: {  	[tilespmem:s26+$0x1D480] =	vst v3;
	v3 =	vmul.f32 v2, v7  }
0x2e8: {  	v52 =	vmul.f32 v2, v10;
	[tilespmem:s26+$0x1D600] =	vst v51  }
0x2e9: {  	[tilespmem:s26+$0x1D580] =	vst v3;
	v3 =	vmul.f32 v2, v9  }
0x2ea: {  	v53 =	vmul.f32 v2, v12;
	[tilespmem:s26+$0x1D700] =	vst v52  }
0x2eb: {  	[tilespmem:s26+$0x1D680] =	vst v3;
	v3 =	vmul.f32 v2, v11  }
0x2ec: {  	v54 =	vmul.f32 v2, v14;
	[tilespmem:s26+$0x1D800] =	vst v53  }
0x2ed: {  	[tilespmem:s26+$0x1D780] =	vst v3;
	v3 =	vmul.f32 v2, v13  }
0x2ee: {  	v55 =	vmul.f32 v2, v16;
	[tilespmem:s26+$0x1D900] =	vst v54  }
0x2ef: {  	[tilespmem:s26+$0x1D880] =	vst v3;
	v3 =	vmul.f32 v2, v15  }
0x2f0: {  	v56 =	vmul.f32 v2, v18;
	[tilespmem:s26+$0x1DA00] =	vst v55  }
0x2f1: {  	[tilespmem:s26+$0x1D980] =	vst v3;
	v3 =	vmul.f32 v2, v17  }
0x2f2: {  	v57 =	vmul.f32 v2, v20;
	[tilespmem:s26+$0x1DB00] =	vst v56  }
0x2f3: {  	[tilespmem:s26+$0x1DA80] =	vst v3;
	v3 =	vmul.f32 v2, v19  }
0x2f4: {  	v58 =	vmul.f32 v2, v22;
	[tilespmem:s26+$0x1DC00] =	vst v57  }
0x2f5: {  	[tilespmem:s26+$0x1DB80] =	vst v3;
	v3 =	vmul.f32 v2, v21  }
0x2f6: {  	v59 =	vmul.f32 v2, v24;
	[tilespmem:s26+$0x1DD00] =	vst v58  }
0x2f7: {  	[tilespmem:s26+$0x1DC80] =	vst v3;
	v3 =	vmul.f32 v2, v23  }
0x2f8: {  	v60 =	vmul.f32 v2, v26;
	[tilespmem:s26+$0x1DE00] =	vst v59  }
0x2f9: {  	[tilespmem:s26+$0x1DD80] =	vst v3;
	v3 =	vmul.f32 v2, v25  }
0x2fa: {  	v61 =	vmul.f32 v2, v27;
	[tilespmem:s26+$0x1DF00] =	vst v60  }
0x2fb: {  	[tilespmem:s26+$0x1DE80] =	vst v3;
	v3 =	vmul.f32 v2, v28  }
0x2fc: {  	v62 =	vmul.f32 v2, v30;
	[tilespmem:s26+$0x1E000] =	vst v61  }
0x2fd: {  	[tilespmem:s26+$0x1DF80] =	vst v3;
	v3 =	vmul.f32 v2, v29  }
0x2fe: {  	p2 =	por p1, p1;
	v63 =	vmul.f32 v2, v34;
	[tilespmem:s26+$0x1E100] =	vst v62  }
.Ltmp13:
0x2ff: {  	[tilespmem:s26+$0x1E080] =	vst v3;
	v3 =	vmul.f32 v2, v33;
	(pc) =	sbr.rel @p2 .LBB2_18-.Ltmp13, $4  }
0x300: {  	v1 =	vmul.f32 v2, v1;
	[tilespmem:s26+$0x1E200] =	vst v63  }
0x301: {  	[tilespmem:s26+$0x1E180] =	vst v3;
	v3 =	vmul.f32 v2, v32  }
0x302: {  	[tilespmem:s26+$0x1E300] =	vst v1  }
0x303: {  	p1 =	por $0x0, $0x0;
	[tilespmem:s26+$0x1E280] =	vst v3;
	s26 =	simm.s32 $0x10  }
.Ltmp14:
0x304: {  	(pc) =	sbr.rel .LBB2_20-.Ltmp14, $4  }
0x305: {  	[hbm4b:s6+s1] =	stream.linear.scatter [tilespmem:s24], [sflag:$0x5], $0x1000, $0x38;
	[tilespmem:$0x1E380] =	vst v63  }
0x306: {  	_ =	swait.ge [sflag:s17], $0x1000  }
0x307: {  	[sflag:s17] =	ssyncset.done $0x0  }
0x308: {  	[sflag:s17] =	ssyncadd.s32 $0xFFFFF000  }
.LBB2_21:
0x309: {  	_ =	sfence.sel $0x180000  }
0x30a: {  	[bflag:$0x0] =	sbarrier.arrive $0xFFFF  }
0x30b: {  	_ =	strace $0x90000047  }
0x30c: {  	s0 =	stileid.u32;
	[bflag:$0x2] =	sbarrier.arrive $0xFFFF  }
0x30d: {  	p0 =	sne.s32 s0, $0x0;
	s0 =	rddreg [dreg:$0x3]  }
0x30e: {  	s0 =	sadd.s32 @!p0 $0x100000, s0  }
0x30f: {  	[sflag:s0] =	ssyncadd.tile.s32 @!p0 $0x1;
	_ =	shalt  }
.Lfunc_end2:
_tile_overlayer_lowered:
.L_overlay_start_2:
0x310: {  	(tag) =	ssettag $0x2  }
0x311: {  	s0 =	rddreg [dreg:$0x0];
	s2 =	stileid.u32  }
0x312: {  	s1 =	rddreg [dreg:$0x1];
	p0 =	sne.s32 s2, $0x0  }
0x313: {  	s3 =	rddreg [dreg:$0x2];
	[bflag:$0x3] =	sbarrier.arrive $0xFFFF;
	s2 =	simm.s32 @!p0 $0x1C05  }
0x314: {  	[timem:s3], [sflag:s2] =	dma.local @!p0 [hbm:s0], s1  }
0x315: {  	s0 =	simm.s32 @!p0 $0x5  }
0x316: {  	_ =	swait.ge @!p0 [sflag:s0], s1  }
0x317: {  	s1 =	ssub.s32 @!p0 $0x0, s1;
	[sflag:s0] =	ssyncset.done @!p0 $0x0  }
0x318: {  	[sflag:s0] =	ssyncadd.s32 @!p0 s1  }
0x319: {  	[bflag:$0x3] =	sbarrier.arrive $0xFFFF  }
0x31a: {  	_ =	shalt  }

</sc_bundles>
